<compile_context>
chip_gen: v7x
topology: tpu7x:2x2x1
jax: 0.10.2.dev20260603
libtpu: 0.0.44.dev20260713+nightly
codegen_flags: <defaults>
</compile_context>

<pallas_src>
import functools

import jax
import jax.numpy as jnp
from jax import lax
from jax.experimental import pallas as pl
from jax.experimental.pallas import tpu as pltpu
from jax.experimental.pallas import tpu_sc as plsc

B_ROWS = 16384
B_COLS = 200
D = 24
TPAD = 32
B = B_ROWS * B_COLS
NC, NS = 2, 16
NW = NC * NS
ROWS_PER_STEP = 2048
SUB = 4
SUBROWS = ROWS_PER_STEP // SUB
SUBGROUPS = SUBROWS // 16
SUBOUT = SUBROWS * D
OUT_PER_STEP = ROWS_PER_STEP * D
B_PER_W = B // NW
STEPS = B_PER_W // ROWS_PER_STEP


def _sc_lookup(idx_flat, tflat):
    mesh = plsc.VectorSubcoreMesh(core_axis_name="c", subcore_axis_name="s")

    @functools.partial(
        pl.kernel,
        mesh=mesh,
        compiler_params=pltpu.CompilerParams(
            use_tc_tiling_on_sc=False, needs_layout_passes=False),
        out_type=jax.ShapeDtypeStruct((B * D,), jnp.float32),
        scratch_types=[
            pltpu.VMEM((D * TPAD,), jnp.float32),
            pltpu.VMEM((ROWS_PER_STEP,), jnp.int32),
            pltpu.VMEM((ROWS_PER_STEP,), jnp.int32),
            pltpu.VMEM((OUT_PER_STEP + 16,), jnp.float32),
            pltpu.VMEM((OUT_PER_STEP + 16,), jnp.float32),
            pltpu.SemaphoreType.DMA,
            pltpu.SemaphoreType.DMA,
            pltpu.SemaphoreType.DMA,
            pltpu.SemaphoreType.DMA,
        ],
    )
    def k(idx_hbm, tab_hbm, out_hbm, tab_v,
          idx_v0, idx_v1, out_v0, out_v1, si0, si1, so0, so1):
        wid = lax.axis_index("s") * NC + lax.axis_index("c")
        row0 = wid * B_PER_W
        pltpu.sync_copy(tab_hbm, tab_v)

        idx_bufs = (idx_v0, idx_v1)
        out_bufs = (out_v0, out_v1)
        si = (si0, si1)
        so = (so0, so1)

        def idx_slice(it):
            base = pl.multiple_of(row0 + it * ROWS_PER_STEP, 8)
            return idx_hbm.at[pl.ds(base, ROWS_PER_STEP)]

        def out_sub(it, q4):
            base = pl.multiple_of(
                (row0 + it * ROWS_PER_STEP) * D + q4 * SUBOUT, 8)
            return out_hbm.at[pl.ds(base, SUBOUT)]

        def stage_sub(ob, q4):
            return ob.at[pl.ds(q4 * SUBOUT, SUBOUT)]

        pltpu.async_copy(idx_slice(0), idx_v0, si0)
        pltpu.async_copy(idx_slice(1), idx_v1, si1)

        def outer(i, carry):
            for b in range(2):
                it = 2 * i + b
                ib, ob, sib, sob = idx_bufs[b], out_bufs[b], si[b], so[b]
                pltpu.make_async_copy(idx_slice(it), ib, sib).wait()

                @pl.when(i > 0)
                def _wait_out():
                    for q4 in range(SUB):
                        pltpu.make_async_copy(
                            stage_sub(ob, q4), out_sub(it - 2, q4), sob).wait()

                def group(g, c):
                    obase = g * (16 * D)
                    idxv = ib[pl.ds(g * 16, 16)]
                    depth = 2
                    pend = []
                    for u in range(depth):
                        a = idxv[u] * TPAD
                        pend.append((tab_v[pl.ds(a, 16)],
                                     tab_v[pl.ds(a + 8, 16)]))
                    for u in range(depth, 16):
                        a = idxv[u] * TPAD
                        v1n = tab_v[pl.ds(a, 16)]
                        v2n = tab_v[pl.ds(a + 8, 16)]
                        v1p, v2p = pend.pop(0)
                        o = obase + (u - depth) * D
                        ob[pl.ds(o, 16)] = v1p
                        ob[pl.ds(o + 8, 16)] = v2p
                        pend.append((v1n, v2n))
                    for w in range(depth):
                        v1p, v2p = pend.pop(0)
                        o = obase + (16 - depth + w) * D
                        ob[pl.ds(o, 16)] = v1p
                        ob[pl.ds(o + 8, 16)] = v2p
                    return c

                for q4 in range(SUB):
                    lax.fori_loop(q4 * SUBGROUPS, (q4 + 1) * SUBGROUPS,
                                  group, 0)
                    pltpu.async_copy(stage_sub(ob, q4), out_sub(it, q4), sob)

                @pl.when(it + 2 < STEPS)
                def _next_idx():
                    pltpu.async_copy(idx_slice(it + 2), ib, sib)
            return carry

        lax.fori_loop(0, STEPS // 2, outer, 0)
        for q4 in range(SUB):
            pltpu.make_async_copy(
                stage_sub(out_v0, q4), out_sub(STEPS - 2, q4), so0).wait()
            pltpu.make_async_copy(
                stage_sub(out_v1, q4), out_sub(STEPS - 1, q4), so1).wait()

    return k(idx_flat, tflat)


def kernel(key_int_tensor, table):
    tpad = jnp.zeros((D, TPAD), jnp.float32).at[:, :D].set(table[:D, :])
    out = _sc_lookup(key_int_tensor.reshape(B), tpad.reshape(D * TPAD))
    return out.reshape(B_ROWS, B_COLS, D)

# --- scband reference (transcript-rebuilt; emitter-appended) ---
"""Pipeline reference for scband-fmakey-emb24-2396591751649 (READ-ONLY COPY).

The authoritative reference and input builder live on the scoring server;
editing this copy changes nothing except your own understanding.
"""

import jax, jax.numpy as jnp
import numpy as np


def _spiral_table():
    num_keys = 24
    weight_matrix_onehots = np.eye(num_keys) * 2
    key_index_vector = np.arange(12)
    cos_vector = np.cos(2 * np.pi * key_index_vector / 12)
    cos_vector = np.concatenate([cos_vector, cos_vector], axis=0)[np.newaxis, :]
    sin_vector = np.sin(2 * np.pi * key_index_vector / 12)
    sin_vector = np.concatenate([sin_vector, sin_vector], axis=0)[np.newaxis, :]
    maj_min_key_vector = np.ones(12)
    maj_min_key_vector = np.concatenate([maj_min_key_vector, -maj_min_key_vector], axis=0)[np.newaxis, :]
    weight_matrix = np.concatenate([maj_min_key_vector, cos_vector, sin_vector, weight_matrix_onehots], axis=0)
    return jnp.asarray(weight_matrix.astype(np.float32))  # shape (27, 24), matching torch's replaced weight


def setup_inputs(seed: int = 0) -> dict:
    key = jax.random.key(seed)
    key_int_tensor = jax.random.randint(key, (16384, 200), 0, 24, dtype=jnp.int32)
    table = _spiral_table()
    return {"key_int_tensor": key_int_tensor, "table": table}


def reference(key_int_tensor, table):
    # nn.Embedding forward: row gather from the (replaced) weight matrix
    return jnp.take(table, key_int_tensor, axis=0)

if __name__ == "__main__":
    import jax
    _d = setup_inputs()
    print(jax.jit(kernel)(*tuple(_d.values())))

</pallas_src>

<mosaic_0001>
#map = affine_map<(d0, d1) -> (0)>
module attributes {stable_mosaic.version = 14 : i64} {
  func.func @k(%arg0: i32, %arg1: i32, %arg2: memref<3276800xi32, #tpu.memory_space<hbm>>, %arg3: memref<768xf32, #tpu.memory_space<hbm>>, %arg4: memref<78643200xf32, #tpu.memory_space<hbm>>, %arg5: memref<768xf32, #tpu.memory_space<vmem>>, %arg6: memref<2048xi32, #tpu.memory_space<vmem>>, %arg7: memref<2048xi32, #tpu.memory_space<vmem>>, %arg8: memref<49168xf32, #tpu.memory_space<vmem>>, %arg9: memref<49168xf32, #tpu.memory_space<vmem>>, %arg10: memref<!tpu.dma_semaphore, #tpu.memory_space<semaphore_mem>>, %arg11: memref<!tpu.dma_semaphore, #tpu.memory_space<semaphore_mem>>, %arg12: memref<!tpu.dma_semaphore, #tpu.memory_space<semaphore_mem>>, %arg13: memref<!tpu.dma_semaphore, #tpu.memory_space<semaphore_mem>>) attributes {dimension_semantics = [#tpu.dimension_semantics<core_parallel>, #tpu.dimension_semantics<subcore_parallel>], iteration_bounds = array<i64: 2, 16>, scalar_prefetch = 0 : i64, scratch_operands = 9 : i64, tpu.core_type = #tpu.core_type<sc_vector_subcore>, window_params = [{transform_indices = #map}, {transform_indices = #map}, {transform_indices = #map}]} {
    %mul3A = arith.constant 2 : i32
    %mul3A_0 = arith.muli %arg1, %mul3A : i32
    %add3A = arith.addi %mul3A_0, %arg0 : i32
    %mul3A_1 = arith.constant 102400 : i32
    %mul3A_2 = arith.muli %add3A, %mul3A_1 : i32
    "tpu.region"() ({
      %run_scoped3A = tpu.sem_alloc : memref<!tpu.dma_semaphore, #tpu.memory_space<semaphore_mem>>
      tpu.enqueue_dma source(%arg3 : memref<768xf32, #tpu.memory_space<hbm>>) target(%arg5 : memref<768xf32, #tpu.memory_space<vmem>>) target_semaphore(%run_scoped3A : memref<!tpu.dma_semaphore, #tpu.memory_space<semaphore_mem>>)
      tpu.wait_dma2 semaphore(%run_scoped3A : memref<!tpu.dma_semaphore, #tpu.memory_space<semaphore_mem>>) src(%arg3 : memref<768xf32, #tpu.memory_space<hbm>>) dst(%arg5 : memref<768xf32, #tpu.memory_space<vmem>>)
      tpu.yield
    }) : () -> ()
    %add3A_3 = arith.constant 0 : i32
    %add3A_4 = arith.addi %mul3A_2, %add3A_3 : i32
    %multiple_of3A = tpu.assume_multiple %add3A_4, 8 : i32
    %dma_start3A = tpu.memref_slice %arg2[%multiple_of3A] : memref<3276800xi32, #tpu.memory_space<hbm>> -> memref<2048xi32, #tpu.memory_space<hbm>>
    %dma_start3A_5 = tpu.memref_slice %arg2[%multiple_of3A] : memref<3276800xi32, #tpu.memory_space<hbm>> -> memref<2048xi32, #tpu.memory_space<hbm>>
    tpu.enqueue_dma source(%dma_start3A_5 : memref<2048xi32, #tpu.memory_space<hbm>>) target(%arg6 : memref<2048xi32, #tpu.memory_space<vmem>>) target_semaphore(%arg10 : memref<!tpu.dma_semaphore, #tpu.memory_space<semaphore_mem>>)
    %add3A_6 = arith.constant 2048 : i32
    %add3A_7 = arith.addi %mul3A_2, %add3A_6 : i32
    %multiple_of3A_8 = tpu.assume_multiple %add3A_7, 8 : i32
    %dma_start3A_9 = tpu.memref_slice %arg2[%multiple_of3A_8] : memref<3276800xi32, #tpu.memory_space<hbm>> -> memref<2048xi32, #tpu.memory_space<hbm>>
    %dma_start3A_10 = tpu.memref_slice %arg2[%multiple_of3A_8] : memref<3276800xi32, #tpu.memory_space<hbm>> -> memref<2048xi32, #tpu.memory_space<hbm>>
    tpu.enqueue_dma source(%dma_start3A_10 : memref<2048xi32, #tpu.memory_space<hbm>>) target(%arg7 : memref<2048xi32, #tpu.memory_space<vmem>>) target_semaphore(%arg11 : memref<!tpu.dma_semaphore, #tpu.memory_space<semaphore_mem>>)
    %scan3A = arith.constant 0 : i32
    %scan3A_11 = arith.constant 0 : i32
    %scan3A_12 = arith.constant 25 : i32
    %scan3A_13 = arith.addi %scan3A_11, %scan3A_12 : i32
    %scan3A_14 = arith.constant 1 : i32
    scf.for %scan3A_119 = %scan3A_11 to %scan3A_13 step %scan3A_14  : i32 {
      %mul3A_120 = arith.constant 2 : i32
      %mul3A_121 = arith.muli %mul3A_120, %scan3A_119 : i32
      %add3A_122 = arith.constant 0 : i32
      %add3A_123 = arith.addi %mul3A_121, %add3A_122 : i32
      %mul3A_124 = arith.constant 2048 : i32
      %mul3A_125 = arith.muli %add3A_123, %mul3A_124 : i32
      %add3A_126 = arith.addi %mul3A_2, %mul3A_125 : i32
      %multiple_of3A_127 = tpu.assume_multiple %add3A_126, 8 : i32
      %dma_wait3A_128 = tpu.memref_slice %arg2[%multiple_of3A_127] : memref<3276800xi32, #tpu.memory_space<hbm>> -> memref<2048xi32, #tpu.memory_space<hbm>>
      %dma_wait3A_129 = tpu.memref_slice %arg2[%multiple_of3A_127] : memref<3276800xi32, #tpu.memory_space<hbm>> -> memref<2048xi32, #tpu.memory_space<hbm>>
      tpu.wait_dma2 semaphore(%arg10 : memref<!tpu.dma_semaphore, #tpu.memory_space<semaphore_mem>>) src(%dma_wait3A_129 : memref<2048xi32, #tpu.memory_space<hbm>>) dst(%arg6 : memref<2048xi32, #tpu.memory_space<vmem>>)
      %gt3A = arith.constant 0 : i32
      %gt3A_130 = arith.cmpi sgt, %scan3A_119, %gt3A : i32
      %convert_element_type3A = arith.extui %gt3A_130 : i1 to i32
      %cond3A = arith.constant 0 : i32
      %cond3A_131 = arith.cmpi ne, %convert_element_type3A, %cond3A : i32
      scf.if %cond3A_131 {
        %sub3A = arith.constant 2 : i32
        %sub3A_320 = arith.subi %add3A_123, %sub3A : i32
        %mul3A_321 = arith.constant 2048 : i32
        %mul3A_322 = arith.muli %sub3A_320, %mul3A_321 : i32
        %add3A_323 = arith.addi %mul3A_2, %mul3A_322 : i32
        %mul3A_324 = arith.constant 24 : i32
        %mul3A_325 = arith.muli %add3A_323, %mul3A_324 : i32
        %add3A_326 = arith.constant 0 : i32
        %add3A_327 = arith.addi %mul3A_325, %add3A_326 : i32
        %multiple_of3A_328 = tpu.assume_multiple %add3A_327, 8 : i32
        %dma_wait3A_329 = arith.constant 0 : i32
        %dma_wait3A_330 = tpu.memref_slice %arg8[%dma_wait3A_329] : memref<49168xf32, #tpu.memory_space<vmem>> -> memref<12288xf32, #tpu.memory_space<vmem>>
        %dma_wait3A_331 = tpu.memref_slice %arg4[%multiple_of3A_328] : memref<78643200xf32, #tpu.memory_space<hbm>> -> memref<12288xf32, #tpu.memory_space<hbm>>
        %dma_wait3A_332 = tpu.memref_slice %arg4[%multiple_of3A_328] : memref<78643200xf32, #tpu.memory_space<hbm>> -> memref<12288xf32, #tpu.memory_space<hbm>>
        %dma_wait3A_333 = arith.constant 0 : i32
        %dma_wait3A_334 = tpu.memref_slice %arg8[%dma_wait3A_333] : memref<49168xf32, #tpu.memory_space<vmem>> -> memref<12288xf32, #tpu.memory_space<vmem>>
        tpu.wait_dma2 semaphore(%arg12 : memref<!tpu.dma_semaphore, #tpu.memory_space<semaphore_mem>>) src(%dma_wait3A_334 : memref<12288xf32, #tpu.memory_space<vmem>>) dst(%dma_wait3A_332 : memref<12288xf32, #tpu.memory_space<hbm>>)
        %sub3A_335 = arith.constant 2 : i32
        %sub3A_336 = arith.subi %add3A_123, %sub3A_335 : i32
        %mul3A_337 = arith.constant 2048 : i32
        %mul3A_338 = arith.muli %sub3A_336, %mul3A_337 : i32
        %add3A_339 = arith.addi %mul3A_2, %mul3A_338 : i32
        %mul3A_340 = arith.constant 24 : i32
        %mul3A_341 = arith.muli %add3A_339, %mul3A_340 : i32
        %add3A_342 = arith.constant 12288 : i32
        %add3A_343 = arith.addi %mul3A_341, %add3A_342 : i32
        %multiple_of3A_344 = tpu.assume_multiple %add3A_343, 8 : i32
        %dma_wait3A_345 = arith.constant 12288 : i32
        %dma_wait3A_346 = tpu.memref_slice %arg8[%dma_wait3A_345] : memref<49168xf32, #tpu.memory_space<vmem>> -> memref<12288xf32, #tpu.memory_space<vmem>>
        %dma_wait3A_347 = tpu.memref_slice %arg4[%multiple_of3A_344] : memref<78643200xf32, #tpu.memory_space<hbm>> -> memref<12288xf32, #tpu.memory_space<hbm>>
        %dma_wait3A_348 = tpu.memref_slice %arg4[%multiple_of3A_344] : memref<78643200xf32, #tpu.memory_space<hbm>> -> memref<12288xf32, #tpu.memory_space<hbm>>
        %dma_wait3A_349 = arith.constant 12288 : i32
        %dma_wait3A_350 = tpu.memref_slice %arg8[%dma_wait3A_349] : memref<49168xf32, #tpu.memory_space<vmem>> -> memref<12288xf32, #tpu.memory_space<vmem>>
        tpu.wait_dma2 semaphore(%arg12 : memref<!tpu.dma_semaphore, #tpu.memory_space<semaphore_mem>>) src(%dma_wait3A_350 : memref<12288xf32, #tpu.memory_space<vmem>>) dst(%dma_wait3A_348 : memref<12288xf32, #tpu.memory_space<hbm>>)
        %sub3A_351 = arith.constant 2 : i32
        %sub3A_352 = arith.subi %add3A_123, %sub3A_351 : i32
        %mul3A_353 = arith.constant 2048 : i32
        %mul3A_354 = arith.muli %sub3A_352, %mul3A_353 : i32
        %add3A_355 = arith.addi %mul3A_2, %mul3A_354 : i32
        %mul3A_356 = arith.constant 24 : i32
        %mul3A_357 = arith.muli %add3A_355, %mul3A_356 : i32
        %add3A_358 = arith.constant 24576 : i32
        %add3A_359 = arith.addi %mul3A_357, %add3A_358 : i32
        %multiple_of3A_360 = tpu.assume_multiple %add3A_359, 8 : i32
        %dma_wait3A_361 = arith.constant 24576 : i32
        %dma_wait3A_362 = tpu.memref_slice %arg8[%dma_wait3A_361] : memref<49168xf32, #tpu.memory_space<vmem>> -> memref<12288xf32, #tpu.memory_space<vmem>>
        %dma_wait3A_363 = tpu.memref_slice %arg4[%multiple_of3A_360] : memref<78643200xf32, #tpu.memory_space<hbm>> -> memref<12288xf32, #tpu.memory_space<hbm>>
        %dma_wait3A_364 = tpu.memref_slice %arg4[%multiple_of3A_360] : memref<78643200xf32, #tpu.memory_space<hbm>> -> memref<12288xf32, #tpu.memory_space<hbm>>
        %dma_wait3A_365 = arith.constant 24576 : i32
        %dma_wait3A_366 = tpu.memref_slice %arg8[%dma_wait3A_365] : memref<49168xf32, #tpu.memory_space<vmem>> -> memref<12288xf32, #tpu.memory_space<vmem>>
        tpu.wait_dma2 semaphore(%arg12 : memref<!tpu.dma_semaphore, #tpu.memory_space<semaphore_mem>>) src(%dma_wait3A_366 : memref<12288xf32, #tpu.memory_space<vmem>>) dst(%dma_wait3A_364 : memref<12288xf32, #tpu.memory_space<hbm>>)
        %sub3A_367 = arith.constant 2 : i32
        %sub3A_368 = arith.subi %add3A_123, %sub3A_367 : i32
        %mul3A_369 = arith.constant 2048 : i32
        %mul3A_370 = arith.muli %sub3A_368, %mul3A_369 : i32
        %add3A_371 = arith.addi %mul3A_2, %mul3A_370 : i32
        %mul3A_372 = arith.constant 24 : i32
        %mul3A_373 = arith.muli %add3A_371, %mul3A_372 : i32
        %add3A_374 = arith.constant 36864 : i32
        %add3A_375 = arith.addi %mul3A_373, %add3A_374 : i32
        %multiple_of3A_376 = tpu.assume_multiple %add3A_375, 8 : i32
        %dma_wait3A_377 = arith.constant 36864 : i32
        %dma_wait3A_378 = tpu.memref_slice %arg8[%dma_wait3A_377] : memref<49168xf32, #tpu.memory_space<vmem>> -> memref<12288xf32, #tpu.memory_space<vmem>>
        %dma_wait3A_379 = tpu.memref_slice %arg4[%multiple_of3A_376] : memref<78643200xf32, #tpu.memory_space<hbm>> -> memref<12288xf32, #tpu.memory_space<hbm>>
        %dma_wait3A_380 = tpu.memref_slice %arg4[%multiple_of3A_376] : memref<78643200xf32, #tpu.memory_space<hbm>> -> memref<12288xf32, #tpu.memory_space<hbm>>
        %dma_wait3A_381 = arith.constant 36864 : i32
        %dma_wait3A_382 = tpu.memref_slice %arg8[%dma_wait3A_381] : memref<49168xf32, #tpu.memory_space<vmem>> -> memref<12288xf32, #tpu.memory_space<vmem>>
        tpu.wait_dma2 semaphore(%arg12 : memref<!tpu.dma_semaphore, #tpu.memory_space<semaphore_mem>>) src(%dma_wait3A_382 : memref<12288xf32, #tpu.memory_space<vmem>>) dst(%dma_wait3A_380 : memref<12288xf32, #tpu.memory_space<hbm>>)
      } else {
      }
      %scan3A_132 = arith.constant 0 : i32
      %scan3A_133 = arith.constant 0 : i32
      %scan3A_134 = arith.constant 32 : i32
      %scan3A_135 = arith.addi %scan3A_133, %scan3A_134 : i32
      %scan3A_136 = arith.constant 1 : i32
      scf.for %scan3A_320 = %scan3A_133 to %scan3A_135 step %scan3A_136  : i32 {
        %mul3A_321 = arith.constant 384 : i32
        %mul3A_322 = arith.muli %scan3A_320, %mul3A_321 : i32
        %mul3A_323 = arith.constant 16 : i32
        %mul3A_324 = arith.muli %scan3A_320, %mul3A_323 : i32
        %get3A = arith.index_cast %mul3A_324 : i32 to index
        %get3A_325 = tpu.vector_load %arg6[%get3A] {strides = array<i32>} : memref<2048xi32, #tpu.memory_space<vmem>>, vector<16xi32>,
        %slice3A = vector.extract_strided_slice %get3A_325 {offsets = [0], sizes = [1], strides = [1]} : vector<16xi32> to vector<1xi32>
        %squeeze3A = vector.extract %slice3A[0] : i32 from vector<1xi32>
        %mul3A_326 = arith.constant 32 : i32
        %mul3A_327 = arith.muli %squeeze3A, %mul3A_326 : i32
        %get3A_328 = arith.index_cast %mul3A_327 : i32 to index
        %get3A_329 = tpu.vector_load %arg5[%get3A_328] {strides = array<i32>} : memref<768xf32, #tpu.memory_space<vmem>>, vector<16xf32>,
        %add3A_330 = arith.constant 8 : i32
        %add3A_331 = arith.addi %mul3A_327, %add3A_330 : i32
        %get3A_332 = arith.index_cast %add3A_331 : i32 to index
        %get3A_333 = tpu.vector_load %arg5[%get3A_332] {strides = array<i32>} : memref<768xf32, #tpu.memory_space<vmem>>, vector<16xf32>,
        %slice3A_334 = vector.extract_strided_slice %get3A_325 {offsets = [1], sizes = [1], strides = [1]} : vector<16xi32> to vector<1xi32>
        %squeeze3A_335 = vector.extract %slice3A_334[0] : i32 from vector<1xi32>
        %mul3A_336 = arith.constant 32 : i32
        %mul3A_337 = arith.muli %squeeze3A_335, %mul3A_336 : i32
        %get3A_338 = arith.index_cast %mul3A_337 : i32 to index
        %get3A_339 = tpu.vector_load %arg5[%get3A_338] {strides = array<i32>} : memref<768xf32, #tpu.memory_space<vmem>>, vector<16xf32>,
        %add3A_340 = arith.constant 8 : i32
        %add3A_341 = arith.addi %mul3A_337, %add3A_340 : i32
        %get3A_342 = arith.index_cast %add3A_341 : i32 to index
        %get3A_343 = tpu.vector_load %arg5[%get3A_342] {strides = array<i32>} : memref<768xf32, #tpu.memory_space<vmem>>, vector<16xf32>,
        %slice3A_344 = vector.extract_strided_slice %get3A_325 {offsets = [2], sizes = [1], strides = [1]} : vector<16xi32> to vector<1xi32>
        %squeeze3A_345 = vector.extract %slice3A_344[0] : i32 from vector<1xi32>
        %mul3A_346 = arith.constant 32 : i32
        %mul3A_347 = arith.muli %squeeze3A_345, %mul3A_346 : i32
        %get3A_348 = arith.index_cast %mul3A_347 : i32 to index
        %get3A_349 = tpu.vector_load %arg5[%get3A_348] {strides = array<i32>} : memref<768xf32, #tpu.memory_space<vmem>>, vector<16xf32>,
        %add3A_350 = arith.constant 8 : i32
        %add3A_351 = arith.addi %mul3A_347, %add3A_350 : i32
        %get3A_352 = arith.index_cast %add3A_351 : i32 to index
        %get3A_353 = tpu.vector_load %arg5[%get3A_352] {strides = array<i32>} : memref<768xf32, #tpu.memory_space<vmem>>, vector<16xf32>,
        %add3A_354 = arith.constant 0 : i32
        %add3A_355 = arith.addi %mul3A_322, %add3A_354 : i32
        %swap3A = arith.index_cast %add3A_355 : i32 to index
        %swap3A_356 = tpu.vector_load %arg8[%swap3A] {strides = array<i32>} : memref<49168xf32, #tpu.memory_space<vmem>>, vector<16xf32>,
        tpu.vector_store %arg8[%swap3A], %get3A_329 {strides = array<i32>} : memref<49168xf32, #tpu.memory_space<vmem>>, vector<16xf32>,
        %add3A_357 = arith.constant 8 : i32
        %add3A_358 = arith.addi %add3A_355, %add3A_357 : i32
        %swap3A_359 = arith.index_cast %add3A_358 : i32 to index
        %swap3A_360 = tpu.vector_load %arg8[%swap3A_359] {strides = array<i32>} : memref<49168xf32, #tpu.memory_space<vmem>>, vector<16xf32>,
        tpu.vector_store %arg8[%swap3A_359], %get3A_333 {strides = array<i32>} : memref<49168xf32, #tpu.memory_space<vmem>>, vector<16xf32>,
        %slice3A_361 = vector.extract_strided_slice %get3A_325 {offsets = [3], sizes = [1], strides = [1]} : vector<16xi32> to vector<1xi32>
        %squeeze3A_362 = vector.extract %slice3A_361[0] : i32 from vector<1xi32>
        %mul3A_363 = arith.constant 32 : i32
        %mul3A_364 = arith.muli %squeeze3A_362, %mul3A_363 : i32
        %get3A_365 = arith.index_cast %mul3A_364 : i32 to index
        %get3A_366 = tpu.vector_load %arg5[%get3A_365] {strides = array<i32>} : memref<768xf32, #tpu.memory_space<vmem>>, vector<16xf32>,
        %add3A_367 = arith.constant 8 : i32
        %add3A_368 = arith.addi %mul3A_364, %add3A_367 : i32
        %get3A_369 = arith.index_cast %add3A_368 : i32 to index
        %get3A_370 = tpu.vector_load %arg5[%get3A_369] {strides = array<i32>} : memref<768xf32, #tpu.memory_space<vmem>>, vector<16xf32>,
        %add3A_371 = arith.constant 24 : i32
        %add3A_372 = arith.addi %mul3A_322, %add3A_371 : i32
        %swap3A_373 = arith.index_cast %add3A_372 : i32 to index
        %swap3A_374 = tpu.vector_load %arg8[%swap3A_373] {strides = array<i32>} : memref<49168xf32, #tpu.memory_space<vmem>>, vector<16xf32>,
        tpu.vector_store %arg8[%swap3A_373], %get3A_339 {strides = array<i32>} : memref<49168xf32, #tpu.memory_space<vmem>>, vector<16xf32>,
        %add3A_375 = arith.constant 8 : i32
        %add3A_376 = arith.addi %add3A_372, %add3A_375 : i32
        %swap3A_377 = arith.index_cast %add3A_376 : i32 to index
        %swap3A_378 = tpu.vector_load %arg8[%swap3A_377] {strides = array<i32>} : memref<49168xf32, #tpu.memory_space<vmem>>, vector<16xf32>,
        tpu.vector_store %arg8[%swap3A_377], %get3A_343 {strides = array<i32>} : memref<49168xf32, #tpu.memory_space<vmem>>, vector<16xf32>,
        %slice3A_379 = vector.extract_strided_slice %get3A_325 {offsets = [4], sizes = [1], strides = [1]} : vector<16xi32> to vector<1xi32>
        %squeeze3A_380 = vector.extract %slice3A_379[0] : i32 from vector<1xi32>
        %mul3A_381 = arith.constant 32 : i32
        %mul3A_382 = arith.muli %squeeze3A_380, %mul3A_381 : i32
        %get3A_383 = arith.index_cast %mul3A_382 : i32 to index
        %get3A_384 = tpu.vector_load %arg5[%get3A_383] {strides = array<i32>} : memref<768xf32, #tpu.memory_space<vmem>>, vector<16xf32>,
        %add3A_385 = arith.constant 8 : i32
        %add3A_386 = arith.addi %mul3A_382, %add3A_385 : i32
        %get3A_387 = arith.index_cast %add3A_386 : i32 to index
        %get3A_388 = tpu.vector_load %arg5[%get3A_387] {strides = array<i32>} : memref<768xf32, #tpu.memory_space<vmem>>, vector<16xf32>,
        %add3A_389 = arith.constant 48 : i32
        %add3A_390 = arith.addi %mul3A_322, %add3A_389 : i32
        %swap3A_391 = arith.index_cast %add3A_390 : i32 to index
        %swap3A_392 = tpu.vector_load %arg8[%swap3A_391] {strides = array<i32>} : memref<49168xf32, #tpu.memory_space<vmem>>, vector<16xf32>,
        tpu.vector_store %arg8[%swap3A_391], %get3A_349 {strides = array<i32>} : memref<49168xf32, #tpu.memory_space<vmem>>, vector<16xf32>,
        %add3A_393 = arith.constant 8 : i32
        %add3A_394 = arith.addi %add3A_390, %add3A_393 : i32
        %swap3A_395 = arith.index_cast %add3A_394 : i32 to index
        %swap3A_396 = tpu.vector_load %arg8[%swap3A_395] {strides = array<i32>} : memref<49168xf32, #tpu.memory_space<vmem>>, vector<16xf32>,
        tpu.vector_store %arg8[%swap3A_395], %get3A_353 {strides = array<i32>} : memref<49168xf32, #tpu.memory_space<vmem>>, vector<16xf32>,
        %slice3A_397 = vector.extract_strided_slice %get3A_325 {offsets = [5], sizes = [1], strides = [1]} : vector<16xi32> to vector<1xi32>
        %squeeze3A_398 = vector.extract %slice3A_397[0] : i32 from vector<1xi32>
        %mul3A_399 = arith.constant 32 : i32
        %mul3A_400 = arith.muli %squeeze3A_398, %mul3A_399 : i32
        %get3A_401 = arith.index_cast %mul3A_400 : i32 to index
        %get3A_402 = tpu.vector_load %arg5[%get3A_401] {strides = array<i32>} : memref<768xf32, #tpu.memory_space<vmem>>, vector<16xf32>,
        %add3A_403 = arith.constant 8 : i32
        %add3A_404 = arith.addi %mul3A_400, %add3A_403 : i32
        %get3A_405 = arith.index_cast %add3A_404 : i32 to index
        %get3A_406 = tpu.vector_load %arg5[%get3A_405] {strides = array<i32>} : memref<768xf32, #tpu.memory_space<vmem>>, vector<16xf32>,
        %add3A_407 = arith.constant 72 : i32
        %add3A_408 = arith.addi %mul3A_322, %add3A_407 : i32
        %swap3A_409 = arith.index_cast %add3A_408 : i32 to index
        %swap3A_410 = tpu.vector_load %arg8[%swap3A_409] {strides = array<i32>} : memref<49168xf32, #tpu.memory_space<vmem>>, vector<16xf32>,
        tpu.vector_store %arg8[%swap3A_409], %get3A_366 {strides = array<i32>} : memref<49168xf32, #tpu.memory_space<vmem>>, vector<16xf32>,
        %add3A_411 = arith.constant 8 : i32
        %add3A_412 = arith.addi %add3A_408, %add3A_411 : i32
        %swap3A_413 = arith.index_cast %add3A_412 : i32 to index
        %swap3A_414 = tpu.vector_load %arg8[%swap3A_413] {strides = array<i32>} : memref<49168xf32, #tpu.memory_space<vmem>>, vector<16xf32>,
        tpu.vector_store %arg8[%swap3A_413], %get3A_370 {strides = array<i32>} : memref<49168xf32, #tpu.memory_space<vmem>>, vector<16xf32>,
        %slice3A_415 = vector.extract_strided_slice %get3A_325 {offsets = [6], sizes = [1], strides = [1]} : vector<16xi32> to vector<1xi32>
        %squeeze3A_416 = vector.extract %slice3A_415[0] : i32 from vector<1xi32>
        %mul3A_417 = arith.constant 32 : i32
        %mul3A_418 = arith.muli %squeeze3A_416, %mul3A_417 : i32
        %get3A_419 = arith.index_cast %mul3A_418 : i32 to index
        %get3A_420 = tpu.vector_load %arg5[%get3A_419] {strides = array<i32>} : memref<768xf32, #tpu.memory_space<vmem>>, vector<16xf32>,
        %add3A_421 = arith.constant 8 : i32
        %add3A_422 = arith.addi %mul3A_418, %add3A_421 : i32
        %get3A_423 = arith.index_cast %add3A_422 : i32 to index
        %get3A_424 = tpu.vector_load %arg5[%get3A_423] {strides = array<i32>} : memref<768xf32, #tpu.memory_space<vmem>>, vector<16xf32>,
        %add3A_425 = arith.constant 96 : i32
        %add3A_426 = arith.addi %mul3A_322, %add3A_425 : i32
        %swap3A_427 = arith.index_cast %add3A_426 : i32 to index
        %swap3A_428 = tpu.vector_load %arg8[%swap3A_427] {strides = array<i32>} : memref<49168xf32, #tpu.memory_space<vmem>>, vector<16xf32>,
        tpu.vector_store %arg8[%swap3A_427], %get3A_384 {strides = array<i32>} : memref<49168xf32, #tpu.memory_space<vmem>>, vector<16xf32>,
        %add3A_429 = arith.constant 8 : i32
        %add3A_430 = arith.addi %add3A_426, %add3A_429 : i32
        %swap3A_431 = arith.index_cast %add3A_430 : i32 to index
        %swap3A_432 = tpu.vector_load %arg8[%swap3A_431] {strides = array<i32>} : memref<49168xf32, #tpu.memory_space<vmem>>, vector<16xf32>,
        tpu.vector_store %arg8[%swap3A_431], %get3A_388 {strides = array<i32>} : memref<49168xf32, #tpu.memory_space<vmem>>, vector<16xf32>,
        %slice3A_433 = vector.extract_strided_slice %get3A_325 {offsets = [7], sizes = [1], strides = [1]} : vector<16xi32> to vector<1xi32>
        %squeeze3A_434 = vector.extract %slice3A_433[0] : i32 from vector<1xi32>
        %mul3A_435 = arith.constant 32 : i32
        %mul3A_436 = arith.muli %squeeze3A_434, %mul3A_435 : i32
        %get3A_437 = arith.index_cast %mul3A_436 : i32 to index
        %get3A_438 = tpu.vector_load %arg5[%get3A_437] {strides = array<i32>} : memref<768xf32, #tpu.memory_space<vmem>>, vector<16xf32>,
        %add3A_439 = arith.constant 8 : i32
        %add3A_440 = arith.addi %mul3A_436, %add3A_439 : i32
        %get3A_441 = arith.index_cast %add3A_440 : i32 to index
        %get3A_442 = tpu.vector_load %arg5[%get3A_441] {strides = array<i32>} : memref<768xf32, #tpu.memory_space<vmem>>, vector<16xf32>,
        %add3A_443 = arith.constant 120 : i32
        %add3A_444 = arith.addi %mul3A_322, %add3A_443 : i32
        %swap3A_445 = arith.index_cast %add3A_444 : i32 to index
        %swap3A_446 = tpu.vector_load %arg8[%swap3A_445] {strides = array<i32>} : memref<49168xf32, #tpu.memory_space<vmem>>, vector<16xf32>,
        tpu.vector_store %arg8[%swap3A_445], %get3A_402 {strides = array<i32>} : memref<49168xf32, #tpu.memory_space<vmem>>, vector<16xf32>,
        %add3A_447 = arith.constant 8 : i32
        %add3A_448 = arith.addi %add3A_444, %add3A_447 : i32
        %swap3A_449 = arith.index_cast %add3A_448 : i32 to index
        %swap3A_450 = tpu.vector_load %arg8[%swap3A_449] {strides = array<i32>} : memref<49168xf32, #tpu.memory_space<vmem>>, vector<16xf32>,
        tpu.vector_store %arg8[%swap3A_449], %get3A_406 {strides = array<i32>} : memref<49168xf32, #tpu.memory_space<vmem>>, vector<16xf32>,
        %slice3A_451 = vector.extract_strided_slice %get3A_325 {offsets = [8], sizes = [1], strides = [1]} : vector<16xi32> to vector<1xi32>
        %squeeze3A_452 = vector.extract %slice3A_451[0] : i32 from vector<1xi32>
        %mul3A_453 = arith.constant 32 : i32
        %mul3A_454 = arith.muli %squeeze3A_452, %mul3A_453 : i32
        %get3A_455 = arith.index_cast %mul3A_454 : i32 to index
        %get3A_456 = tpu.vector_load %arg5[%get3A_455] {strides = array<i32>} : memref<768xf32, #tpu.memory_space<vmem>>, vector<16xf32>,
        %add3A_457 = arith.constant 8 : i32
        %add3A_458 = arith.addi %mul3A_454, %add3A_457 : i32
        %get3A_459 = arith.index_cast %add3A_458 : i32 to index
        %get3A_460 = tpu.vector_load %arg5[%get3A_459] {strides = array<i32>} : memref<768xf32, #tpu.memory_space<vmem>>, vector<16xf32>,
        %add3A_461 = arith.constant 144 : i32
        %add3A_462 = arith.addi %mul3A_322, %add3A_461 : i32
        %swap3A_463 = arith.index_cast %add3A_462 : i32 to index
        %swap3A_464 = tpu.vector_load %arg8[%swap3A_463] {strides = array<i32>} : memref<49168xf32, #tpu.memory_space<vmem>>, vector<16xf32>,
        tpu.vector_store %arg8[%swap3A_463], %get3A_420 {strides = array<i32>} : memref<49168xf32, #tpu.memory_space<vmem>>, vector<16xf32>,
        %add3A_465 = arith.constant 8 : i32
        %add3A_466 = arith.addi %add3A_462, %add3A_465 : i32
        %swap3A_467 = arith.index_cast %add3A_466 : i32 to index
        %swap3A_468 = tpu.vector_load %arg8[%swap3A_467] {strides = array<i32>} : memref<49168xf32, #tpu.memory_space<vmem>>, vector<16xf32>,
        tpu.vector_store %arg8[%swap3A_467], %get3A_424 {strides = array<i32>} : memref<49168xf32, #tpu.memory_space<vmem>>, vector<16xf32>,
        %slice3A_469 = vector.extract_strided_slice %get3A_325 {offsets = [9], sizes = [1], strides = [1]} : vector<16xi32> to vector<1xi32>
        %squeeze3A_470 = vector.extract %slice3A_469[0] : i32 from vector<1xi32>
        %mul3A_471 = arith.constant 32 : i32
        %mul3A_472 = arith.muli %squeeze3A_470, %mul3A_471 : i32
        %get3A_473 = arith.index_cast %mul3A_472 : i32 to index
        %get3A_474 = tpu.vector_load %arg5[%get3A_473] {strides = array<i32>} : memref<768xf32, #tpu.memory_space<vmem>>, vector<16xf32>,
        %add3A_475 = arith.constant 8 : i32
        %add3A_476 = arith.addi %mul3A_472, %add3A_475 : i32
        %get3A_477 = arith.index_cast %add3A_476 : i32 to index
        %get3A_478 = tpu.vector_load %arg5[%get3A_477] {strides = array<i32>} : memref<768xf32, #tpu.memory_space<vmem>>, vector<16xf32>,
        %add3A_479 = arith.constant 168 : i32
        %add3A_480 = arith.addi %mul3A_322, %add3A_479 : i32
        %swap3A_481 = arith.index_cast %add3A_480 : i32 to index
        %swap3A_482 = tpu.vector_load %arg8[%swap3A_481] {strides = array<i32>} : memref<49168xf32, #tpu.memory_space<vmem>>, vector<16xf32>,
        tpu.vector_store %arg8[%swap3A_481], %get3A_438 {strides = array<i32>} : memref<49168xf32, #tpu.memory_space<vmem>>, vector<16xf32>,
        %add3A_483 = arith.constant 8 : i32
        %add3A_484 = arith.addi %add3A_480, %add3A_483 : i32
        %swap3A_485 = arith.index_cast %add3A_484 : i32 to index
        %swap3A_486 = tpu.vector_load %arg8[%swap3A_485] {strides = array<i32>} : memref<49168xf32, #tpu.memory_space<vmem>>, vector<16xf32>,
        tpu.vector_store %arg8[%swap3A_485], %get3A_442 {strides = array<i32>} : memref<49168xf32, #tpu.memory_space<vmem>>, vector<16xf32>,
        %slice3A_487 = vector.extract_strided_slice %get3A_325 {offsets = [10], sizes = [1], strides = [1]} : vector<16xi32> to vector<1xi32>
        %squeeze3A_488 = vector.extract %slice3A_487[0] : i32 from vector<1xi32>
        %mul3A_489 = arith.constant 32 : i32
        %mul3A_490 = arith.muli %squeeze3A_488, %mul3A_489 : i32
        %get3A_491 = arith.index_cast %mul3A_490 : i32 to index
        %get3A_492 = tpu.vector_load %arg5[%get3A_491] {strides = array<i32>} : memref<768xf32, #tpu.memory_space<vmem>>, vector<16xf32>,
        %add3A_493 = arith.constant 8 : i32
        %add3A_494 = arith.addi %mul3A_490, %add3A_493 : i32
        %get3A_495 = arith.index_cast %add3A_494 : i32 to index
        %get3A_496 = tpu.vector_load %arg5[%get3A_495] {strides = array<i32>} : memref<768xf32, #tpu.memory_space<vmem>>, vector<16xf32>,
        %add3A_497 = arith.constant 192 : i32
        %add3A_498 = arith.addi %mul3A_322, %add3A_497 : i32
        %swap3A_499 = arith.index_cast %add3A_498 : i32 to index
        %swap3A_500 = tpu.vector_load %arg8[%swap3A_499] {strides = array<i32>} : memref<49168xf32, #tpu.memory_space<vmem>>, vector<16xf32>,
        tpu.vector_store %arg8[%swap3A_499], %get3A_456 {strides = array<i32>} : memref<49168xf32, #tpu.memory_space<vmem>>, vector<16xf32>,
        %add3A_501 = arith.constant 8 : i32
        %add3A_502 = arith.addi %add3A_498, %add3A_501 : i32
        %swap3A_503 = arith.index_cast %add3A_502 : i32 to index
        %swap3A_504 = tpu.vector_load %arg8[%swap3A_503] {strides = array<i32>} : memref<49168xf32, #tpu.memory_space<vmem>>, vector<16xf32>,
        tpu.vector_store %arg8[%swap3A_503], %get3A_460 {strides = array<i32>} : memref<49168xf32, #tpu.memory_space<vmem>>, vector<16xf32>,
        %slice3A_505 = vector.extract_strided_slice %get3A_325 {offsets = [11], sizes = [1], strides = [1]} : vector<16xi32> to vector<1xi32>
        %squeeze3A_506 = vector.extract %slice3A_505[0] : i32 from vector<1xi32>
        %mul3A_507 = arith.constant 32 : i32
        %mul3A_508 = arith.muli %squeeze3A_506, %mul3A_507 : i32
        %get3A_509 = arith.index_cast %mul3A_508 : i32 to index
        %get3A_510 = tpu.vector_load %arg5[%get3A_509] {strides = array<i32>} : memref<768xf32, #tpu.memory_space<vmem>>, vector<16xf32>,
        %add3A_511 = arith.constant 8 : i32
        %add3A_512 = arith.addi %mul3A_508, %add3A_511 : i32
        %get3A_513 = arith.index_cast %add3A_512 : i32 to index
        %get3A_514 = tpu.vector_load %arg5[%get3A_513] {strides = array<i32>} : memref<768xf32, #tpu.memory_space<vmem>>, vector<16xf32>,
        %add3A_515 = arith.constant 216 : i32
        %add3A_516 = arith.addi %mul3A_322, %add3A_515 : i32
        %swap3A_517 = arith.index_cast %add3A_516 : i32 to index
        %swap3A_518 = tpu.vector_load %arg8[%swap3A_517] {strides = array<i32>} : memref<49168xf32, #tpu.memory_space<vmem>>, vector<16xf32>,
        tpu.vector_store %arg8[%swap3A_517], %get3A_474 {strides = array<i32>} : memref<49168xf32, #tpu.memory_space<vmem>>, vector<16xf32>,
        %add3A_519 = arith.constant 8 : i32
        %add3A_520 = arith.addi %add3A_516, %add3A_519 : i32
        %swap3A_521 = arith.index_cast %add3A_520 : i32 to index
        %swap3A_522 = tpu.vector_load %arg8[%swap3A_521] {strides = array<i32>} : memref<49168xf32, #tpu.memory_space<vmem>>, vector<16xf32>,
        tpu.vector_store %arg8[%swap3A_521], %get3A_478 {strides = array<i32>} : memref<49168xf32, #tpu.memory_space<vmem>>, vector<16xf32>,
        %slice3A_523 = vector.extract_strided_slice %get3A_325 {offsets = [12], sizes = [1], strides = [1]} : vector<16xi32> to vector<1xi32>
        %squeeze3A_524 = vector.extract %slice3A_523[0] : i32 from vector<1xi32>
        %mul3A_525 = arith.constant 32 : i32
        %mul3A_526 = arith.muli %squeeze3A_524, %mul3A_525 : i32
        %get3A_527 = arith.index_cast %mul3A_526 : i32 to index
        %get3A_528 = tpu.vector_load %arg5[%get3A_527] {strides = array<i32>} : memref<768xf32, #tpu.memory_space<vmem>>, vector<16xf32>,
        %add3A_529 = arith.constant 8 : i32
        %add3A_530 = arith.addi %mul3A_526, %add3A_529 : i32
        %get3A_531 = arith.index_cast %add3A_530 : i32 to index
        %get3A_532 = tpu.vector_load %arg5[%get3A_531] {strides = array<i32>} : memref<768xf32, #tpu.memory_space<vmem>>, vector<16xf32>,
        %add3A_533 = arith.constant 240 : i32
        %add3A_534 = arith.addi %mul3A_322, %add3A_533 : i32
        %swap3A_535 = arith.index_cast %add3A_534 : i32 to index
        %swap3A_536 = tpu.vector_load %arg8[%swap3A_535] {strides = array<i32>} : memref<49168xf32, #tpu.memory_space<vmem>>, vector<16xf32>,
        tpu.vector_store %arg8[%swap3A_535], %get3A_492 {strides = array<i32>} : memref<49168xf32, #tpu.memory_space<vmem>>, vector<16xf32>,
        %add3A_537 = arith.constant 8 : i32
        %add3A_538 = arith.addi %add3A_534, %add3A_537 : i32
        %swap3A_539 = arith.index_cast %add3A_538 : i32 to index
        %swap3A_540 = tpu.vector_load %arg8[%swap3A_539] {strides = array<i32>} : memref<49168xf32, #tpu.memory_space<vmem>>, vector<16xf32>,
        tpu.vector_store %arg8[%swap3A_539], %get3A_496 {strides = array<i32>} : memref<49168xf32, #tpu.memory_space<vmem>>, vector<16xf32>,
        %slice3A_541 = vector.extract_strided_slice %get3A_325 {offsets = [13], sizes = [1], strides = [1]} : vector<16xi32> to vector<1xi32>
        %squeeze3A_542 = vector.extract %slice3A_541[0] : i32 from vector<1xi32>
        %mul3A_543 = arith.constant 32 : i32
        %mul3A_544 = arith.muli %squeeze3A_542, %mul3A_543 : i32
        %get3A_545 = arith.index_cast %mul3A_544 : i32 to index
        %get3A_546 = tpu.vector_load %arg5[%get3A_545] {strides = array<i32>} : memref<768xf32, #tpu.memory_space<vmem>>, vector<16xf32>,
        %add3A_547 = arith.constant 8 : i32
        %add3A_548 = arith.addi %mul3A_544, %add3A_547 : i32
        %get3A_549 = arith.index_cast %add3A_548 : i32 to index
        %get3A_550 = tpu.vector_load %arg5[%get3A_549] {strides = array<i32>} : memref<768xf32, #tpu.memory_space<vmem>>, vector<16xf32>,
        %add3A_551 = arith.constant 264 : i32
        %add3A_552 = arith.addi %mul3A_322, %add3A_551 : i32
        %swap3A_553 = arith.index_cast %add3A_552 : i32 to index
        %swap3A_554 = tpu.vector_load %arg8[%swap3A_553] {strides = array<i32>} : memref<49168xf32, #tpu.memory_space<vmem>>, vector<16xf32>,
        tpu.vector_store %arg8[%swap3A_553], %get3A_510 {strides = array<i32>} : memref<49168xf32, #tpu.memory_space<vmem>>, vector<16xf32>,
        %add3A_555 = arith.constant 8 : i32
        %add3A_556 = arith.addi %add3A_552, %add3A_555 : i32
        %swap3A_557 = arith.index_cast %add3A_556 : i32 to index
        %swap3A_558 = tpu.vector_load %arg8[%swap3A_557] {strides = array<i32>} : memref<49168xf32, #tpu.memory_space<vmem>>, vector<16xf32>,
        tpu.vector_store %arg8[%swap3A_557], %get3A_514 {strides = array<i32>} : memref<49168xf32, #tpu.memory_space<vmem>>, vector<16xf32>,
        %slice3A_559 = vector.extract_strided_slice %get3A_325 {offsets = [14], sizes = [1], strides = [1]} : vector<16xi32> to vector<1xi32>
        %squeeze3A_560 = vector.extract %slice3A_559[0] : i32 from vector<1xi32>
        %mul3A_561 = arith.constant 32 : i32
        %mul3A_562 = arith.muli %squeeze3A_560, %mul3A_561 : i32
        %get3A_563 = arith.index_cast %mul3A_562 : i32 to index
        %get3A_564 = tpu.vector_load %arg5[%get3A_563] {strides = array<i32>} : memref<768xf32, #tpu.memory_space<vmem>>, vector<16xf32>,
        %add3A_565 = arith.constant 8 : i32
        %add3A_566 = arith.addi %mul3A_562, %add3A_565 : i32
        %get3A_567 = arith.index_cast %add3A_566 : i32 to index
        %get3A_568 = tpu.vector_load %arg5[%get3A_567] {strides = array<i32>} : memref<768xf32, #tpu.memory_space<vmem>>, vector<16xf32>,
        %add3A_569 = arith.constant 288 : i32
        %add3A_570 = arith.addi %mul3A_322, %add3A_569 : i32
        %swap3A_571 = arith.index_cast %add3A_570 : i32 to index
        %swap3A_572 = tpu.vector_load %arg8[%swap3A_571] {strides = array<i32>} : memref<49168xf32, #tpu.memory_space<vmem>>, vector<16xf32>,
        tpu.vector_store %arg8[%swap3A_571], %get3A_528 {strides = array<i32>} : memref<49168xf32, #tpu.memory_space<vmem>>, vector<16xf32>,
        %add3A_573 = arith.constant 8 : i32
        %add3A_574 = arith.addi %add3A_570, %add3A_573 : i32
        %swap3A_575 = arith.index_cast %add3A_574 : i32 to index
        %swap3A_576 = tpu.vector_load %arg8[%swap3A_575] {strides = array<i32>} : memref<49168xf32, #tpu.memory_space<vmem>>, vector<16xf32>,
        tpu.vector_store %arg8[%swap3A_575], %get3A_532 {strides = array<i32>} : memref<49168xf32, #tpu.memory_space<vmem>>, vector<16xf32>,
        %slice3A_577 = vector.extract_strided_slice %get3A_325 {offsets = [15], sizes = [1], strides = [1]} : vector<16xi32> to vector<1xi32>
        %squeeze3A_578 = vector.extract %slice3A_577[0] : i32 from vector<1xi32>
        %mul3A_579 = arith.constant 32 : i32
        %mul3A_580 = arith.muli %squeeze3A_578, %mul3A_579 : i32
        %get3A_581 = arith.index_cast %mul3A_580 : i32 to index
        %get3A_582 = tpu.vector_load %arg5[%get3A_581] {strides = array<i32>} : memref<768xf32, #tpu.memory_space<vmem>>, vector<16xf32>,
        %add3A_583 = arith.constant 8 : i32
        %add3A_584 = arith.addi %mul3A_580, %add3A_583 : i32
        %get3A_585 = arith.index_cast %add3A_584 : i32 to index
        %get3A_586 = tpu.vector_load %arg5[%get3A_585] {strides = array<i32>} : memref<768xf32, #tpu.memory_space<vmem>>, vector<16xf32>,
        %add3A_587 = arith.constant 312 : i32
        %add3A_588 = arith.addi %mul3A_322, %add3A_587 : i32
        %swap3A_589 = arith.index_cast %add3A_588 : i32 to index
        %swap3A_590 = tpu.vector_load %arg8[%swap3A_589] {strides = array<i32>} : memref<49168xf32, #tpu.memory_space<vmem>>, vector<16xf32>,
        tpu.vector_store %arg8[%swap3A_589], %get3A_546 {strides = array<i32>} : memref<49168xf32, #tpu.memory_space<vmem>>, vector<16xf32>,
        %add3A_591 = arith.constant 8 : i32
        %add3A_592 = arith.addi %add3A_588, %add3A_591 : i32
        %swap3A_593 = arith.index_cast %add3A_592 : i32 to index
        %swap3A_594 = tpu.vector_load %arg8[%swap3A_593] {strides = array<i32>} : memref<49168xf32, #tpu.memory_space<vmem>>, vector<16xf32>,
        tpu.vector_store %arg8[%swap3A_593], %get3A_550 {strides = array<i32>} : memref<49168xf32, #tpu.memory_space<vmem>>, vector<16xf32>,
        %add3A_595 = arith.constant 336 : i32
        %add3A_596 = arith.addi %mul3A_322, %add3A_595 : i32
        %swap3A_597 = arith.index_cast %add3A_596 : i32 to index
        %swap3A_598 = tpu.vector_load %arg8[%swap3A_597] {strides = array<i32>} : memref<49168xf32, #tpu.memory_space<vmem>>, vector<16xf32>,
        tpu.vector_store %arg8[%swap3A_597], %get3A_564 {strides = array<i32>} : memref<49168xf32, #tpu.memory_space<vmem>>, vector<16xf32>,
        %add3A_599 = arith.constant 8 : i32
        %add3A_600 = arith.addi %add3A_596, %add3A_599 : i32
        %swap3A_601 = arith.index_cast %add3A_600 : i32 to index
        %swap3A_602 = tpu.vector_load %arg8[%swap3A_601] {strides = array<i32>} : memref<49168xf32, #tpu.memory_space<vmem>>, vector<16xf32>,
        tpu.vector_store %arg8[%swap3A_601], %get3A_568 {strides = array<i32>} : memref<49168xf32, #tpu.memory_space<vmem>>, vector<16xf32>,
        %add3A_603 = arith.constant 360 : i32
        %add3A_604 = arith.addi %mul3A_322, %add3A_603 : i32
        %swap3A_605 = arith.index_cast %add3A_604 : i32 to index
        %swap3A_606 = tpu.vector_load %arg8[%swap3A_605] {strides = array<i32>} : memref<49168xf32, #tpu.memory_space<vmem>>, vector<16xf32>,
        tpu.vector_store %arg8[%swap3A_605], %get3A_582 {strides = array<i32>} : memref<49168xf32, #tpu.memory_space<vmem>>, vector<16xf32>,
        %add3A_607 = arith.constant 8 : i32
        %add3A_608 = arith.addi %add3A_604, %add3A_607 : i32
        %swap3A_609 = arith.index_cast %add3A_608 : i32 to index
        %swap3A_610 = tpu.vector_load %arg8[%swap3A_609] {strides = array<i32>} : memref<49168xf32, #tpu.memory_space<vmem>>, vector<16xf32>,
        tpu.vector_store %arg8[%swap3A_609], %get3A_586 {strides = array<i32>} : memref<49168xf32, #tpu.memory_space<vmem>>, vector<16xf32>,
      }
      %scan3A_137 = arith.constant 32 : i32
      %mul3A_138 = arith.constant 2048 : i32
      %mul3A_139 = arith.muli %add3A_123, %mul3A_138 : i32
      %add3A_140 = arith.addi %mul3A_2, %mul3A_139 : i32
      %mul3A_141 = arith.constant 24 : i32
      %mul3A_142 = arith.muli %add3A_140, %mul3A_141 : i32
      %add3A_143 = arith.constant 0 : i32
      %add3A_144 = arith.addi %mul3A_142, %add3A_143 : i32
      %multiple_of3A_145 = tpu.assume_multiple %add3A_144, 8 : i32
      %dma_start3A_146 = arith.constant 0 : i32
      %dma_start3A_147 = tpu.memref_slice %arg8[%dma_start3A_146] : memref<49168xf32, #tpu.memory_space<vmem>> -> memref<12288xf32, #tpu.memory_space<vmem>>
      %dma_start3A_148 = tpu.memref_slice %arg4[%multiple_of3A_145] : memref<78643200xf32, #tpu.memory_space<hbm>> -> memref<12288xf32, #tpu.memory_space<hbm>>
      %dma_start3A_149 = tpu.memref_slice %arg4[%multiple_of3A_145] : memref<78643200xf32, #tpu.memory_space<hbm>> -> memref<12288xf32, #tpu.memory_space<hbm>>
      %dma_start3A_150 = arith.constant 0 : i32
      %dma_start3A_151 = tpu.memref_slice %arg8[%dma_start3A_150] : memref<49168xf32, #tpu.memory_space<vmem>> -> memref<12288xf32, #tpu.memory_space<vmem>>
      tpu.enqueue_dma source(%dma_start3A_151 : memref<12288xf32, #tpu.memory_space<vmem>>) target(%dma_start3A_149 : memref<12288xf32, #tpu.memory_space<hbm>>) target_semaphore(%arg12 : memref<!tpu.dma_semaphore, #tpu.memory_space<semaphore_mem>>)
      %scan3A_152 = arith.constant 0 : i32
      %scan3A_153 = arith.constant 32 : i32
      %scan3A_154 = arith.constant 32 : i32
      %scan3A_155 = arith.addi %scan3A_153, %scan3A_154 : i32
      %scan3A_156 = arith.constant 1 : i32
      scf.for %scan3A_320 = %scan3A_153 to %scan3A_155 step %scan3A_156  : i32 {
        %mul3A_321 = arith.constant 384 : i32
        %mul3A_322 = arith.muli %scan3A_320, %mul3A_321 : i32
        %mul3A_323 = arith.constant 16 : i32
        %mul3A_324 = arith.muli %scan3A_320, %mul3A_323 : i32
        %get3A = arith.index_cast %mul3A_324 : i32 to index
        %get3A_325 = tpu.vector_load %arg6[%get3A] {strides = array<i32>} : memref<2048xi32, #tpu.memory_space<vmem>>, vector<16xi32>,
        %slice3A = vector.extract_strided_slice %get3A_325 {offsets = [0], sizes = [1], strides = [1]} : vector<16xi32> to vector<1xi32>
        %squeeze3A = vector.extract %slice3A[0] : i32 from vector<1xi32>
        %mul3A_326 = arith.constant 32 : i32
        %mul3A_327 = arith.muli %squeeze3A, %mul3A_326 : i32
        %get3A_328 = arith.index_cast %mul3A_327 : i32 to index
        %get3A_329 = tpu.vector_load %arg5[%get3A_328] {strides = array<i32>} : memref<768xf32, #tpu.memory_space<vmem>>, vector<16xf32>,
        %add3A_330 = arith.constant 8 : i32
        %add3A_331 = arith.addi %mul3A_327, %add3A_330 : i32
        %get3A_332 = arith.index_cast %add3A_331 : i32 to index
        %get3A_333 = tpu.vector_load %arg5[%get3A_332] {strides = array<i32>} : memref<768xf32, #tpu.memory_space<vmem>>, vector<16xf32>,
        %slice3A_334 = vector.extract_strided_slice %get3A_325 {offsets = [1], sizes = [1], strides = [1]} : vector<16xi32> to vector<1xi32>
        %squeeze3A_335 = vector.extract %slice3A_334[0] : i32 from vector<1xi32>
        %mul3A_336 = arith.constant 32 : i32
        %mul3A_337 = arith.muli %squeeze3A_335, %mul3A_336 : i32
        %get3A_338 = arith.index_cast %mul3A_337 : i32 to index
        %get3A_339 = tpu.vector_load %arg5[%get3A_338] {strides = array<i32>} : memref<768xf32, #tpu.memory_space<vmem>>, vector<16xf32>,
        %add3A_340 = arith.constant 8 : i32
        %add3A_341 = arith.addi %mul3A_337, %add3A_340 : i32
        %get3A_342 = arith.index_cast %add3A_341 : i32 to index
        %get3A_343 = tpu.vector_load %arg5[%get3A_342] {strides = array<i32>} : memref<768xf32, #tpu.memory_space<vmem>>, vector<16xf32>,
        %slice3A_344 = vector.extract_strided_slice %get3A_325 {offsets = [2], sizes = [1], strides = [1]} : vector<16xi32> to vector<1xi32>
        %squeeze3A_345 = vector.extract %slice3A_344[0] : i32 from vector<1xi32>
        %mul3A_346 = arith.constant 32 : i32
        %mul3A_347 = arith.muli %squeeze3A_345, %mul3A_346 : i32
        %get3A_348 = arith.index_cast %mul3A_347 : i32 to index
        %get3A_349 = tpu.vector_load %arg5[%get3A_348] {strides = array<i32>} : memref<768xf32, #tpu.memory_space<vmem>>, vector<16xf32>,
        %add3A_350 = arith.constant 8 : i32
        %add3A_351 = arith.addi %mul3A_347, %add3A_350 : i32
        %get3A_352 = arith.index_cast %add3A_351 : i32 to index
        %get3A_353 = tpu.vector_load %arg5[%get3A_352] {strides = array<i32>} : memref<768xf32, #tpu.memory_space<vmem>>, vector<16xf32>,
        %add3A_354 = arith.constant 0 : i32
        %add3A_355 = arith.addi %mul3A_322, %add3A_354 : i32
        %swap3A = arith.index_cast %add3A_355 : i32 to index
        %swap3A_356 = tpu.vector_load %arg8[%swap3A] {strides = array<i32>} : memref<49168xf32, #tpu.memory_space<vmem>>, vector<16xf32>,
        tpu.vector_store %arg8[%swap3A], %get3A_329 {strides = array<i32>} : memref<49168xf32, #tpu.memory_space<vmem>>, vector<16xf32>,
        %add3A_357 = arith.constant 8 : i32
        %add3A_358 = arith.addi %add3A_355, %add3A_357 : i32
        %swap3A_359 = arith.index_cast %add3A_358 : i32 to index
        %swap3A_360 = tpu.vector_load %arg8[%swap3A_359] {strides = array<i32>} : memref<49168xf32, #tpu.memory_space<vmem>>, vector<16xf32>,
        tpu.vector_store %arg8[%swap3A_359], %get3A_333 {strides = array<i32>} : memref<49168xf32, #tpu.memory_space<vmem>>, vector<16xf32>,
        %slice3A_361 = vector.extract_strided_slice %get3A_325 {offsets = [3], sizes = [1], strides = [1]} : vector<16xi32> to vector<1xi32>
        %squeeze3A_362 = vector.extract %slice3A_361[0] : i32 from vector<1xi32>
        %mul3A_363 = arith.constant 32 : i32
        %mul3A_364 = arith.muli %squeeze3A_362, %mul3A_363 : i32
        %get3A_365 = arith.index_cast %mul3A_364 : i32 to index
        %get3A_366 = tpu.vector_load %arg5[%get3A_365] {strides = array<i32>} : memref<768xf32, #tpu.memory_space<vmem>>, vector<16xf32>,
        %add3A_367 = arith.constant 8 : i32
        %add3A_368 = arith.addi %mul3A_364, %add3A_367 : i32
        %get3A_369 = arith.index_cast %add3A_368 : i32 to index
        %get3A_370 = tpu.vector_load %arg5[%get3A_369] {strides = array<i32>} : memref<768xf32, #tpu.memory_space<vmem>>, vector<16xf32>,
        %add3A_371 = arith.constant 24 : i32
        %add3A_372 = arith.addi %mul3A_322, %add3A_371 : i32
        %swap3A_373 = arith.index_cast %add3A_372 : i32 to index
        %swap3A_374 = tpu.vector_load %arg8[%swap3A_373] {strides = array<i32>} : memref<49168xf32, #tpu.memory_space<vmem>>, vector<16xf32>,
        tpu.vector_store %arg8[%swap3A_373], %get3A_339 {strides = array<i32>} : memref<49168xf32, #tpu.memory_space<vmem>>, vector<16xf32>,
        %add3A_375 = arith.constant 8 : i32
        %add3A_376 = arith.addi %add3A_372, %add3A_375 : i32
        %swap3A_377 = arith.index_cast %add3A_376 : i32 to index
        %swap3A_378 = tpu.vector_load %arg8[%swap3A_377] {strides = array<i32>} : memref<49168xf32, #tpu.memory_space<vmem>>, vector<16xf32>,
        tpu.vector_store %arg8[%swap3A_377], %get3A_343 {strides = array<i32>} : memref<49168xf32, #tpu.memory_space<vmem>>, vector<16xf32>,
        %slice3A_379 = vector.extract_strided_slice %get3A_325 {offsets = [4], sizes = [1], strides = [1]} : vector<16xi32> to vector<1xi32>
        %squeeze3A_380 = vector.extract %slice3A_379[0] : i32 from vector<1xi32>
        %mul3A_381 = arith.constant 32 : i32
        %mul3A_382 = arith.muli %squeeze3A_380, %mul3A_381 : i32
        %get3A_383 = arith.index_cast %mul3A_382 : i32 to index
        %get3A_384 = tpu.vector_load %arg5[%get3A_383] {strides = array<i32>} : memref<768xf32, #tpu.memory_space<vmem>>, vector<16xf32>,
        %add3A_385 = arith.constant 8 : i32
        %add3A_386 = arith.addi %mul3A_382, %add3A_385 : i32
        %get3A_387 = arith.index_cast %add3A_386 : i32 to index
        %get3A_388 = tpu.vector_load %arg5[%get3A_387] {strides = array<i32>} : memref<768xf32, #tpu.memory_space<vmem>>, vector<16xf32>,
        %add3A_389 = arith.constant 48 : i32
        %add3A_390 = arith.addi %mul3A_322, %add3A_389 : i32
        %swap3A_391 = arith.index_cast %add3A_390 : i32 to index
        %swap3A_392 = tpu.vector_load %arg8[%swap3A_391] {strides = array<i32>} : memref<49168xf32, #tpu.memory_space<vmem>>, vector<16xf32>,
        tpu.vector_store %arg8[%swap3A_391], %get3A_349 {strides = array<i32>} : memref<49168xf32, #tpu.memory_space<vmem>>, vector<16xf32>,
        %add3A_393 = arith.constant 8 : i32
        %add3A_394 = arith.addi %add3A_390, %add3A_393 : i32
        %swap3A_395 = arith.index_cast %add3A_394 : i32 to index
        %swap3A_396 = tpu.vector_load %arg8[%swap3A_395] {strides = array<i32>} : memref<49168xf32, #tpu.memory_space<vmem>>, vector<16xf32>,
        tpu.vector_store %arg8[%swap3A_395], %get3A_353 {strides = array<i32>} : memref<49168xf32, #tpu.memory_space<vmem>>, vector<16xf32>,
        %slice3A_397 = vector.extract_strided_slice %get3A_325 {offsets = [5], sizes = [1], strides = [1]} : vector<16xi32> to vector<1xi32>
        %squeeze3A_398 = vector.extract %slice3A_397[0] : i32 from vector<1xi32>
        %mul3A_399 = arith.constant 32 : i32
        %mul3A_400 = arith.muli %squeeze3A_398, %mul3A_399 : i32
        %get3A_401 = arith.index_cast %mul3A_400 : i32 to index
        %get3A_402 = tpu.vector_load %arg5[%get3A_401] {strides = array<i32>} : memref<768xf32, #tpu.memory_space<vmem>>, vector<16xf32>,
        %add3A_403 = arith.constant 8 : i32
        %add3A_404 = arith.addi %mul3A_400, %add3A_403 : i32
        %get3A_405 = arith.index_cast %add3A_404 : i32 to index
        %get3A_406 = tpu.vector_load %arg5[%get3A_405] {strides = array<i32>} : memref<768xf32, #tpu.memory_space<vmem>>, vector<16xf32>,
        %add3A_407 = arith.constant 72 : i32
        %add3A_408 = arith.addi %mul3A_322, %add3A_407 : i32
        %swap3A_409 = arith.index_cast %add3A_408 : i32 to index
        %swap3A_410 = tpu.vector_load %arg8[%swap3A_409] {strides = array<i32>} : memref<49168xf32, #tpu.memory_space<vmem>>, vector<16xf32>,
        tpu.vector_store %arg8[%swap3A_409], %get3A_366 {strides = array<i32>} : memref<49168xf32, #tpu.memory_space<vmem>>, vector<16xf32>,
        %add3A_411 = arith.constant 8 : i32
        %add3A_412 = arith.addi %add3A_408, %add3A_411 : i32
        %swap3A_413 = arith.index_cast %add3A_412 : i32 to index
        %swap3A_414 = tpu.vector_load %arg8[%swap3A_413] {strides = array<i32>} : memref<49168xf32, #tpu.memory_space<vmem>>, vector<16xf32>,
        tpu.vector_store %arg8[%swap3A_413], %get3A_370 {strides = array<i32>} : memref<49168xf32, #tpu.memory_space<vmem>>, vector<16xf32>,
        %slice3A_415 = vector.extract_strided_slice %get3A_325 {offsets = [6], sizes = [1], strides = [1]} : vector<16xi32> to vector<1xi32>
        %squeeze3A_416 = vector.extract %slice3A_415[0] : i32 from vector<1xi32>
        %mul3A_417 = arith.constant 32 : i32
        %mul3A_418 = arith.muli %squeeze3A_416, %mul3A_417 : i32
        %get3A_419 = arith.index_cast %mul3A_418 : i32 to index
        %get3A_420 = tpu.vector_load %arg5[%get3A_419] {strides = array<i32>} : memref<768xf32, #tpu.memory_space<vmem>>, vector<16xf32>,
        %add3A_421 = arith.constant 8 : i32
        %add3A_422 = arith.addi %mul3A_418, %add3A_421 : i32
        %get3A_423 = arith.index_cast %add3A_422 : i32 to index
        %get3A_424 = tpu.vector_load %arg5[%get3A_423] {strides = array<i32>} : memref<768xf32, #tpu.memory_space<vmem>>, vector<16xf32>,
        %add3A_425 = arith.constant 96 : i32
        %add3A_426 = arith.addi %mul3A_322, %add3A_425 : i32
        %swap3A_427 = arith.index_cast %add3A_426 : i32 to index
        %swap3A_428 = tpu.vector_load %arg8[%swap3A_427] {strides = array<i32>} : memref<49168xf32, #tpu.memory_space<vmem>>, vector<16xf32>,
        tpu.vector_store %arg8[%swap3A_427], %get3A_384 {strides = array<i32>} : memref<49168xf32, #tpu.memory_space<vmem>>, vector<16xf32>,
        %add3A_429 = arith.constant 8 : i32
        %add3A_430 = arith.addi %add3A_426, %add3A_429 : i32
        %swap3A_431 = arith.index_cast %add3A_430 : i32 to index
        %swap3A_432 = tpu.vector_load %arg8[%swap3A_431] {strides = array<i32>} : memref<49168xf32, #tpu.memory_space<vmem>>, vector<16xf32>,
        tpu.vector_store %arg8[%swap3A_431], %get3A_388 {strides = array<i32>} : memref<49168xf32, #tpu.memory_space<vmem>>, vector<16xf32>,
        %slice3A_433 = vector.extract_strided_slice %get3A_325 {offsets = [7], sizes = [1], strides = [1]} : vector<16xi32> to vector<1xi32>
        %squeeze3A_434 = vector.extract %slice3A_433[0] : i32 from vector<1xi32>
        %mul3A_435 = arith.constant 32 : i32
        %mul3A_436 = arith.muli %squeeze3A_434, %mul3A_435 : i32
        %get3A_437 = arith.index_cast %mul3A_436 : i32 to index
        %get3A_438 = tpu.vector_load %arg5[%get3A_437] {strides = array<i32>} : memref<768xf32, #tpu.memory_space<vmem>>, vector<16xf32>,
        %add3A_439 = arith.constant 8 : i32
        %add3A_440 = arith.addi %mul3A_436, %add3A_439 : i32
        %get3A_441 = arith.index_cast %add3A_440 : i32 to index
        %get3A_442 = tpu.vector_load %arg5[%get3A_441] {strides = array<i32>} : memref<768xf32, #tpu.memory_space<vmem>>, vector<16xf32>,
        %add3A_443 = arith.constant 120 : i32
        %add3A_444 = arith.addi %mul3A_322, %add3A_443 : i32
        %swap3A_445 = arith.index_cast %add3A_444 : i32 to index
        %swap3A_446 = tpu.vector_load %arg8[%swap3A_445] {strides = array<i32>} : memref<49168xf32, #tpu.memory_space<vmem>>, vector<16xf32>,
        tpu.vector_store %arg8[%swap3A_445], %get3A_402 {strides = array<i32>} : memref<49168xf32, #tpu.memory_space<vmem>>, vector<16xf32>,
        %add3A_447 = arith.constant 8 : i32
        %add3A_448 = arith.addi %add3A_444, %add3A_447 : i32
        %swap3A_449 = arith.index_cast %add3A_448 : i32 to index
        %swap3A_450 = tpu.vector_load %arg8[%swap3A_449] {strides = array<i32>} : memref<49168xf32, #tpu.memory_space<vmem>>, vector<16xf32>,
        tpu.vector_store %arg8[%swap3A_449], %get3A_406 {strides = array<i32>} : memref<49168xf32, #tpu.memory_space<vmem>>, vector<16xf32>,
        %slice3A_451 = vector.extract_strided_slice %get3A_325 {offsets = [8], sizes = [1], strides = [1]} : vector<16xi32> to vector<1xi32>
        %squeeze3A_452 = vector.extract %slice3A_451[0] : i32 from vector<1xi32>
        %mul3A_453 = arith.constant 32 : i32
        %mul3A_454 = arith.muli %squeeze3A_452, %mul3A_453 : i32
        %get3A_455 = arith.index_cast %mul3A_454 : i32 to index
        %get3A_456 = tpu.vector_load %arg5[%get3A_455] {strides = array<i32>} : memref<768xf32, #tpu.memory_space<vmem>>, vector<16xf32>,
        %add3A_457 = arith.constant 8 : i32
        %add3A_458 = arith.addi %mul3A_454, %add3A_457 : i32
        %get3A_459 = arith.index_cast %add3A_458 : i32 to index
        %get3A_460 = tpu.vector_load %arg5[%get3A_459] {strides = array<i32>} : memref<768xf32, #tpu.memory_space<vmem>>, vector<16xf32>,
        %add3A_461 = arith.constant 144 : i32
        %add3A_462 = arith.addi %mul3A_322, %add3A_461 : i32
        %swap3A_463 = arith.index_cast %add3A_462 : i32 to index
        %swap3A_464 = tpu.vector_load %arg8[%swap3A_463] {strides = array<i32>} : memref<49168xf32, #tpu.memory_space<vmem>>, vector<16xf32>,
        tpu.vector_store %arg8[%swap3A_463], %get3A_420 {strides = array<i32>} : memref<49168xf32, #tpu.memory_space<vmem>>, vector<16xf32>,
        %add3A_465 = arith.constant 8 : i32
        %add3A_466 = arith.addi %add3A_462, %add3A_465 : i32
        %swap3A_467 = arith.index_cast %add3A_466 : i32 to index
        %swap3A_468 = tpu.vector_load %arg8[%swap3A_467] {strides = array<i32>} : memref<49168xf32, #tpu.memory_space<vmem>>, vector<16xf32>,
        tpu.vector_store %arg8[%swap3A_467], %get3A_424 {strides = array<i32>} : memref<49168xf32, #tpu.memory_space<vmem>>, vector<16xf32>,
        %slice3A_469 = vector.extract_strided_slice %get3A_325 {offsets = [9], sizes = [1], strides = [1]} : vector<16xi32> to vector<1xi32>
        %squeeze3A_470 = vector.extract %slice3A_469[0] : i32 from vector<1xi32>
        %mul3A_471 = arith.constant 32 : i32
        %mul3A_472 = arith.muli %squeeze3A_470, %mul3A_471 : i32
        %get3A_473 = arith.index_cast %mul3A_472 : i32 to index
        %get3A_474 = tpu.vector_load %arg5[%get3A_473] {strides = array<i32>} : memref<768xf32, #tpu.memory_space<vmem>>, vector<16xf32>,
        %add3A_475 = arith.constant 8 : i32
        %add3A_476 = arith.addi %mul3A_472, %add3A_475 : i32
        %get3A_477 = arith.index_cast %add3A_476 : i32 to index
        %get3A_478 = tpu.vector_load %arg5[%get3A_477] {strides = array<i32>} : memref<768xf32, #tpu.memory_space<vmem>>, vector<16xf32>,
        %add3A_479 = arith.constant 168 : i32
        %add3A_480 = arith.addi %mul3A_322, %add3A_479 : i32
        %swap3A_481 = arith.index_cast %add3A_480 : i32 to index
        %swap3A_482 = tpu.vector_load %arg8[%swap3A_481] {strides = array<i32>} : memref<49168xf32, #tpu.memory_space<vmem>>, vector<16xf32>,
        tpu.vector_store %arg8[%swap3A_481], %get3A_438 {strides = array<i32>} : memref<49168xf32, #tpu.memory_space<vmem>>, vector<16xf32>,
        %add3A_483 = arith.constant 8 : i32
        %add3A_484 = arith.addi %add3A_480, %add3A_483 : i32
        %swap3A_485 = arith.index_cast %add3A_484 : i32 to index
        %swap3A_486 = tpu.vector_load %arg8[%swap3A_485] {strides = array<i32>} : memref<49168xf32, #tpu.memory_space<vmem>>, vector<16xf32>,
        tpu.vector_store %arg8[%swap3A_485], %get3A_442 {strides = array<i32>} : memref<49168xf32, #tpu.memory_space<vmem>>, vector<16xf32>,
        %slice3A_487 = vector.extract_strided_slice %get3A_325 {offsets = [10], sizes = [1], strides = [1]} : vector<16xi32> to vector<1xi32>
        %squeeze3A_488 = vector.extract %slice3A_487[0] : i32 from vector<1xi32>
        %mul3A_489 = arith.constant 32 : i32
        %mul3A_490 = arith.muli %squeeze3A_488, %mul3A_489 : i32
        %get3A_491 = arith.index_cast %mul3A_490 : i32 to index
        %get3A_492 = tpu.vector_load %arg5[%get3A_491] {strides = array<i32>} : memref<768xf32, #tpu.memory_space<vmem>>, vector<16xf32>,
        %add3A_493 = arith.constant 8 : i32
        %add3A_494 = arith.addi %mul3A_490, %add3A_493 : i32
        %get3A_495 = arith.index_cast %add3A_494 : i32 to index
        %get3A_496 = tpu.vector_load %arg5[%get3A_495] {strides = array<i32>} : memref<768xf32, #tpu.memory_space<vmem>>, vector<16xf32>,
        %add3A_497 = arith.constant 192 : i32
        %add3A_498 = arith.addi %mul3A_322, %add3A_497 : i32
        %swap3A_499 = arith.index_cast %add3A_498 : i32 to index
        %swap3A_500 = tpu.vector_load %arg8[%swap3A_499] {strides = array<i32>} : memref<49168xf32, #tpu.memory_space<vmem>>, vector<16xf32>,
        tpu.vector_store %arg8[%swap3A_499], %get3A_456 {strides = array<i32>} : memref<49168xf32, #tpu.memory_space<vmem>>, vector<16xf32>,
        %add3A_501 = arith.constant 8 : i32
        %add3A_502 = arith.addi %add3A_498, %add3A_501 : i32
        %swap3A_503 = arith.index_cast %add3A_502 : i32 to index
        %swap3A_504 = tpu.vector_load %arg8[%swap3A_503] {strides = array<i32>} : memref<49168xf32, #tpu.memory_space<vmem>>, vector<16xf32>,
        tpu.vector_store %arg8[%swap3A_503], %get3A_460 {strides = array<i32>} : memref<49168xf32, #tpu.memory_space<vmem>>, vector<16xf32>,
        %slice3A_505 = vector.extract_strided_slice %get3A_325 {offsets = [11], sizes = [1], strides = [1]} : vector<16xi32> to vector<1xi32>
        %squeeze3A_506 = vector.extract %slice3A_505[0] : i32 from vector<1xi32>
        %mul3A_507 = arith.constant 32 : i32
        %mul3A_508 = arith.muli %squeeze3A_506, %mul3A_507 : i32
        %get3A_509 = arith.index_cast %mul3A_508 : i32 to index
        %get3A_510 = tpu.vector_load %arg5[%get3A_509] {strides = array<i32>} : memref<768xf32, #tpu.memory_space<vmem>>, vector<16xf32>,
        %add3A_511 = arith.constant 8 : i32
        %add3A_512 = arith.addi %mul3A_508, %add3A_511 : i32
        %get3A_513 = arith.index_cast %add3A_512 : i32 to index
        %get3A_514 = tpu.vector_load %arg5[%get3A_513] {strides = array<i32>} : memref<768xf32, #tpu.memory_space<vmem>>, vector<16xf32>,
        %add3A_515 = arith.constant 216 : i32
        %add3A_516 = arith.addi %mul3A_322, %add3A_515 : i32
        %swap3A_517 = arith.index_cast %add3A_516 : i32 to index
        %swap3A_518 = tpu.vector_load %arg8[%swap3A_517] {strides = array<i32>} : memref<49168xf32, #tpu.memory_space<vmem>>, vector<16xf32>,
        tpu.vector_store %arg8[%swap3A_517], %get3A_474 {strides = array<i32>} : memref<49168xf32, #tpu.memory_space<vmem>>, vector<16xf32>,
        %add3A_519 = arith.constant 8 : i32
        %add3A_520 = arith.addi %add3A_516, %add3A_519 : i32
        %swap3A_521 = arith.index_cast %add3A_520 : i32 to index
        %swap3A_522 = tpu.vector_load %arg8[%swap3A_521] {strides = array<i32>} : memref<49168xf32, #tpu.memory_space<vmem>>, vector<16xf32>,
        tpu.vector_store %arg8[%swap3A_521], %get3A_478 {strides = array<i32>} : memref<49168xf32, #tpu.memory_space<vmem>>, vector<16xf32>,
        %slice3A_523 = vector.extract_strided_slice %get3A_325 {offsets = [12], sizes = [1], strides = [1]} : vector<16xi32> to vector<1xi32>
        %squeeze3A_524 = vector.extract %slice3A_523[0] : i32 from vector<1xi32>
        %mul3A_525 = arith.constant 32 : i32
        %mul3A_526 = arith.muli %squeeze3A_524, %mul3A_525 : i32
        %get3A_527 = arith.index_cast %mul3A_526 : i32 to index
        %get3A_528 = tpu.vector_load %arg5[%get3A_527] {strides = array<i32>} : memref<768xf32, #tpu.memory_space<vmem>>, vector<16xf32>,
        %add3A_529 = arith.constant 8 : i32
        %add3A_530 = arith.addi %mul3A_526, %add3A_529 : i32
        %get3A_531 = arith.index_cast %add3A_530 : i32 to index
        %get3A_532 = tpu.vector_load %arg5[%get3A_531] {strides = array<i32>} : memref<768xf32, #tpu.memory_space<vmem>>, vector<16xf32>,
        %add3A_533 = arith.constant 240 : i32
        %add3A_534 = arith.addi %mul3A_322, %add3A_533 : i32
        %swap3A_535 = arith.index_cast %add3A_534 : i32 to index
        %swap3A_536 = tpu.vector_load %arg8[%swap3A_535] {strides = array<i32>} : memref<49168xf32, #tpu.memory_space<vmem>>, vector<16xf32>,
        tpu.vector_store %arg8[%swap3A_535], %get3A_492 {strides = array<i32>} : memref<49168xf32, #tpu.memory_space<vmem>>, vector<16xf32>,
        %add3A_537 = arith.constant 8 : i32
        %add3A_538 = arith.addi %add3A_534, %add3A_537 : i32
        %swap3A_539 = arith.index_cast %add3A_538 : i32 to index
        %swap3A_540 = tpu.vector_load %arg8[%swap3A_539] {strides = array<i32>} : memref<49168xf32, #tpu.memory_space<vmem>>, vector<16xf32>,
        tpu.vector_store %arg8[%swap3A_539], %get3A_496 {strides = array<i32>} : memref<49168xf32, #tpu.memory_space<vmem>>, vector<16xf32>,
        %slice3A_541 = vector.extract_strided_slice %get3A_325 {offsets = [13], sizes = [1], strides = [1]} : vector<16xi32> to vector<1xi32>
        %squeeze3A_542 = vector.extract %slice3A_541[0] : i32 from vector<1xi32>
        %mul3A_543 = arith.constant 32 : i32
        %mul3A_544 = arith.muli %squeeze3A_542, %mul3A_543 : i32
        %get3A_545 = arith.index_cast %mul3A_544 : i32 to index
        %get3A_546 = tpu.vector_load %arg5[%get3A_545] {strides = array<i32>} : memref<768xf32, #tpu.memory_space<vmem>>, vector<16xf32>,
        %add3A_547 = arith.constant 8 : i32
        %add3A_548 = arith.addi %mul3A_544, %add3A_547 : i32
        %get3A_549 = arith.index_cast %add3A_548 : i32 to index
        %get3A_550 = tpu.vector_load %arg5[%get3A_549] {strides = array<i32>} : memref<768xf32, #tpu.memory_space<vmem>>, vector<16xf32>,
        %add3A_551 = arith.constant 264 : i32
        %add3A_552 = arith.addi %mul3A_322, %add3A_551 : i32
        %swap3A_553 = arith.index_cast %add3A_552 : i32 to index
        %swap3A_554 = tpu.vector_load %arg8[%swap3A_553] {strides = array<i32>} : memref<49168xf32, #tpu.memory_space<vmem>>, vector<16xf32>,
        tpu.vector_store %arg8[%swap3A_553], %get3A_510 {strides = array<i32>} : memref<49168xf32, #tpu.memory_space<vmem>>, vector<16xf32>,
        %add3A_555 = arith.constant 8 : i32
        %add3A_556 = arith.addi %add3A_552, %add3A_555 : i32
        %swap3A_557 = arith.index_cast %add3A_556 : i32 to index
        %swap3A_558 = tpu.vector_load %arg8[%swap3A_557] {strides = array<i32>} : memref<49168xf32, #tpu.memory_space<vmem>>, vector<16xf32>,
        tpu.vector_store %arg8[%swap3A_557], %get3A_514 {strides = array<i32>} : memref<49168xf32, #tpu.memory_space<vmem>>, vector<16xf32>,
        %slice3A_559 = vector.extract_strided_slice %get3A_325 {offsets = [14], sizes = [1], strides = [1]} : vector<16xi32> to vector<1xi32>
        %squeeze3A_560 = vector.extract %slice3A_559[0] : i32 from vector<1xi32>
        %mul3A_561 = arith.constant 32 : i32
        %mul3A_562 = arith.muli %squeeze3A_560, %mul3A_561 : i32
        %get3A_563 = arith.index_cast %mul3A_562 : i32 to index
        %get3A_564 = tpu.vector_load %arg5[%get3A_563] {strides = array<i32>} : memref<768xf32, #tpu.memory_space<vmem>>, vector<16xf32>,
        %add3A_565 = arith.constant 8 : i32
        %add3A_566 = arith.addi %mul3A_562, %add3A_565 : i32
        %get3A_567 = arith.index_cast %add3A_566 : i32 to index
        %get3A_568 = tpu.vector_load %arg5[%get3A_567] {strides = array<i32>} : memref<768xf32, #tpu.memory_space<vmem>>, vector<16xf32>,
        %add3A_569 = arith.constant 288 : i32
        %add3A_570 = arith.addi %mul3A_322, %add3A_569 : i32
        %swap3A_571 = arith.index_cast %add3A_570 : i32 to index
        %swap3A_572 = tpu.vector_load %arg8[%swap3A_571] {strides = array<i32>} : memref<49168xf32, #tpu.memory_space<vmem>>, vector<16xf32>,
        tpu.vector_store %arg8[%swap3A_571], %get3A_528 {strides = array<i32>} : memref<49168xf32, #tpu.memory_space<vmem>>, vector<16xf32>,
        %add3A_573 = arith.constant 8 : i32
        %add3A_574 = arith.addi %add3A_570, %add3A_573 : i32
        %swap3A_575 = arith.index_cast %add3A_574 : i32 to index
        %swap3A_576 = tpu.vector_load %arg8[%swap3A_575] {strides = array<i32>} : memref<49168xf32, #tpu.memory_space<vmem>>, vector<16xf32>,
        tpu.vector_store %arg8[%swap3A_575], %get3A_532 {strides = array<i32>} : memref<49168xf32, #tpu.memory_space<vmem>>, vector<16xf32>,
        %slice3A_577 = vector.extract_strided_slice %get3A_325 {offsets = [15], sizes = [1], strides = [1]} : vector<16xi32> to vector<1xi32>
        %squeeze3A_578 = vector.extract %slice3A_577[0] : i32 from vector<1xi32>
        %mul3A_579 = arith.constant 32 : i32
        %mul3A_580 = arith.muli %squeeze3A_578, %mul3A_579 : i32
        %get3A_581 = arith.index_cast %mul3A_580 : i32 to index
        %get3A_582 = tpu.vector_load %arg5[%get3A_581] {strides = array<i32>} : memref<768xf32, #tpu.memory_space<vmem>>, vector<16xf32>,
        %add3A_583 = arith.constant 8 : i32
        %add3A_584 = arith.addi %mul3A_580, %add3A_583 : i32
        %get3A_585 = arith.index_cast %add3A_584 : i32 to index
        %get3A_586 = tpu.vector_load %arg5[%get3A_585] {strides = array<i32>} : memref<768xf32, #tpu.memory_space<vmem>>, vector<16xf32>,
        %add3A_587 = arith.constant 312 : i32
        %add3A_588 = arith.addi %mul3A_322, %add3A_587 : i32
        %swap3A_589 = arith.index_cast %add3A_588 : i32 to index
        %swap3A_590 = tpu.vector_load %arg8[%swap3A_589] {strides = array<i32>} : memref<49168xf32, #tpu.memory_space<vmem>>, vector<16xf32>,
        tpu.vector_store %arg8[%swap3A_589], %get3A_546 {strides = array<i32>} : memref<49168xf32, #tpu.memory_space<vmem>>, vector<16xf32>,
        %add3A_591 = arith.constant 8 : i32
        %add3A_592 = arith.addi %add3A_588, %add3A_591 : i32
        %swap3A_593 = arith.index_cast %add3A_592 : i32 to index
        %swap3A_594 = tpu.vector_load %arg8[%swap3A_593] {strides = array<i32>} : memref<49168xf32, #tpu.memory_space<vmem>>, vector<16xf32>,
        tpu.vector_store %arg8[%swap3A_593], %get3A_550 {strides = array<i32>} : memref<49168xf32, #tpu.memory_space<vmem>>, vector<16xf32>,
        %add3A_595 = arith.constant 336 : i32
        %add3A_596 = arith.addi %mul3A_322, %add3A_595 : i32
        %swap3A_597 = arith.index_cast %add3A_596 : i32 to index
        %swap3A_598 = tpu.vector_load %arg8[%swap3A_597] {strides = array<i32>} : memref<49168xf32, #tpu.memory_space<vmem>>, vector<16xf32>,
        tpu.vector_store %arg8[%swap3A_597], %get3A_564 {strides = array<i32>} : memref<49168xf32, #tpu.memory_space<vmem>>, vector<16xf32>,
        %add3A_599 = arith.constant 8 : i32
        %add3A_600 = arith.addi %add3A_596, %add3A_599 : i32
        %swap3A_601 = arith.index_cast %add3A_600 : i32 to index
        %swap3A_602 = tpu.vector_load %arg8[%swap3A_601] {strides = array<i32>} : memref<49168xf32, #tpu.memory_space<vmem>>, vector<16xf32>,
        tpu.vector_store %arg8[%swap3A_601], %get3A_568 {strides = array<i32>} : memref<49168xf32, #tpu.memory_space<vmem>>, vector<16xf32>,
        %add3A_603 = arith.constant 360 : i32
        %add3A_604 = arith.addi %mul3A_322, %add3A_603 : i32
        %swap3A_605 = arith.index_cast %add3A_604 : i32 to index
        %swap3A_606 = tpu.vector_load %arg8[%swap3A_605] {strides = array<i32>} : memref<49168xf32, #tpu.memory_space<vmem>>, vector<16xf32>,
        tpu.vector_store %arg8[%swap3A_605], %get3A_582 {strides = array<i32>} : memref<49168xf32, #tpu.memory_space<vmem>>, vector<16xf32>,
        %add3A_607 = arith.constant 8 : i32
        %add3A_608 = arith.addi %add3A_604, %add3A_607 : i32
        %swap3A_609 = arith.index_cast %add3A_608 : i32 to index
        %swap3A_610 = tpu.vector_load %arg8[%swap3A_609] {strides = array<i32>} : memref<49168xf32, #tpu.memory_space<vmem>>, vector<16xf32>,
        tpu.vector_store %arg8[%swap3A_609], %get3A_586 {strides = array<i32>} : memref<49168xf32, #tpu.memory_space<vmem>>, vector<16xf32>,
      }
      %scan3A_157 = arith.constant 32 : i32
      %mul3A_158 = arith.constant 2048 : i32
      %mul3A_159 = arith.muli %add3A_123, %mul3A_158 : i32
      %add3A_160 = arith.addi %mul3A_2, %mul3A_159 : i32
      %mul3A_161 = arith.constant 24 : i32
      %mul3A_162 = arith.muli %add3A_160, %mul3A_161 : i32
      %add3A_163 = arith.constant 12288 : i32
      %add3A_164 = arith.addi %mul3A_162, %add3A_163 : i32
      %multiple_of3A_165 = tpu.assume_multiple %add3A_164, 8 : i32
      %dma_start3A_166 = arith.constant 12288 : i32
      %dma_start3A_167 = tpu.memref_slice %arg8[%dma_start3A_166] : memref<49168xf32, #tpu.memory_space<vmem>> -> memref<12288xf32, #tpu.memory_space<vmem>>
      %dma_start3A_168 = tpu.memref_slice %arg4[%multiple_of3A_165] : memref<78643200xf32, #tpu.memory_space<hbm>> -> memref<12288xf32, #tpu.memory_space<hbm>>
      %dma_start3A_169 = tpu.memref_slice %arg4[%multiple_of3A_165] : memref<78643200xf32, #tpu.memory_space<hbm>> -> memref<12288xf32, #tpu.memory_space<hbm>>
      %dma_start3A_170 = arith.constant 12288 : i32
      %dma_start3A_171 = tpu.memref_slice %arg8[%dma_start3A_170] : memref<49168xf32, #tpu.memory_space<vmem>> -> memref<12288xf32, #tpu.memory_space<vmem>>
      tpu.enqueue_dma source(%dma_start3A_171 : memref<12288xf32, #tpu.memory_space<vmem>>) target(%dma_start3A_169 : memref<12288xf32, #tpu.memory_space<hbm>>) target_semaphore(%arg12 : memref<!tpu.dma_semaphore, #tpu.memory_space<semaphore_mem>>)
      %scan3A_172 = arith.constant 0 : i32
      %scan3A_173 = arith.constant 64 : i32
      %scan3A_174 = arith.constant 32 : i32
      %scan3A_175 = arith.addi %scan3A_173, %scan3A_174 : i32
      %scan3A_176 = arith.constant 1 : i32
      scf.for %scan3A_320 = %scan3A_173 to %scan3A_175 step %scan3A_176  : i32 {
        %mul3A_321 = arith.constant 384 : i32
        %mul3A_322 = arith.muli %scan3A_320, %mul3A_321 : i32
        %mul3A_323 = arith.constant 16 : i32
        %mul3A_324 = arith.muli %scan3A_320, %mul3A_323 : i32
        %get3A = arith.index_cast %mul3A_324 : i32 to index
        %get3A_325 = tpu.vector_load %arg6[%get3A] {strides = array<i32>} : memref<2048xi32, #tpu.memory_space<vmem>>, vector<16xi32>,
        %slice3A = vector.extract_strided_slice %get3A_325 {offsets = [0], sizes = [1], strides = [1]} : vector<16xi32> to vector<1xi32>
        %squeeze3A = vector.extract %slice3A[0] : i32 from vector<1xi32>
        %mul3A_326 = arith.constant 32 : i32
        %mul3A_327 = arith.muli %squeeze3A, %mul3A_326 : i32
        %get3A_328 = arith.index_cast %mul3A_327 : i32 to index
        %get3A_329 = tpu.vector_load %arg5[%get3A_328] {strides = array<i32>} : memref<768xf32, #tpu.memory_space<vmem>>, vector<16xf32>,
        %add3A_330 = arith.constant 8 : i32
        %add3A_331 = arith.addi %mul3A_327, %add3A_330 : i32
        %get3A_332 = arith.index_cast %add3A_331 : i32 to index
        %get3A_333 = tpu.vector_load %arg5[%get3A_332] {strides = array<i32>} : memref<768xf32, #tpu.memory_space<vmem>>, vector<16xf32>,
        %slice3A_334 = vector.extract_strided_slice %get3A_325 {offsets = [1], sizes = [1], strides = [1]} : vector<16xi32> to vector<1xi32>
        %squeeze3A_335 = vector.extract %slice3A_334[0] : i32 from vector<1xi32>
        %mul3A_336 = arith.constant 32 : i32
        %mul3A_337 = arith.muli %squeeze3A_335, %mul3A_336 : i32
        %get3A_338 = arith.index_cast %mul3A_337 : i32 to index
        %get3A_339 = tpu.vector_load %arg5[%get3A_338] {strides = array<i32>} : memref<768xf32, #tpu.memory_space<vmem>>, vector<16xf32>,
        %add3A_340 = arith.constant 8 : i32
        %add3A_341 = arith.addi %mul3A_337, %add3A_340 : i32
        %get3A_342 = arith.index_cast %add3A_341 : i32 to index
        %get3A_343 = tpu.vector_load %arg5[%get3A_342] {strides = array<i32>} : memref<768xf32, #tpu.memory_space<vmem>>, vector<16xf32>,
        %slice3A_344 = vector.extract_strided_slice %get3A_325 {offsets = [2], sizes = [1], strides = [1]} : vector<16xi32> to vector<1xi32>
        %squeeze3A_345 = vector.extract %slice3A_344[0] : i32 from vector<1xi32>
        %mul3A_346 = arith.constant 32 : i32
        %mul3A_347 = arith.muli %squeeze3A_345, %mul3A_346 : i32
        %get3A_348 = arith.index_cast %mul3A_347 : i32 to index
        %get3A_349 = tpu.vector_load %arg5[%get3A_348] {strides = array<i32>} : memref<768xf32, #tpu.memory_space<vmem>>, vector<16xf32>,
        %add3A_350 = arith.constant 8 : i32
        %add3A_351 = arith.addi %mul3A_347, %add3A_350 : i32
        %get3A_352 = arith.index_cast %add3A_351 : i32 to index
        %get3A_353 = tpu.vector_load %arg5[%get3A_352] {strides = array<i32>} : memref<768xf32, #tpu.memory_space<vmem>>, vector<16xf32>,
        %add3A_354 = arith.constant 0 : i32
        %add3A_355 = arith.addi %mul3A_322, %add3A_354 : i32
        %swap3A = arith.index_cast %add3A_355 : i32 to index
        %swap3A_356 = tpu.vector_load %arg8[%swap3A] {strides = array<i32>} : memref<49168xf32, #tpu.memory_space<vmem>>, vector<16xf32>,
        tpu.vector_store %arg8[%swap3A], %get3A_329 {strides = array<i32>} : memref<49168xf32, #tpu.memory_space<vmem>>, vector<16xf32>,
        %add3A_357 = arith.constant 8 : i32
        %add3A_358 = arith.addi %add3A_355, %add3A_357 : i32
        %swap3A_359 = arith.index_cast %add3A_358 : i32 to index
        %swap3A_360 = tpu.vector_load %arg8[%swap3A_359] {strides = array<i32>} : memref<49168xf32, #tpu.memory_space<vmem>>, vector<16xf32>,
        tpu.vector_store %arg8[%swap3A_359], %get3A_333 {strides = array<i32>} : memref<49168xf32, #tpu.memory_space<vmem>>, vector<16xf32>,
        %slice3A_361 = vector.extract_strided_slice %get3A_325 {offsets = [3], sizes = [1], strides = [1]} : vector<16xi32> to vector<1xi32>
        %squeeze3A_362 = vector.extract %slice3A_361[0] : i32 from vector<1xi32>
        %mul3A_363 = arith.constant 32 : i32
        %mul3A_364 = arith.muli %squeeze3A_362, %mul3A_363 : i32
        %get3A_365 = arith.index_cast %mul3A_364 : i32 to index
        %get3A_366 = tpu.vector_load %arg5[%get3A_365] {strides = array<i32>} : memref<768xf32, #tpu.memory_space<vmem>>, vector<16xf32>,
        %add3A_367 = arith.constant 8 : i32
        %add3A_368 = arith.addi %mul3A_364, %add3A_367 : i32
        %get3A_369 = arith.index_cast %add3A_368 : i32 to index
        %get3A_370 = tpu.vector_load %arg5[%get3A_369] {strides = array<i32>} : memref<768xf32, #tpu.memory_space<vmem>>, vector<16xf32>,
        %add3A_371 = arith.constant 24 : i32
        %add3A_372 = arith.addi %mul3A_322, %add3A_371 : i32
        %swap3A_373 = arith.index_cast %add3A_372 : i32 to index
        %swap3A_374 = tpu.vector_load %arg8[%swap3A_373] {strides = array<i32>} : memref<49168xf32, #tpu.memory_space<vmem>>, vector<16xf32>,
        tpu.vector_store %arg8[%swap3A_373], %get3A_339 {strides = array<i32>} : memref<49168xf32, #tpu.memory_space<vmem>>, vector<16xf32>,
        %add3A_375 = arith.constant 8 : i32
        %add3A_376 = arith.addi %add3A_372, %add3A_375 : i32
        %swap3A_377 = arith.index_cast %add3A_376 : i32 to index
        %swap3A_378 = tpu.vector_load %arg8[%swap3A_377] {strides = array<i32>} : memref<49168xf32, #tpu.memory_space<vmem>>, vector<16xf32>,
        tpu.vector_store %arg8[%swap3A_377], %get3A_343 {strides = array<i32>} : memref<49168xf32, #tpu.memory_space<vmem>>, vector<16xf32>,
        %slice3A_379 = vector.extract_strided_slice %get3A_325 {offsets = [4], sizes = [1], strides = [1]} : vector<16xi32> to vector<1xi32>
        %squeeze3A_380 = vector.extract %slice3A_379[0] : i32 from vector<1xi32>
        %mul3A_381 = arith.constant 32 : i32
        %mul3A_382 = arith.muli %squeeze3A_380, %mul3A_381 : i32
        %get3A_383 = arith.index_cast %mul3A_382 : i32 to index
        %get3A_384 = tpu.vector_load %arg5[%get3A_383] {strides = array<i32>} : memref<768xf32, #tpu.memory_space<vmem>>, vector<16xf32>,
        %add3A_385 = arith.constant 8 : i32
        %add3A_386 = arith.addi %mul3A_382, %add3A_385 : i32
        %get3A_387 = arith.index_cast %add3A_386 : i32 to index
        %get3A_388 = tpu.vector_load %arg5[%get3A_387] {strides = array<i32>} : memref<768xf32, #tpu.memory_space<vmem>>, vector<16xf32>,
        %add3A_389 = arith.constant 48 : i32
        %add3A_390 = arith.addi %mul3A_322, %add3A_389 : i32
        %swap3A_391 = arith.index_cast %add3A_390 : i32 to index
        %swap3A_392 = tpu.vector_load %arg8[%swap3A_391] {strides = array<i32>} : memref<49168xf32, #tpu.memory_space<vmem>>, vector<16xf32>,
        tpu.vector_store %arg8[%swap3A_391], %get3A_349 {strides = array<i32>} : memref<49168xf32, #tpu.memory_space<vmem>>, vector<16xf32>,
        %add3A_393 = arith.constant 8 : i32
        %add3A_394 = arith.addi %add3A_390, %add3A_393 : i32
        %swap3A_395 = arith.index_cast %add3A_394 : i32 to index
        %swap3A_396 = tpu.vector_load %arg8[%swap3A_395] {strides = array<i32>} : memref<49168xf32, #tpu.memory_space<vmem>>, vector<16xf32>,
        tpu.vector_store %arg8[%swap3A_395], %get3A_353 {strides = array<i32>} : memref<49168xf32, #tpu.memory_space<vmem>>, vector<16xf32>,
        %slice3A_397 = vector.extract_strided_slice %get3A_325 {offsets = [5], sizes = [1], strides = [1]} : vector<16xi32> to vector<1xi32>
        %squeeze3A_398 = vector.extract %slice3A_397[0] : i32 from vector<1xi32>
        %mul3A_399 = arith.constant 32 : i32
        %mul3A_400 = arith.muli %squeeze3A_398, %mul3A_399 : i32
        %get3A_401 = arith.index_cast %mul3A_400 : i32 to index
        %get3A_402 = tpu.vector_load %arg5[%get3A_401] {strides = array<i32>} : memref<768xf32, #tpu.memory_space<vmem>>, vector<16xf32>,
        %add3A_403 = arith.constant 8 : i32
        %add3A_404 = arith.addi %mul3A_400, %add3A_403 : i32
        %get3A_405 = arith.index_cast %add3A_404 : i32 to index
        %get3A_406 = tpu.vector_load %arg5[%get3A_405] {strides = array<i32>} : memref<768xf32, #tpu.memory_space<vmem>>, vector<16xf32>,
        %add3A_407 = arith.constant 72 : i32
        %add3A_408 = arith.addi %mul3A_322, %add3A_407 : i32
        %swap3A_409 = arith.index_cast %add3A_408 : i32 to index
        %swap3A_410 = tpu.vector_load %arg8[%swap3A_409] {strides = array<i32>} : memref<49168xf32, #tpu.memory_space<vmem>>, vector<16xf32>,
        tpu.vector_store %arg8[%swap3A_409], %get3A_366 {strides = array<i32>} : memref<49168xf32, #tpu.memory_space<vmem>>, vector<16xf32>,
        %add3A_411 = arith.constant 8 : i32
        %add3A_412 = arith.addi %add3A_408, %add3A_411 : i32
        %swap3A_413 = arith.index_cast %add3A_412 : i32 to index
        %swap3A_414 = tpu.vector_load %arg8[%swap3A_413] {strides = array<i32>} : memref<49168xf32, #tpu.memory_space<vmem>>, vector<16xf32>,
        tpu.vector_store %arg8[%swap3A_413], %get3A_370 {strides = array<i32>} : memref<49168xf32, #tpu.memory_space<vmem>>, vector<16xf32>,
        %slice3A_415 = vector.extract_strided_slice %get3A_325 {offsets = [6], sizes = [1], strides = [1]} : vector<16xi32> to vector<1xi32>
        %squeeze3A_416 = vector.extract %slice3A_415[0] : i32 from vector<1xi32>
        %mul3A_417 = arith.constant 32 : i32
        %mul3A_418 = arith.muli %squeeze3A_416, %mul3A_417 : i32
        %get3A_419 = arith.index_cast %mul3A_418 : i32 to index
        %get3A_420 = tpu.vector_load %arg5[%get3A_419] {strides = array<i32>} : memref<768xf32, #tpu.memory_space<vmem>>, vector<16xf32>,
        %add3A_421 = arith.constant 8 : i32
        %add3A_422 = arith.addi %mul3A_418, %add3A_421 : i32
        %get3A_423 = arith.index_cast %add3A_422 : i32 to index
        %get3A_424 = tpu.vector_load %arg5[%get3A_423] {strides = array<i32>} : memref<768xf32, #tpu.memory_space<vmem>>, vector<16xf32>,
        %add3A_425 = arith.constant 96 : i32
        %add3A_426 = arith.addi %mul3A_322, %add3A_425 : i32
        %swap3A_427 = arith.index_cast %add3A_426 : i32 to index
        %swap3A_428 = tpu.vector_load %arg8[%swap3A_427] {strides = array<i32>} : memref<49168xf32, #tpu.memory_space<vmem>>, vector<16xf32>,
        tpu.vector_store %arg8[%swap3A_427], %get3A_384 {strides = array<i32>} : memref<49168xf32, #tpu.memory_space<vmem>>, vector<16xf32>,
        %add3A_429 = arith.constant 8 : i32
        %add3A_430 = arith.addi %add3A_426, %add3A_429 : i32
        %swap3A_431 = arith.index_cast %add3A_430 : i32 to index
        %swap3A_432 = tpu.vector_load %arg8[%swap3A_431] {strides = array<i32>} : memref<49168xf32, #tpu.memory_space<vmem>>, vector<16xf32>,
        tpu.vector_store %arg8[%swap3A_431], %get3A_388 {strides = array<i32>} : memref<49168xf32, #tpu.memory_space<vmem>>, vector<16xf32>,
        %slice3A_433 = vector.extract_strided_slice %get3A_325 {offsets = [7], sizes = [1], strides = [1]} : vector<16xi32> to vector<1xi32>
        %squeeze3A_434 = vector.extract %slice3A_433[0] : i32 from vector<1xi32>
        %mul3A_435 = arith.constant 32 : i32
        %mul3A_436 = arith.muli %squeeze3A_434, %mul3A_435 : i32
        %get3A_437 = arith.index_cast %mul3A_436 : i32 to index
        %get3A_438 = tpu.vector_load %arg5[%get3A_437] {strides = array<i32>} : memref<768xf32, #tpu.memory_space<vmem>>, vector<16xf32>,
        %add3A_439 = arith.constant 8 : i32
        %add3A_440 = arith.addi %mul3A_436, %add3A_439 : i32
        %get3A_441 = arith.index_cast %add3A_440 : i32 to index
        %get3A_442 = tpu.vector_load %arg5[%get3A_441] {strides = array<i32>} : memref<768xf32, #tpu.memory_space<vmem>>, vector<16xf32>,
        %add3A_443 = arith.constant 120 : i32
        %add3A_444 = arith.addi %mul3A_322, %add3A_443 : i32
        %swap3A_445 = arith.index_cast %add3A_444 : i32 to index
        %swap3A_446 = tpu.vector_load %arg8[%swap3A_445] {strides = array<i32>} : memref<49168xf32, #tpu.memory_space<vmem>>, vector<16xf32>,
        tpu.vector_store %arg8[%swap3A_445], %get3A_402 {strides = array<i32>} : memref<49168xf32, #tpu.memory_space<vmem>>, vector<16xf32>,
        %add3A_447 = arith.constant 8 : i32
        %add3A_448 = arith.addi %add3A_444, %add3A_447 : i32
        %swap3A_449 = arith.index_cast %add3A_448 : i32 to index
        %swap3A_450 = tpu.vector_load %arg8[%swap3A_449] {strides = array<i32>} : memref<49168xf32, #tpu.memory_space<vmem>>, vector<16xf32>,
        tpu.vector_store %arg8[%swap3A_449], %get3A_406 {strides = array<i32>} : memref<49168xf32, #tpu.memory_space<vmem>>, vector<16xf32>,
        %slice3A_451 = vector.extract_strided_slice %get3A_325 {offsets = [8], sizes = [1], strides = [1]} : vector<16xi32> to vector<1xi32>
        %squeeze3A_452 = vector.extract %slice3A_451[0] : i32 from vector<1xi32>
        %mul3A_453 = arith.constant 32 : i32
        %mul3A_454 = arith.muli %squeeze3A_452, %mul3A_453 : i32
        %get3A_455 = arith.index_cast %mul3A_454 : i32 to index
        %get3A_456 = tpu.vector_load %arg5[%get3A_455] {strides = array<i32>} : memref<768xf32, #tpu.memory_space<vmem>>, vector<16xf32>,
        %add3A_457 = arith.constant 8 : i32
        %add3A_458 = arith.addi %mul3A_454, %add3A_457 : i32
        %get3A_459 = arith.index_cast %add3A_458 : i32 to index
        %get3A_460 = tpu.vector_load %arg5[%get3A_459] {strides = array<i32>} : memref<768xf32, #tpu.memory_space<vmem>>, vector<16xf32>,
        %add3A_461 = arith.constant 144 : i32
        %add3A_462 = arith.addi %mul3A_322, %add3A_461 : i32
        %swap3A_463 = arith.index_cast %add3A_462 : i32 to index
        %swap3A_464 = tpu.vector_load %arg8[%swap3A_463] {strides = array<i32>} : memref<49168xf32, #tpu.memory_space<vmem>>, vector<16xf32>,
        tpu.vector_store %arg8[%swap3A_463], %get3A_420 {strides = array<i32>} : memref<49168xf32, #tpu.memory_space<vmem>>, vector<16xf32>,
        %add3A_465 = arith.constant 8 : i32
        %add3A_466 = arith.addi %add3A_462, %add3A_465 : i32
        %swap3A_467 = arith.index_cast %add3A_466 : i32 to index
        %swap3A_468 = tpu.vector_load %arg8[%swap3A_467] {strides = array<i32>} : memref<49168xf32, #tpu.memory_space<vmem>>, vector<16xf32>,
        tpu.vector_store %arg8[%swap3A_467], %get3A_424 {strides = array<i32>} : memref<49168xf32, #tpu.memory_space<vmem>>, vector<16xf32>,
        %slice3A_469 = vector.extract_strided_slice %get3A_325 {offsets = [9], sizes = [1], strides = [1]} : vector<16xi32> to vector<1xi32>
        %squeeze3A_470 = vector.extract %slice3A_469[0] : i32 from vector<1xi32>
        %mul3A_471 = arith.constant 32 : i32
        %mul3A_472 = arith.muli %squeeze3A_470, %mul3A_471 : i32
        %get3A_473 = arith.index_cast %mul3A_472 : i32 to index
        %get3A_474 = tpu.vector_load %arg5[%get3A_473] {strides = array<i32>} : memref<768xf32, #tpu.memory_space<vmem>>, vector<16xf32>,
        %add3A_475 = arith.constant 8 : i32
        %add3A_476 = arith.addi %mul3A_472, %add3A_475 : i32
        %get3A_477 = arith.index_cast %add3A_476 : i32 to index
        %get3A_478 = tpu.vector_load %arg5[%get3A_477] {strides = array<i32>} : memref<768xf32, #tpu.memory_space<vmem>>, vector<16xf32>,
        %add3A_479 = arith.constant 168 : i32
        %add3A_480 = arith.addi %mul3A_322, %add3A_479 : i32
        %swap3A_481 = arith.index_cast %add3A_480 : i32 to index
        %swap3A_482 = tpu.vector_load %arg8[%swap3A_481] {strides = array<i32>} : memref<49168xf32, #tpu.memory_space<vmem>>, vector<16xf32>,
        tpu.vector_store %arg8[%swap3A_481], %get3A_438 {strides = array<i32>} : memref<49168xf32, #tpu.memory_space<vmem>>, vector<16xf32>,
        %add3A_483 = arith.constant 8 : i32
        %add3A_484 = arith.addi %add3A_480, %add3A_483 : i32
        %swap3A_485 = arith.index_cast %add3A_484 : i32 to index
        %swap3A_486 = tpu.vector_load %arg8[%swap3A_485] {strides = array<i32>} : memref<49168xf32, #tpu.memory_space<vmem>>, vector<16xf32>,
        tpu.vector_store %arg8[%swap3A_485], %get3A_442 {strides = array<i32>} : memref<49168xf32, #tpu.memory_space<vmem>>, vector<16xf32>,
        %slice3A_487 = vector.extract_strided_slice %get3A_325 {offsets = [10], sizes = [1], strides = [1]} : vector<16xi32> to vector<1xi32>
        %squeeze3A_488 = vector.extract %slice3A_487[0] : i32 from vector<1xi32>
        %mul3A_489 = arith.constant 32 : i32
        %mul3A_490 = arith.muli %squeeze3A_488, %mul3A_489 : i32
        %get3A_491 = arith.index_cast %mul3A_490 : i32 to index
        %get3A_492 = tpu.vector_load %arg5[%get3A_491] {strides = array<i32>} : memref<768xf32, #tpu.memory_space<vmem>>, vector<16xf32>,
        %add3A_493 = arith.constant 8 : i32
        %add3A_494 = arith.addi %mul3A_490, %add3A_493 : i32
        %get3A_495 = arith.index_cast %add3A_494 : i32 to index
        %get3A_496 = tpu.vector_load %arg5[%get3A_495] {strides = array<i32>} : memref<768xf32, #tpu.memory_space<vmem>>, vector<16xf32>,
        %add3A_497 = arith.constant 192 : i32
        %add3A_498 = arith.addi %mul3A_322, %add3A_497 : i32
        %swap3A_499 = arith.index_cast %add3A_498 : i32 to index
        %swap3A_500 = tpu.vector_load %arg8[%swap3A_499] {strides = array<i32>} : memref<49168xf32, #tpu.memory_space<vmem>>, vector<16xf32>,
        tpu.vector_store %arg8[%swap3A_499], %get3A_456 {strides = array<i32>} : memref<49168xf32, #tpu.memory_space<vmem>>, vector<16xf32>,
        %add3A_501 = arith.constant 8 : i32
        %add3A_502 = arith.addi %add3A_498, %add3A_501 : i32
        %swap3A_503 = arith.index_cast %add3A_502 : i32 to index
        %swap3A_504 = tpu.vector_load %arg8[%swap3A_503] {strides = array<i32>} : memref<49168xf32, #tpu.memory_space<vmem>>, vector<16xf32>,
        tpu.vector_store %arg8[%swap3A_503], %get3A_460 {strides = array<i32>} : memref<49168xf32, #tpu.memory_space<vmem>>, vector<16xf32>,
        %slice3A_505 = vector.extract_strided_slice %get3A_325 {offsets = [11], sizes = [1], strides = [1]} : vector<16xi32> to vector<1xi32>
        %squeeze3A_506 = vector.extract %slice3A_505[0] : i32 from vector<1xi32>
        %mul3A_507 = arith.constant 32 : i32
        %mul3A_508 = arith.muli %squeeze3A_506, %mul3A_507 : i32
        %get3A_509 = arith.index_cast %mul3A_508 : i32 to index
        %get3A_510 = tpu.vector_load %arg5[%get3A_509] {strides = array<i32>} : memref<768xf32, #tpu.memory_space<vmem>>, vector<16xf32>,
        %add3A_511 = arith.constant 8 : i32
        %add3A_512 = arith.addi %mul3A_508, %add3A_511 : i32
        %get3A_513 = arith.index_cast %add3A_512 : i32 to index
        %get3A_514 = tpu.vector_load %arg5[%get3A_513] {strides = array<i32>} : memref<768xf32, #tpu.memory_space<vmem>>, vector<16xf32>,
        %add3A_515 = arith.constant 216 : i32
        %add3A_516 = arith.addi %mul3A_322, %add3A_515 : i32
        %swap3A_517 = arith.index_cast %add3A_516 : i32 to index
        %swap3A_518 = tpu.vector_load %arg8[%swap3A_517] {strides = array<i32>} : memref<49168xf32, #tpu.memory_space<vmem>>, vector<16xf32>,
        tpu.vector_store %arg8[%swap3A_517], %get3A_474 {strides = array<i32>} : memref<49168xf32, #tpu.memory_space<vmem>>, vector<16xf32>,
        %add3A_519 = arith.constant 8 : i32
        %add3A_520 = arith.addi %add3A_516, %add3A_519 : i32
        %swap3A_521 = arith.index_cast %add3A_520 : i32 to index
        %swap3A_522 = tpu.vector_load %arg8[%swap3A_521] {strides = array<i32>} : memref<49168xf32, #tpu.memory_space<vmem>>, vector<16xf32>,
        tpu.vector_store %arg8[%swap3A_521], %get3A_478 {strides = array<i32>} : memref<49168xf32, #tpu.memory_space<vmem>>, vector<16xf32>,
        %slice3A_523 = vector.extract_strided_slice %get3A_325 {offsets = [12], sizes = [1], strides = [1]} : vector<16xi32> to vector<1xi32>
        %squeeze3A_524 = vector.extract %slice3A_523[0] : i32 from vector<1xi32>
        %mul3A_525 = arith.constant 32 : i32
        %mul3A_526 = arith.muli %squeeze3A_524, %mul3A_525 : i32
        %get3A_527 = arith.index_cast %mul3A_526 : i32 to index
        %get3A_528 = tpu.vector_load %arg5[%get3A_527] {strides = array<i32>} : memref<768xf32, #tpu.memory_space<vmem>>, vector<16xf32>,
        %add3A_529 = arith.constant 8 : i32
        %add3A_530 = arith.addi %mul3A_526, %add3A_529 : i32
        %get3A_531 = arith.index_cast %add3A_530 : i32 to index
        %get3A_532 = tpu.vector_load %arg5[%get3A_531] {strides = array<i32>} : memref<768xf32, #tpu.memory_space<vmem>>, vector<16xf32>,
        %add3A_533 = arith.constant 240 : i32
        %add3A_534 = arith.addi %mul3A_322, %add3A_533 : i32
        %swap3A_535 = arith.index_cast %add3A_534 : i32 to index
        %swap3A_536 = tpu.vector_load %arg8[%swap3A_535] {strides = array<i32>} : memref<49168xf32, #tpu.memory_space<vmem>>, vector<16xf32>,
        tpu.vector_store %arg8[%swap3A_535], %get3A_492 {strides = array<i32>} : memref<49168xf32, #tpu.memory_space<vmem>>, vector<16xf32>,
        %add3A_537 = arith.constant 8 : i32
        %add3A_538 = arith.addi %add3A_534, %add3A_537 : i32
        %swap3A_539 = arith.index_cast %add3A_538 : i32 to index
        %swap3A_540 = tpu.vector_load %arg8[%swap3A_539] {strides = array<i32>} : memref<49168xf32, #tpu.memory_space<vmem>>, vector<16xf32>,
        tpu.vector_store %arg8[%swap3A_539], %get3A_496 {strides = array<i32>} : memref<49168xf32, #tpu.memory_space<vmem>>, vector<16xf32>,
        %slice3A_541 = vector.extract_strided_slice %get3A_325 {offsets = [13], sizes = [1], strides = [1]} : vector<16xi32> to vector<1xi32>
        %squeeze3A_542 = vector.extract %slice3A_541[0] : i32 from vector<1xi32>
        %mul3A_543 = arith.constant 32 : i32
        %mul3A_544 = arith.muli %squeeze3A_542, %mul3A_543 : i32
        %get3A_545 = arith.index_cast %mul3A_544 : i32 to index
        %get3A_546 = tpu.vector_load %arg5[%get3A_545] {strides = array<i32>} : memref<768xf32, #tpu.memory_space<vmem>>, vector<16xf32>,
        %add3A_547 = arith.constant 8 : i32
        %add3A_548 = arith.addi %mul3A_544, %add3A_547 : i32
        %get3A_549 = arith.index_cast %add3A_548 : i32 to index
        %get3A_550 = tpu.vector_load %arg5[%get3A_549] {strides = array<i32>} : memref<768xf32, #tpu.memory_space<vmem>>, vector<16xf32>,
        %add3A_551 = arith.constant 264 : i32
        %add3A_552 = arith.addi %mul3A_322, %add3A_551 : i32
        %swap3A_553 = arith.index_cast %add3A_552 : i32 to index
        %swap3A_554 = tpu.vector_load %arg8[%swap3A_553] {strides = array<i32>} : memref<49168xf32, #tpu.memory_space<vmem>>, vector<16xf32>,
        tpu.vector_store %arg8[%swap3A_553], %get3A_510 {strides = array<i32>} : memref<49168xf32, #tpu.memory_space<vmem>>, vector<16xf32>,
        %add3A_555 = arith.constant 8 : i32
        %add3A_556 = arith.addi %add3A_552, %add3A_555 : i32
        %swap3A_557 = arith.index_cast %add3A_556 : i32 to index
        %swap3A_558 = tpu.vector_load %arg8[%swap3A_557] {strides = array<i32>} : memref<49168xf32, #tpu.memory_space<vmem>>, vector<16xf32>,
        tpu.vector_store %arg8[%swap3A_557], %get3A_514 {strides = array<i32>} : memref<49168xf32, #tpu.memory_space<vmem>>, vector<16xf32>,
        %slice3A_559 = vector.extract_strided_slice %get3A_325 {offsets = [14], sizes = [1], strides = [1]} : vector<16xi32> to vector<1xi32>
        %squeeze3A_560 = vector.extract %slice3A_559[0] : i32 from vector<1xi32>
        %mul3A_561 = arith.constant 32 : i32
        %mul3A_562 = arith.muli %squeeze3A_560, %mul3A_561 : i32
        %get3A_563 = arith.index_cast %mul3A_562 : i32 to index
        %get3A_564 = tpu.vector_load %arg5[%get3A_563] {strides = array<i32>} : memref<768xf32, #tpu.memory_space<vmem>>, vector<16xf32>,
        %add3A_565 = arith.constant 8 : i32
        %add3A_566 = arith.addi %mul3A_562, %add3A_565 : i32
        %get3A_567 = arith.index_cast %add3A_566 : i32 to index
        %get3A_568 = tpu.vector_load %arg5[%get3A_567] {strides = array<i32>} : memref<768xf32, #tpu.memory_space<vmem>>, vector<16xf32>,
        %add3A_569 = arith.constant 288 : i32
        %add3A_570 = arith.addi %mul3A_322, %add3A_569 : i32
        %swap3A_571 = arith.index_cast %add3A_570 : i32 to index
        %swap3A_572 = tpu.vector_load %arg8[%swap3A_571] {strides = array<i32>} : memref<49168xf32, #tpu.memory_space<vmem>>, vector<16xf32>,
        tpu.vector_store %arg8[%swap3A_571], %get3A_528 {strides = array<i32>} : memref<49168xf32, #tpu.memory_space<vmem>>, vector<16xf32>,
        %add3A_573 = arith.constant 8 : i32
        %add3A_574 = arith.addi %add3A_570, %add3A_573 : i32
        %swap3A_575 = arith.index_cast %add3A_574 : i32 to index
        %swap3A_576 = tpu.vector_load %arg8[%swap3A_575] {strides = array<i32>} : memref<49168xf32, #tpu.memory_space<vmem>>, vector<16xf32>,
        tpu.vector_store %arg8[%swap3A_575], %get3A_532 {strides = array<i32>} : memref<49168xf32, #tpu.memory_space<vmem>>, vector<16xf32>,
        %slice3A_577 = vector.extract_strided_slice %get3A_325 {offsets = [15], sizes = [1], strides = [1]} : vector<16xi32> to vector<1xi32>
        %squeeze3A_578 = vector.extract %slice3A_577[0] : i32 from vector<1xi32>
        %mul3A_579 = arith.constant 32 : i32
        %mul3A_580 = arith.muli %squeeze3A_578, %mul3A_579 : i32
        %get3A_581 = arith.index_cast %mul3A_580 : i32 to index
        %get3A_582 = tpu.vector_load %arg5[%get3A_581] {strides = array<i32>} : memref<768xf32, #tpu.memory_space<vmem>>, vector<16xf32>,
        %add3A_583 = arith.constant 8 : i32
        %add3A_584 = arith.addi %mul3A_580, %add3A_583 : i32
        %get3A_585 = arith.index_cast %add3A_584 : i32 to index
        %get3A_586 = tpu.vector_load %arg5[%get3A_585] {strides = array<i32>} : memref<768xf32, #tpu.memory_space<vmem>>, vector<16xf32>,
        %add3A_587 = arith.constant 312 : i32
        %add3A_588 = arith.addi %mul3A_322, %add3A_587 : i32
        %swap3A_589 = arith.index_cast %add3A_588 : i32 to index
        %swap3A_590 = tpu.vector_load %arg8[%swap3A_589] {strides = array<i32>} : memref<49168xf32, #tpu.memory_space<vmem>>, vector<16xf32>,
        tpu.vector_store %arg8[%swap3A_589], %get3A_546 {strides = array<i32>} : memref<49168xf32, #tpu.memory_space<vmem>>, vector<16xf32>,
        %add3A_591 = arith.constant 8 : i32
        %add3A_592 = arith.addi %add3A_588, %add3A_591 : i32
        %swap3A_593 = arith.index_cast %add3A_592 : i32 to index
        %swap3A_594 = tpu.vector_load %arg8[%swap3A_593] {strides = array<i32>} : memref<49168xf32, #tpu.memory_space<vmem>>, vector<16xf32>,
        tpu.vector_store %arg8[%swap3A_593], %get3A_550 {strides = array<i32>} : memref<49168xf32, #tpu.memory_space<vmem>>, vector<16xf32>,
        %add3A_595 = arith.constant 336 : i32
        %add3A_596 = arith.addi %mul3A_322, %add3A_595 : i32
        %swap3A_597 = arith.index_cast %add3A_596 : i32 to index
        %swap3A_598 = tpu.vector_load %arg8[%swap3A_597] {strides = array<i32>} : memref<49168xf32, #tpu.memory_space<vmem>>, vector<16xf32>,
        tpu.vector_store %arg8[%swap3A_597], %get3A_564 {strides = array<i32>} : memref<49168xf32, #tpu.memory_space<vmem>>, vector<16xf32>,
        %add3A_599 = arith.constant 8 : i32
        %add3A_600 = arith.addi %add3A_596, %add3A_599 : i32
        %swap3A_601 = arith.index_cast %add3A_600 : i32 to index
        %swap3A_602 = tpu.vector_load %arg8[%swap3A_601] {strides = array<i32>} : memref<49168xf32, #tpu.memory_space<vmem>>, vector<16xf32>,
        tpu.vector_store %arg8[%swap3A_601], %get3A_568 {strides = array<i32>} : memref<49168xf32, #tpu.memory_space<vmem>>, vector<16xf32>,
        %add3A_603 = arith.constant 360 : i32
        %add3A_604 = arith.addi %mul3A_322, %add3A_603 : i32
        %swap3A_605 = arith.index_cast %add3A_604 : i32 to index
        %swap3A_606 = tpu.vector_load %arg8[%swap3A_605] {strides = array<i32>} : memref<49168xf32, #tpu.memory_space<vmem>>, vector<16xf32>,
        tpu.vector_store %arg8[%swap3A_605], %get3A_582 {strides = array<i32>} : memref<49168xf32, #tpu.memory_space<vmem>>, vector<16xf32>,
        %add3A_607 = arith.constant 8 : i32
        %add3A_608 = arith.addi %add3A_604, %add3A_607 : i32
        %swap3A_609 = arith.index_cast %add3A_608 : i32 to index
        %swap3A_610 = tpu.vector_load %arg8[%swap3A_609] {strides = array<i32>} : memref<49168xf32, #tpu.memory_space<vmem>>, vector<16xf32>,
        tpu.vector_store %arg8[%swap3A_609], %get3A_586 {strides = array<i32>} : memref<49168xf32, #tpu.memory_space<vmem>>, vector<16xf32>,
      }
      %scan3A_177 = arith.constant 32 : i32
      %mul3A_178 = arith.constant 2048 : i32
      %mul3A_179 = arith.muli %add3A_123, %mul3A_178 : i32
      %add3A_180 = arith.addi %mul3A_2, %mul3A_179 : i32
      %mul3A_181 = arith.constant 24 : i32
      %mul3A_182 = arith.muli %add3A_180, %mul3A_181 : i32
      %add3A_183 = arith.constant 24576 : i32
      %add3A_184 = arith.addi %mul3A_182, %add3A_183 : i32
      %multiple_of3A_185 = tpu.assume_multiple %add3A_184, 8 : i32
      %dma_start3A_186 = arith.constant 24576 : i32
      %dma_start3A_187 = tpu.memref_slice %arg8[%dma_start3A_186] : memref<49168xf32, #tpu.memory_space<vmem>> -> memref<12288xf32, #tpu.memory_space<vmem>>
      %dma_start3A_188 = tpu.memref_slice %arg4[%multiple_of3A_185] : memref<78643200xf32, #tpu.memory_space<hbm>> -> memref<12288xf32, #tpu.memory_space<hbm>>
      %dma_start3A_189 = tpu.memref_slice %arg4[%multiple_of3A_185] : memref<78643200xf32, #tpu.memory_space<hbm>> -> memref<12288xf32, #tpu.memory_space<hbm>>
      %dma_start3A_190 = arith.constant 24576 : i32
      %dma_start3A_191 = tpu.memref_slice %arg8[%dma_start3A_190] : memref<49168xf32, #tpu.memory_space<vmem>> -> memref<12288xf32, #tpu.memory_space<vmem>>
      tpu.enqueue_dma source(%dma_start3A_191 : memref<12288xf32, #tpu.memory_space<vmem>>) target(%dma_start3A_189 : memref<12288xf32, #tpu.memory_space<hbm>>) target_semaphore(%arg12 : memref<!tpu.dma_semaphore, #tpu.memory_space<semaphore_mem>>)
      %scan3A_192 = arith.constant 0 : i32
      %scan3A_193 = arith.constant 96 : i32
      %scan3A_194 = arith.constant 32 : i32
      %scan3A_195 = arith.addi %scan3A_193, %scan3A_194 : i32
      %scan3A_196 = arith.constant 1 : i32
      scf.for %scan3A_320 = %scan3A_193 to %scan3A_195 step %scan3A_196  : i32 {
        %mul3A_321 = arith.constant 384 : i32
        %mul3A_322 = arith.muli %scan3A_320, %mul3A_321 : i32
        %mul3A_323 = arith.constant 16 : i32
        %mul3A_324 = arith.muli %scan3A_320, %mul3A_323 : i32
        %get3A = arith.index_cast %mul3A_324 : i32 to index
        %get3A_325 = tpu.vector_load %arg6[%get3A] {strides = array<i32>} : memref<2048xi32, #tpu.memory_space<vmem>>, vector<16xi32>,
        %slice3A = vector.extract_strided_slice %get3A_325 {offsets = [0], sizes = [1], strides = [1]} : vector<16xi32> to vector<1xi32>
        %squeeze3A = vector.extract %slice3A[0] : i32 from vector<1xi32>
        %mul3A_326 = arith.constant 32 : i32
        %mul3A_327 = arith.muli %squeeze3A, %mul3A_326 : i32
        %get3A_328 = arith.index_cast %mul3A_327 : i32 to index
        %get3A_329 = tpu.vector_load %arg5[%get3A_328] {strides = array<i32>} : memref<768xf32, #tpu.memory_space<vmem>>, vector<16xf32>,
        %add3A_330 = arith.constant 8 : i32
        %add3A_331 = arith.addi %mul3A_327, %add3A_330 : i32
        %get3A_332 = arith.index_cast %add3A_331 : i32 to index
        %get3A_333 = tpu.vector_load %arg5[%get3A_332] {strides = array<i32>} : memref<768xf32, #tpu.memory_space<vmem>>, vector<16xf32>,
        %slice3A_334 = vector.extract_strided_slice %get3A_325 {offsets = [1], sizes = [1], strides = [1]} : vector<16xi32> to vector<1xi32>
        %squeeze3A_335 = vector.extract %slice3A_334[0] : i32 from vector<1xi32>
        %mul3A_336 = arith.constant 32 : i32
        %mul3A_337 = arith.muli %squeeze3A_335, %mul3A_336 : i32
        %get3A_338 = arith.index_cast %mul3A_337 : i32 to index
        %get3A_339 = tpu.vector_load %arg5[%get3A_338] {strides = array<i32>} : memref<768xf32, #tpu.memory_space<vmem>>, vector<16xf32>,
        %add3A_340 = arith.constant 8 : i32
        %add3A_341 = arith.addi %mul3A_337, %add3A_340 : i32
        %get3A_342 = arith.index_cast %add3A_341 : i32 to index
        %get3A_343 = tpu.vector_load %arg5[%get3A_342] {strides = array<i32>} : memref<768xf32, #tpu.memory_space<vmem>>, vector<16xf32>,
        %slice3A_344 = vector.extract_strided_slice %get3A_325 {offsets = [2], sizes = [1], strides = [1]} : vector<16xi32> to vector<1xi32>
        %squeeze3A_345 = vector.extract %slice3A_344[0] : i32 from vector<1xi32>
        %mul3A_346 = arith.constant 32 : i32
        %mul3A_347 = arith.muli %squeeze3A_345, %mul3A_346 : i32
        %get3A_348 = arith.index_cast %mul3A_347 : i32 to index
        %get3A_349 = tpu.vector_load %arg5[%get3A_348] {strides = array<i32>} : memref<768xf32, #tpu.memory_space<vmem>>, vector<16xf32>,
        %add3A_350 = arith.constant 8 : i32
        %add3A_351 = arith.addi %mul3A_347, %add3A_350 : i32
        %get3A_352 = arith.index_cast %add3A_351 : i32 to index
        %get3A_353 = tpu.vector_load %arg5[%get3A_352] {strides = array<i32>} : memref<768xf32, #tpu.memory_space<vmem>>, vector<16xf32>,
        %add3A_354 = arith.constant 0 : i32
        %add3A_355 = arith.addi %mul3A_322, %add3A_354 : i32
        %swap3A = arith.index_cast %add3A_355 : i32 to index
        %swap3A_356 = tpu.vector_load %arg8[%swap3A] {strides = array<i32>} : memref<49168xf32, #tpu.memory_space<vmem>>, vector<16xf32>,
        tpu.vector_store %arg8[%swap3A], %get3A_329 {strides = array<i32>} : memref<49168xf32, #tpu.memory_space<vmem>>, vector<16xf32>,
        %add3A_357 = arith.constant 8 : i32
        %add3A_358 = arith.addi %add3A_355, %add3A_357 : i32
        %swap3A_359 = arith.index_cast %add3A_358 : i32 to index
        %swap3A_360 = tpu.vector_load %arg8[%swap3A_359] {strides = array<i32>} : memref<49168xf32, #tpu.memory_space<vmem>>, vector<16xf32>,
        tpu.vector_store %arg8[%swap3A_359], %get3A_333 {strides = array<i32>} : memref<49168xf32, #tpu.memory_space<vmem>>, vector<16xf32>,
        %slice3A_361 = vector.extract_strided_slice %get3A_325 {offsets = [3], sizes = [1], strides = [1]} : vector<16xi32> to vector<1xi32>
        %squeeze3A_362 = vector.extract %slice3A_361[0] : i32 from vector<1xi32>
        %mul3A_363 = arith.constant 32 : i32
        %mul3A_364 = arith.muli %squeeze3A_362, %mul3A_363 : i32
        %get3A_365 = arith.index_cast %mul3A_364 : i32 to index
        %get3A_366 = tpu.vector_load %arg5[%get3A_365] {strides = array<i32>} : memref<768xf32, #tpu.memory_space<vmem>>, vector<16xf32>,
        %add3A_367 = arith.constant 8 : i32
        %add3A_368 = arith.addi %mul3A_364, %add3A_367 : i32
        %get3A_369 = arith.index_cast %add3A_368 : i32 to index
        %get3A_370 = tpu.vector_load %arg5[%get3A_369] {strides = array<i32>} : memref<768xf32, #tpu.memory_space<vmem>>, vector<16xf32>,
        %add3A_371 = arith.constant 24 : i32
        %add3A_372 = arith.addi %mul3A_322, %add3A_371 : i32
        %swap3A_373 = arith.index_cast %add3A_372 : i32 to index
        %swap3A_374 = tpu.vector_load %arg8[%swap3A_373] {strides = array<i32>} : memref<49168xf32, #tpu.memory_space<vmem>>, vector<16xf32>,
        tpu.vector_store %arg8[%swap3A_373], %get3A_339 {strides = array<i32>} : memref<49168xf32, #tpu.memory_space<vmem>>, vector<16xf32>,
        %add3A_375 = arith.constant 8 : i32
        %add3A_376 = arith.addi %add3A_372, %add3A_375 : i32
        %swap3A_377 = arith.index_cast %add3A_376 : i32 to index
        %swap3A_378 = tpu.vector_load %arg8[%swap3A_377] {strides = array<i32>} : memref<49168xf32, #tpu.memory_space<vmem>>, vector<16xf32>,
        tpu.vector_store %arg8[%swap3A_377], %get3A_343 {strides = array<i32>} : memref<49168xf32, #tpu.memory_space<vmem>>, vector<16xf32>,
        %slice3A_379 = vector.extract_strided_slice %get3A_325 {offsets = [4], sizes = [1], strides = [1]} : vector<16xi32> to vector<1xi32>
        %squeeze3A_380 = vector.extract %slice3A_379[0] : i32 from vector<1xi32>
        %mul3A_381 = arith.constant 32 : i32
        %mul3A_382 = arith.muli %squeeze3A_380, %mul3A_381 : i32
        %get3A_383 = arith.index_cast %mul3A_382 : i32 to index
        %get3A_384 = tpu.vector_load %arg5[%get3A_383] {strides = array<i32>} : memref<768xf32, #tpu.memory_space<vmem>>, vector<16xf32>,
        %add3A_385 = arith.constant 8 : i32
        %add3A_386 = arith.addi %mul3A_382, %add3A_385 : i32
        %get3A_387 = arith.index_cast %add3A_386 : i32 to index
        %get3A_388 = tpu.vector_load %arg5[%get3A_387] {strides = array<i32>} : memref<768xf32, #tpu.memory_space<vmem>>, vector<16xf32>,
        %add3A_389 = arith.constant 48 : i32
        %add3A_390 = arith.addi %mul3A_322, %add3A_389 : i32
        %swap3A_391 = arith.index_cast %add3A_390 : i32 to index
        %swap3A_392 = tpu.vector_load %arg8[%swap3A_391] {strides = array<i32>} : memref<49168xf32, #tpu.memory_space<vmem>>, vector<16xf32>,
        tpu.vector_store %arg8[%swap3A_391], %get3A_349 {strides = array<i32>} : memref<49168xf32, #tpu.memory_space<vmem>>, vector<16xf32>,
        %add3A_393 = arith.constant 8 : i32
        %add3A_394 = arith.addi %add3A_390, %add3A_393 : i32
        %swap3A_395 = arith.index_cast %add3A_394 : i32 to index
        %swap3A_396 = tpu.vector_load %arg8[%swap3A_395] {strides = array<i32>} : memref<49168xf32, #tpu.memory_space<vmem>>, vector<16xf32>,
        tpu.vector_store %arg8[%swap3A_395], %get3A_353 {strides = array<i32>} : memref<49168xf32, #tpu.memory_space<vmem>>, vector<16xf32>,
        %slice3A_397 = vector.extract_strided_slice %get3A_325 {offsets = [5], sizes = [1], strides = [1]} : vector<16xi32> to vector<1xi32>
        %squeeze3A_398 = vector.extract %slice3A_397[0] : i32 from vector<1xi32>
        %mul3A_399 = arith.constant 32 : i32
        %mul3A_400 = arith.muli %squeeze3A_398, %mul3A_399 : i32
        %get3A_401 = arith.index_cast %mul3A_400 : i32 to index
        %get3A_402 = tpu.vector_load %arg5[%get3A_401] {strides = array<i32>} : memref<768xf32, #tpu.memory_space<vmem>>, vector<16xf32>,
        %add3A_403 = arith.constant 8 : i32
        %add3A_404 = arith.addi %mul3A_400, %add3A_403 : i32
        %get3A_405 = arith.index_cast %add3A_404 : i32 to index
        %get3A_406 = tpu.vector_load %arg5[%get3A_405] {strides = array<i32>} : memref<768xf32, #tpu.memory_space<vmem>>, vector<16xf32>,
        %add3A_407 = arith.constant 72 : i32
        %add3A_408 = arith.addi %mul3A_322, %add3A_407 : i32
        %swap3A_409 = arith.index_cast %add3A_408 : i32 to index
        %swap3A_410 = tpu.vector_load %arg8[%swap3A_409] {strides = array<i32>} : memref<49168xf32, #tpu.memory_space<vmem>>, vector<16xf32>,
        tpu.vector_store %arg8[%swap3A_409], %get3A_366 {strides = array<i32>} : memref<49168xf32, #tpu.memory_space<vmem>>, vector<16xf32>,
        %add3A_411 = arith.constant 8 : i32
        %add3A_412 = arith.addi %add3A_408, %add3A_411 : i32
        %swap3A_413 = arith.index_cast %add3A_412 : i32 to index
        %swap3A_414 = tpu.vector_load %arg8[%swap3A_413] {strides = array<i32>} : memref<49168xf32, #tpu.memory_space<vmem>>, vector<16xf32>,
        tpu.vector_store %arg8[%swap3A_413], %get3A_370 {strides = array<i32>} : memref<49168xf32, #tpu.memory_space<vmem>>, vector<16xf32>,
        %slice3A_415 = vector.extract_strided_slice %get3A_325 {offsets = [6], sizes = [1], strides = [1]} : vector<16xi32> to vector<1xi32>
        %squeeze3A_416 = vector.extract %slice3A_415[0] : i32 from vector<1xi32>
        %mul3A_417 = arith.constant 32 : i32
        %mul3A_418 = arith.muli %squeeze3A_416, %mul3A_417 : i32
        %get3A_419 = arith.index_cast %mul3A_418 : i32 to index
        %get3A_420 = tpu.vector_load %arg5[%get3A_419] {strides = array<i32>} : memref<768xf32, #tpu.memory_space<vmem>>, vector<16xf32>,
        %add3A_421 = arith.constant 8 : i32
        %add3A_422 = arith.addi %mul3A_418, %add3A_421 : i32
        %get3A_423 = arith.index_cast %add3A_422 : i32 to index
        %get3A_424 = tpu.vector_load %arg5[%get3A_423] {strides = array<i32>} : memref<768xf32, #tpu.memory_space<vmem>>, vector<16xf32>,
        %add3A_425 = arith.constant 96 : i32
        %add3A_426 = arith.addi %mul3A_322, %add3A_425 : i32
        %swap3A_427 = arith.index_cast %add3A_426 : i32 to index
        %swap3A_428 = tpu.vector_load %arg8[%swap3A_427] {strides = array<i32>} : memref<49168xf32, #tpu.memory_space<vmem>>, vector<16xf32>,
        tpu.vector_store %arg8[%swap3A_427], %get3A_384 {strides = array<i32>} : memref<49168xf32, #tpu.memory_space<vmem>>, vector<16xf32>,
        %add3A_429 = arith.constant 8 : i32
        %add3A_430 = arith.addi %add3A_426, %add3A_429 : i32
        %swap3A_431 = arith.index_cast %add3A_430 : i32 to index
        %swap3A_432 = tpu.vector_load %arg8[%swap3A_431] {strides = array<i32>} : memref<49168xf32, #tpu.memory_space<vmem>>, vector<16xf32>,
        tpu.vector_store %arg8[%swap3A_431], %get3A_388 {strides = array<i32>} : memref<49168xf32, #tpu.memory_space<vmem>>, vector<16xf32>,
        %slice3A_433 = vector.extract_strided_slice %get3A_325 {offsets = [7], sizes = [1], strides = [1]} : vector<16xi32> to vector<1xi32>
        %squeeze3A_434 = vector.extract %slice3A_433[0] : i32 from vector<1xi32>
        %mul3A_435 = arith.constant 32 : i32
        %mul3A_436 = arith.muli %squeeze3A_434, %mul3A_435 : i32
        %get3A_437 = arith.index_cast %mul3A_436 : i32 to index
        %get3A_438 = tpu.vector_load %arg5[%get3A_437] {strides = array<i32>} : memref<768xf32, #tpu.memory_space<vmem>>, vector<16xf32>,
        %add3A_439 = arith.constant 8 : i32
        %add3A_440 = arith.addi %mul3A_436, %add3A_439 : i32
        %get3A_441 = arith.index_cast %add3A_440 : i32 to index
        %get3A_442 = tpu.vector_load %arg5[%get3A_441] {strides = array<i32>} : memref<768xf32, #tpu.memory_space<vmem>>, vector<16xf32>,
        %add3A_443 = arith.constant 120 : i32
        %add3A_444 = arith.addi %mul3A_322, %add3A_443 : i32
        %swap3A_445 = arith.index_cast %add3A_444 : i32 to index
        %swap3A_446 = tpu.vector_load %arg8[%swap3A_445] {strides = array<i32>} : memref<49168xf32, #tpu.memory_space<vmem>>, vector<16xf32>,
        tpu.vector_store %arg8[%swap3A_445], %get3A_402 {strides = array<i32>} : memref<49168xf32, #tpu.memory_space<vmem>>, vector<16xf32>,
        %add3A_447 = arith.constant 8 : i32
        %add3A_448 = arith.addi %add3A_444, %add3A_447 : i32
        %swap3A_449 = arith.index_cast %add3A_448 : i32 to index
        %swap3A_450 = tpu.vector_load %arg8[%swap3A_449] {strides = array<i32>} : memref<49168xf32, #tpu.memory_space<vmem>>, vector<16xf32>,
        tpu.vector_store %arg8[%swap3A_449], %get3A_406 {strides = array<i32>} : memref<49168xf32, #tpu.memory_space<vmem>>, vector<16xf32>,
        %slice3A_451 = vector.extract_strided_slice %get3A_325 {offsets = [8], sizes = [1], strides = [1]} : vector<16xi32> to vector<1xi32>
        %squeeze3A_452 = vector.extract %slice3A_451[0] : i32 from vector<1xi32>
        %mul3A_453 = arith.constant 32 : i32
        %mul3A_454 = arith.muli %squeeze3A_452, %mul3A_453 : i32
        %get3A_455 = arith.index_cast %mul3A_454 : i32 to index
        %get3A_456 = tpu.vector_load %arg5[%get3A_455] {strides = array<i32>} : memref<768xf32, #tpu.memory_space<vmem>>, vector<16xf32>,
        %add3A_457 = arith.constant 8 : i32
        %add3A_458 = arith.addi %mul3A_454, %add3A_457 : i32
        %get3A_459 = arith.index_cast %add3A_458 : i32 to index
        %get3A_460 = tpu.vector_load %arg5[%get3A_459] {strides = array<i32>} : memref<768xf32, #tpu.memory_space<vmem>>, vector<16xf32>,
        %add3A_461 = arith.constant 144 : i32
        %add3A_462 = arith.addi %mul3A_322, %add3A_461 : i32
        %swap3A_463 = arith.index_cast %add3A_462 : i32 to index
        %swap3A_464 = tpu.vector_load %arg8[%swap3A_463] {strides = array<i32>} : memref<49168xf32, #tpu.memory_space<vmem>>, vector<16xf32>,
        tpu.vector_store %arg8[%swap3A_463], %get3A_420 {strides = array<i32>} : memref<49168xf32, #tpu.memory_space<vmem>>, vector<16xf32>,
        %add3A_465 = arith.constant 8 : i32
        %add3A_466 = arith.addi %add3A_462, %add3A_465 : i32
        %swap3A_467 = arith.index_cast %add3A_466 : i32 to index
        %swap3A_468 = tpu.vector_load %arg8[%swap3A_467] {strides = array<i32>} : memref<49168xf32, #tpu.memory_space<vmem>>, vector<16xf32>,
        tpu.vector_store %arg8[%swap3A_467], %get3A_424 {strides = array<i32>} : memref<49168xf32, #tpu.memory_space<vmem>>, vector<16xf32>,
        %slice3A_469 = vector.extract_strided_slice %get3A_325 {offsets = [9], sizes = [1], strides = [1]} : vector<16xi32> to vector<1xi32>
        %squeeze3A_470 = vector.extract %slice3A_469[0] : i32 from vector<1xi32>
        %mul3A_471 = arith.constant 32 : i32
        %mul3A_472 = arith.muli %squeeze3A_470, %mul3A_471 : i32
        %get3A_473 = arith.index_cast %mul3A_472 : i32 to index
        %get3A_474 = tpu.vector_load %arg5[%get3A_473] {strides = array<i32>} : memref<768xf32, #tpu.memory_space<vmem>>, vector<16xf32>,
        %add3A_475 = arith.constant 8 : i32
        %add3A_476 = arith.addi %mul3A_472, %add3A_475 : i32
        %get3A_477 = arith.index_cast %add3A_476 : i32 to index
        %get3A_478 = tpu.vector_load %arg5[%get3A_477] {strides = array<i32>} : memref<768xf32, #tpu.memory_space<vmem>>, vector<16xf32>,
        %add3A_479 = arith.constant 168 : i32
        %add3A_480 = arith.addi %mul3A_322, %add3A_479 : i32
        %swap3A_481 = arith.index_cast %add3A_480 : i32 to index
        %swap3A_482 = tpu.vector_load %arg8[%swap3A_481] {strides = array<i32>} : memref<49168xf32, #tpu.memory_space<vmem>>, vector<16xf32>,
        tpu.vector_store %arg8[%swap3A_481], %get3A_438 {strides = array<i32>} : memref<49168xf32, #tpu.memory_space<vmem>>, vector<16xf32>,
        %add3A_483 = arith.constant 8 : i32
        %add3A_484 = arith.addi %add3A_480, %add3A_483 : i32
        %swap3A_485 = arith.index_cast %add3A_484 : i32 to index
        %swap3A_486 = tpu.vector_load %arg8[%swap3A_485] {strides = array<i32>} : memref<49168xf32, #tpu.memory_space<vmem>>, vector<16xf32>,
        tpu.vector_store %arg8[%swap3A_485], %get3A_442 {strides = array<i32>} : memref<49168xf32, #tpu.memory_space<vmem>>, vector<16xf32>,
        %slice3A_487 = vector.extract_strided_slice %get3A_325 {offsets = [10], sizes = [1], strides = [1]} : vector<16xi32> to vector<1xi32>
        %squeeze3A_488 = vector.extract %slice3A_487[0] : i32 from vector<1xi32>
        %mul3A_489 = arith.constant 32 : i32
        %mul3A_490 = arith.muli %squeeze3A_488, %mul3A_489 : i32
        %get3A_491 = arith.index_cast %mul3A_490 : i32 to index
        %get3A_492 = tpu.vector_load %arg5[%get3A_491] {strides = array<i32>} : memref<768xf32, #tpu.memory_space<vmem>>, vector<16xf32>,
        %add3A_493 = arith.constant 8 : i32
        %add3A_494 = arith.addi %mul3A_490, %add3A_493 : i32
        %get3A_495 = arith.index_cast %add3A_494 : i32 to index
        %get3A_496 = tpu.vector_load %arg5[%get3A_495] {strides = array<i32>} : memref<768xf32, #tpu.memory_space<vmem>>, vector<16xf32>,
        %add3A_497 = arith.constant 192 : i32
        %add3A_498 = arith.addi %mul3A_322, %add3A_497 : i32
        %swap3A_499 = arith.index_cast %add3A_498 : i32 to index
        %swap3A_500 = tpu.vector_load %arg8[%swap3A_499] {strides = array<i32>} : memref<49168xf32, #tpu.memory_space<vmem>>, vector<16xf32>,
        tpu.vector_store %arg8[%swap3A_499], %get3A_456 {strides = array<i32>} : memref<49168xf32, #tpu.memory_space<vmem>>, vector<16xf32>,
        %add3A_501 = arith.constant 8 : i32
        %add3A_502 = arith.addi %add3A_498, %add3A_501 : i32
        %swap3A_503 = arith.index_cast %add3A_502 : i32 to index
        %swap3A_504 = tpu.vector_load %arg8[%swap3A_503] {strides = array<i32>} : memref<49168xf32, #tpu.memory_space<vmem>>, vector<16xf32>,
        tpu.vector_store %arg8[%swap3A_503], %get3A_460 {strides = array<i32>} : memref<49168xf32, #tpu.memory_space<vmem>>, vector<16xf32>,
        %slice3A_505 = vector.extract_strided_slice %get3A_325 {offsets = [11], sizes = [1], strides = [1]} : vector<16xi32> to vector<1xi32>
        %squeeze3A_506 = vector.extract %slice3A_505[0] : i32 from vector<1xi32>
        %mul3A_507 = arith.constant 32 : i32
        %mul3A_508 = arith.muli %squeeze3A_506, %mul3A_507 : i32
        %get3A_509 = arith.index_cast %mul3A_508 : i32 to index
        %get3A_510 = tpu.vector_load %arg5[%get3A_509] {strides = array<i32>} : memref<768xf32, #tpu.memory_space<vmem>>, vector<16xf32>,
        %add3A_511 = arith.constant 8 : i32
        %add3A_512 = arith.addi %mul3A_508, %add3A_511 : i32
        %get3A_513 = arith.index_cast %add3A_512 : i32 to index
        %get3A_514 = tpu.vector_load %arg5[%get3A_513] {strides = array<i32>} : memref<768xf32, #tpu.memory_space<vmem>>, vector<16xf32>,
        %add3A_515 = arith.constant 216 : i32
        %add3A_516 = arith.addi %mul3A_322, %add3A_515 : i32
        %swap3A_517 = arith.index_cast %add3A_516 : i32 to index
        %swap3A_518 = tpu.vector_load %arg8[%swap3A_517] {strides = array<i32>} : memref<49168xf32, #tpu.memory_space<vmem>>, vector<16xf32>,
        tpu.vector_store %arg8[%swap3A_517], %get3A_474 {strides = array<i32>} : memref<49168xf32, #tpu.memory_space<vmem>>, vector<16xf32>,
        %add3A_519 = arith.constant 8 : i32
        %add3A_520 = arith.addi %add3A_516, %add3A_519 : i32
        %swap3A_521 = arith.index_cast %add3A_520 : i32 to index
        %swap3A_522 = tpu.vector_load %arg8[%swap3A_521] {strides = array<i32>} : memref<49168xf32, #tpu.memory_space<vmem>>, vector<16xf32>,
        tpu.vector_store %arg8[%swap3A_521], %get3A_478 {strides = array<i32>} : memref<49168xf32, #tpu.memory_space<vmem>>, vector<16xf32>,
        %slice3A_523 = vector.extract_strided_slice %get3A_325 {offsets = [12], sizes = [1], strides = [1]} : vector<16xi32> to vector<1xi32>
        %squeeze3A_524 = vector.extract %slice3A_523[0] : i32 from vector<1xi32>
        %mul3A_525 = arith.constant 32 : i32
        %mul3A_526 = arith.muli %squeeze3A_524, %mul3A_525 : i32
        %get3A_527 = arith.index_cast %mul3A_526 : i32 to index
        %get3A_528 = tpu.vector_load %arg5[%get3A_527] {strides = array<i32>} : memref<768xf32, #tpu.memory_space<vmem>>, vector<16xf32>,
        %add3A_529 = arith.constant 8 : i32
        %add3A_530 = arith.addi %mul3A_526, %add3A_529 : i32
        %get3A_531 = arith.index_cast %add3A_530 : i32 to index
        %get3A_532 = tpu.vector_load %arg5[%get3A_531] {strides = array<i32>} : memref<768xf32, #tpu.memory_space<vmem>>, vector<16xf32>,
        %add3A_533 = arith.constant 240 : i32
        %add3A_534 = arith.addi %mul3A_322, %add3A_533 : i32
        %swap3A_535 = arith.index_cast %add3A_534 : i32 to index
        %swap3A_536 = tpu.vector_load %arg8[%swap3A_535] {strides = array<i32>} : memref<49168xf32, #tpu.memory_space<vmem>>, vector<16xf32>,
        tpu.vector_store %arg8[%swap3A_535], %get3A_492 {strides = array<i32>} : memref<49168xf32, #tpu.memory_space<vmem>>, vector<16xf32>,
        %add3A_537 = arith.constant 8 : i32
        %add3A_538 = arith.addi %add3A_534, %add3A_537 : i32
        %swap3A_539 = arith.index_cast %add3A_538 : i32 to index
        %swap3A_540 = tpu.vector_load %arg8[%swap3A_539] {strides = array<i32>} : memref<49168xf32, #tpu.memory_space<vmem>>, vector<16xf32>,
        tpu.vector_store %arg8[%swap3A_539], %get3A_496 {strides = array<i32>} : memref<49168xf32, #tpu.memory_space<vmem>>, vector<16xf32>,
        %slice3A_541 = vector.extract_strided_slice %get3A_325 {offsets = [13], sizes = [1], strides = [1]} : vector<16xi32> to vector<1xi32>
        %squeeze3A_542 = vector.extract %slice3A_541[0] : i32 from vector<1xi32>
        %mul3A_543 = arith.constant 32 : i32
        %mul3A_544 = arith.muli %squeeze3A_542, %mul3A_543 : i32
        %get3A_545 = arith.index_cast %mul3A_544 : i32 to index
        %get3A_546 = tpu.vector_load %arg5[%get3A_545] {strides = array<i32>} : memref<768xf32, #tpu.memory_space<vmem>>, vector<16xf32>,
        %add3A_547 = arith.constant 8 : i32
        %add3A_548 = arith.addi %mul3A_544, %add3A_547 : i32
        %get3A_549 = arith.index_cast %add3A_548 : i32 to index
        %get3A_550 = tpu.vector_load %arg5[%get3A_549] {strides = array<i32>} : memref<768xf32, #tpu.memory_space<vmem>>, vector<16xf32>,
        %add3A_551 = arith.constant 264 : i32
        %add3A_552 = arith.addi %mul3A_322, %add3A_551 : i32
        %swap3A_553 = arith.index_cast %add3A_552 : i32 to index
        %swap3A_554 = tpu.vector_load %arg8[%swap3A_553] {strides = array<i32>} : memref<49168xf32, #tpu.memory_space<vmem>>, vector<16xf32>,
        tpu.vector_store %arg8[%swap3A_553], %get3A_510 {strides = array<i32>} : memref<49168xf32, #tpu.memory_space<vmem>>, vector<16xf32>,
        %add3A_555 = arith.constant 8 : i32
        %add3A_556 = arith.addi %add3A_552, %add3A_555 : i32
        %swap3A_557 = arith.index_cast %add3A_556 : i32 to index
        %swap3A_558 = tpu.vector_load %arg8[%swap3A_557] {strides = array<i32>} : memref<49168xf32, #tpu.memory_space<vmem>>, vector<16xf32>,
        tpu.vector_store %arg8[%swap3A_557], %get3A_514 {strides = array<i32>} : memref<49168xf32, #tpu.memory_space<vmem>>, vector<16xf32>,
        %slice3A_559 = vector.extract_strided_slice %get3A_325 {offsets = [14], sizes = [1], strides = [1]} : vector<16xi32> to vector<1xi32>
        %squeeze3A_560 = vector.extract %slice3A_559[0] : i32 from vector<1xi32>
        %mul3A_561 = arith.constant 32 : i32
        %mul3A_562 = arith.muli %squeeze3A_560, %mul3A_561 : i32
        %get3A_563 = arith.index_cast %mul3A_562 : i32 to index
        %get3A_564 = tpu.vector_load %arg5[%get3A_563] {strides = array<i32>} : memref<768xf32, #tpu.memory_space<vmem>>, vector<16xf32>,
        %add3A_565 = arith.constant 8 : i32
        %add3A_566 = arith.addi %mul3A_562, %add3A_565 : i32
        %get3A_567 = arith.index_cast %add3A_566 : i32 to index
        %get3A_568 = tpu.vector_load %arg5[%get3A_567] {strides = array<i32>} : memref<768xf32, #tpu.memory_space<vmem>>, vector<16xf32>,
        %add3A_569 = arith.constant 288 : i32
        %add3A_570 = arith.addi %mul3A_322, %add3A_569 : i32
        %swap3A_571 = arith.index_cast %add3A_570 : i32 to index
        %swap3A_572 = tpu.vector_load %arg8[%swap3A_571] {strides = array<i32>} : memref<49168xf32, #tpu.memory_space<vmem>>, vector<16xf32>,
        tpu.vector_store %arg8[%swap3A_571], %get3A_528 {strides = array<i32>} : memref<49168xf32, #tpu.memory_space<vmem>>, vector<16xf32>,
        %add3A_573 = arith.constant 8 : i32
        %add3A_574 = arith.addi %add3A_570, %add3A_573 : i32
        %swap3A_575 = arith.index_cast %add3A_574 : i32 to index
        %swap3A_576 = tpu.vector_load %arg8[%swap3A_575] {strides = array<i32>} : memref<49168xf32, #tpu.memory_space<vmem>>, vector<16xf32>,
        tpu.vector_store %arg8[%swap3A_575], %get3A_532 {strides = array<i32>} : memref<49168xf32, #tpu.memory_space<vmem>>, vector<16xf32>,
        %slice3A_577 = vector.extract_strided_slice %get3A_325 {offsets = [15], sizes = [1], strides = [1]} : vector<16xi32> to vector<1xi32>
        %squeeze3A_578 = vector.extract %slice3A_577[0] : i32 from vector<1xi32>
        %mul3A_579 = arith.constant 32 : i32
        %mul3A_580 = arith.muli %squeeze3A_578, %mul3A_579 : i32
        %get3A_581 = arith.index_cast %mul3A_580 : i32 to index
        %get3A_582 = tpu.vector_load %arg5[%get3A_581] {strides = array<i32>} : memref<768xf32, #tpu.memory_space<vmem>>, vector<16xf32>,
        %add3A_583 = arith.constant 8 : i32
        %add3A_584 = arith.addi %mul3A_580, %add3A_583 : i32
        %get3A_585 = arith.index_cast %add3A_584 : i32 to index
        %get3A_586 = tpu.vector_load %arg5[%get3A_585] {strides = array<i32>} : memref<768xf32, #tpu.memory_space<vmem>>, vector<16xf32>,
        %add3A_587 = arith.constant 312 : i32
        %add3A_588 = arith.addi %mul3A_322, %add3A_587 : i32
        %swap3A_589 = arith.index_cast %add3A_588 : i32 to index
        %swap3A_590 = tpu.vector_load %arg8[%swap3A_589] {strides = array<i32>} : memref<49168xf32, #tpu.memory_space<vmem>>, vector<16xf32>,
        tpu.vector_store %arg8[%swap3A_589], %get3A_546 {strides = array<i32>} : memref<49168xf32, #tpu.memory_space<vmem>>, vector<16xf32>,
        %add3A_591 = arith.constant 8 : i32
        %add3A_592 = arith.addi %add3A_588, %add3A_591 : i32
        %swap3A_593 = arith.index_cast %add3A_592 : i32 to index
        %swap3A_594 = tpu.vector_load %arg8[%swap3A_593] {strides = array<i32>} : memref<49168xf32, #tpu.memory_space<vmem>>, vector<16xf32>,
        tpu.vector_store %arg8[%swap3A_593], %get3A_550 {strides = array<i32>} : memref<49168xf32, #tpu.memory_space<vmem>>, vector<16xf32>,
        %add3A_595 = arith.constant 336 : i32
        %add3A_596 = arith.addi %mul3A_322, %add3A_595 : i32
        %swap3A_597 = arith.index_cast %add3A_596 : i32 to index
        %swap3A_598 = tpu.vector_load %arg8[%swap3A_597] {strides = array<i32>} : memref<49168xf32, #tpu.memory_space<vmem>>, vector<16xf32>,
        tpu.vector_store %arg8[%swap3A_597], %get3A_564 {strides = array<i32>} : memref<49168xf32, #tpu.memory_space<vmem>>, vector<16xf32>,
        %add3A_599 = arith.constant 8 : i32
        %add3A_600 = arith.addi %add3A_596, %add3A_599 : i32
        %swap3A_601 = arith.index_cast %add3A_600 : i32 to index
        %swap3A_602 = tpu.vector_load %arg8[%swap3A_601] {strides = array<i32>} : memref<49168xf32, #tpu.memory_space<vmem>>, vector<16xf32>,
        tpu.vector_store %arg8[%swap3A_601], %get3A_568 {strides = array<i32>} : memref<49168xf32, #tpu.memory_space<vmem>>, vector<16xf32>,
        %add3A_603 = arith.constant 360 : i32
        %add3A_604 = arith.addi %mul3A_322, %add3A_603 : i32
        %swap3A_605 = arith.index_cast %add3A_604 : i32 to index
        %swap3A_606 = tpu.vector_load %arg8[%swap3A_605] {strides = array<i32>} : memref<49168xf32, #tpu.memory_space<vmem>>, vector<16xf32>,
        tpu.vector_store %arg8[%swap3A_605], %get3A_582 {strides = array<i32>} : memref<49168xf32, #tpu.memory_space<vmem>>, vector<16xf32>,
        %add3A_607 = arith.constant 8 : i32
        %add3A_608 = arith.addi %add3A_604, %add3A_607 : i32
        %swap3A_609 = arith.index_cast %add3A_608 : i32 to index
        %swap3A_610 = tpu.vector_load %arg8[%swap3A_609] {strides = array<i32>} : memref<49168xf32, #tpu.memory_space<vmem>>, vector<16xf32>,
        tpu.vector_store %arg8[%swap3A_609], %get3A_586 {strides = array<i32>} : memref<49168xf32, #tpu.memory_space<vmem>>, vector<16xf32>,
      }
      %scan3A_197 = arith.constant 32 : i32
      %mul3A_198 = arith.constant 2048 : i32
      %mul3A_199 = arith.muli %add3A_123, %mul3A_198 : i32
      %add3A_200 = arith.addi %mul3A_2, %mul3A_199 : i32
      %mul3A_201 = arith.constant 24 : i32
      %mul3A_202 = arith.muli %add3A_200, %mul3A_201 : i32
      %add3A_203 = arith.constant 36864 : i32
      %add3A_204 = arith.addi %mul3A_202, %add3A_203 : i32
      %multiple_of3A_205 = tpu.assume_multiple %add3A_204, 8 : i32
      %dma_start3A_206 = arith.constant 36864 : i32
      %dma_start3A_207 = tpu.memref_slice %arg8[%dma_start3A_206] : memref<49168xf32, #tpu.memory_space<vmem>> -> memref<12288xf32, #tpu.memory_space<vmem>>
      %dma_start3A_208 = tpu.memref_slice %arg4[%multiple_of3A_205] : memref<78643200xf32, #tpu.memory_space<hbm>> -> memref<12288xf32, #tpu.memory_space<hbm>>
      %dma_start3A_209 = tpu.memref_slice %arg4[%multiple_of3A_205] : memref<78643200xf32, #tpu.memory_space<hbm>> -> memref<12288xf32, #tpu.memory_space<hbm>>
      %dma_start3A_210 = arith.constant 36864 : i32
      %dma_start3A_211 = tpu.memref_slice %arg8[%dma_start3A_210] : memref<49168xf32, #tpu.memory_space<vmem>> -> memref<12288xf32, #tpu.memory_space<vmem>>
      tpu.enqueue_dma source(%dma_start3A_211 : memref<12288xf32, #tpu.memory_space<vmem>>) target(%dma_start3A_209 : memref<12288xf32, #tpu.memory_space<hbm>>) target_semaphore(%arg12 : memref<!tpu.dma_semaphore, #tpu.memory_space<semaphore_mem>>)
      %add3A_212 = arith.constant 2 : i32
      %add3A_213 = arith.addi %add3A_123, %add3A_212 : i32
      %lt3A = arith.constant 50 : i32
      %lt3A_214 = arith.cmpi slt, %add3A_213, %lt3A : i32
      %convert_element_type3A_215 = arith.extui %lt3A_214 : i1 to i32
      %cond3A_216 = arith.constant 0 : i32
      %cond3A_217 = arith.cmpi ne, %convert_element_type3A_215, %cond3A_216 : i32
      scf.if %cond3A_217 {
        %add3A_320 = arith.constant 2 : i32
        %add3A_321 = arith.addi %add3A_123, %add3A_320 : i32
        %mul3A_322 = arith.constant 2048 : i32
        %mul3A_323 = arith.muli %add3A_321, %mul3A_322 : i32
        %add3A_324 = arith.addi %mul3A_2, %mul3A_323 : i32
        %multiple_of3A_325 = tpu.assume_multiple %add3A_324, 8 : i32
        %dma_start3A_326 = tpu.memref_slice %arg2[%multiple_of3A_325] : memref<3276800xi32, #tpu.memory_space<hbm>> -> memref<2048xi32, #tpu.memory_space<hbm>>
        %dma_start3A_327 = tpu.memref_slice %arg2[%multiple_of3A_325] : memref<3276800xi32, #tpu.memory_space<hbm>> -> memref<2048xi32, #tpu.memory_space<hbm>>
        tpu.enqueue_dma source(%dma_start3A_327 : memref<2048xi32, #tpu.memory_space<hbm>>) target(%arg6 : memref<2048xi32, #tpu.memory_space<vmem>>) target_semaphore(%arg10 : memref<!tpu.dma_semaphore, #tpu.memory_space<semaphore_mem>>)
      } else {
      }
      %mul3A_218 = arith.constant 2 : i32
      %mul3A_219 = arith.muli %mul3A_218, %scan3A_119 : i32
      %add3A_220 = arith.constant 1 : i32
      %add3A_221 = arith.addi %mul3A_219, %add3A_220 : i32
      %mul3A_222 = arith.constant 2048 : i32
      %mul3A_223 = arith.muli %add3A_221, %mul3A_222 : i32
      %add3A_224 = arith.addi %mul3A_2, %mul3A_223 : i32
      %multiple_of3A_225 = tpu.assume_multiple %add3A_224, 8 : i32
      %dma_wait3A_226 = tpu.memref_slice %arg2[%multiple_of3A_225] : memref<3276800xi32, #tpu.memory_space<hbm>> -> memref<2048xi32, #tpu.memory_space<hbm>>
      %dma_wait3A_227 = tpu.memref_slice %arg2[%multiple_of3A_225] : memref<3276800xi32, #tpu.memory_space<hbm>> -> memref<2048xi32, #tpu.memory_space<hbm>>
      tpu.wait_dma2 semaphore(%arg11 : memref<!tpu.dma_semaphore, #tpu.memory_space<semaphore_mem>>) src(%dma_wait3A_227 : memref<2048xi32, #tpu.memory_space<hbm>>) dst(%arg7 : memref<2048xi32, #tpu.memory_space<vmem>>)
      %gt3A_228 = arith.constant 0 : i32
      %gt3A_229 = arith.cmpi sgt, %scan3A_119, %gt3A_228 : i32
      %convert_element_type3A_230 = arith.extui %gt3A_229 : i1 to i32
      %cond3A_231 = arith.constant 0 : i32
      %cond3A_232 = arith.cmpi ne, %convert_element_type3A_230, %cond3A_231 : i32
      scf.if %cond3A_232 {
        %sub3A = arith.constant 2 : i32
        %sub3A_320 = arith.subi %add3A_221, %sub3A : i32
        %mul3A_321 = arith.constant 2048 : i32
        %mul3A_322 = arith.muli %sub3A_320, %mul3A_321 : i32
        %add3A_323 = arith.addi %mul3A_2, %mul3A_322 : i32
        %mul3A_324 = arith.constant 24 : i32
        %mul3A_325 = arith.muli %add3A_323, %mul3A_324 : i32
        %add3A_326 = arith.constant 0 : i32
        %add3A_327 = arith.addi %mul3A_325, %add3A_326 : i32
        %multiple_of3A_328 = tpu.assume_multiple %add3A_327, 8 : i32
        %dma_wait3A_329 = arith.constant 0 : i32
        %dma_wait3A_330 = tpu.memref_slice %arg9[%dma_wait3A_329] : memref<49168xf32, #tpu.memory_space<vmem>> -> memref<12288xf32, #tpu.memory_space<vmem>>
        %dma_wait3A_331 = tpu.memref_slice %arg4[%multiple_of3A_328] : memref<78643200xf32, #tpu.memory_space<hbm>> -> memref<12288xf32, #tpu.memory_space<hbm>>
        %dma_wait3A_332 = tpu.memref_slice %arg4[%multiple_of3A_328] : memref<78643200xf32, #tpu.memory_space<hbm>> -> memref<12288xf32, #tpu.memory_space<hbm>>
        %dma_wait3A_333 = arith.constant 0 : i32
        %dma_wait3A_334 = tpu.memref_slice %arg9[%dma_wait3A_333] : memref<49168xf32, #tpu.memory_space<vmem>> -> memref<12288xf32, #tpu.memory_space<vmem>>
        tpu.wait_dma2 semaphore(%arg13 : memref<!tpu.dma_semaphore, #tpu.memory_space<semaphore_mem>>) src(%dma_wait3A_334 : memref<12288xf32, #tpu.memory_space<vmem>>) dst(%dma_wait3A_332 : memref<12288xf32, #tpu.memory_space<hbm>>)
        %sub3A_335 = arith.constant 2 : i32
        %sub3A_336 = arith.subi %add3A_221, %sub3A_335 : i32
        %mul3A_337 = arith.constant 2048 : i32
        %mul3A_338 = arith.muli %sub3A_336, %mul3A_337 : i32
        %add3A_339 = arith.addi %mul3A_2, %mul3A_338 : i32
        %mul3A_340 = arith.constant 24 : i32
        %mul3A_341 = arith.muli %add3A_339, %mul3A_340 : i32
        %add3A_342 = arith.constant 12288 : i32
        %add3A_343 = arith.addi %mul3A_341, %add3A_342 : i32
        %multiple_of3A_344 = tpu.assume_multiple %add3A_343, 8 : i32
        %dma_wait3A_345 = arith.constant 12288 : i32
        %dma_wait3A_346 = tpu.memref_slice %arg9[%dma_wait3A_345] : memref<49168xf32, #tpu.memory_space<vmem>> -> memref<12288xf32, #tpu.memory_space<vmem>>
        %dma_wait3A_347 = tpu.memref_slice %arg4[%multiple_of3A_344] : memref<78643200xf32, #tpu.memory_space<hbm>> -> memref<12288xf32, #tpu.memory_space<hbm>>
        %dma_wait3A_348 = tpu.memref_slice %arg4[%multiple_of3A_344] : memref<78643200xf32, #tpu.memory_space<hbm>> -> memref<12288xf32, #tpu.memory_space<hbm>>
        %dma_wait3A_349 = arith.constant 12288 : i32
        %dma_wait3A_350 = tpu.memref_slice %arg9[%dma_wait3A_349] : memref<49168xf32, #tpu.memory_space<vmem>> -> memref<12288xf32, #tpu.memory_space<vmem>>
        tpu.wait_dma2 semaphore(%arg13 : memref<!tpu.dma_semaphore, #tpu.memory_space<semaphore_mem>>) src(%dma_wait3A_350 : memref<12288xf32, #tpu.memory_space<vmem>>) dst(%dma_wait3A_348 : memref<12288xf32, #tpu.memory_space<hbm>>)
        %sub3A_351 = arith.constant 2 : i32
        %sub3A_352 = arith.subi %add3A_221, %sub3A_351 : i32
        %mul3A_353 = arith.constant 2048 : i32
        %mul3A_354 = arith.muli %sub3A_352, %mul3A_353 : i32
        %add3A_355 = arith.addi %mul3A_2, %mul3A_354 : i32
        %mul3A_356 = arith.constant 24 : i32
        %mul3A_357 = arith.muli %add3A_355, %mul3A_356 : i32
        %add3A_358 = arith.constant 24576 : i32
        %add3A_359 = arith.addi %mul3A_357, %add3A_358 : i32
        %multiple_of3A_360 = tpu.assume_multiple %add3A_359, 8 : i32
        %dma_wait3A_361 = arith.constant 24576 : i32
        %dma_wait3A_362 = tpu.memref_slice %arg9[%dma_wait3A_361] : memref<49168xf32, #tpu.memory_space<vmem>> -> memref<12288xf32, #tpu.memory_space<vmem>>
        %dma_wait3A_363 = tpu.memref_slice %arg4[%multiple_of3A_360] : memref<78643200xf32, #tpu.memory_space<hbm>> -> memref<12288xf32, #tpu.memory_space<hbm>>
        %dma_wait3A_364 = tpu.memref_slice %arg4[%multiple_of3A_360] : memref<78643200xf32, #tpu.memory_space<hbm>> -> memref<12288xf32, #tpu.memory_space<hbm>>
        %dma_wait3A_365 = arith.constant 24576 : i32
        %dma_wait3A_366 = tpu.memref_slice %arg9[%dma_wait3A_365] : memref<49168xf32, #tpu.memory_space<vmem>> -> memref<12288xf32, #tpu.memory_space<vmem>>
        tpu.wait_dma2 semaphore(%arg13 : memref<!tpu.dma_semaphore, #tpu.memory_space<semaphore_mem>>) src(%dma_wait3A_366 : memref<12288xf32, #tpu.memory_space<vmem>>) dst(%dma_wait3A_364 : memref<12288xf32, #tpu.memory_space<hbm>>)
        %sub3A_367 = arith.constant 2 : i32
        %sub3A_368 = arith.subi %add3A_221, %sub3A_367 : i32
        %mul3A_369 = arith.constant 2048 : i32
        %mul3A_370 = arith.muli %sub3A_368, %mul3A_369 : i32
        %add3A_371 = arith.addi %mul3A_2, %mul3A_370 : i32
        %mul3A_372 = arith.constant 24 : i32
        %mul3A_373 = arith.muli %add3A_371, %mul3A_372 : i32
        %add3A_374 = arith.constant 36864 : i32
        %add3A_375 = arith.addi %mul3A_373, %add3A_374 : i32
        %multiple_of3A_376 = tpu.assume_multiple %add3A_375, 8 : i32
        %dma_wait3A_377 = arith.constant 36864 : i32
        %dma_wait3A_378 = tpu.memref_slice %arg9[%dma_wait3A_377] : memref<49168xf32, #tpu.memory_space<vmem>> -> memref<12288xf32, #tpu.memory_space<vmem>>
        %dma_wait3A_379 = tpu.memref_slice %arg4[%multiple_of3A_376] : memref<78643200xf32, #tpu.memory_space<hbm>> -> memref<12288xf32, #tpu.memory_space<hbm>>
        %dma_wait3A_380 = tpu.memref_slice %arg4[%multiple_of3A_376] : memref<78643200xf32, #tpu.memory_space<hbm>> -> memref<12288xf32, #tpu.memory_space<hbm>>
        %dma_wait3A_381 = arith.constant 36864 : i32
        %dma_wait3A_382 = tpu.memref_slice %arg9[%dma_wait3A_381] : memref<49168xf32, #tpu.memory_space<vmem>> -> memref<12288xf32, #tpu.memory_space<vmem>>
        tpu.wait_dma2 semaphore(%arg13 : memref<!tpu.dma_semaphore, #tpu.memory_space<semaphore_mem>>) src(%dma_wait3A_382 : memref<12288xf32, #tpu.memory_space<vmem>>) dst(%dma_wait3A_380 : memref<12288xf32, #tpu.memory_space<hbm>>)
      } else {
      }
      %scan3A_233 = arith.constant 0 : i32
      %scan3A_234 = arith.constant 0 : i32
      %scan3A_235 = arith.constant 32 : i32
      %scan3A_236 = arith.addi %scan3A_234, %scan3A_235 : i32
      %scan3A_237 = arith.constant 1 : i32
      scf.for %scan3A_320 = %scan3A_234 to %scan3A_236 step %scan3A_237  : i32 {
        %mul3A_321 = arith.constant 384 : i32
        %mul3A_322 = arith.muli %scan3A_320, %mul3A_321 : i32
        %mul3A_323 = arith.constant 16 : i32
        %mul3A_324 = arith.muli %scan3A_320, %mul3A_323 : i32
        %get3A = arith.index_cast %mul3A_324 : i32 to index
        %get3A_325 = tpu.vector_load %arg7[%get3A] {strides = array<i32>} : memref<2048xi32, #tpu.memory_space<vmem>>, vector<16xi32>,
        %slice3A = vector.extract_strided_slice %get3A_325 {offsets = [0], sizes = [1], strides = [1]} : vector<16xi32> to vector<1xi32>
        %squeeze3A = vector.extract %slice3A[0] : i32 from vector<1xi32>
        %mul3A_326 = arith.constant 32 : i32
        %mul3A_327 = arith.muli %squeeze3A, %mul3A_326 : i32
        %get3A_328 = arith.index_cast %mul3A_327 : i32 to index
        %get3A_329 = tpu.vector_load %arg5[%get3A_328] {strides = array<i32>} : memref<768xf32, #tpu.memory_space<vmem>>, vector<16xf32>,
        %add3A_330 = arith.constant 8 : i32
        %add3A_331 = arith.addi %mul3A_327, %add3A_330 : i32
        %get3A_332 = arith.index_cast %add3A_331 : i32 to index
        %get3A_333 = tpu.vector_load %arg5[%get3A_332] {strides = array<i32>} : memref<768xf32, #tpu.memory_space<vmem>>, vector<16xf32>,
        %slice3A_334 = vector.extract_strided_slice %get3A_325 {offsets = [1], sizes = [1], strides = [1]} : vector<16xi32> to vector<1xi32>
        %squeeze3A_335 = vector.extract %slice3A_334[0] : i32 from vector<1xi32>
        %mul3A_336 = arith.constant 32 : i32
        %mul3A_337 = arith.muli %squeeze3A_335, %mul3A_336 : i32
        %get3A_338 = arith.index_cast %mul3A_337 : i32 to index
        %get3A_339 = tpu.vector_load %arg5[%get3A_338] {strides = array<i32>} : memref<768xf32, #tpu.memory_space<vmem>>, vector<16xf32>,
        %add3A_340 = arith.constant 8 : i32
        %add3A_341 = arith.addi %mul3A_337, %add3A_340 : i32
        %get3A_342 = arith.index_cast %add3A_341 : i32 to index
        %get3A_343 = tpu.vector_load %arg5[%get3A_342] {strides = array<i32>} : memref<768xf32, #tpu.memory_space<vmem>>, vector<16xf32>,
        %slice3A_344 = vector.extract_strided_slice %get3A_325 {offsets = [2], sizes = [1], strides = [1]} : vector<16xi32> to vector<1xi32>
        %squeeze3A_345 = vector.extract %slice3A_344[0] : i32 from vector<1xi32>
        %mul3A_346 = arith.constant 32 : i32
        %mul3A_347 = arith.muli %squeeze3A_345, %mul3A_346 : i32
        %get3A_348 = arith.index_cast %mul3A_347 : i32 to index
        %get3A_349 = tpu.vector_load %arg5[%get3A_348] {strides = array<i32>} : memref<768xf32, #tpu.memory_space<vmem>>, vector<16xf32>,
        %add3A_350 = arith.constant 8 : i32
        %add3A_351 = arith.addi %mul3A_347, %add3A_350 : i32
        %get3A_352 = arith.index_cast %add3A_351 : i32 to index
        %get3A_353 = tpu.vector_load %arg5[%get3A_352] {strides = array<i32>} : memref<768xf32, #tpu.memory_space<vmem>>, vector<16xf32>,
        %add3A_354 = arith.constant 0 : i32
        %add3A_355 = arith.addi %mul3A_322, %add3A_354 : i32
        %swap3A = arith.index_cast %add3A_355 : i32 to index
        %swap3A_356 = tpu.vector_load %arg9[%swap3A] {strides = array<i32>} : memref<49168xf32, #tpu.memory_space<vmem>>, vector<16xf32>,
        tpu.vector_store %arg9[%swap3A], %get3A_329 {strides = array<i32>} : memref<49168xf32, #tpu.memory_space<vmem>>, vector<16xf32>,
        %add3A_357 = arith.constant 8 : i32
        %add3A_358 = arith.addi %add3A_355, %add3A_357 : i32
        %swap3A_359 = arith.index_cast %add3A_358 : i32 to index
        %swap3A_360 = tpu.vector_load %arg9[%swap3A_359] {strides = array<i32>} : memref<49168xf32, #tpu.memory_space<vmem>>, vector<16xf32>,
        tpu.vector_store %arg9[%swap3A_359], %get3A_333 {strides = array<i32>} : memref<49168xf32, #tpu.memory_space<vmem>>, vector<16xf32>,
        %slice3A_361 = vector.extract_strided_slice %get3A_325 {offsets = [3], sizes = [1], strides = [1]} : vector<16xi32> to vector<1xi32>
        %squeeze3A_362 = vector.extract %slice3A_361[0] : i32 from vector<1xi32>
        %mul3A_363 = arith.constant 32 : i32
        %mul3A_364 = arith.muli %squeeze3A_362, %mul3A_363 : i32
        %get3A_365 = arith.index_cast %mul3A_364 : i32 to index
        %get3A_366 = tpu.vector_load %arg5[%get3A_365] {strides = array<i32>} : memref<768xf32, #tpu.memory_space<vmem>>, vector<16xf32>,
        %add3A_367 = arith.constant 8 : i32
        %add3A_368 = arith.addi %mul3A_364, %add3A_367 : i32
        %get3A_369 = arith.index_cast %add3A_368 : i32 to index
        %get3A_370 = tpu.vector_load %arg5[%get3A_369] {strides = array<i32>} : memref<768xf32, #tpu.memory_space<vmem>>, vector<16xf32>,
        %add3A_371 = arith.constant 24 : i32
        %add3A_372 = arith.addi %mul3A_322, %add3A_371 : i32
        %swap3A_373 = arith.index_cast %add3A_372 : i32 to index
        %swap3A_374 = tpu.vector_load %arg9[%swap3A_373] {strides = array<i32>} : memref<49168xf32, #tpu.memory_space<vmem>>, vector<16xf32>,
        tpu.vector_store %arg9[%swap3A_373], %get3A_339 {strides = array<i32>} : memref<49168xf32, #tpu.memory_space<vmem>>, vector<16xf32>,
        %add3A_375 = arith.constant 8 : i32
        %add3A_376 = arith.addi %add3A_372, %add3A_375 : i32
        %swap3A_377 = arith.index_cast %add3A_376 : i32 to index
        %swap3A_378 = tpu.vector_load %arg9[%swap3A_377] {strides = array<i32>} : memref<49168xf32, #tpu.memory_space<vmem>>, vector<16xf32>,
        tpu.vector_store %arg9[%swap3A_377], %get3A_343 {strides = array<i32>} : memref<49168xf32, #tpu.memory_space<vmem>>, vector<16xf32>,
        %slice3A_379 = vector.extract_strided_slice %get3A_325 {offsets = [4], sizes = [1], strides = [1]} : vector<16xi32> to vector<1xi32>
        %squeeze3A_380 = vector.extract %slice3A_379[0] : i32 from vector<1xi32>
        %mul3A_381 = arith.constant 32 : i32
        %mul3A_382 = arith.muli %squeeze3A_380, %mul3A_381 : i32
        %get3A_383 = arith.index_cast %mul3A_382 : i32 to index
        %get3A_384 = tpu.vector_load %arg5[%get3A_383] {strides = array<i32>} : memref<768xf32, #tpu.memory_space<vmem>>, vector<16xf32>,
        %add3A_385 = arith.constant 8 : i32
        %add3A_386 = arith.addi %mul3A_382, %add3A_385 : i32
        %get3A_387 = arith.index_cast %add3A_386 : i32 to index
        %get3A_388 = tpu.vector_load %arg5[%get3A_387] {strides = array<i32>} : memref<768xf32, #tpu.memory_space<vmem>>, vector<16xf32>,
        %add3A_389 = arith.constant 48 : i32
        %add3A_390 = arith.addi %mul3A_322, %add3A_389 : i32
        %swap3A_391 = arith.index_cast %add3A_390 : i32 to index
        %swap3A_392 = tpu.vector_load %arg9[%swap3A_391] {strides = array<i32>} : memref<49168xf32, #tpu.memory_space<vmem>>, vector<16xf32>,
        tpu.vector_store %arg9[%swap3A_391], %get3A_349 {strides = array<i32>} : memref<49168xf32, #tpu.memory_space<vmem>>, vector<16xf32>,
        %add3A_393 = arith.constant 8 : i32
        %add3A_394 = arith.addi %add3A_390, %add3A_393 : i32
        %swap3A_395 = arith.index_cast %add3A_394 : i32 to index
        %swap3A_396 = tpu.vector_load %arg9[%swap3A_395] {strides = array<i32>} : memref<49168xf32, #tpu.memory_space<vmem>>, vector<16xf32>,
        tpu.vector_store %arg9[%swap3A_395], %get3A_353 {strides = array<i32>} : memref<49168xf32, #tpu.memory_space<vmem>>, vector<16xf32>,
        %slice3A_397 = vector.extract_strided_slice %get3A_325 {offsets = [5], sizes = [1], strides = [1]} : vector<16xi32> to vector<1xi32>
        %squeeze3A_398 = vector.extract %slice3A_397[0] : i32 from vector<1xi32>
        %mul3A_399 = arith.constant 32 : i32
        %mul3A_400 = arith.muli %squeeze3A_398, %mul3A_399 : i32
        %get3A_401 = arith.index_cast %mul3A_400 : i32 to index
        %get3A_402 = tpu.vector_load %arg5[%get3A_401] {strides = array<i32>} : memref<768xf32, #tpu.memory_space<vmem>>, vector<16xf32>,
        %add3A_403 = arith.constant 8 : i32
        %add3A_404 = arith.addi %mul3A_400, %add3A_403 : i32
        %get3A_405 = arith.index_cast %add3A_404 : i32 to index
        %get3A_406 = tpu.vector_load %arg5[%get3A_405] {strides = array<i32>} : memref<768xf32, #tpu.memory_space<vmem>>, vector<16xf32>,
        %add3A_407 = arith.constant 72 : i32
        %add3A_408 = arith.addi %mul3A_322, %add3A_407 : i32
        %swap3A_409 = arith.index_cast %add3A_408 : i32 to index
        %swap3A_410 = tpu.vector_load %arg9[%swap3A_409] {strides = array<i32>} : memref<49168xf32, #tpu.memory_space<vmem>>, vector<16xf32>,
        tpu.vector_store %arg9[%swap3A_409], %get3A_366 {strides = array<i32>} : memref<49168xf32, #tpu.memory_space<vmem>>, vector<16xf32>,
        %add3A_411 = arith.constant 8 : i32
        %add3A_412 = arith.addi %add3A_408, %add3A_411 : i32
        %swap3A_413 = arith.index_cast %add3A_412 : i32 to index
        %swap3A_414 = tpu.vector_load %arg9[%swap3A_413] {strides = array<i32>} : memref<49168xf32, #tpu.memory_space<vmem>>, vector<16xf32>,
        tpu.vector_store %arg9[%swap3A_413], %get3A_370 {strides = array<i32>} : memref<49168xf32, #tpu.memory_space<vmem>>, vector<16xf32>,
        %slice3A_415 = vector.extract_strided_slice %get3A_325 {offsets = [6], sizes = [1], strides = [1]} : vector<16xi32> to vector<1xi32>
        %squeeze3A_416 = vector.extract %slice3A_415[0] : i32 from vector<1xi32>
        %mul3A_417 = arith.constant 32 : i32
        %mul3A_418 = arith.muli %squeeze3A_416, %mul3A_417 : i32
        %get3A_419 = arith.index_cast %mul3A_418 : i32 to index
        %get3A_420 = tpu.vector_load %arg5[%get3A_419] {strides = array<i32>} : memref<768xf32, #tpu.memory_space<vmem>>, vector<16xf32>,
        %add3A_421 = arith.constant 8 : i32
        %add3A_422 = arith.addi %mul3A_418, %add3A_421 : i32
        %get3A_423 = arith.index_cast %add3A_422 : i32 to index
        %get3A_424 = tpu.vector_load %arg5[%get3A_423] {strides = array<i32>} : memref<768xf32, #tpu.memory_space<vmem>>, vector<16xf32>,
        %add3A_425 = arith.constant 96 : i32
        %add3A_426 = arith.addi %mul3A_322, %add3A_425 : i32
        %swap3A_427 = arith.index_cast %add3A_426 : i32 to index
        %swap3A_428 = tpu.vector_load %arg9[%swap3A_427] {strides = array<i32>} : memref<49168xf32, #tpu.memory_space<vmem>>, vector<16xf32>,
        tpu.vector_store %arg9[%swap3A_427], %get3A_384 {strides = array<i32>} : memref<49168xf32, #tpu.memory_space<vmem>>, vector<16xf32>,
        %add3A_429 = arith.constant 8 : i32
        %add3A_430 = arith.addi %add3A_426, %add3A_429 : i32
        %swap3A_431 = arith.index_cast %add3A_430 : i32 to index
        %swap3A_432 = tpu.vector_load %arg9[%swap3A_431] {strides = array<i32>} : memref<49168xf32, #tpu.memory_space<vmem>>, vector<16xf32>,
        tpu.vector_store %arg9[%swap3A_431], %get3A_388 {strides = array<i32>} : memref<49168xf32, #tpu.memory_space<vmem>>, vector<16xf32>,
        %slice3A_433 = vector.extract_strided_slice %get3A_325 {offsets = [7], sizes = [1], strides = [1]} : vector<16xi32> to vector<1xi32>
        %squeeze3A_434 = vector.extract %slice3A_433[0] : i32 from vector<1xi32>
        %mul3A_435 = arith.constant 32 : i32
        %mul3A_436 = arith.muli %squeeze3A_434, %mul3A_435 : i32
        %get3A_437 = arith.index_cast %mul3A_436 : i32 to index
        %get3A_438 = tpu.vector_load %arg5[%get3A_437] {strides = array<i32>} : memref<768xf32, #tpu.memory_space<vmem>>, vector<16xf32>,
        %add3A_439 = arith.constant 8 : i32
        %add3A_440 = arith.addi %mul3A_436, %add3A_439 : i32
        %get3A_441 = arith.index_cast %add3A_440 : i32 to index
        %get3A_442 = tpu.vector_load %arg5[%get3A_441] {strides = array<i32>} : memref<768xf32, #tpu.memory_space<vmem>>, vector<16xf32>,
        %add3A_443 = arith.constant 120 : i32
        %add3A_444 = arith.addi %mul3A_322, %add3A_443 : i32
        %swap3A_445 = arith.index_cast %add3A_444 : i32 to index
        %swap3A_446 = tpu.vector_load %arg9[%swap3A_445] {strides = array<i32>} : memref<49168xf32, #tpu.memory_space<vmem>>, vector<16xf32>,
        tpu.vector_store %arg9[%swap3A_445], %get3A_402 {strides = array<i32>} : memref<49168xf32, #tpu.memory_space<vmem>>, vector<16xf32>,
        %add3A_447 = arith.constant 8 : i32
        %add3A_448 = arith.addi %add3A_444, %add3A_447 : i32
        %swap3A_449 = arith.index_cast %add3A_448 : i32 to index
        %swap3A_450 = tpu.vector_load %arg9[%swap3A_449] {strides = array<i32>} : memref<49168xf32, #tpu.memory_space<vmem>>, vector<16xf32>,
        tpu.vector_store %arg9[%swap3A_449], %get3A_406 {strides = array<i32>} : memref<49168xf32, #tpu.memory_space<vmem>>, vector<16xf32>,
        %slice3A_451 = vector.extract_strided_slice %get3A_325 {offsets = [8], sizes = [1], strides = [1]} : vector<16xi32> to vector<1xi32>
        %squeeze3A_452 = vector.extract %slice3A_451[0] : i32 from vector<1xi32>
        %mul3A_453 = arith.constant 32 : i32
        %mul3A_454 = arith.muli %squeeze3A_452, %mul3A_453 : i32
        %get3A_455 = arith.index_cast %mul3A_454 : i32 to index
        %get3A_456 = tpu.vector_load %arg5[%get3A_455] {strides = array<i32>} : memref<768xf32, #tpu.memory_space<vmem>>, vector<16xf32>,
        %add3A_457 = arith.constant 8 : i32
        %add3A_458 = arith.addi %mul3A_454, %add3A_457 : i32
        %get3A_459 = arith.index_cast %add3A_458 : i32 to index
        %get3A_460 = tpu.vector_load %arg5[%get3A_459] {strides = array<i32>} : memref<768xf32, #tpu.memory_space<vmem>>, vector<16xf32>,
        %add3A_461 = arith.constant 144 : i32
        %add3A_462 = arith.addi %mul3A_322, %add3A_461 : i32
        %swap3A_463 = arith.index_cast %add3A_462 : i32 to index
        %swap3A_464 = tpu.vector_load %arg9[%swap3A_463] {strides = array<i32>} : memref<49168xf32, #tpu.memory_space<vmem>>, vector<16xf32>,
        tpu.vector_store %arg9[%swap3A_463], %get3A_420 {strides = array<i32>} : memref<49168xf32, #tpu.memory_space<vmem>>, vector<16xf32>,
        %add3A_465 = arith.constant 8 : i32
        %add3A_466 = arith.addi %add3A_462, %add3A_465 : i32
        %swap3A_467 = arith.index_cast %add3A_466 : i32 to index
        %swap3A_468 = tpu.vector_load %arg9[%swap3A_467] {strides = array<i32>} : memref<49168xf32, #tpu.memory_space<vmem>>, vector<16xf32>,
        tpu.vector_store %arg9[%swap3A_467], %get3A_424 {strides = array<i32>} : memref<49168xf32, #tpu.memory_space<vmem>>, vector<16xf32>,
        %slice3A_469 = vector.extract_strided_slice %get3A_325 {offsets = [9], sizes = [1], strides = [1]} : vector<16xi32> to vector<1xi32>
        %squeeze3A_470 = vector.extract %slice3A_469[0] : i32 from vector<1xi32>
        %mul3A_471 = arith.constant 32 : i32
        %mul3A_472 = arith.muli %squeeze3A_470, %mul3A_471 : i32
        %get3A_473 = arith.index_cast %mul3A_472 : i32 to index
        %get3A_474 = tpu.vector_load %arg5[%get3A_473] {strides = array<i32>} : memref<768xf32, #tpu.memory_space<vmem>>, vector<16xf32>,
        %add3A_475 = arith.constant 8 : i32
        %add3A_476 = arith.addi %mul3A_472, %add3A_475 : i32
        %get3A_477 = arith.index_cast %add3A_476 : i32 to index
        %get3A_478 = tpu.vector_load %arg5[%get3A_477] {strides = array<i32>} : memref<768xf32, #tpu.memory_space<vmem>>, vector<16xf32>,
        %add3A_479 = arith.constant 168 : i32
        %add3A_480 = arith.addi %mul3A_322, %add3A_479 : i32
        %swap3A_481 = arith.index_cast %add3A_480 : i32 to index
        %swap3A_482 = tpu.vector_load %arg9[%swap3A_481] {strides = array<i32>} : memref<49168xf32, #tpu.memory_space<vmem>>, vector<16xf32>,
        tpu.vector_store %arg9[%swap3A_481], %get3A_438 {strides = array<i32>} : memref<49168xf32, #tpu.memory_space<vmem>>, vector<16xf32>,
        %add3A_483 = arith.constant 8 : i32
        %add3A_484 = arith.addi %add3A_480, %add3A_483 : i32
        %swap3A_485 = arith.index_cast %add3A_484 : i32 to index
        %swap3A_486 = tpu.vector_load %arg9[%swap3A_485] {strides = array<i32>} : memref<49168xf32, #tpu.memory_space<vmem>>, vector<16xf32>,
        tpu.vector_store %arg9[%swap3A_485], %get3A_442 {strides = array<i32>} : memref<49168xf32, #tpu.memory_space<vmem>>, vector<16xf32>,
        %slice3A_487 = vector.extract_strided_slice %get3A_325 {offsets = [10], sizes = [1], strides = [1]} : vector<16xi32> to vector<1xi32>
        %squeeze3A_488 = vector.extract %slice3A_487[0] : i32 from vector<1xi32>
        %mul3A_489 = arith.constant 32 : i32
        %mul3A_490 = arith.muli %squeeze3A_488, %mul3A_489 : i32
        %get3A_491 = arith.index_cast %mul3A_490 : i32 to index
        %get3A_492 = tpu.vector_load %arg5[%get3A_491] {strides = array<i32>} : memref<768xf32, #tpu.memory_space<vmem>>, vector<16xf32>,
        %add3A_493 = arith.constant 8 : i32
        %add3A_494 = arith.addi %mul3A_490, %add3A_493 : i32
        %get3A_495 = arith.index_cast %add3A_494 : i32 to index
        %get3A_496 = tpu.vector_load %arg5[%get3A_495] {strides = array<i32>} : memref<768xf32, #tpu.memory_space<vmem>>, vector<16xf32>,
        %add3A_497 = arith.constant 192 : i32
        %add3A_498 = arith.addi %mul3A_322, %add3A_497 : i32
        %swap3A_499 = arith.index_cast %add3A_498 : i32 to index
        %swap3A_500 = tpu.vector_load %arg9[%swap3A_499] {strides = array<i32>} : memref<49168xf32, #tpu.memory_space<vmem>>, vector<16xf32>,
        tpu.vector_store %arg9[%swap3A_499], %get3A_456 {strides = array<i32>} : memref<49168xf32, #tpu.memory_space<vmem>>, vector<16xf32>,
        %add3A_501 = arith.constant 8 : i32
        %add3A_502 = arith.addi %add3A_498, %add3A_501 : i32
        %swap3A_503 = arith.index_cast %add3A_502 : i32 to index
        %swap3A_504 = tpu.vector_load %arg9[%swap3A_503] {strides = array<i32>} : memref<49168xf32, #tpu.memory_space<vmem>>, vector<16xf32>,
        tpu.vector_store %arg9[%swap3A_503], %get3A_460 {strides = array<i32>} : memref<49168xf32, #tpu.memory_space<vmem>>, vector<16xf32>,
        %slice3A_505 = vector.extract_strided_slice %get3A_325 {offsets = [11], sizes = [1], strides = [1]} : vector<16xi32> to vector<1xi32>
        %squeeze3A_506 = vector.extract %slice3A_505[0] : i32 from vector<1xi32>
        %mul3A_507 = arith.constant 32 : i32
        %mul3A_508 = arith.muli %squeeze3A_506, %mul3A_507 : i32
        %get3A_509 = arith.index_cast %mul3A_508 : i32 to index
        %get3A_510 = tpu.vector_load %arg5[%get3A_509] {strides = array<i32>} : memref<768xf32, #tpu.memory_space<vmem>>, vector<16xf32>,
        %add3A_511 = arith.constant 8 : i32
        %add3A_512 = arith.addi %mul3A_508, %add3A_511 : i32
        %get3A_513 = arith.index_cast %add3A_512 : i32 to index
        %get3A_514 = tpu.vector_load %arg5[%get3A_513] {strides = array<i32>} : memref<768xf32, #tpu.memory_space<vmem>>, vector<16xf32>,
        %add3A_515 = arith.constant 216 : i32
        %add3A_516 = arith.addi %mul3A_322, %add3A_515 : i32
        %swap3A_517 = arith.index_cast %add3A_516 : i32 to index
        %swap3A_518 = tpu.vector_load %arg9[%swap3A_517] {strides = array<i32>} : memref<49168xf32, #tpu.memory_space<vmem>>, vector<16xf32>,
        tpu.vector_store %arg9[%swap3A_517], %get3A_474 {strides = array<i32>} : memref<49168xf32, #tpu.memory_space<vmem>>, vector<16xf32>,
        %add3A_519 = arith.constant 8 : i32
        %add3A_520 = arith.addi %add3A_516, %add3A_519 : i32
        %swap3A_521 = arith.index_cast %add3A_520 : i32 to index
        %swap3A_522 = tpu.vector_load %arg9[%swap3A_521] {strides = array<i32>} : memref<49168xf32, #tpu.memory_space<vmem>>, vector<16xf32>,
        tpu.vector_store %arg9[%swap3A_521], %get3A_478 {strides = array<i32>} : memref<49168xf32, #tpu.memory_space<vmem>>, vector<16xf32>,
        %slice3A_523 = vector.extract_strided_slice %get3A_325 {offsets = [12], sizes = [1], strides = [1]} : vector<16xi32> to vector<1xi32>
        %squeeze3A_524 = vector.extract %slice3A_523[0] : i32 from vector<1xi32>
        %mul3A_525 = arith.constant 32 : i32
        %mul3A_526 = arith.muli %squeeze3A_524, %mul3A_525 : i32
        %get3A_527 = arith.index_cast %mul3A_526 : i32 to index
        %get3A_528 = tpu.vector_load %arg5[%get3A_527] {strides = array<i32>} : memref<768xf32, #tpu.memory_space<vmem>>, vector<16xf32>,
        %add3A_529 = arith.constant 8 : i32
        %add3A_530 = arith.addi %mul3A_526, %add3A_529 : i32
        %get3A_531 = arith.index_cast %add3A_530 : i32 to index
        %get3A_532 = tpu.vector_load %arg5[%get3A_531] {strides = array<i32>} : memref<768xf32, #tpu.memory_space<vmem>>, vector<16xf32>,
        %add3A_533 = arith.constant 240 : i32
        %add3A_534 = arith.addi %mul3A_322, %add3A_533 : i32
        %swap3A_535 = arith.index_cast %add3A_534 : i32 to index
        %swap3A_536 = tpu.vector_load %arg9[%swap3A_535] {strides = array<i32>} : memref<49168xf32, #tpu.memory_space<vmem>>, vector<16xf32>,
        tpu.vector_store %arg9[%swap3A_535], %get3A_492 {strides = array<i32>} : memref<49168xf32, #tpu.memory_space<vmem>>, vector<16xf32>,
        %add3A_537 = arith.constant 8 : i32
        %add3A_538 = arith.addi %add3A_534, %add3A_537 : i32
        %swap3A_539 = arith.index_cast %add3A_538 : i32 to index
        %swap3A_540 = tpu.vector_load %arg9[%swap3A_539] {strides = array<i32>} : memref<49168xf32, #tpu.memory_space<vmem>>, vector<16xf32>,
        tpu.vector_store %arg9[%swap3A_539], %get3A_496 {strides = array<i32>} : memref<49168xf32, #tpu.memory_space<vmem>>, vector<16xf32>,
        %slice3A_541 = vector.extract_strided_slice %get3A_325 {offsets = [13], sizes = [1], strides = [1]} : vector<16xi32> to vector<1xi32>
        %squeeze3A_542 = vector.extract %slice3A_541[0] : i32 from vector<1xi32>
        %mul3A_543 = arith.constant 32 : i32
        %mul3A_544 = arith.muli %squeeze3A_542, %mul3A_543 : i32
        %get3A_545 = arith.index_cast %mul3A_544 : i32 to index
        %get3A_546 = tpu.vector_load %arg5[%get3A_545] {strides = array<i32>} : memref<768xf32, #tpu.memory_space<vmem>>, vector<16xf32>,
        %add3A_547 = arith.constant 8 : i32
        %add3A_548 = arith.addi %mul3A_544, %add3A_547 : i32
        %get3A_549 = arith.index_cast %add3A_548 : i32 to index
        %get3A_550 = tpu.vector_load %arg5[%get3A_549] {strides = array<i32>} : memref<768xf32, #tpu.memory_space<vmem>>, vector<16xf32>,
        %add3A_551 = arith.constant 264 : i32
        %add3A_552 = arith.addi %mul3A_322, %add3A_551 : i32
        %swap3A_553 = arith.index_cast %add3A_552 : i32 to index
        %swap3A_554 = tpu.vector_load %arg9[%swap3A_553] {strides = array<i32>} : memref<49168xf32, #tpu.memory_space<vmem>>, vector<16xf32>,
        tpu.vector_store %arg9[%swap3A_553], %get3A_510 {strides = array<i32>} : memref<49168xf32, #tpu.memory_space<vmem>>, vector<16xf32>,
        %add3A_555 = arith.constant 8 : i32
        %add3A_556 = arith.addi %add3A_552, %add3A_555 : i32
        %swap3A_557 = arith.index_cast %add3A_556 : i32 to index
        %swap3A_558 = tpu.vector_load %arg9[%swap3A_557] {strides = array<i32>} : memref<49168xf32, #tpu.memory_space<vmem>>, vector<16xf32>,
        tpu.vector_store %arg9[%swap3A_557], %get3A_514 {strides = array<i32>} : memref<49168xf32, #tpu.memory_space<vmem>>, vector<16xf32>,
        %slice3A_559 = vector.extract_strided_slice %get3A_325 {offsets = [14], sizes = [1], strides = [1]} : vector<16xi32> to vector<1xi32>
        %squeeze3A_560 = vector.extract %slice3A_559[0] : i32 from vector<1xi32>
        %mul3A_561 = arith.constant 32 : i32
        %mul3A_562 = arith.muli %squeeze3A_560, %mul3A_561 : i32
        %get3A_563 = arith.index_cast %mul3A_562 : i32 to index
        %get3A_564 = tpu.vector_load %arg5[%get3A_563] {strides = array<i32>} : memref<768xf32, #tpu.memory_space<vmem>>, vector<16xf32>,
        %add3A_565 = arith.constant 8 : i32
        %add3A_566 = arith.addi %mul3A_562, %add3A_565 : i32
        %get3A_567 = arith.index_cast %add3A_566 : i32 to index
        %get3A_568 = tpu.vector_load %arg5[%get3A_567] {strides = array<i32>} : memref<768xf32, #tpu.memory_space<vmem>>, vector<16xf32>,
        %add3A_569 = arith.constant 288 : i32
        %add3A_570 = arith.addi %mul3A_322, %add3A_569 : i32
        %swap3A_571 = arith.index_cast %add3A_570 : i32 to index
        %swap3A_572 = tpu.vector_load %arg9[%swap3A_571] {strides = array<i32>} : memref<49168xf32, #tpu.memory_space<vmem>>, vector<16xf32>,
        tpu.vector_store %arg9[%swap3A_571], %get3A_528 {strides = array<i32>} : memref<49168xf32, #tpu.memory_space<vmem>>, vector<16xf32>,
        %add3A_573 = arith.constant 8 : i32
        %add3A_574 = arith.addi %add3A_570, %add3A_573 : i32
        %swap3A_575 = arith.index_cast %add3A_574 : i32 to index
        %swap3A_576 = tpu.vector_load %arg9[%swap3A_575] {strides = array<i32>} : memref<49168xf32, #tpu.memory_space<vmem>>, vector<16xf32>,
        tpu.vector_store %arg9[%swap3A_575], %get3A_532 {strides = array<i32>} : memref<49168xf32, #tpu.memory_space<vmem>>, vector<16xf32>,
        %slice3A_577 = vector.extract_strided_slice %get3A_325 {offsets = [15], sizes = [1], strides = [1]} : vector<16xi32> to vector<1xi32>
        %squeeze3A_578 = vector.extract %slice3A_577[0] : i32 from vector<1xi32>
        %mul3A_579 = arith.constant 32 : i32
        %mul3A_580 = arith.muli %squeeze3A_578, %mul3A_579 : i32
        %get3A_581 = arith.index_cast %mul3A_580 : i32 to index
        %get3A_582 = tpu.vector_load %arg5[%get3A_581] {strides = array<i32>} : memref<768xf32, #tpu.memory_space<vmem>>, vector<16xf32>,
        %add3A_583 = arith.constant 8 : i32
        %add3A_584 = arith.addi %mul3A_580, %add3A_583 : i32
        %get3A_585 = arith.index_cast %add3A_584 : i32 to index
        %get3A_586 = tpu.vector_load %arg5[%get3A_585] {strides = array<i32>} : memref<768xf32, #tpu.memory_space<vmem>>, vector<16xf32>,
        %add3A_587 = arith.constant 312 : i32
        %add3A_588 = arith.addi %mul3A_322, %add3A_587 : i32
        %swap3A_589 = arith.index_cast %add3A_588 : i32 to index
        %swap3A_590 = tpu.vector_load %arg9[%swap3A_589] {strides = array<i32>} : memref<49168xf32, #tpu.memory_space<vmem>>, vector<16xf32>,
        tpu.vector_store %arg9[%swap3A_589], %get3A_546 {strides = array<i32>} : memref<49168xf32, #tpu.memory_space<vmem>>, vector<16xf32>,
        %add3A_591 = arith.constant 8 : i32
        %add3A_592 = arith.addi %add3A_588, %add3A_591 : i32
        %swap3A_593 = arith.index_cast %add3A_592 : i32 to index
        %swap3A_594 = tpu.vector_load %arg9[%swap3A_593] {strides = array<i32>} : memref<49168xf32, #tpu.memory_space<vmem>>, vector<16xf32>,
        tpu.vector_store %arg9[%swap3A_593], %get3A_550 {strides = array<i32>} : memref<49168xf32, #tpu.memory_space<vmem>>, vector<16xf32>,
        %add3A_595 = arith.constant 336 : i32
        %add3A_596 = arith.addi %mul3A_322, %add3A_595 : i32
        %swap3A_597 = arith.index_cast %add3A_596 : i32 to index
        %swap3A_598 = tpu.vector_load %arg9[%swap3A_597] {strides = array<i32>} : memref<49168xf32, #tpu.memory_space<vmem>>, vector<16xf32>,
        tpu.vector_store %arg9[%swap3A_597], %get3A_564 {strides = array<i32>} : memref<49168xf32, #tpu.memory_space<vmem>>, vector<16xf32>,
        %add3A_599 = arith.constant 8 : i32
        %add3A_600 = arith.addi %add3A_596, %add3A_599 : i32
        %swap3A_601 = arith.index_cast %add3A_600 : i32 to index
        %swap3A_602 = tpu.vector_load %arg9[%swap3A_601] {strides = array<i32>} : memref<49168xf32, #tpu.memory_space<vmem>>, vector<16xf32>,
        tpu.vector_store %arg9[%swap3A_601], %get3A_568 {strides = array<i32>} : memref<49168xf32, #tpu.memory_space<vmem>>, vector<16xf32>,
        %add3A_603 = arith.constant 360 : i32
        %add3A_604 = arith.addi %mul3A_322, %add3A_603 : i32
        %swap3A_605 = arith.index_cast %add3A_604 : i32 to index
        %swap3A_606 = tpu.vector_load %arg9[%swap3A_605] {strides = array<i32>} : memref<49168xf32, #tpu.memory_space<vmem>>, vector<16xf32>,
        tpu.vector_store %arg9[%swap3A_605], %get3A_582 {strides = array<i32>} : memref<49168xf32, #tpu.memory_space<vmem>>, vector<16xf32>,
        %add3A_607 = arith.constant 8 : i32
        %add3A_608 = arith.addi %add3A_604, %add3A_607 : i32
        %swap3A_609 = arith.index_cast %add3A_608 : i32 to index
        %swap3A_610 = tpu.vector_load %arg9[%swap3A_609] {strides = array<i32>} : memref<49168xf32, #tpu.memory_space<vmem>>, vector<16xf32>,
        tpu.vector_store %arg9[%swap3A_609], %get3A_586 {strides = array<i32>} : memref<49168xf32, #tpu.memory_space<vmem>>, vector<16xf32>,
      }
      %scan3A_238 = arith.constant 32 : i32
      %mul3A_239 = arith.constant 2048 : i32
      %mul3A_240 = arith.muli %add3A_221, %mul3A_239 : i32
      %add3A_241 = arith.addi %mul3A_2, %mul3A_240 : i32
      %mul3A_242 = arith.constant 24 : i32
      %mul3A_243 = arith.muli %add3A_241, %mul3A_242 : i32
      %add3A_244 = arith.constant 0 : i32
      %add3A_245 = arith.addi %mul3A_243, %add3A_244 : i32
      %multiple_of3A_246 = tpu.assume_multiple %add3A_245, 8 : i32
      %dma_start3A_247 = arith.constant 0 : i32
      %dma_start3A_248 = tpu.memref_slice %arg9[%dma_start3A_247] : memref<49168xf32, #tpu.memory_space<vmem>> -> memref<12288xf32, #tpu.memory_space<vmem>>
      %dma_start3A_249 = tpu.memref_slice %arg4[%multiple_of3A_246] : memref<78643200xf32, #tpu.memory_space<hbm>> -> memref<12288xf32, #tpu.memory_space<hbm>>
      %dma_start3A_250 = tpu.memref_slice %arg4[%multiple_of3A_246] : memref<78643200xf32, #tpu.memory_space<hbm>> -> memref<12288xf32, #tpu.memory_space<hbm>>
      %dma_start3A_251 = arith.constant 0 : i32
      %dma_start3A_252 = tpu.memref_slice %arg9[%dma_start3A_251] : memref<49168xf32, #tpu.memory_space<vmem>> -> memref<12288xf32, #tpu.memory_space<vmem>>
      tpu.enqueue_dma source(%dma_start3A_252 : memref<12288xf32, #tpu.memory_space<vmem>>) target(%dma_start3A_250 : memref<12288xf32, #tpu.memory_space<hbm>>) target_semaphore(%arg13 : memref<!tpu.dma_semaphore, #tpu.memory_space<semaphore_mem>>)
      %scan3A_253 = arith.constant 0 : i32
      %scan3A_254 = arith.constant 32 : i32
      %scan3A_255 = arith.constant 32 : i32
      %scan3A_256 = arith.addi %scan3A_254, %scan3A_255 : i32
      %scan3A_257 = arith.constant 1 : i32
      scf.for %scan3A_320 = %scan3A_254 to %scan3A_256 step %scan3A_257  : i32 {
        %mul3A_321 = arith.constant 384 : i32
        %mul3A_322 = arith.muli %scan3A_320, %mul3A_321 : i32
        %mul3A_323 = arith.constant 16 : i32
        %mul3A_324 = arith.muli %scan3A_320, %mul3A_323 : i32
        %get3A = arith.index_cast %mul3A_324 : i32 to index
        %get3A_325 = tpu.vector_load %arg7[%get3A] {strides = array<i32>} : memref<2048xi32, #tpu.memory_space<vmem>>, vector<16xi32>,
        %slice3A = vector.extract_strided_slice %get3A_325 {offsets = [0], sizes = [1], strides = [1]} : vector<16xi32> to vector<1xi32>
        %squeeze3A = vector.extract %slice3A[0] : i32 from vector<1xi32>
        %mul3A_326 = arith.constant 32 : i32
        %mul3A_327 = arith.muli %squeeze3A, %mul3A_326 : i32
        %get3A_328 = arith.index_cast %mul3A_327 : i32 to index
        %get3A_329 = tpu.vector_load %arg5[%get3A_328] {strides = array<i32>} : memref<768xf32, #tpu.memory_space<vmem>>, vector<16xf32>,
        %add3A_330 = arith.constant 8 : i32
        %add3A_331 = arith.addi %mul3A_327, %add3A_330 : i32
        %get3A_332 = arith.index_cast %add3A_331 : i32 to index
        %get3A_333 = tpu.vector_load %arg5[%get3A_332] {strides = array<i32>} : memref<768xf32, #tpu.memory_space<vmem>>, vector<16xf32>,
        %slice3A_334 = vector.extract_strided_slice %get3A_325 {offsets = [1], sizes = [1], strides = [1]} : vector<16xi32> to vector<1xi32>
        %squeeze3A_335 = vector.extract %slice3A_334[0] : i32 from vector<1xi32>
        %mul3A_336 = arith.constant 32 : i32
        %mul3A_337 = arith.muli %squeeze3A_335, %mul3A_336 : i32
        %get3A_338 = arith.index_cast %mul3A_337 : i32 to index
        %get3A_339 = tpu.vector_load %arg5[%get3A_338] {strides = array<i32>} : memref<768xf32, #tpu.memory_space<vmem>>, vector<16xf32>,
        %add3A_340 = arith.constant 8 : i32
        %add3A_341 = arith.addi %mul3A_337, %add3A_340 : i32
        %get3A_342 = arith.index_cast %add3A_341 : i32 to index
        %get3A_343 = tpu.vector_load %arg5[%get3A_342] {strides = array<i32>} : memref<768xf32, #tpu.memory_space<vmem>>, vector<16xf32>,
        %slice3A_344 = vector.extract_strided_slice %get3A_325 {offsets = [2], sizes = [1], strides = [1]} : vector<16xi32> to vector<1xi32>
        %squeeze3A_345 = vector.extract %slice3A_344[0] : i32 from vector<1xi32>
        %mul3A_346 = arith.constant 32 : i32
        %mul3A_347 = arith.muli %squeeze3A_345, %mul3A_346 : i32
        %get3A_348 = arith.index_cast %mul3A_347 : i32 to index
        %get3A_349 = tpu.vector_load %arg5[%get3A_348] {strides = array<i32>} : memref<768xf32, #tpu.memory_space<vmem>>, vector<16xf32>,
        %add3A_350 = arith.constant 8 : i32
        %add3A_351 = arith.addi %mul3A_347, %add3A_350 : i32
        %get3A_352 = arith.index_cast %add3A_351 : i32 to index
        %get3A_353 = tpu.vector_load %arg5[%get3A_352] {strides = array<i32>} : memref<768xf32, #tpu.memory_space<vmem>>, vector<16xf32>,
        %add3A_354 = arith.constant 0 : i32
        %add3A_355 = arith.addi %mul3A_322, %add3A_354 : i32
        %swap3A = arith.index_cast %add3A_355 : i32 to index
        %swap3A_356 = tpu.vector_load %arg9[%swap3A] {strides = array<i32>} : memref<49168xf32, #tpu.memory_space<vmem>>, vector<16xf32>,
        tpu.vector_store %arg9[%swap3A], %get3A_329 {strides = array<i32>} : memref<49168xf32, #tpu.memory_space<vmem>>, vector<16xf32>,
        %add3A_357 = arith.constant 8 : i32
        %add3A_358 = arith.addi %add3A_355, %add3A_357 : i32
        %swap3A_359 = arith.index_cast %add3A_358 : i32 to index
        %swap3A_360 = tpu.vector_load %arg9[%swap3A_359] {strides = array<i32>} : memref<49168xf32, #tpu.memory_space<vmem>>, vector<16xf32>,
        tpu.vector_store %arg9[%swap3A_359], %get3A_333 {strides = array<i32>} : memref<49168xf32, #tpu.memory_space<vmem>>, vector<16xf32>,
        %slice3A_361 = vector.extract_strided_slice %get3A_325 {offsets = [3], sizes = [1], strides = [1]} : vector<16xi32> to vector<1xi32>
        %squeeze3A_362 = vector.extract %slice3A_361[0] : i32 from vector<1xi32>
        %mul3A_363 = arith.constant 32 : i32
        %mul3A_364 = arith.muli %squeeze3A_362, %mul3A_363 : i32
        %get3A_365 = arith.index_cast %mul3A_364 : i32 to index
        %get3A_366 = tpu.vector_load %arg5[%get3A_365] {strides = array<i32>} : memref<768xf32, #tpu.memory_space<vmem>>, vector<16xf32>,
        %add3A_367 = arith.constant 8 : i32
        %add3A_368 = arith.addi %mul3A_364, %add3A_367 : i32
        %get3A_369 = arith.index_cast %add3A_368 : i32 to index
        %get3A_370 = tpu.vector_load %arg5[%get3A_369] {strides = array<i32>} : memref<768xf32, #tpu.memory_space<vmem>>, vector<16xf32>,
        %add3A_371 = arith.constant 24 : i32
        %add3A_372 = arith.addi %mul3A_322, %add3A_371 : i32
        %swap3A_373 = arith.index_cast %add3A_372 : i32 to index
        %swap3A_374 = tpu.vector_load %arg9[%swap3A_373] {strides = array<i32>} : memref<49168xf32, #tpu.memory_space<vmem>>, vector<16xf32>,
        tpu.vector_store %arg9[%swap3A_373], %get3A_339 {strides = array<i32>} : memref<49168xf32, #tpu.memory_space<vmem>>, vector<16xf32>,
        %add3A_375 = arith.constant 8 : i32
        %add3A_376 = arith.addi %add3A_372, %add3A_375 : i32
        %swap3A_377 = arith.index_cast %add3A_376 : i32 to index
        %swap3A_378 = tpu.vector_load %arg9[%swap3A_377] {strides = array<i32>} : memref<49168xf32, #tpu.memory_space<vmem>>, vector<16xf32>,
        tpu.vector_store %arg9[%swap3A_377], %get3A_343 {strides = array<i32>} : memref<49168xf32, #tpu.memory_space<vmem>>, vector<16xf32>,
        %slice3A_379 = vector.extract_strided_slice %get3A_325 {offsets = [4], sizes = [1], strides = [1]} : vector<16xi32> to vector<1xi32>
        %squeeze3A_380 = vector.extract %slice3A_379[0] : i32 from vector<1xi32>
        %mul3A_381 = arith.constant 32 : i32
        %mul3A_382 = arith.muli %squeeze3A_380, %mul3A_381 : i32
        %get3A_383 = arith.index_cast %mul3A_382 : i32 to index
        %get3A_384 = tpu.vector_load %arg5[%get3A_383] {strides = array<i32>} : memref<768xf32, #tpu.memory_space<vmem>>, vector<16xf32>,
        %add3A_385 = arith.constant 8 : i32
        %add3A_386 = arith.addi %mul3A_382, %add3A_385 : i32
        %get3A_387 = arith.index_cast %add3A_386 : i32 to index
        %get3A_388 = tpu.vector_load %arg5[%get3A_387] {strides = array<i32>} : memref<768xf32, #tpu.memory_space<vmem>>, vector<16xf32>,
        %add3A_389 = arith.constant 48 : i32
        %add3A_390 = arith.addi %mul3A_322, %add3A_389 : i32
        %swap3A_391 = arith.index_cast %add3A_390 : i32 to index
        %swap3A_392 = tpu.vector_load %arg9[%swap3A_391] {strides = array<i32>} : memref<49168xf32, #tpu.memory_space<vmem>>, vector<16xf32>,
        tpu.vector_store %arg9[%swap3A_391], %get3A_349 {strides = array<i32>} : memref<49168xf32, #tpu.memory_space<vmem>>, vector<16xf32>,
        %add3A_393 = arith.constant 8 : i32
        %add3A_394 = arith.addi %add3A_390, %add3A_393 : i32
        %swap3A_395 = arith.index_cast %add3A_394 : i32 to index
        %swap3A_396 = tpu.vector_load %arg9[%swap3A_395] {strides = array<i32>} : memref<49168xf32, #tpu.memory_space<vmem>>, vector<16xf32>,
        tpu.vector_store %arg9[%swap3A_395], %get3A_353 {strides = array<i32>} : memref<49168xf32, #tpu.memory_space<vmem>>, vector<16xf32>,
        %slice3A_397 = vector.extract_strided_slice %get3A_325 {offsets = [5], sizes = [1], strides = [1]} : vector<16xi32> to vector<1xi32>
        %squeeze3A_398 = vector.extract %slice3A_397[0] : i32 from vector<1xi32>
        %mul3A_399 = arith.constant 32 : i32
        %mul3A_400 = arith.muli %squeeze3A_398, %mul3A_399 : i32
        %get3A_401 = arith.index_cast %mul3A_400 : i32 to index
        %get3A_402 = tpu.vector_load %arg5[%get3A_401] {strides = array<i32>} : memref<768xf32, #tpu.memory_space<vmem>>, vector<16xf32>,
        %add3A_403 = arith.constant 8 : i32
        %add3A_404 = arith.addi %mul3A_400, %add3A_403 : i32
        %get3A_405 = arith.index_cast %add3A_404 : i32 to index
        %get3A_406 = tpu.vector_load %arg5[%get3A_405] {strides = array<i32>} : memref<768xf32, #tpu.memory_space<vmem>>, vector<16xf32>,
        %add3A_407 = arith.constant 72 : i32
        %add3A_408 = arith.addi %mul3A_322, %add3A_407 : i32
        %swap3A_409 = arith.index_cast %add3A_408 : i32 to index
        %swap3A_410 = tpu.vector_load %arg9[%swap3A_409] {strides = array<i32>} : memref<49168xf32, #tpu.memory_space<vmem>>, vector<16xf32>,
        tpu.vector_store %arg9[%swap3A_409], %get3A_366 {strides = array<i32>} : memref<49168xf32, #tpu.memory_space<vmem>>, vector<16xf32>,
        %add3A_411 = arith.constant 8 : i32
        %add3A_412 = arith.addi %add3A_408, %add3A_411 : i32
        %swap3A_413 = arith.index_cast %add3A_412 : i32 to index
        %swap3A_414 = tpu.vector_load %arg9[%swap3A_413] {strides = array<i32>} : memref<49168xf32, #tpu.memory_space<vmem>>, vector<16xf32>,
        tpu.vector_store %arg9[%swap3A_413], %get3A_370 {strides = array<i32>} : memref<49168xf32, #tpu.memory_space<vmem>>, vector<16xf32>,
        %slice3A_415 = vector.extract_strided_slice %get3A_325 {offsets = [6], sizes = [1], strides = [1]} : vector<16xi32> to vector<1xi32>
        %squeeze3A_416 = vector.extract %slice3A_415[0] : i32 from vector<1xi32>
        %mul3A_417 = arith.constant 32 : i32
        %mul3A_418 = arith.muli %squeeze3A_416, %mul3A_417 : i32
        %get3A_419 = arith.index_cast %mul3A_418 : i32 to index
        %get3A_420 = tpu.vector_load %arg5[%get3A_419] {strides = array<i32>} : memref<768xf32, #tpu.memory_space<vmem>>, vector<16xf32>,
        %add3A_421 = arith.constant 8 : i32
        %add3A_422 = arith.addi %mul3A_418, %add3A_421 : i32
        %get3A_423 = arith.index_cast %add3A_422 : i32 to index
        %get3A_424 = tpu.vector_load %arg5[%get3A_423] {strides = array<i32>} : memref<768xf32, #tpu.memory_space<vmem>>, vector<16xf32>,
        %add3A_425 = arith.constant 96 : i32
        %add3A_426 = arith.addi %mul3A_322, %add3A_425 : i32
        %swap3A_427 = arith.index_cast %add3A_426 : i32 to index
        %swap3A_428 = tpu.vector_load %arg9[%swap3A_427] {strides = array<i32>} : memref<49168xf32, #tpu.memory_space<vmem>>, vector<16xf32>,
        tpu.vector_store %arg9[%swap3A_427], %get3A_384 {strides = array<i32>} : memref<49168xf32, #tpu.memory_space<vmem>>, vector<16xf32>,
        %add3A_429 = arith.constant 8 : i32
        %add3A_430 = arith.addi %add3A_426, %add3A_429 : i32
        %swap3A_431 = arith.index_cast %add3A_430 : i32 to index
        %swap3A_432 = tpu.vector_load %arg9[%swap3A_431] {strides = array<i32>} : memref<49168xf32, #tpu.memory_space<vmem>>, vector<16xf32>,
        tpu.vector_store %arg9[%swap3A_431], %get3A_388 {strides = array<i32>} : memref<49168xf32, #tpu.memory_space<vmem>>, vector<16xf32>,
        %slice3A_433 = vector.extract_strided_slice %get3A_325 {offsets = [7], sizes = [1], strides = [1]} : vector<16xi32> to vector<1xi32>
        %squeeze3A_434 = vector.extract %slice3A_433[0] : i32 from vector<1xi32>
        %mul3A_435 = arith.constant 32 : i32
        %mul3A_436 = arith.muli %squeeze3A_434, %mul3A_435 : i32
        %get3A_437 = arith.index_cast %mul3A_436 : i32 to index
        %get3A_438 = tpu.vector_load %arg5[%get3A_437] {strides = array<i32>} : memref<768xf32, #tpu.memory_space<vmem>>, vector<16xf32>,
        %add3A_439 = arith.constant 8 : i32
        %add3A_440 = arith.addi %mul3A_436, %add3A_439 : i32
        %get3A_441 = arith.index_cast %add3A_440 : i32 to index
        %get3A_442 = tpu.vector_load %arg5[%get3A_441] {strides = array<i32>} : memref<768xf32, #tpu.memory_space<vmem>>, vector<16xf32>,
        %add3A_443 = arith.constant 120 : i32
        %add3A_444 = arith.addi %mul3A_322, %add3A_443 : i32
        %swap3A_445 = arith.index_cast %add3A_444 : i32 to index
        %swap3A_446 = tpu.vector_load %arg9[%swap3A_445] {strides = array<i32>} : memref<49168xf32, #tpu.memory_space<vmem>>, vector<16xf32>,
        tpu.vector_store %arg9[%swap3A_445], %get3A_402 {strides = array<i32>} : memref<49168xf32, #tpu.memory_space<vmem>>, vector<16xf32>,
        %add3A_447 = arith.constant 8 : i32
        %add3A_448 = arith.addi %add3A_444, %add3A_447 : i32
        %swap3A_449 = arith.index_cast %add3A_448 : i32 to index
        %swap3A_450 = tpu.vector_load %arg9[%swap3A_449] {strides = array<i32>} : memref<49168xf32, #tpu.memory_space<vmem>>, vector<16xf32>,
        tpu.vector_store %arg9[%swap3A_449], %get3A_406 {strides = array<i32>} : memref<49168xf32, #tpu.memory_space<vmem>>, vector<16xf32>,
        %slice3A_451 = vector.extract_strided_slice %get3A_325 {offsets = [8], sizes = [1], strides = [1]} : vector<16xi32> to vector<1xi32>
        %squeeze3A_452 = vector.extract %slice3A_451[0] : i32 from vector<1xi32>
        %mul3A_453 = arith.constant 32 : i32
        %mul3A_454 = arith.muli %squeeze3A_452, %mul3A_453 : i32
        %get3A_455 = arith.index_cast %mul3A_454 : i32 to index
        %get3A_456 = tpu.vector_load %arg5[%get3A_455] {strides = array<i32>} : memref<768xf32, #tpu.memory_space<vmem>>, vector<16xf32>,
        %add3A_457 = arith.constant 8 : i32
        %add3A_458 = arith.addi %mul3A_454, %add3A_457 : i32
        %get3A_459 = arith.index_cast %add3A_458 : i32 to index
        %get3A_460 = tpu.vector_load %arg5[%get3A_459] {strides = array<i32>} : memref<768xf32, #tpu.memory_space<vmem>>, vector<16xf32>,
        %add3A_461 = arith.constant 144 : i32
        %add3A_462 = arith.addi %mul3A_322, %add3A_461 : i32
        %swap3A_463 = arith.index_cast %add3A_462 : i32 to index
        %swap3A_464 = tpu.vector_load %arg9[%swap3A_463] {strides = array<i32>} : memref<49168xf32, #tpu.memory_space<vmem>>, vector<16xf32>,
        tpu.vector_store %arg9[%swap3A_463], %get3A_420 {strides = array<i32>} : memref<49168xf32, #tpu.memory_space<vmem>>, vector<16xf32>,
        %add3A_465 = arith.constant 8 : i32
        %add3A_466 = arith.addi %add3A_462, %add3A_465 : i32
        %swap3A_467 = arith.index_cast %add3A_466 : i32 to index
        %swap3A_468 = tpu.vector_load %arg9[%swap3A_467] {strides = array<i32>} : memref<49168xf32, #tpu.memory_space<vmem>>, vector<16xf32>,
        tpu.vector_store %arg9[%swap3A_467], %get3A_424 {strides = array<i32>} : memref<49168xf32, #tpu.memory_space<vmem>>, vector<16xf32>,
        %slice3A_469 = vector.extract_strided_slice %get3A_325 {offsets = [9], sizes = [1], strides = [1]} : vector<16xi32> to vector<1xi32>
        %squeeze3A_470 = vector.extract %slice3A_469[0] : i32 from vector<1xi32>
        %mul3A_471 = arith.constant 32 : i32
        %mul3A_472 = arith.muli %squeeze3A_470, %mul3A_471 : i32
        %get3A_473 = arith.index_cast %mul3A_472 : i32 to index
        %get3A_474 = tpu.vector_load %arg5[%get3A_473] {strides = array<i32>} : memref<768xf32, #tpu.memory_space<vmem>>, vector<16xf32>,
        %add3A_475 = arith.constant 8 : i32
        %add3A_476 = arith.addi %mul3A_472, %add3A_475 : i32
        %get3A_477 = arith.index_cast %add3A_476 : i32 to index
        %get3A_478 = tpu.vector_load %arg5[%get3A_477] {strides = array<i32>} : memref<768xf32, #tpu.memory_space<vmem>>, vector<16xf32>,
        %add3A_479 = arith.constant 168 : i32
        %add3A_480 = arith.addi %mul3A_322, %add3A_479 : i32
        %swap3A_481 = arith.index_cast %add3A_480 : i32 to index
        %swap3A_482 = tpu.vector_load %arg9[%swap3A_481] {strides = array<i32>} : memref<49168xf32, #tpu.memory_space<vmem>>, vector<16xf32>,
        tpu.vector_store %arg9[%swap3A_481], %get3A_438 {strides = array<i32>} : memref<49168xf32, #tpu.memory_space<vmem>>, vector<16xf32>,
        %add3A_483 = arith.constant 8 : i32
        %add3A_484 = arith.addi %add3A_480, %add3A_483 : i32
        %swap3A_485 = arith.index_cast %add3A_484 : i32 to index
        %swap3A_486 = tpu.vector_load %arg9[%swap3A_485] {strides = array<i32>} : memref<49168xf32, #tpu.memory_space<vmem>>, vector<16xf32>,
        tpu.vector_store %arg9[%swap3A_485], %get3A_442 {strides = array<i32>} : memref<49168xf32, #tpu.memory_space<vmem>>, vector<16xf32>,
        %slice3A_487 = vector.extract_strided_slice %get3A_325 {offsets = [10], sizes = [1], strides = [1]} : vector<16xi32> to vector<1xi32>
        %squeeze3A_488 = vector.extract %slice3A_487[0] : i32 from vector<1xi32>
        %mul3A_489 = arith.constant 32 : i32
        %mul3A_490 = arith.muli %squeeze3A_488, %mul3A_489 : i32
        %get3A_491 = arith.index_cast %mul3A_490 : i32 to index
        %get3A_492 = tpu.vector_load %arg5[%get3A_491] {strides = array<i32>} : memref<768xf32, #tpu.memory_space<vmem>>, vector<16xf32>,
        %add3A_493 = arith.constant 8 : i32
        %add3A_494 = arith.addi %mul3A_490, %add3A_493 : i32
        %get3A_495 = arith.index_cast %add3A_494 : i32 to index
        %get3A_496 = tpu.vector_load %arg5[%get3A_495] {strides = array<i32>} : memref<768xf32, #tpu.memory_space<vmem>>, vector<16xf32>,
        %add3A_497 = arith.constant 192 : i32
        %add3A_498 = arith.addi %mul3A_322, %add3A_497 : i32
        %swap3A_499 = arith.index_cast %add3A_498 : i32 to index
        %swap3A_500 = tpu.vector_load %arg9[%swap3A_499] {strides = array<i32>} : memref<49168xf32, #tpu.memory_space<vmem>>, vector<16xf32>,
        tpu.vector_store %arg9[%swap3A_499], %get3A_456 {strides = array<i32>} : memref<49168xf32, #tpu.memory_space<vmem>>, vector<16xf32>,
        %add3A_501 = arith.constant 8 : i32
        %add3A_502 = arith.addi %add3A_498, %add3A_501 : i32
        %swap3A_503 = arith.index_cast %add3A_502 : i32 to index
        %swap3A_504 = tpu.vector_load %arg9[%swap3A_503] {strides = array<i32>} : memref<49168xf32, #tpu.memory_space<vmem>>, vector<16xf32>,
        tpu.vector_store %arg9[%swap3A_503], %get3A_460 {strides = array<i32>} : memref<49168xf32, #tpu.memory_space<vmem>>, vector<16xf32>,
        %slice3A_505 = vector.extract_strided_slice %get3A_325 {offsets = [11], sizes = [1], strides = [1]} : vector<16xi32> to vector<1xi32>
        %squeeze3A_506 = vector.extract %slice3A_505[0] : i32 from vector<1xi32>
        %mul3A_507 = arith.constant 32 : i32
        %mul3A_508 = arith.muli %squeeze3A_506, %mul3A_507 : i32
        %get3A_509 = arith.index_cast %mul3A_508 : i32 to index
        %get3A_510 = tpu.vector_load %arg5[%get3A_509] {strides = array<i32>} : memref<768xf32, #tpu.memory_space<vmem>>, vector<16xf32>,
        %add3A_511 = arith.constant 8 : i32
        %add3A_512 = arith.addi %mul3A_508, %add3A_511 : i32
        %get3A_513 = arith.index_cast %add3A_512 : i32 to index
        %get3A_514 = tpu.vector_load %arg5[%get3A_513] {strides = array<i32>} : memref<768xf32, #tpu.memory_space<vmem>>, vector<16xf32>,
        %add3A_515 = arith.constant 216 : i32
        %add3A_516 = arith.addi %mul3A_322, %add3A_515 : i32
        %swap3A_517 = arith.index_cast %add3A_516 : i32 to index
        %swap3A_518 = tpu.vector_load %arg9[%swap3A_517] {strides = array<i32>} : memref<49168xf32, #tpu.memory_space<vmem>>, vector<16xf32>,
        tpu.vector_store %arg9[%swap3A_517], %get3A_474 {strides = array<i32>} : memref<49168xf32, #tpu.memory_space<vmem>>, vector<16xf32>,
        %add3A_519 = arith.constant 8 : i32
        %add3A_520 = arith.addi %add3A_516, %add3A_519 : i32
        %swap3A_521 = arith.index_cast %add3A_520 : i32 to index
        %swap3A_522 = tpu.vector_load %arg9[%swap3A_521] {strides = array<i32>} : memref<49168xf32, #tpu.memory_space<vmem>>, vector<16xf32>,
        tpu.vector_store %arg9[%swap3A_521], %get3A_478 {strides = array<i32>} : memref<49168xf32, #tpu.memory_space<vmem>>, vector<16xf32>,
        %slice3A_523 = vector.extract_strided_slice %get3A_325 {offsets = [12], sizes = [1], strides = [1]} : vector<16xi32> to vector<1xi32>
        %squeeze3A_524 = vector.extract %slice3A_523[0] : i32 from vector<1xi32>
        %mul3A_525 = arith.constant 32 : i32
        %mul3A_526 = arith.muli %squeeze3A_524, %mul3A_525 : i32
        %get3A_527 = arith.index_cast %mul3A_526 : i32 to index
        %get3A_528 = tpu.vector_load %arg5[%get3A_527] {strides = array<i32>} : memref<768xf32, #tpu.memory_space<vmem>>, vector<16xf32>,
        %add3A_529 = arith.constant 8 : i32
        %add3A_530 = arith.addi %mul3A_526, %add3A_529 : i32
        %get3A_531 = arith.index_cast %add3A_530 : i32 to index
        %get3A_532 = tpu.vector_load %arg5[%get3A_531] {strides = array<i32>} : memref<768xf32, #tpu.memory_space<vmem>>, vector<16xf32>,
        %add3A_533 = arith.constant 240 : i32
        %add3A_534 = arith.addi %mul3A_322, %add3A_533 : i32
        %swap3A_535 = arith.index_cast %add3A_534 : i32 to index
        %swap3A_536 = tpu.vector_load %arg9[%swap3A_535] {strides = array<i32>} : memref<49168xf32, #tpu.memory_space<vmem>>, vector<16xf32>,
        tpu.vector_store %arg9[%swap3A_535], %get3A_492 {strides = array<i32>} : memref<49168xf32, #tpu.memory_space<vmem>>, vector<16xf32>,
        %add3A_537 = arith.constant 8 : i32
        %add3A_538 = arith.addi %add3A_534, %add3A_537 : i32
        %swap3A_539 = arith.index_cast %add3A_538 : i32 to index
        %swap3A_540 = tpu.vector_load %arg9[%swap3A_539] {strides = array<i32>} : memref<49168xf32, #tpu.memory_space<vmem>>, vector<16xf32>,
        tpu.vector_store %arg9[%swap3A_539], %get3A_496 {strides = array<i32>} : memref<49168xf32, #tpu.memory_space<vmem>>, vector<16xf32>,
        %slice3A_541 = vector.extract_strided_slice %get3A_325 {offsets = [13], sizes = [1], strides = [1]} : vector<16xi32> to vector<1xi32>
        %squeeze3A_542 = vector.extract %slice3A_541[0] : i32 from vector<1xi32>
        %mul3A_543 = arith.constant 32 : i32
        %mul3A_544 = arith.muli %squeeze3A_542, %mul3A_543 : i32
        %get3A_545 = arith.index_cast %mul3A_544 : i32 to index
        %get3A_546 = tpu.vector_load %arg5[%get3A_545] {strides = array<i32>} : memref<768xf32, #tpu.memory_space<vmem>>, vector<16xf32>,
        %add3A_547 = arith.constant 8 : i32
        %add3A_548 = arith.addi %mul3A_544, %add3A_547 : i32
        %get3A_549 = arith.index_cast %add3A_548 : i32 to index
        %get3A_550 = tpu.vector_load %arg5[%get3A_549] {strides = array<i32>} : memref<768xf32, #tpu.memory_space<vmem>>, vector<16xf32>,
        %add3A_551 = arith.constant 264 : i32
        %add3A_552 = arith.addi %mul3A_322, %add3A_551 : i32
        %swap3A_553 = arith.index_cast %add3A_552 : i32 to index
        %swap3A_554 = tpu.vector_load %arg9[%swap3A_553] {strides = array<i32>} : memref<49168xf32, #tpu.memory_space<vmem>>, vector<16xf32>,
        tpu.vector_store %arg9[%swap3A_553], %get3A_510 {strides = array<i32>} : memref<49168xf32, #tpu.memory_space<vmem>>, vector<16xf32>,
        %add3A_555 = arith.constant 8 : i32
        %add3A_556 = arith.addi %add3A_552, %add3A_555 : i32
        %swap3A_557 = arith.index_cast %add3A_556 : i32 to index
        %swap3A_558 = tpu.vector_load %arg9[%swap3A_557] {strides = array<i32>} : memref<49168xf32, #tpu.memory_space<vmem>>, vector<16xf32>,
        tpu.vector_store %arg9[%swap3A_557], %get3A_514 {strides = array<i32>} : memref<49168xf32, #tpu.memory_space<vmem>>, vector<16xf32>,
        %slice3A_559 = vector.extract_strided_slice %get3A_325 {offsets = [14], sizes = [1], strides = [1]} : vector<16xi32> to vector<1xi32>
        %squeeze3A_560 = vector.extract %slice3A_559[0] : i32 from vector<1xi32>
        %mul3A_561 = arith.constant 32 : i32
        %mul3A_562 = arith.muli %squeeze3A_560, %mul3A_561 : i32
        %get3A_563 = arith.index_cast %mul3A_562 : i32 to index
        %get3A_564 = tpu.vector_load %arg5[%get3A_563] {strides = array<i32>} : memref<768xf32, #tpu.memory_space<vmem>>, vector<16xf32>,
        %add3A_565 = arith.constant 8 : i32
        %add3A_566 = arith.addi %mul3A_562, %add3A_565 : i32
        %get3A_567 = arith.index_cast %add3A_566 : i32 to index
        %get3A_568 = tpu.vector_load %arg5[%get3A_567] {strides = array<i32>} : memref<768xf32, #tpu.memory_space<vmem>>, vector<16xf32>,
        %add3A_569 = arith.constant 288 : i32
        %add3A_570 = arith.addi %mul3A_322, %add3A_569 : i32
        %swap3A_571 = arith.index_cast %add3A_570 : i32 to index
        %swap3A_572 = tpu.vector_load %arg9[%swap3A_571] {strides = array<i32>} : memref<49168xf32, #tpu.memory_space<vmem>>, vector<16xf32>,
        tpu.vector_store %arg9[%swap3A_571], %get3A_528 {strides = array<i32>} : memref<49168xf32, #tpu.memory_space<vmem>>, vector<16xf32>,
        %add3A_573 = arith.constant 8 : i32
        %add3A_574 = arith.addi %add3A_570, %add3A_573 : i32
        %swap3A_575 = arith.index_cast %add3A_574 : i32 to index
        %swap3A_576 = tpu.vector_load %arg9[%swap3A_575] {strides = array<i32>} : memref<49168xf32, #tpu.memory_space<vmem>>, vector<16xf32>,
        tpu.vector_store %arg9[%swap3A_575], %get3A_532 {strides = array<i32>} : memref<49168xf32, #tpu.memory_space<vmem>>, vector<16xf32>,
        %slice3A_577 = vector.extract_strided_slice %get3A_325 {offsets = [15], sizes = [1], strides = [1]} : vector<16xi32> to vector<1xi32>
        %squeeze3A_578 = vector.extract %slice3A_577[0] : i32 from vector<1xi32>
        %mul3A_579 = arith.constant 32 : i32
        %mul3A_580 = arith.muli %squeeze3A_578, %mul3A_579 : i32
        %get3A_581 = arith.index_cast %mul3A_580 : i32 to index
        %get3A_582 = tpu.vector_load %arg5[%get3A_581] {strides = array<i32>} : memref<768xf32, #tpu.memory_space<vmem>>, vector<16xf32>,
        %add3A_583 = arith.constant 8 : i32
        %add3A_584 = arith.addi %mul3A_580, %add3A_583 : i32
        %get3A_585 = arith.index_cast %add3A_584 : i32 to index
        %get3A_586 = tpu.vector_load %arg5[%get3A_585] {strides = array<i32>} : memref<768xf32, #tpu.memory_space<vmem>>, vector<16xf32>,
        %add3A_587 = arith.constant 312 : i32
        %add3A_588 = arith.addi %mul3A_322, %add3A_587 : i32
        %swap3A_589 = arith.index_cast %add3A_588 : i32 to index
        %swap3A_590 = tpu.vector_load %arg9[%swap3A_589] {strides = array<i32>} : memref<49168xf32, #tpu.memory_space<vmem>>, vector<16xf32>,
        tpu.vector_store %arg9[%swap3A_589], %get3A_546 {strides = array<i32>} : memref<49168xf32, #tpu.memory_space<vmem>>, vector<16xf32>,
        %add3A_591 = arith.constant 8 : i32
        %add3A_592 = arith.addi %add3A_588, %add3A_591 : i32
        %swap3A_593 = arith.index_cast %add3A_592 : i32 to index
        %swap3A_594 = tpu.vector_load %arg9[%swap3A_593] {strides = array<i32>} : memref<49168xf32, #tpu.memory_space<vmem>>, vector<16xf32>,
        tpu.vector_store %arg9[%swap3A_593], %get3A_550 {strides = array<i32>} : memref<49168xf32, #tpu.memory_space<vmem>>, vector<16xf32>,
        %add3A_595 = arith.constant 336 : i32
        %add3A_596 = arith.addi %mul3A_322, %add3A_595 : i32
        %swap3A_597 = arith.index_cast %add3A_596 : i32 to index
        %swap3A_598 = tpu.vector_load %arg9[%swap3A_597] {strides = array<i32>} : memref<49168xf32, #tpu.memory_space<vmem>>, vector<16xf32>,
        tpu.vector_store %arg9[%swap3A_597], %get3A_564 {strides = array<i32>} : memref<49168xf32, #tpu.memory_space<vmem>>, vector<16xf32>,
        %add3A_599 = arith.constant 8 : i32
        %add3A_600 = arith.addi %add3A_596, %add3A_599 : i32
        %swap3A_601 = arith.index_cast %add3A_600 : i32 to index
        %swap3A_602 = tpu.vector_load %arg9[%swap3A_601] {strides = array<i32>} : memref<49168xf32, #tpu.memory_space<vmem>>, vector<16xf32>,
        tpu.vector_store %arg9[%swap3A_601], %get3A_568 {strides = array<i32>} : memref<49168xf32, #tpu.memory_space<vmem>>, vector<16xf32>,
        %add3A_603 = arith.constant 360 : i32
        %add3A_604 = arith.addi %mul3A_322, %add3A_603 : i32
        %swap3A_605 = arith.index_cast %add3A_604 : i32 to index
        %swap3A_606 = tpu.vector_load %arg9[%swap3A_605] {strides = array<i32>} : memref<49168xf32, #tpu.memory_space<vmem>>, vector<16xf32>,
        tpu.vector_store %arg9[%swap3A_605], %get3A_582 {strides = array<i32>} : memref<49168xf32, #tpu.memory_space<vmem>>, vector<16xf32>,
        %add3A_607 = arith.constant 8 : i32
        %add3A_608 = arith.addi %add3A_604, %add3A_607 : i32
        %swap3A_609 = arith.index_cast %add3A_608 : i32 to index
        %swap3A_610 = tpu.vector_load %arg9[%swap3A_609] {strides = array<i32>} : memref<49168xf32, #tpu.memory_space<vmem>>, vector<16xf32>,
        tpu.vector_store %arg9[%swap3A_609], %get3A_586 {strides = array<i32>} : memref<49168xf32, #tpu.memory_space<vmem>>, vector<16xf32>,
      }
      %scan3A_258 = arith.constant 32 : i32
      %mul3A_259 = arith.constant 2048 : i32
      %mul3A_260 = arith.muli %add3A_221, %mul3A_259 : i32
      %add3A_261 = arith.addi %mul3A_2, %mul3A_260 : i32
      %mul3A_262 = arith.constant 24 : i32
      %mul3A_263 = arith.muli %add3A_261, %mul3A_262 : i32
      %add3A_264 = arith.constant 12288 : i32
      %add3A_265 = arith.addi %mul3A_263, %add3A_264 : i32
      %multiple_of3A_266 = tpu.assume_multiple %add3A_265, 8 : i32
      %dma_start3A_267 = arith.constant 12288 : i32
      %dma_start3A_268 = tpu.memref_slice %arg9[%dma_start3A_267] : memref<49168xf32, #tpu.memory_space<vmem>> -> memref<12288xf32, #tpu.memory_space<vmem>>
      %dma_start3A_269 = tpu.memref_slice %arg4[%multiple_of3A_266] : memref<78643200xf32, #tpu.memory_space<hbm>> -> memref<12288xf32, #tpu.memory_space<hbm>>
      %dma_start3A_270 = tpu.memref_slice %arg4[%multiple_of3A_266] : memref<78643200xf32, #tpu.memory_space<hbm>> -> memref<12288xf32, #tpu.memory_space<hbm>>
      %dma_start3A_271 = arith.constant 12288 : i32
      %dma_start3A_272 = tpu.memref_slice %arg9[%dma_start3A_271] : memref<49168xf32, #tpu.memory_space<vmem>> -> memref<12288xf32, #tpu.memory_space<vmem>>
      tpu.enqueue_dma source(%dma_start3A_272 : memref<12288xf32, #tpu.memory_space<vmem>>) target(%dma_start3A_270 : memref<12288xf32, #tpu.memory_space<hbm>>) target_semaphore(%arg13 : memref<!tpu.dma_semaphore, #tpu.memory_space<semaphore_mem>>)
      %scan3A_273 = arith.constant 0 : i32
      %scan3A_274 = arith.constant 64 : i32
      %scan3A_275 = arith.constant 32 : i32
      %scan3A_276 = arith.addi %scan3A_274, %scan3A_275 : i32
      %scan3A_277 = arith.constant 1 : i32
      scf.for %scan3A_320 = %scan3A_274 to %scan3A_276 step %scan3A_277  : i32 {
        %mul3A_321 = arith.constant 384 : i32
        %mul3A_322 = arith.muli %scan3A_320, %mul3A_321 : i32
        %mul3A_323 = arith.constant 16 : i32
        %mul3A_324 = arith.muli %scan3A_320, %mul3A_323 : i32
        %get3A = arith.index_cast %mul3A_324 : i32 to index
        %get3A_325 = tpu.vector_load %arg7[%get3A] {strides = array<i32>} : memref<2048xi32, #tpu.memory_space<vmem>>, vector<16xi32>,
        %slice3A = vector.extract_strided_slice %get3A_325 {offsets = [0], sizes = [1], strides = [1]} : vector<16xi32> to vector<1xi32>
        %squeeze3A = vector.extract %slice3A[0] : i32 from vector<1xi32>
        %mul3A_326 = arith.constant 32 : i32
        %mul3A_327 = arith.muli %squeeze3A, %mul3A_326 : i32
        %get3A_328 = arith.index_cast %mul3A_327 : i32 to index
        %get3A_329 = tpu.vector_load %arg5[%get3A_328] {strides = array<i32>} : memref<768xf32, #tpu.memory_space<vmem>>, vector<16xf32>,
        %add3A_330 = arith.constant 8 : i32
        %add3A_331 = arith.addi %mul3A_327, %add3A_330 : i32
        %get3A_332 = arith.index_cast %add3A_331 : i32 to index
        %get3A_333 = tpu.vector_load %arg5[%get3A_332] {strides = array<i32>} : memref<768xf32, #tpu.memory_space<vmem>>, vector<16xf32>,
        %slice3A_334 = vector.extract_strided_slice %get3A_325 {offsets = [1], sizes = [1], strides = [1]} : vector<16xi32> to vector<1xi32>
        %squeeze3A_335 = vector.extract %slice3A_334[0] : i32 from vector<1xi32>
        %mul3A_336 = arith.constant 32 : i32
        %mul3A_337 = arith.muli %squeeze3A_335, %mul3A_336 : i32
        %get3A_338 = arith.index_cast %mul3A_337 : i32 to index
        %get3A_339 = tpu.vector_load %arg5[%get3A_338] {strides = array<i32>} : memref<768xf32, #tpu.memory_space<vmem>>, vector<16xf32>,
        %add3A_340 = arith.constant 8 : i32
        %add3A_341 = arith.addi %mul3A_337, %add3A_340 : i32
        %get3A_342 = arith.index_cast %add3A_341 : i32 to index
        %get3A_343 = tpu.vector_load %arg5[%get3A_342] {strides = array<i32>} : memref<768xf32, #tpu.memory_space<vmem>>, vector<16xf32>,
        %slice3A_344 = vector.extract_strided_slice %get3A_325 {offsets = [2], sizes = [1], strides = [1]} : vector<16xi32> to vector<1xi32>
        %squeeze3A_345 = vector.extract %slice3A_344[0] : i32 from vector<1xi32>
        %mul3A_346 = arith.constant 32 : i32
        %mul3A_347 = arith.muli %squeeze3A_345, %mul3A_346 : i32
        %get3A_348 = arith.index_cast %mul3A_347 : i32 to index
        %get3A_349 = tpu.vector_load %arg5[%get3A_348] {strides = array<i32>} : memref<768xf32, #tpu.memory_space<vmem>>, vector<16xf32>,
        %add3A_350 = arith.constant 8 : i32
        %add3A_351 = arith.addi %mul3A_347, %add3A_350 : i32
        %get3A_352 = arith.index_cast %add3A_351 : i32 to index
        %get3A_353 = tpu.vector_load %arg5[%get3A_352] {strides = array<i32>} : memref<768xf32, #tpu.memory_space<vmem>>, vector<16xf32>,
        %add3A_354 = arith.constant 0 : i32
        %add3A_355 = arith.addi %mul3A_322, %add3A_354 : i32
        %swap3A = arith.index_cast %add3A_355 : i32 to index
        %swap3A_356 = tpu.vector_load %arg9[%swap3A] {strides = array<i32>} : memref<49168xf32, #tpu.memory_space<vmem>>, vector<16xf32>,
        tpu.vector_store %arg9[%swap3A], %get3A_329 {strides = array<i32>} : memref<49168xf32, #tpu.memory_space<vmem>>, vector<16xf32>,
        %add3A_357 = arith.constant 8 : i32
        %add3A_358 = arith.addi %add3A_355, %add3A_357 : i32
        %swap3A_359 = arith.index_cast %add3A_358 : i32 to index
        %swap3A_360 = tpu.vector_load %arg9[%swap3A_359] {strides = array<i32>} : memref<49168xf32, #tpu.memory_space<vmem>>, vector<16xf32>,
        tpu.vector_store %arg9[%swap3A_359], %get3A_333 {strides = array<i32>} : memref<49168xf32, #tpu.memory_space<vmem>>, vector<16xf32>,
        %slice3A_361 = vector.extract_strided_slice %get3A_325 {offsets = [3], sizes = [1], strides = [1]} : vector<16xi32> to vector<1xi32>
        %squeeze3A_362 = vector.extract %slice3A_361[0] : i32 from vector<1xi32>
        %mul3A_363 = arith.constant 32 : i32
        %mul3A_364 = arith.muli %squeeze3A_362, %mul3A_363 : i32
        %get3A_365 = arith.index_cast %mul3A_364 : i32 to index
        %get3A_366 = tpu.vector_load %arg5[%get3A_365] {strides = array<i32>} : memref<768xf32, #tpu.memory_space<vmem>>, vector<16xf32>,
        %add3A_367 = arith.constant 8 : i32
        %add3A_368 = arith.addi %mul3A_364, %add3A_367 : i32
        %get3A_369 = arith.index_cast %add3A_368 : i32 to index
        %get3A_370 = tpu.vector_load %arg5[%get3A_369] {strides = array<i32>} : memref<768xf32, #tpu.memory_space<vmem>>, vector<16xf32>,
        %add3A_371 = arith.constant 24 : i32
        %add3A_372 = arith.addi %mul3A_322, %add3A_371 : i32
        %swap3A_373 = arith.index_cast %add3A_372 : i32 to index
        %swap3A_374 = tpu.vector_load %arg9[%swap3A_373] {strides = array<i32>} : memref<49168xf32, #tpu.memory_space<vmem>>, vector<16xf32>,
        tpu.vector_store %arg9[%swap3A_373], %get3A_339 {strides = array<i32>} : memref<49168xf32, #tpu.memory_space<vmem>>, vector<16xf32>,
        %add3A_375 = arith.constant 8 : i32
        %add3A_376 = arith.addi %add3A_372, %add3A_375 : i32
        %swap3A_377 = arith.index_cast %add3A_376 : i32 to index
        %swap3A_378 = tpu.vector_load %arg9[%swap3A_377] {strides = array<i32>} : memref<49168xf32, #tpu.memory_space<vmem>>, vector<16xf32>,
        tpu.vector_store %arg9[%swap3A_377], %get3A_343 {strides = array<i32>} : memref<49168xf32, #tpu.memory_space<vmem>>, vector<16xf32>,
        %slice3A_379 = vector.extract_strided_slice %get3A_325 {offsets = [4], sizes = [1], strides = [1]} : vector<16xi32> to vector<1xi32>
        %squeeze3A_380 = vector.extract %slice3A_379[0] : i32 from vector<1xi32>
        %mul3A_381 = arith.constant 32 : i32
        %mul3A_382 = arith.muli %squeeze3A_380, %mul3A_381 : i32
        %get3A_383 = arith.index_cast %mul3A_382 : i32 to index
        %get3A_384 = tpu.vector_load %arg5[%get3A_383] {strides = array<i32>} : memref<768xf32, #tpu.memory_space<vmem>>, vector<16xf32>,
        %add3A_385 = arith.constant 8 : i32
        %add3A_386 = arith.addi %mul3A_382, %add3A_385 : i32
        %get3A_387 = arith.index_cast %add3A_386 : i32 to index
        %get3A_388 = tpu.vector_load %arg5[%get3A_387] {strides = array<i32>} : memref<768xf32, #tpu.memory_space<vmem>>, vector<16xf32>,
        %add3A_389 = arith.constant 48 : i32
        %add3A_390 = arith.addi %mul3A_322, %add3A_389 : i32
        %swap3A_391 = arith.index_cast %add3A_390 : i32 to index
        %swap3A_392 = tpu.vector_load %arg9[%swap3A_391] {strides = array<i32>} : memref<49168xf32, #tpu.memory_space<vmem>>, vector<16xf32>,
        tpu.vector_store %arg9[%swap3A_391], %get3A_349 {strides = array<i32>} : memref<49168xf32, #tpu.memory_space<vmem>>, vector<16xf32>,
        %add3A_393 = arith.constant 8 : i32
        %add3A_394 = arith.addi %add3A_390, %add3A_393 : i32
        %swap3A_395 = arith.index_cast %add3A_394 : i32 to index
        %swap3A_396 = tpu.vector_load %arg9[%swap3A_395] {strides = array<i32>} : memref<49168xf32, #tpu.memory_space<vmem>>, vector<16xf32>,
        tpu.vector_store %arg9[%swap3A_395], %get3A_353 {strides = array<i32>} : memref<49168xf32, #tpu.memory_space<vmem>>, vector<16xf32>,
        %slice3A_397 = vector.extract_strided_slice %get3A_325 {offsets = [5], sizes = [1], strides = [1]} : vector<16xi32> to vector<1xi32>
        %squeeze3A_398 = vector.extract %slice3A_397[0] : i32 from vector<1xi32>
        %mul3A_399 = arith.constant 32 : i32
        %mul3A_400 = arith.muli %squeeze3A_398, %mul3A_399 : i32
        %get3A_401 = arith.index_cast %mul3A_400 : i32 to index
        %get3A_402 = tpu.vector_load %arg5[%get3A_401] {strides = array<i32>} : memref<768xf32, #tpu.memory_space<vmem>>, vector<16xf32>,
        %add3A_403 = arith.constant 8 : i32
        %add3A_404 = arith.addi %mul3A_400, %add3A_403 : i32
        %get3A_405 = arith.index_cast %add3A_404 : i32 to index
        %get3A_406 = tpu.vector_load %arg5[%get3A_405] {strides = array<i32>} : memref<768xf32, #tpu.memory_space<vmem>>, vector<16xf32>,
        %add3A_407 = arith.constant 72 : i32
        %add3A_408 = arith.addi %mul3A_322, %add3A_407 : i32
        %swap3A_409 = arith.index_cast %add3A_408 : i32 to index
        %swap3A_410 = tpu.vector_load %arg9[%swap3A_409] {strides = array<i32>} : memref<49168xf32, #tpu.memory_space<vmem>>, vector<16xf32>,
        tpu.vector_store %arg9[%swap3A_409], %get3A_366 {strides = array<i32>} : memref<49168xf32, #tpu.memory_space<vmem>>, vector<16xf32>,
        %add3A_411 = arith.constant 8 : i32
        %add3A_412 = arith.addi %add3A_408, %add3A_411 : i32
        %swap3A_413 = arith.index_cast %add3A_412 : i32 to index
        %swap3A_414 = tpu.vector_load %arg9[%swap3A_413] {strides = array<i32>} : memref<49168xf32, #tpu.memory_space<vmem>>, vector<16xf32>,
        tpu.vector_store %arg9[%swap3A_413], %get3A_370 {strides = array<i32>} : memref<49168xf32, #tpu.memory_space<vmem>>, vector<16xf32>,
        %slice3A_415 = vector.extract_strided_slice %get3A_325 {offsets = [6], sizes = [1], strides = [1]} : vector<16xi32> to vector<1xi32>
        %squeeze3A_416 = vector.extract %slice3A_415[0] : i32 from vector<1xi32>
        %mul3A_417 = arith.constant 32 : i32
        %mul3A_418 = arith.muli %squeeze3A_416, %mul3A_417 : i32
        %get3A_419 = arith.index_cast %mul3A_418 : i32 to index
        %get3A_420 = tpu.vector_load %arg5[%get3A_419] {strides = array<i32>} : memref<768xf32, #tpu.memory_space<vmem>>, vector<16xf32>,
        %add3A_421 = arith.constant 8 : i32
        %add3A_422 = arith.addi %mul3A_418, %add3A_421 : i32
        %get3A_423 = arith.index_cast %add3A_422 : i32 to index
        %get3A_424 = tpu.vector_load %arg5[%get3A_423] {strides = array<i32>} : memref<768xf32, #tpu.memory_space<vmem>>, vector<16xf32>,
        %add3A_425 = arith.constant 96 : i32
        %add3A_426 = arith.addi %mul3A_322, %add3A_425 : i32
        %swap3A_427 = arith.index_cast %add3A_426 : i32 to index
        %swap3A_428 = tpu.vector_load %arg9[%swap3A_427] {strides = array<i32>} : memref<49168xf32, #tpu.memory_space<vmem>>, vector<16xf32>,
        tpu.vector_store %arg9[%swap3A_427], %get3A_384 {strides = array<i32>} : memref<49168xf32, #tpu.memory_space<vmem>>, vector<16xf32>,
        %add3A_429 = arith.constant 8 : i32
        %add3A_430 = arith.addi %add3A_426, %add3A_429 : i32
        %swap3A_431 = arith.index_cast %add3A_430 : i32 to index
        %swap3A_432 = tpu.vector_load %arg9[%swap3A_431] {strides = array<i32>} : memref<49168xf32, #tpu.memory_space<vmem>>, vector<16xf32>,
        tpu.vector_store %arg9[%swap3A_431], %get3A_388 {strides = array<i32>} : memref<49168xf32, #tpu.memory_space<vmem>>, vector<16xf32>,
        %slice3A_433 = vector.extract_strided_slice %get3A_325 {offsets = [7], sizes = [1], strides = [1]} : vector<16xi32> to vector<1xi32>
        %squeeze3A_434 = vector.extract %slice3A_433[0] : i32 from vector<1xi32>
        %mul3A_435 = arith.constant 32 : i32
        %mul3A_436 = arith.muli %squeeze3A_434, %mul3A_435 : i32
        %get3A_437 = arith.index_cast %mul3A_436 : i32 to index
        %get3A_438 = tpu.vector_load %arg5[%get3A_437] {strides = array<i32>} : memref<768xf32, #tpu.memory_space<vmem>>, vector<16xf32>,
        %add3A_439 = arith.constant 8 : i32
        %add3A_440 = arith.addi %mul3A_436, %add3A_439 : i32
        %get3A_441 = arith.index_cast %add3A_440 : i32 to index
        %get3A_442 = tpu.vector_load %arg5[%get3A_441] {strides = array<i32>} : memref<768xf32, #tpu.memory_space<vmem>>, vector<16xf32>,
        %add3A_443 = arith.constant 120 : i32
        %add3A_444 = arith.addi %mul3A_322, %add3A_443 : i32
        %swap3A_445 = arith.index_cast %add3A_444 : i32 to index
        %swap3A_446 = tpu.vector_load %arg9[%swap3A_445] {strides = array<i32>} : memref<49168xf32, #tpu.memory_space<vmem>>, vector<16xf32>,
        tpu.vector_store %arg9[%swap3A_445], %get3A_402 {strides = array<i32>} : memref<49168xf32, #tpu.memory_space<vmem>>, vector<16xf32>,
        %add3A_447 = arith.constant 8 : i32
        %add3A_448 = arith.addi %add3A_444, %add3A_447 : i32
        %swap3A_449 = arith.index_cast %add3A_448 : i32 to index
        %swap3A_450 = tpu.vector_load %arg9[%swap3A_449] {strides = array<i32>} : memref<49168xf32, #tpu.memory_space<vmem>>, vector<16xf32>,
        tpu.vector_store %arg9[%swap3A_449], %get3A_406 {strides = array<i32>} : memref<49168xf32, #tpu.memory_space<vmem>>, vector<16xf32>,
        %slice3A_451 = vector.extract_strided_slice %get3A_325 {offsets = [8], sizes = [1], strides = [1]} : vector<16xi32> to vector<1xi32>
        %squeeze3A_452 = vector.extract %slice3A_451[0] : i32 from vector<1xi32>
        %mul3A_453 = arith.constant 32 : i32
        %mul3A_454 = arith.muli %squeeze3A_452, %mul3A_453 : i32
        %get3A_455 = arith.index_cast %mul3A_454 : i32 to index
        %get3A_456 = tpu.vector_load %arg5[%get3A_455] {strides = array<i32>} : memref<768xf32, #tpu.memory_space<vmem>>, vector<16xf32>,
        %add3A_457 = arith.constant 8 : i32
        %add3A_458 = arith.addi %mul3A_454, %add3A_457 : i32
        %get3A_459 = arith.index_cast %add3A_458 : i32 to index
        %get3A_460 = tpu.vector_load %arg5[%get3A_459] {strides = array<i32>} : memref<768xf32, #tpu.memory_space<vmem>>, vector<16xf32>,
        %add3A_461 = arith.constant 144 : i32
        %add3A_462 = arith.addi %mul3A_322, %add3A_461 : i32
        %swap3A_463 = arith.index_cast %add3A_462 : i32 to index
        %swap3A_464 = tpu.vector_load %arg9[%swap3A_463] {strides = array<i32>} : memref<49168xf32, #tpu.memory_space<vmem>>, vector<16xf32>,
        tpu.vector_store %arg9[%swap3A_463], %get3A_420 {strides = array<i32>} : memref<49168xf32, #tpu.memory_space<vmem>>, vector<16xf32>,
        %add3A_465 = arith.constant 8 : i32
        %add3A_466 = arith.addi %add3A_462, %add3A_465 : i32
        %swap3A_467 = arith.index_cast %add3A_466 : i32 to index
        %swap3A_468 = tpu.vector_load %arg9[%swap3A_467] {strides = array<i32>} : memref<49168xf32, #tpu.memory_space<vmem>>, vector<16xf32>,
        tpu.vector_store %arg9[%swap3A_467], %get3A_424 {strides = array<i32>} : memref<49168xf32, #tpu.memory_space<vmem>>, vector<16xf32>,
        %slice3A_469 = vector.extract_strided_slice %get3A_325 {offsets = [9], sizes = [1], strides = [1]} : vector<16xi32> to vector<1xi32>
        %squeeze3A_470 = vector.extract %slice3A_469[0] : i32 from vector<1xi32>
        %mul3A_471 = arith.constant 32 : i32
        %mul3A_472 = arith.muli %squeeze3A_470, %mul3A_471 : i32
        %get3A_473 = arith.index_cast %mul3A_472 : i32 to index
        %get3A_474 = tpu.vector_load %arg5[%get3A_473] {strides = array<i32>} : memref<768xf32, #tpu.memory_space<vmem>>, vector<16xf32>,
        %add3A_475 = arith.constant 8 : i32
        %add3A_476 = arith.addi %mul3A_472, %add3A_475 : i32
        %get3A_477 = arith.index_cast %add3A_476 : i32 to index
        %get3A_478 = tpu.vector_load %arg5[%get3A_477] {strides = array<i32>} : memref<768xf32, #tpu.memory_space<vmem>>, vector<16xf32>,
        %add3A_479 = arith.constant 168 : i32
        %add3A_480 = arith.addi %mul3A_322, %add3A_479 : i32
        %swap3A_481 = arith.index_cast %add3A_480 : i32 to index
        %swap3A_482 = tpu.vector_load %arg9[%swap3A_481] {strides = array<i32>} : memref<49168xf32, #tpu.memory_space<vmem>>, vector<16xf32>,
        tpu.vector_store %arg9[%swap3A_481], %get3A_438 {strides = array<i32>} : memref<49168xf32, #tpu.memory_space<vmem>>, vector<16xf32>,
        %add3A_483 = arith.constant 8 : i32
        %add3A_484 = arith.addi %add3A_480, %add3A_483 : i32
        %swap3A_485 = arith.index_cast %add3A_484 : i32 to index
        %swap3A_486 = tpu.vector_load %arg9[%swap3A_485] {strides = array<i32>} : memref<49168xf32, #tpu.memory_space<vmem>>, vector<16xf32>,
        tpu.vector_store %arg9[%swap3A_485], %get3A_442 {strides = array<i32>} : memref<49168xf32, #tpu.memory_space<vmem>>, vector<16xf32>,
        %slice3A_487 = vector.extract_strided_slice %get3A_325 {offsets = [10], sizes = [1], strides = [1]} : vector<16xi32> to vector<1xi32>
        %squeeze3A_488 = vector.extract %slice3A_487[0] : i32 from vector<1xi32>
        %mul3A_489 = arith.constant 32 : i32
        %mul3A_490 = arith.muli %squeeze3A_488, %mul3A_489 : i32
        %get3A_491 = arith.index_cast %mul3A_490 : i32 to index
        %get3A_492 = tpu.vector_load %arg5[%get3A_491] {strides = array<i32>} : memref<768xf32, #tpu.memory_space<vmem>>, vector<16xf32>,
        %add3A_493 = arith.constant 8 : i32
        %add3A_494 = arith.addi %mul3A_490, %add3A_493 : i32
        %get3A_495 = arith.index_cast %add3A_494 : i32 to index
        %get3A_496 = tpu.vector_load %arg5[%get3A_495] {strides = array<i32>} : memref<768xf32, #tpu.memory_space<vmem>>, vector<16xf32>,
        %add3A_497 = arith.constant 192 : i32
        %add3A_498 = arith.addi %mul3A_322, %add3A_497 : i32
        %swap3A_499 = arith.index_cast %add3A_498 : i32 to index
        %swap3A_500 = tpu.vector_load %arg9[%swap3A_499] {strides = array<i32>} : memref<49168xf32, #tpu.memory_space<vmem>>, vector<16xf32>,
        tpu.vector_store %arg9[%swap3A_499], %get3A_456 {strides = array<i32>} : memref<49168xf32, #tpu.memory_space<vmem>>, vector<16xf32>,
        %add3A_501 = arith.constant 8 : i32
        %add3A_502 = arith.addi %add3A_498, %add3A_501 : i32
        %swap3A_503 = arith.index_cast %add3A_502 : i32 to index
        %swap3A_504 = tpu.vector_load %arg9[%swap3A_503] {strides = array<i32>} : memref<49168xf32, #tpu.memory_space<vmem>>, vector<16xf32>,
        tpu.vector_store %arg9[%swap3A_503], %get3A_460 {strides = array<i32>} : memref<49168xf32, #tpu.memory_space<vmem>>, vector<16xf32>,
        %slice3A_505 = vector.extract_strided_slice %get3A_325 {offsets = [11], sizes = [1], strides = [1]} : vector<16xi32> to vector<1xi32>
        %squeeze3A_506 = vector.extract %slice3A_505[0] : i32 from vector<1xi32>
        %mul3A_507 = arith.constant 32 : i32
        %mul3A_508 = arith.muli %squeeze3A_506, %mul3A_507 : i32
        %get3A_509 = arith.index_cast %mul3A_508 : i32 to index
        %get3A_510 = tpu.vector_load %arg5[%get3A_509] {strides = array<i32>} : memref<768xf32, #tpu.memory_space<vmem>>, vector<16xf32>,
        %add3A_511 = arith.constant 8 : i32
        %add3A_512 = arith.addi %mul3A_508, %add3A_511 : i32
        %get3A_513 = arith.index_cast %add3A_512 : i32 to index
        %get3A_514 = tpu.vector_load %arg5[%get3A_513] {strides = array<i32>} : memref<768xf32, #tpu.memory_space<vmem>>, vector<16xf32>,
        %add3A_515 = arith.constant 216 : i32
        %add3A_516 = arith.addi %mul3A_322, %add3A_515 : i32
        %swap3A_517 = arith.index_cast %add3A_516 : i32 to index
        %swap3A_518 = tpu.vector_load %arg9[%swap3A_517] {strides = array<i32>} : memref<49168xf32, #tpu.memory_space<vmem>>, vector<16xf32>,
        tpu.vector_store %arg9[%swap3A_517], %get3A_474 {strides = array<i32>} : memref<49168xf32, #tpu.memory_space<vmem>>, vector<16xf32>,
        %add3A_519 = arith.constant 8 : i32
        %add3A_520 = arith.addi %add3A_516, %add3A_519 : i32
        %swap3A_521 = arith.index_cast %add3A_520 : i32 to index
        %swap3A_522 = tpu.vector_load %arg9[%swap3A_521] {strides = array<i32>} : memref<49168xf32, #tpu.memory_space<vmem>>, vector<16xf32>,
        tpu.vector_store %arg9[%swap3A_521], %get3A_478 {strides = array<i32>} : memref<49168xf32, #tpu.memory_space<vmem>>, vector<16xf32>,
        %slice3A_523 = vector.extract_strided_slice %get3A_325 {offsets = [12], sizes = [1], strides = [1]} : vector<16xi32> to vector<1xi32>
        %squeeze3A_524 = vector.extract %slice3A_523[0] : i32 from vector<1xi32>
        %mul3A_525 = arith.constant 32 : i32
        %mul3A_526 = arith.muli %squeeze3A_524, %mul3A_525 : i32
        %get3A_527 = arith.index_cast %mul3A_526 : i32 to index
        %get3A_528 = tpu.vector_load %arg5[%get3A_527] {strides = array<i32>} : memref<768xf32, #tpu.memory_space<vmem>>, vector<16xf32>,
        %add3A_529 = arith.constant 8 : i32
        %add3A_530 = arith.addi %mul3A_526, %add3A_529 : i32
        %get3A_531 = arith.index_cast %add3A_530 : i32 to index
        %get3A_532 = tpu.vector_load %arg5[%get3A_531] {strides = array<i32>} : memref<768xf32, #tpu.memory_space<vmem>>, vector<16xf32>,
        %add3A_533 = arith.constant 240 : i32
        %add3A_534 = arith.addi %mul3A_322, %add3A_533 : i32
        %swap3A_535 = arith.index_cast %add3A_534 : i32 to index
        %swap3A_536 = tpu.vector_load %arg9[%swap3A_535] {strides = array<i32>} : memref<49168xf32, #tpu.memory_space<vmem>>, vector<16xf32>,
        tpu.vector_store %arg9[%swap3A_535], %get3A_492 {strides = array<i32>} : memref<49168xf32, #tpu.memory_space<vmem>>, vector<16xf32>,
        %add3A_537 = arith.constant 8 : i32
        %add3A_538 = arith.addi %add3A_534, %add3A_537 : i32
        %swap3A_539 = arith.index_cast %add3A_538 : i32 to index
        %swap3A_540 = tpu.vector_load %arg9[%swap3A_539] {strides = array<i32>} : memref<49168xf32, #tpu.memory_space<vmem>>, vector<16xf32>,
        tpu.vector_store %arg9[%swap3A_539], %get3A_496 {strides = array<i32>} : memref<49168xf32, #tpu.memory_space<vmem>>, vector<16xf32>,
        %slice3A_541 = vector.extract_strided_slice %get3A_325 {offsets = [13], sizes = [1], strides = [1]} : vector<16xi32> to vector<1xi32>
        %squeeze3A_542 = vector.extract %slice3A_541[0] : i32 from vector<1xi32>
        %mul3A_543 = arith.constant 32 : i32
        %mul3A_544 = arith.muli %squeeze3A_542, %mul3A_543 : i32
        %get3A_545 = arith.index_cast %mul3A_544 : i32 to index
        %get3A_546 = tpu.vector_load %arg5[%get3A_545] {strides = array<i32>} : memref<768xf32, #tpu.memory_space<vmem>>, vector<16xf32>,
        %add3A_547 = arith.constant 8 : i32
        %add3A_548 = arith.addi %mul3A_544, %add3A_547 : i32
        %get3A_549 = arith.index_cast %add3A_548 : i32 to index
        %get3A_550 = tpu.vector_load %arg5[%get3A_549] {strides = array<i32>} : memref<768xf32, #tpu.memory_space<vmem>>, vector<16xf32>,
        %add3A_551 = arith.constant 264 : i32
        %add3A_552 = arith.addi %mul3A_322, %add3A_551 : i32
        %swap3A_553 = arith.index_cast %add3A_552 : i32 to index
        %swap3A_554 = tpu.vector_load %arg9[%swap3A_553] {strides = array<i32>} : memref<49168xf32, #tpu.memory_space<vmem>>, vector<16xf32>,
        tpu.vector_store %arg9[%swap3A_553], %get3A_510 {strides = array<i32>} : memref<49168xf32, #tpu.memory_space<vmem>>, vector<16xf32>,
        %add3A_555 = arith.constant 8 : i32
        %add3A_556 = arith.addi %add3A_552, %add3A_555 : i32
        %swap3A_557 = arith.index_cast %add3A_556 : i32 to index
        %swap3A_558 = tpu.vector_load %arg9[%swap3A_557] {strides = array<i32>} : memref<49168xf32, #tpu.memory_space<vmem>>, vector<16xf32>,
        tpu.vector_store %arg9[%swap3A_557], %get3A_514 {strides = array<i32>} : memref<49168xf32, #tpu.memory_space<vmem>>, vector<16xf32>,
        %slice3A_559 = vector.extract_strided_slice %get3A_325 {offsets = [14], sizes = [1], strides = [1]} : vector<16xi32> to vector<1xi32>
        %squeeze3A_560 = vector.extract %slice3A_559[0] : i32 from vector<1xi32>
        %mul3A_561 = arith.constant 32 : i32
        %mul3A_562 = arith.muli %squeeze3A_560, %mul3A_561 : i32
        %get3A_563 = arith.index_cast %mul3A_562 : i32 to index
        %get3A_564 = tpu.vector_load %arg5[%get3A_563] {strides = array<i32>} : memref<768xf32, #tpu.memory_space<vmem>>, vector<16xf32>,
        %add3A_565 = arith.constant 8 : i32
        %add3A_566 = arith.addi %mul3A_562, %add3A_565 : i32
        %get3A_567 = arith.index_cast %add3A_566 : i32 to index
        %get3A_568 = tpu.vector_load %arg5[%get3A_567] {strides = array<i32>} : memref<768xf32, #tpu.memory_space<vmem>>, vector<16xf32>,
        %add3A_569 = arith.constant 288 : i32
        %add3A_570 = arith.addi %mul3A_322, %add3A_569 : i32
        %swap3A_571 = arith.index_cast %add3A_570 : i32 to index
        %swap3A_572 = tpu.vector_load %arg9[%swap3A_571] {strides = array<i32>} : memref<49168xf32, #tpu.memory_space<vmem>>, vector<16xf32>,
        tpu.vector_store %arg9[%swap3A_571], %get3A_528 {strides = array<i32>} : memref<49168xf32, #tpu.memory_space<vmem>>, vector<16xf32>,
        %add3A_573 = arith.constant 8 : i32
        %add3A_574 = arith.addi %add3A_570, %add3A_573 : i32
        %swap3A_575 = arith.index_cast %add3A_574 : i32 to index
        %swap3A_576 = tpu.vector_load %arg9[%swap3A_575] {strides = array<i32>} : memref<49168xf32, #tpu.memory_space<vmem>>, vector<16xf32>,
        tpu.vector_store %arg9[%swap3A_575], %get3A_532 {strides = array<i32>} : memref<49168xf32, #tpu.memory_space<vmem>>, vector<16xf32>,
        %slice3A_577 = vector.extract_strided_slice %get3A_325 {offsets = [15], sizes = [1], strides = [1]} : vector<16xi32> to vector<1xi32>
        %squeeze3A_578 = vector.extract %slice3A_577[0] : i32 from vector<1xi32>
        %mul3A_579 = arith.constant 32 : i32
        %mul3A_580 = arith.muli %squeeze3A_578, %mul3A_579 : i32
        %get3A_581 = arith.index_cast %mul3A_580 : i32 to index
        %get3A_582 = tpu.vector_load %arg5[%get3A_581] {strides = array<i32>} : memref<768xf32, #tpu.memory_space<vmem>>, vector<16xf32>,
        %add3A_583 = arith.constant 8 : i32
        %add3A_584 = arith.addi %mul3A_580, %add3A_583 : i32
        %get3A_585 = arith.index_cast %add3A_584 : i32 to index
        %get3A_586 = tpu.vector_load %arg5[%get3A_585] {strides = array<i32>} : memref<768xf32, #tpu.memory_space<vmem>>, vector<16xf32>,
        %add3A_587 = arith.constant 312 : i32
        %add3A_588 = arith.addi %mul3A_322, %add3A_587 : i32
        %swap3A_589 = arith.index_cast %add3A_588 : i32 to index
        %swap3A_590 = tpu.vector_load %arg9[%swap3A_589] {strides = array<i32>} : memref<49168xf32, #tpu.memory_space<vmem>>, vector<16xf32>,
        tpu.vector_store %arg9[%swap3A_589], %get3A_546 {strides = array<i32>} : memref<49168xf32, #tpu.memory_space<vmem>>, vector<16xf32>,
        %add3A_591 = arith.constant 8 : i32
        %add3A_592 = arith.addi %add3A_588, %add3A_591 : i32
        %swap3A_593 = arith.index_cast %add3A_592 : i32 to index
        %swap3A_594 = tpu.vector_load %arg9[%swap3A_593] {strides = array<i32>} : memref<49168xf32, #tpu.memory_space<vmem>>, vector<16xf32>,
        tpu.vector_store %arg9[%swap3A_593], %get3A_550 {strides = array<i32>} : memref<49168xf32, #tpu.memory_space<vmem>>, vector<16xf32>,
        %add3A_595 = arith.constant 336 : i32
        %add3A_596 = arith.addi %mul3A_322, %add3A_595 : i32
        %swap3A_597 = arith.index_cast %add3A_596 : i32 to index
        %swap3A_598 = tpu.vector_load %arg9[%swap3A_597] {strides = array<i32>} : memref<49168xf32, #tpu.memory_space<vmem>>, vector<16xf32>,
        tpu.vector_store %arg9[%swap3A_597], %get3A_564 {strides = array<i32>} : memref<49168xf32, #tpu.memory_space<vmem>>, vector<16xf32>,
        %add3A_599 = arith.constant 8 : i32
        %add3A_600 = arith.addi %add3A_596, %add3A_599 : i32
        %swap3A_601 = arith.index_cast %add3A_600 : i32 to index
        %swap3A_602 = tpu.vector_load %arg9[%swap3A_601] {strides = array<i32>} : memref<49168xf32, #tpu.memory_space<vmem>>, vector<16xf32>,
        tpu.vector_store %arg9[%swap3A_601], %get3A_568 {strides = array<i32>} : memref<49168xf32, #tpu.memory_space<vmem>>, vector<16xf32>,
        %add3A_603 = arith.constant 360 : i32
        %add3A_604 = arith.addi %mul3A_322, %add3A_603 : i32
        %swap3A_605 = arith.index_cast %add3A_604 : i32 to index
        %swap3A_606 = tpu.vector_load %arg9[%swap3A_605] {strides = array<i32>} : memref<49168xf32, #tpu.memory_space<vmem>>, vector<16xf32>,
        tpu.vector_store %arg9[%swap3A_605], %get3A_582 {strides = array<i32>} : memref<49168xf32, #tpu.memory_space<vmem>>, vector<16xf32>,
        %add3A_607 = arith.constant 8 : i32
        %add3A_608 = arith.addi %add3A_604, %add3A_607 : i32
        %swap3A_609 = arith.index_cast %add3A_608 : i32 to index
        %swap3A_610 = tpu.vector_load %arg9[%swap3A_609] {strides = array<i32>} : memref<49168xf32, #tpu.memory_space<vmem>>, vector<16xf32>,
        tpu.vector_store %arg9[%swap3A_609], %get3A_586 {strides = array<i32>} : memref<49168xf32, #tpu.memory_space<vmem>>, vector<16xf32>,
      }
      %scan3A_278 = arith.constant 32 : i32
      %mul3A_279 = arith.constant 2048 : i32
      %mul3A_280 = arith.muli %add3A_221, %mul3A_279 : i32
      %add3A_281 = arith.addi %mul3A_2, %mul3A_280 : i32
      %mul3A_282 = arith.constant 24 : i32
      %mul3A_283 = arith.muli %add3A_281, %mul3A_282 : i32
      %add3A_284 = arith.constant 24576 : i32
      %add3A_285 = arith.addi %mul3A_283, %add3A_284 : i32
      %multiple_of3A_286 = tpu.assume_multiple %add3A_285, 8 : i32
      %dma_start3A_287 = arith.constant 24576 : i32
      %dma_start3A_288 = tpu.memref_slice %arg9[%dma_start3A_287] : memref<49168xf32, #tpu.memory_space<vmem>> -> memref<12288xf32, #tpu.memory_space<vmem>>
      %dma_start3A_289 = tpu.memref_slice %arg4[%multiple_of3A_286] : memref<78643200xf32, #tpu.memory_space<hbm>> -> memref<12288xf32, #tpu.memory_space<hbm>>
      %dma_start3A_290 = tpu.memref_slice %arg4[%multiple_of3A_286] : memref<78643200xf32, #tpu.memory_space<hbm>> -> memref<12288xf32, #tpu.memory_space<hbm>>
      %dma_start3A_291 = arith.constant 24576 : i32
      %dma_start3A_292 = tpu.memref_slice %arg9[%dma_start3A_291] : memref<49168xf32, #tpu.memory_space<vmem>> -> memref<12288xf32, #tpu.memory_space<vmem>>
      tpu.enqueue_dma source(%dma_start3A_292 : memref<12288xf32, #tpu.memory_space<vmem>>) target(%dma_start3A_290 : memref<12288xf32, #tpu.memory_space<hbm>>) target_semaphore(%arg13 : memref<!tpu.dma_semaphore, #tpu.memory_space<semaphore_mem>>)
      %scan3A_293 = arith.constant 0 : i32
      %scan3A_294 = arith.constant 96 : i32
      %scan3A_295 = arith.constant 32 : i32
      %scan3A_296 = arith.addi %scan3A_294, %scan3A_295 : i32
      %scan3A_297 = arith.constant 1 : i32
      scf.for %scan3A_320 = %scan3A_294 to %scan3A_296 step %scan3A_297  : i32 {
        %mul3A_321 = arith.constant 384 : i32
        %mul3A_322 = arith.muli %scan3A_320, %mul3A_321 : i32
        %mul3A_323 = arith.constant 16 : i32
        %mul3A_324 = arith.muli %scan3A_320, %mul3A_323 : i32
        %get3A = arith.index_cast %mul3A_324 : i32 to index
        %get3A_325 = tpu.vector_load %arg7[%get3A] {strides = array<i32>} : memref<2048xi32, #tpu.memory_space<vmem>>, vector<16xi32>,
        %slice3A = vector.extract_strided_slice %get3A_325 {offsets = [0], sizes = [1], strides = [1]} : vector<16xi32> to vector<1xi32>
        %squeeze3A = vector.extract %slice3A[0] : i32 from vector<1xi32>
        %mul3A_326 = arith.constant 32 : i32
        %mul3A_327 = arith.muli %squeeze3A, %mul3A_326 : i32
        %get3A_328 = arith.index_cast %mul3A_327 : i32 to index
        %get3A_329 = tpu.vector_load %arg5[%get3A_328] {strides = array<i32>} : memref<768xf32, #tpu.memory_space<vmem>>, vector<16xf32>,
        %add3A_330 = arith.constant 8 : i32
        %add3A_331 = arith.addi %mul3A_327, %add3A_330 : i32
        %get3A_332 = arith.index_cast %add3A_331 : i32 to index
        %get3A_333 = tpu.vector_load %arg5[%get3A_332] {strides = array<i32>} : memref<768xf32, #tpu.memory_space<vmem>>, vector<16xf32>,
        %slice3A_334 = vector.extract_strided_slice %get3A_325 {offsets = [1], sizes = [1], strides = [1]} : vector<16xi32> to vector<1xi32>
        %squeeze3A_335 = vector.extract %slice3A_334[0] : i32 from vector<1xi32>
        %mul3A_336 = arith.constant 32 : i32
        %mul3A_337 = arith.muli %squeeze3A_335, %mul3A_336 : i32
        %get3A_338 = arith.index_cast %mul3A_337 : i32 to index
        %get3A_339 = tpu.vector_load %arg5[%get3A_338] {strides = array<i32>} : memref<768xf32, #tpu.memory_space<vmem>>, vector<16xf32>,
        %add3A_340 = arith.constant 8 : i32
        %add3A_341 = arith.addi %mul3A_337, %add3A_340 : i32
        %get3A_342 = arith.index_cast %add3A_341 : i32 to index
        %get3A_343 = tpu.vector_load %arg5[%get3A_342] {strides = array<i32>} : memref<768xf32, #tpu.memory_space<vmem>>, vector<16xf32>,
        %slice3A_344 = vector.extract_strided_slice %get3A_325 {offsets = [2], sizes = [1], strides = [1]} : vector<16xi32> to vector<1xi32>
        %squeeze3A_345 = vector.extract %slice3A_344[0] : i32 from vector<1xi32>
        %mul3A_346 = arith.constant 32 : i32
        %mul3A_347 = arith.muli %squeeze3A_345, %mul3A_346 : i32
        %get3A_348 = arith.index_cast %mul3A_347 : i32 to index
        %get3A_349 = tpu.vector_load %arg5[%get3A_348] {strides = array<i32>} : memref<768xf32, #tpu.memory_space<vmem>>, vector<16xf32>,
        %add3A_350 = arith.constant 8 : i32
        %add3A_351 = arith.addi %mul3A_347, %add3A_350 : i32
        %get3A_352 = arith.index_cast %add3A_351 : i32 to index
        %get3A_353 = tpu.vector_load %arg5[%get3A_352] {strides = array<i32>} : memref<768xf32, #tpu.memory_space<vmem>>, vector<16xf32>,
        %add3A_354 = arith.constant 0 : i32
        %add3A_355 = arith.addi %mul3A_322, %add3A_354 : i32
        %swap3A = arith.index_cast %add3A_355 : i32 to index
        %swap3A_356 = tpu.vector_load %arg9[%swap3A] {strides = array<i32>} : memref<49168xf32, #tpu.memory_space<vmem>>, vector<16xf32>,
        tpu.vector_store %arg9[%swap3A], %get3A_329 {strides = array<i32>} : memref<49168xf32, #tpu.memory_space<vmem>>, vector<16xf32>,
        %add3A_357 = arith.constant 8 : i32
        %add3A_358 = arith.addi %add3A_355, %add3A_357 : i32
        %swap3A_359 = arith.index_cast %add3A_358 : i32 to index
        %swap3A_360 = tpu.vector_load %arg9[%swap3A_359] {strides = array<i32>} : memref<49168xf32, #tpu.memory_space<vmem>>, vector<16xf32>,
        tpu.vector_store %arg9[%swap3A_359], %get3A_333 {strides = array<i32>} : memref<49168xf32, #tpu.memory_space<vmem>>, vector<16xf32>,
        %slice3A_361 = vector.extract_strided_slice %get3A_325 {offsets = [3], sizes = [1], strides = [1]} : vector<16xi32> to vector<1xi32>
        %squeeze3A_362 = vector.extract %slice3A_361[0] : i32 from vector<1xi32>
        %mul3A_363 = arith.constant 32 : i32
        %mul3A_364 = arith.muli %squeeze3A_362, %mul3A_363 : i32
        %get3A_365 = arith.index_cast %mul3A_364 : i32 to index
        %get3A_366 = tpu.vector_load %arg5[%get3A_365] {strides = array<i32>} : memref<768xf32, #tpu.memory_space<vmem>>, vector<16xf32>,
        %add3A_367 = arith.constant 8 : i32
        %add3A_368 = arith.addi %mul3A_364, %add3A_367 : i32
        %get3A_369 = arith.index_cast %add3A_368 : i32 to index
        %get3A_370 = tpu.vector_load %arg5[%get3A_369] {strides = array<i32>} : memref<768xf32, #tpu.memory_space<vmem>>, vector<16xf32>,
        %add3A_371 = arith.constant 24 : i32
        %add3A_372 = arith.addi %mul3A_322, %add3A_371 : i32
        %swap3A_373 = arith.index_cast %add3A_372 : i32 to index
        %swap3A_374 = tpu.vector_load %arg9[%swap3A_373] {strides = array<i32>} : memref<49168xf32, #tpu.memory_space<vmem>>, vector<16xf32>,
        tpu.vector_store %arg9[%swap3A_373], %get3A_339 {strides = array<i32>} : memref<49168xf32, #tpu.memory_space<vmem>>, vector<16xf32>,
        %add3A_375 = arith.constant 8 : i32
        %add3A_376 = arith.addi %add3A_372, %add3A_375 : i32
        %swap3A_377 = arith.index_cast %add3A_376 : i32 to index
        %swap3A_378 = tpu.vector_load %arg9[%swap3A_377] {strides = array<i32>} : memref<49168xf32, #tpu.memory_space<vmem>>, vector<16xf32>,
        tpu.vector_store %arg9[%swap3A_377], %get3A_343 {strides = array<i32>} : memref<49168xf32, #tpu.memory_space<vmem>>, vector<16xf32>,
        %slice3A_379 = vector.extract_strided_slice %get3A_325 {offsets = [4], sizes = [1], strides = [1]} : vector<16xi32> to vector<1xi32>
        %squeeze3A_380 = vector.extract %slice3A_379[0] : i32 from vector<1xi32>
        %mul3A_381 = arith.constant 32 : i32
        %mul3A_382 = arith.muli %squeeze3A_380, %mul3A_381 : i32
        %get3A_383 = arith.index_cast %mul3A_382 : i32 to index
        %get3A_384 = tpu.vector_load %arg5[%get3A_383] {strides = array<i32>} : memref<768xf32, #tpu.memory_space<vmem>>, vector<16xf32>,
        %add3A_385 = arith.constant 8 : i32
        %add3A_386 = arith.addi %mul3A_382, %add3A_385 : i32
        %get3A_387 = arith.index_cast %add3A_386 : i32 to index
        %get3A_388 = tpu.vector_load %arg5[%get3A_387] {strides = array<i32>} : memref<768xf32, #tpu.memory_space<vmem>>, vector<16xf32>,
        %add3A_389 = arith.constant 48 : i32
        %add3A_390 = arith.addi %mul3A_322, %add3A_389 : i32
        %swap3A_391 = arith.index_cast %add3A_390 : i32 to index
        %swap3A_392 = tpu.vector_load %arg9[%swap3A_391] {strides = array<i32>} : memref<49168xf32, #tpu.memory_space<vmem>>, vector<16xf32>,
        tpu.vector_store %arg9[%swap3A_391], %get3A_349 {strides = array<i32>} : memref<49168xf32, #tpu.memory_space<vmem>>, vector<16xf32>,
        %add3A_393 = arith.constant 8 : i32
        %add3A_394 = arith.addi %add3A_390, %add3A_393 : i32
        %swap3A_395 = arith.index_cast %add3A_394 : i32 to index
        %swap3A_396 = tpu.vector_load %arg9[%swap3A_395] {strides = array<i32>} : memref<49168xf32, #tpu.memory_space<vmem>>, vector<16xf32>,
        tpu.vector_store %arg9[%swap3A_395], %get3A_353 {strides = array<i32>} : memref<49168xf32, #tpu.memory_space<vmem>>, vector<16xf32>,
        %slice3A_397 = vector.extract_strided_slice %get3A_325 {offsets = [5], sizes = [1], strides = [1]} : vector<16xi32> to vector<1xi32>
        %squeeze3A_398 = vector.extract %slice3A_397[0] : i32 from vector<1xi32>
        %mul3A_399 = arith.constant 32 : i32
        %mul3A_400 = arith.muli %squeeze3A_398, %mul3A_399 : i32
        %get3A_401 = arith.index_cast %mul3A_400 : i32 to index
        %get3A_402 = tpu.vector_load %arg5[%get3A_401] {strides = array<i32>} : memref<768xf32, #tpu.memory_space<vmem>>, vector<16xf32>,
        %add3A_403 = arith.constant 8 : i32
        %add3A_404 = arith.addi %mul3A_400, %add3A_403 : i32
        %get3A_405 = arith.index_cast %add3A_404 : i32 to index
        %get3A_406 = tpu.vector_load %arg5[%get3A_405] {strides = array<i32>} : memref<768xf32, #tpu.memory_space<vmem>>, vector<16xf32>,
        %add3A_407 = arith.constant 72 : i32
        %add3A_408 = arith.addi %mul3A_322, %add3A_407 : i32
        %swap3A_409 = arith.index_cast %add3A_408 : i32 to index
        %swap3A_410 = tpu.vector_load %arg9[%swap3A_409] {strides = array<i32>} : memref<49168xf32, #tpu.memory_space<vmem>>, vector<16xf32>,
        tpu.vector_store %arg9[%swap3A_409], %get3A_366 {strides = array<i32>} : memref<49168xf32, #tpu.memory_space<vmem>>, vector<16xf32>,
        %add3A_411 = arith.constant 8 : i32
        %add3A_412 = arith.addi %add3A_408, %add3A_411 : i32
        %swap3A_413 = arith.index_cast %add3A_412 : i32 to index
        %swap3A_414 = tpu.vector_load %arg9[%swap3A_413] {strides = array<i32>} : memref<49168xf32, #tpu.memory_space<vmem>>, vector<16xf32>,
        tpu.vector_store %arg9[%swap3A_413], %get3A_370 {strides = array<i32>} : memref<49168xf32, #tpu.memory_space<vmem>>, vector<16xf32>,
        %slice3A_415 = vector.extract_strided_slice %get3A_325 {offsets = [6], sizes = [1], strides = [1]} : vector<16xi32> to vector<1xi32>
        %squeeze3A_416 = vector.extract %slice3A_415[0] : i32 from vector<1xi32>
        %mul3A_417 = arith.constant 32 : i32
        %mul3A_418 = arith.muli %squeeze3A_416, %mul3A_417 : i32
        %get3A_419 = arith.index_cast %mul3A_418 : i32 to index
        %get3A_420 = tpu.vector_load %arg5[%get3A_419] {strides = array<i32>} : memref<768xf32, #tpu.memory_space<vmem>>, vector<16xf32>,
        %add3A_421 = arith.constant 8 : i32
        %add3A_422 = arith.addi %mul3A_418, %add3A_421 : i32
        %get3A_423 = arith.index_cast %add3A_422 : i32 to index
        %get3A_424 = tpu.vector_load %arg5[%get3A_423] {strides = array<i32>} : memref<768xf32, #tpu.memory_space<vmem>>, vector<16xf32>,
        %add3A_425 = arith.constant 96 : i32
        %add3A_426 = arith.addi %mul3A_322, %add3A_425 : i32
        %swap3A_427 = arith.index_cast %add3A_426 : i32 to index
        %swap3A_428 = tpu.vector_load %arg9[%swap3A_427] {strides = array<i32>} : memref<49168xf32, #tpu.memory_space<vmem>>, vector<16xf32>,
        tpu.vector_store %arg9[%swap3A_427], %get3A_384 {strides = array<i32>} : memref<49168xf32, #tpu.memory_space<vmem>>, vector<16xf32>,
        %add3A_429 = arith.constant 8 : i32
        %add3A_430 = arith.addi %add3A_426, %add3A_429 : i32
        %swap3A_431 = arith.index_cast %add3A_430 : i32 to index
        %swap3A_432 = tpu.vector_load %arg9[%swap3A_431] {strides = array<i32>} : memref<49168xf32, #tpu.memory_space<vmem>>, vector<16xf32>,
        tpu.vector_store %arg9[%swap3A_431], %get3A_388 {strides = array<i32>} : memref<49168xf32, #tpu.memory_space<vmem>>, vector<16xf32>,
        %slice3A_433 = vector.extract_strided_slice %get3A_325 {offsets = [7], sizes = [1], strides = [1]} : vector<16xi32> to vector<1xi32>
        %squeeze3A_434 = vector.extract %slice3A_433[0] : i32 from vector<1xi32>
        %mul3A_435 = arith.constant 32 : i32
        %mul3A_436 = arith.muli %squeeze3A_434, %mul3A_435 : i32
        %get3A_437 = arith.index_cast %mul3A_436 : i32 to index
        %get3A_438 = tpu.vector_load %arg5[%get3A_437] {strides = array<i32>} : memref<768xf32, #tpu.memory_space<vmem>>, vector<16xf32>,
        %add3A_439 = arith.constant 8 : i32
        %add3A_440 = arith.addi %mul3A_436, %add3A_439 : i32
        %get3A_441 = arith.index_cast %add3A_440 : i32 to index
        %get3A_442 = tpu.vector_load %arg5[%get3A_441] {strides = array<i32>} : memref<768xf32, #tpu.memory_space<vmem>>, vector<16xf32>,
        %add3A_443 = arith.constant 120 : i32
        %add3A_444 = arith.addi %mul3A_322, %add3A_443 : i32
        %swap3A_445 = arith.index_cast %add3A_444 : i32 to index
        %swap3A_446 = tpu.vector_load %arg9[%swap3A_445] {strides = array<i32>} : memref<49168xf32, #tpu.memory_space<vmem>>, vector<16xf32>,
        tpu.vector_store %arg9[%swap3A_445], %get3A_402 {strides = array<i32>} : memref<49168xf32, #tpu.memory_space<vmem>>, vector<16xf32>,
        %add3A_447 = arith.constant 8 : i32
        %add3A_448 = arith.addi %add3A_444, %add3A_447 : i32
        %swap3A_449 = arith.index_cast %add3A_448 : i32 to index
        %swap3A_450 = tpu.vector_load %arg9[%swap3A_449] {strides = array<i32>} : memref<49168xf32, #tpu.memory_space<vmem>>, vector<16xf32>,
        tpu.vector_store %arg9[%swap3A_449], %get3A_406 {strides = array<i32>} : memref<49168xf32, #tpu.memory_space<vmem>>, vector<16xf32>,
        %slice3A_451 = vector.extract_strided_slice %get3A_325 {offsets = [8], sizes = [1], strides = [1]} : vector<16xi32> to vector<1xi32>
        %squeeze3A_452 = vector.extract %slice3A_451[0] : i32 from vector<1xi32>
        %mul3A_453 = arith.constant 32 : i32
        %mul3A_454 = arith.muli %squeeze3A_452, %mul3A_453 : i32
        %get3A_455 = arith.index_cast %mul3A_454 : i32 to index
        %get3A_456 = tpu.vector_load %arg5[%get3A_455] {strides = array<i32>} : memref<768xf32, #tpu.memory_space<vmem>>, vector<16xf32>,
        %add3A_457 = arith.constant 8 : i32
        %add3A_458 = arith.addi %mul3A_454, %add3A_457 : i32
        %get3A_459 = arith.index_cast %add3A_458 : i32 to index
        %get3A_460 = tpu.vector_load %arg5[%get3A_459] {strides = array<i32>} : memref<768xf32, #tpu.memory_space<vmem>>, vector<16xf32>,
        %add3A_461 = arith.constant 144 : i32
        %add3A_462 = arith.addi %mul3A_322, %add3A_461 : i32
        %swap3A_463 = arith.index_cast %add3A_462 : i32 to index
        %swap3A_464 = tpu.vector_load %arg9[%swap3A_463] {strides = array<i32>} : memref<49168xf32, #tpu.memory_space<vmem>>, vector<16xf32>,
        tpu.vector_store %arg9[%swap3A_463], %get3A_420 {strides = array<i32>} : memref<49168xf32, #tpu.memory_space<vmem>>, vector<16xf32>,
        %add3A_465 = arith.constant 8 : i32
        %add3A_466 = arith.addi %add3A_462, %add3A_465 : i32
        %swap3A_467 = arith.index_cast %add3A_466 : i32 to index
        %swap3A_468 = tpu.vector_load %arg9[%swap3A_467] {strides = array<i32>} : memref<49168xf32, #tpu.memory_space<vmem>>, vector<16xf32>,
        tpu.vector_store %arg9[%swap3A_467], %get3A_424 {strides = array<i32>} : memref<49168xf32, #tpu.memory_space<vmem>>, vector<16xf32>,
        %slice3A_469 = vector.extract_strided_slice %get3A_325 {offsets = [9], sizes = [1], strides = [1]} : vector<16xi32> to vector<1xi32>
        %squeeze3A_470 = vector.extract %slice3A_469[0] : i32 from vector<1xi32>
        %mul3A_471 = arith.constant 32 : i32
        %mul3A_472 = arith.muli %squeeze3A_470, %mul3A_471 : i32
        %get3A_473 = arith.index_cast %mul3A_472 : i32 to index
        %get3A_474 = tpu.vector_load %arg5[%get3A_473] {strides = array<i32>} : memref<768xf32, #tpu.memory_space<vmem>>, vector<16xf32>,
        %add3A_475 = arith.constant 8 : i32
        %add3A_476 = arith.addi %mul3A_472, %add3A_475 : i32
        %get3A_477 = arith.index_cast %add3A_476 : i32 to index
        %get3A_478 = tpu.vector_load %arg5[%get3A_477] {strides = array<i32>} : memref<768xf32, #tpu.memory_space<vmem>>, vector<16xf32>,
        %add3A_479 = arith.constant 168 : i32
        %add3A_480 = arith.addi %mul3A_322, %add3A_479 : i32
        %swap3A_481 = arith.index_cast %add3A_480 : i32 to index
        %swap3A_482 = tpu.vector_load %arg9[%swap3A_481] {strides = array<i32>} : memref<49168xf32, #tpu.memory_space<vmem>>, vector<16xf32>,
        tpu.vector_store %arg9[%swap3A_481], %get3A_438 {strides = array<i32>} : memref<49168xf32, #tpu.memory_space<vmem>>, vector<16xf32>,
        %add3A_483 = arith.constant 8 : i32
        %add3A_484 = arith.addi %add3A_480, %add3A_483 : i32
        %swap3A_485 = arith.index_cast %add3A_484 : i32 to index
        %swap3A_486 = tpu.vector_load %arg9[%swap3A_485] {strides = array<i32>} : memref<49168xf32, #tpu.memory_space<vmem>>, vector<16xf32>,
        tpu.vector_store %arg9[%swap3A_485], %get3A_442 {strides = array<i32>} : memref<49168xf32, #tpu.memory_space<vmem>>, vector<16xf32>,
        %slice3A_487 = vector.extract_strided_slice %get3A_325 {offsets = [10], sizes = [1], strides = [1]} : vector<16xi32> to vector<1xi32>
        %squeeze3A_488 = vector.extract %slice3A_487[0] : i32 from vector<1xi32>
        %mul3A_489 = arith.constant 32 : i32
        %mul3A_490 = arith.muli %squeeze3A_488, %mul3A_489 : i32
        %get3A_491 = arith.index_cast %mul3A_490 : i32 to index
        %get3A_492 = tpu.vector_load %arg5[%get3A_491] {strides = array<i32>} : memref<768xf32, #tpu.memory_space<vmem>>, vector<16xf32>,
        %add3A_493 = arith.constant 8 : i32
        %add3A_494 = arith.addi %mul3A_490, %add3A_493 : i32
        %get3A_495 = arith.index_cast %add3A_494 : i32 to index
        %get3A_496 = tpu.vector_load %arg5[%get3A_495] {strides = array<i32>} : memref<768xf32, #tpu.memory_space<vmem>>, vector<16xf32>,
        %add3A_497 = arith.constant 192 : i32
        %add3A_498 = arith.addi %mul3A_322, %add3A_497 : i32
        %swap3A_499 = arith.index_cast %add3A_498 : i32 to index
        %swap3A_500 = tpu.vector_load %arg9[%swap3A_499] {strides = array<i32>} : memref<49168xf32, #tpu.memory_space<vmem>>, vector<16xf32>,
        tpu.vector_store %arg9[%swap3A_499], %get3A_456 {strides = array<i32>} : memref<49168xf32, #tpu.memory_space<vmem>>, vector<16xf32>,
        %add3A_501 = arith.constant 8 : i32
        %add3A_502 = arith.addi %add3A_498, %add3A_501 : i32
        %swap3A_503 = arith.index_cast %add3A_502 : i32 to index
        %swap3A_504 = tpu.vector_load %arg9[%swap3A_503] {strides = array<i32>} : memref<49168xf32, #tpu.memory_space<vmem>>, vector<16xf32>,
        tpu.vector_store %arg9[%swap3A_503], %get3A_460 {strides = array<i32>} : memref<49168xf32, #tpu.memory_space<vmem>>, vector<16xf32>,
        %slice3A_505 = vector.extract_strided_slice %get3A_325 {offsets = [11], sizes = [1], strides = [1]} : vector<16xi32> to vector<1xi32>
        %squeeze3A_506 = vector.extract %slice3A_505[0] : i32 from vector<1xi32>
        %mul3A_507 = arith.constant 32 : i32
        %mul3A_508 = arith.muli %squeeze3A_506, %mul3A_507 : i32
        %get3A_509 = arith.index_cast %mul3A_508 : i32 to index
        %get3A_510 = tpu.vector_load %arg5[%get3A_509] {strides = array<i32>} : memref<768xf32, #tpu.memory_space<vmem>>, vector<16xf32>,
        %add3A_511 = arith.constant 8 : i32
        %add3A_512 = arith.addi %mul3A_508, %add3A_511 : i32
        %get3A_513 = arith.index_cast %add3A_512 : i32 to index
        %get3A_514 = tpu.vector_load %arg5[%get3A_513] {strides = array<i32>} : memref<768xf32, #tpu.memory_space<vmem>>, vector<16xf32>,
        %add3A_515 = arith.constant 216 : i32
        %add3A_516 = arith.addi %mul3A_322, %add3A_515 : i32
        %swap3A_517 = arith.index_cast %add3A_516 : i32 to index
        %swap3A_518 = tpu.vector_load %arg9[%swap3A_517] {strides = array<i32>} : memref<49168xf32, #tpu.memory_space<vmem>>, vector<16xf32>,
        tpu.vector_store %arg9[%swap3A_517], %get3A_474 {strides = array<i32>} : memref<49168xf32, #tpu.memory_space<vmem>>, vector<16xf32>,
        %add3A_519 = arith.constant 8 : i32
        %add3A_520 = arith.addi %add3A_516, %add3A_519 : i32
        %swap3A_521 = arith.index_cast %add3A_520 : i32 to index
        %swap3A_522 = tpu.vector_load %arg9[%swap3A_521] {strides = array<i32>} : memref<49168xf32, #tpu.memory_space<vmem>>, vector<16xf32>,
        tpu.vector_store %arg9[%swap3A_521], %get3A_478 {strides = array<i32>} : memref<49168xf32, #tpu.memory_space<vmem>>, vector<16xf32>,
        %slice3A_523 = vector.extract_strided_slice %get3A_325 {offsets = [12], sizes = [1], strides = [1]} : vector<16xi32> to vector<1xi32>
        %squeeze3A_524 = vector.extract %slice3A_523[0] : i32 from vector<1xi32>
        %mul3A_525 = arith.constant 32 : i32
        %mul3A_526 = arith.muli %squeeze3A_524, %mul3A_525 : i32
        %get3A_527 = arith.index_cast %mul3A_526 : i32 to index
        %get3A_528 = tpu.vector_load %arg5[%get3A_527] {strides = array<i32>} : memref<768xf32, #tpu.memory_space<vmem>>, vector<16xf32>,
        %add3A_529 = arith.constant 8 : i32
        %add3A_530 = arith.addi %mul3A_526, %add3A_529 : i32
        %get3A_531 = arith.index_cast %add3A_530 : i32 to index
        %get3A_532 = tpu.vector_load %arg5[%get3A_531] {strides = array<i32>} : memref<768xf32, #tpu.memory_space<vmem>>, vector<16xf32>,
        %add3A_533 = arith.constant 240 : i32
        %add3A_534 = arith.addi %mul3A_322, %add3A_533 : i32
        %swap3A_535 = arith.index_cast %add3A_534 : i32 to index
        %swap3A_536 = tpu.vector_load %arg9[%swap3A_535] {strides = array<i32>} : memref<49168xf32, #tpu.memory_space<vmem>>, vector<16xf32>,
        tpu.vector_store %arg9[%swap3A_535], %get3A_492 {strides = array<i32>} : memref<49168xf32, #tpu.memory_space<vmem>>, vector<16xf32>,
        %add3A_537 = arith.constant 8 : i32
        %add3A_538 = arith.addi %add3A_534, %add3A_537 : i32
        %swap3A_539 = arith.index_cast %add3A_538 : i32 to index
        %swap3A_540 = tpu.vector_load %arg9[%swap3A_539] {strides = array<i32>} : memref<49168xf32, #tpu.memory_space<vmem>>, vector<16xf32>,
        tpu.vector_store %arg9[%swap3A_539], %get3A_496 {strides = array<i32>} : memref<49168xf32, #tpu.memory_space<vmem>>, vector<16xf32>,
        %slice3A_541 = vector.extract_strided_slice %get3A_325 {offsets = [13], sizes = [1], strides = [1]} : vector<16xi32> to vector<1xi32>
        %squeeze3A_542 = vector.extract %slice3A_541[0] : i32 from vector<1xi32>
        %mul3A_543 = arith.constant 32 : i32
        %mul3A_544 = arith.muli %squeeze3A_542, %mul3A_543 : i32
        %get3A_545 = arith.index_cast %mul3A_544 : i32 to index
        %get3A_546 = tpu.vector_load %arg5[%get3A_545] {strides = array<i32>} : memref<768xf32, #tpu.memory_space<vmem>>, vector<16xf32>,
        %add3A_547 = arith.constant 8 : i32
        %add3A_548 = arith.addi %mul3A_544, %add3A_547 : i32
        %get3A_549 = arith.index_cast %add3A_548 : i32 to index
        %get3A_550 = tpu.vector_load %arg5[%get3A_549] {strides = array<i32>} : memref<768xf32, #tpu.memory_space<vmem>>, vector<16xf32>,
        %add3A_551 = arith.constant 264 : i32
        %add3A_552 = arith.addi %mul3A_322, %add3A_551 : i32
        %swap3A_553 = arith.index_cast %add3A_552 : i32 to index
        %swap3A_554 = tpu.vector_load %arg9[%swap3A_553] {strides = array<i32>} : memref<49168xf32, #tpu.memory_space<vmem>>, vector<16xf32>,
        tpu.vector_store %arg9[%swap3A_553], %get3A_510 {strides = array<i32>} : memref<49168xf32, #tpu.memory_space<vmem>>, vector<16xf32>,
        %add3A_555 = arith.constant 8 : i32
        %add3A_556 = arith.addi %add3A_552, %add3A_555 : i32
        %swap3A_557 = arith.index_cast %add3A_556 : i32 to index
        %swap3A_558 = tpu.vector_load %arg9[%swap3A_557] {strides = array<i32>} : memref<49168xf32, #tpu.memory_space<vmem>>, vector<16xf32>,
        tpu.vector_store %arg9[%swap3A_557], %get3A_514 {strides = array<i32>} : memref<49168xf32, #tpu.memory_space<vmem>>, vector<16xf32>,
        %slice3A_559 = vector.extract_strided_slice %get3A_325 {offsets = [14], sizes = [1], strides = [1]} : vector<16xi32> to vector<1xi32>
        %squeeze3A_560 = vector.extract %slice3A_559[0] : i32 from vector<1xi32>
        %mul3A_561 = arith.constant 32 : i32
        %mul3A_562 = arith.muli %squeeze3A_560, %mul3A_561 : i32
        %get3A_563 = arith.index_cast %mul3A_562 : i32 to index
        %get3A_564 = tpu.vector_load %arg5[%get3A_563] {strides = array<i32>} : memref<768xf32, #tpu.memory_space<vmem>>, vector<16xf32>,
        %add3A_565 = arith.constant 8 : i32
        %add3A_566 = arith.addi %mul3A_562, %add3A_565 : i32
        %get3A_567 = arith.index_cast %add3A_566 : i32 to index
        %get3A_568 = tpu.vector_load %arg5[%get3A_567] {strides = array<i32>} : memref<768xf32, #tpu.memory_space<vmem>>, vector<16xf32>,
        %add3A_569 = arith.constant 288 : i32
        %add3A_570 = arith.addi %mul3A_322, %add3A_569 : i32
        %swap3A_571 = arith.index_cast %add3A_570 : i32 to index
        %swap3A_572 = tpu.vector_load %arg9[%swap3A_571] {strides = array<i32>} : memref<49168xf32, #tpu.memory_space<vmem>>, vector<16xf32>,
        tpu.vector_store %arg9[%swap3A_571], %get3A_528 {strides = array<i32>} : memref<49168xf32, #tpu.memory_space<vmem>>, vector<16xf32>,
        %add3A_573 = arith.constant 8 : i32
        %add3A_574 = arith.addi %add3A_570, %add3A_573 : i32
        %swap3A_575 = arith.index_cast %add3A_574 : i32 to index
        %swap3A_576 = tpu.vector_load %arg9[%swap3A_575] {strides = array<i32>} : memref<49168xf32, #tpu.memory_space<vmem>>, vector<16xf32>,
        tpu.vector_store %arg9[%swap3A_575], %get3A_532 {strides = array<i32>} : memref<49168xf32, #tpu.memory_space<vmem>>, vector<16xf32>,
        %slice3A_577 = vector.extract_strided_slice %get3A_325 {offsets = [15], sizes = [1], strides = [1]} : vector<16xi32> to vector<1xi32>
        %squeeze3A_578 = vector.extract %slice3A_577[0] : i32 from vector<1xi32>
        %mul3A_579 = arith.constant 32 : i32
        %mul3A_580 = arith.muli %squeeze3A_578, %mul3A_579 : i32
        %get3A_581 = arith.index_cast %mul3A_580 : i32 to index
        %get3A_582 = tpu.vector_load %arg5[%get3A_581] {strides = array<i32>} : memref<768xf32, #tpu.memory_space<vmem>>, vector<16xf32>,
        %add3A_583 = arith.constant 8 : i32
        %add3A_584 = arith.addi %mul3A_580, %add3A_583 : i32
        %get3A_585 = arith.index_cast %add3A_584 : i32 to index
        %get3A_586 = tpu.vector_load %arg5[%get3A_585] {strides = array<i32>} : memref<768xf32, #tpu.memory_space<vmem>>, vector<16xf32>,
        %add3A_587 = arith.constant 312 : i32
        %add3A_588 = arith.addi %mul3A_322, %add3A_587 : i32
        %swap3A_589 = arith.index_cast %add3A_588 : i32 to index
        %swap3A_590 = tpu.vector_load %arg9[%swap3A_589] {strides = array<i32>} : memref<49168xf32, #tpu.memory_space<vmem>>, vector<16xf32>,
        tpu.vector_store %arg9[%swap3A_589], %get3A_546 {strides = array<i32>} : memref<49168xf32, #tpu.memory_space<vmem>>, vector<16xf32>,
        %add3A_591 = arith.constant 8 : i32
        %add3A_592 = arith.addi %add3A_588, %add3A_591 : i32
        %swap3A_593 = arith.index_cast %add3A_592 : i32 to index
        %swap3A_594 = tpu.vector_load %arg9[%swap3A_593] {strides = array<i32>} : memref<49168xf32, #tpu.memory_space<vmem>>, vector<16xf32>,
        tpu.vector_store %arg9[%swap3A_593], %get3A_550 {strides = array<i32>} : memref<49168xf32, #tpu.memory_space<vmem>>, vector<16xf32>,
        %add3A_595 = arith.constant 336 : i32
        %add3A_596 = arith.addi %mul3A_322, %add3A_595 : i32
        %swap3A_597 = arith.index_cast %add3A_596 : i32 to index
        %swap3A_598 = tpu.vector_load %arg9[%swap3A_597] {strides = array<i32>} : memref<49168xf32, #tpu.memory_space<vmem>>, vector<16xf32>,
        tpu.vector_store %arg9[%swap3A_597], %get3A_564 {strides = array<i32>} : memref<49168xf32, #tpu.memory_space<vmem>>, vector<16xf32>,
        %add3A_599 = arith.constant 8 : i32
        %add3A_600 = arith.addi %add3A_596, %add3A_599 : i32
        %swap3A_601 = arith.index_cast %add3A_600 : i32 to index
        %swap3A_602 = tpu.vector_load %arg9[%swap3A_601] {strides = array<i32>} : memref<49168xf32, #tpu.memory_space<vmem>>, vector<16xf32>,
        tpu.vector_store %arg9[%swap3A_601], %get3A_568 {strides = array<i32>} : memref<49168xf32, #tpu.memory_space<vmem>>, vector<16xf32>,
        %add3A_603 = arith.constant 360 : i32
        %add3A_604 = arith.addi %mul3A_322, %add3A_603 : i32
        %swap3A_605 = arith.index_cast %add3A_604 : i32 to index
        %swap3A_606 = tpu.vector_load %arg9[%swap3A_605] {strides = array<i32>} : memref<49168xf32, #tpu.memory_space<vmem>>, vector<16xf32>,
        tpu.vector_store %arg9[%swap3A_605], %get3A_582 {strides = array<i32>} : memref<49168xf32, #tpu.memory_space<vmem>>, vector<16xf32>,
        %add3A_607 = arith.constant 8 : i32
        %add3A_608 = arith.addi %add3A_604, %add3A_607 : i32
        %swap3A_609 = arith.index_cast %add3A_608 : i32 to index
        %swap3A_610 = tpu.vector_load %arg9[%swap3A_609] {strides = array<i32>} : memref<49168xf32, #tpu.memory_space<vmem>>, vector<16xf32>,
        tpu.vector_store %arg9[%swap3A_609], %get3A_586 {strides = array<i32>} : memref<49168xf32, #tpu.memory_space<vmem>>, vector<16xf32>,
      }
      %scan3A_298 = arith.constant 32 : i32
      %mul3A_299 = arith.constant 2048 : i32
      %mul3A_300 = arith.muli %add3A_221, %mul3A_299 : i32
      %add3A_301 = arith.addi %mul3A_2, %mul3A_300 : i32
      %mul3A_302 = arith.constant 24 : i32
      %mul3A_303 = arith.muli %add3A_301, %mul3A_302 : i32
      %add3A_304 = arith.constant 36864 : i32
      %add3A_305 = arith.addi %mul3A_303, %add3A_304 : i32
      %multiple_of3A_306 = tpu.assume_multiple %add3A_305, 8 : i32
      %dma_start3A_307 = arith.constant 36864 : i32
      %dma_start3A_308 = tpu.memref_slice %arg9[%dma_start3A_307] : memref<49168xf32, #tpu.memory_space<vmem>> -> memref<12288xf32, #tpu.memory_space<vmem>>
      %dma_start3A_309 = tpu.memref_slice %arg4[%multiple_of3A_306] : memref<78643200xf32, #tpu.memory_space<hbm>> -> memref<12288xf32, #tpu.memory_space<hbm>>
      %dma_start3A_310 = tpu.memref_slice %arg4[%multiple_of3A_306] : memref<78643200xf32, #tpu.memory_space<hbm>> -> memref<12288xf32, #tpu.memory_space<hbm>>
      %dma_start3A_311 = arith.constant 36864 : i32
      %dma_start3A_312 = tpu.memref_slice %arg9[%dma_start3A_311] : memref<49168xf32, #tpu.memory_space<vmem>> -> memref<12288xf32, #tpu.memory_space<vmem>>
      tpu.enqueue_dma source(%dma_start3A_312 : memref<12288xf32, #tpu.memory_space<vmem>>) target(%dma_start3A_310 : memref<12288xf32, #tpu.memory_space<hbm>>) target_semaphore(%arg13 : memref<!tpu.dma_semaphore, #tpu.memory_space<semaphore_mem>>)
      %add3A_313 = arith.constant 2 : i32
      %add3A_314 = arith.addi %add3A_221, %add3A_313 : i32
      %lt3A_315 = arith.constant 50 : i32
      %lt3A_316 = arith.cmpi slt, %add3A_314, %lt3A_315 : i32
      %convert_element_type3A_317 = arith.extui %lt3A_316 : i1 to i32
      %cond3A_318 = arith.constant 0 : i32
      %cond3A_319 = arith.cmpi ne, %convert_element_type3A_317, %cond3A_318 : i32
      scf.if %cond3A_319 {
        %add3A_320 = arith.constant 2 : i32
        %add3A_321 = arith.addi %add3A_221, %add3A_320 : i32
        %mul3A_322 = arith.constant 2048 : i32
        %mul3A_323 = arith.muli %add3A_321, %mul3A_322 : i32
        %add3A_324 = arith.addi %mul3A_2, %mul3A_323 : i32
        %multiple_of3A_325 = tpu.assume_multiple %add3A_324, 8 : i32
        %dma_start3A_326 = tpu.memref_slice %arg2[%multiple_of3A_325] : memref<3276800xi32, #tpu.memory_space<hbm>> -> memref<2048xi32, #tpu.memory_space<hbm>>
        %dma_start3A_327 = tpu.memref_slice %arg2[%multiple_of3A_325] : memref<3276800xi32, #tpu.memory_space<hbm>> -> memref<2048xi32, #tpu.memory_space<hbm>>
        tpu.enqueue_dma source(%dma_start3A_327 : memref<2048xi32, #tpu.memory_space<hbm>>) target(%arg7 : memref<2048xi32, #tpu.memory_space<vmem>>) target_semaphore(%arg11 : memref<!tpu.dma_semaphore, #tpu.memory_space<semaphore_mem>>)
      } else {
      }
    }
    %scan3A_15 = arith.constant 25 : i32
    %add3A_16 = arith.constant 98304 : i32
    %add3A_17 = arith.addi %mul3A_2, %add3A_16 : i32
    %mul3A_18 = arith.constant 24 : i32
    %mul3A_19 = arith.muli %add3A_17, %mul3A_18 : i32
    %add3A_20 = arith.constant 0 : i32
    %add3A_21 = arith.addi %mul3A_19, %add3A_20 : i32
    %multiple_of3A_22 = tpu.assume_multiple %add3A_21, 8 : i32
    %dma_wait3A = arith.constant 0 : i32
    %dma_wait3A_23 = tpu.memref_slice %arg8[%dma_wait3A] : memref<49168xf32, #tpu.memory_space<vmem>> -> memref<12288xf32, #tpu.memory_space<vmem>>
    %dma_wait3A_24 = tpu.memref_slice %arg4[%multiple_of3A_22] : memref<78643200xf32, #tpu.memory_space<hbm>> -> memref<12288xf32, #tpu.memory_space<hbm>>
    %dma_wait3A_25 = tpu.memref_slice %arg4[%multiple_of3A_22] : memref<78643200xf32, #tpu.memory_space<hbm>> -> memref<12288xf32, #tpu.memory_space<hbm>>
    %dma_wait3A_26 = arith.constant 0 : i32
    %dma_wait3A_27 = tpu.memref_slice %arg8[%dma_wait3A_26] : memref<49168xf32, #tpu.memory_space<vmem>> -> memref<12288xf32, #tpu.memory_space<vmem>>
    tpu.wait_dma2 semaphore(%arg12 : memref<!tpu.dma_semaphore, #tpu.memory_space<semaphore_mem>>) src(%dma_wait3A_27 : memref<12288xf32, #tpu.memory_space<vmem>>) dst(%dma_wait3A_25 : memref<12288xf32, #tpu.memory_space<hbm>>)
    %add3A_28 = arith.constant 100352 : i32
    %add3A_29 = arith.addi %mul3A_2, %add3A_28 : i32
    %mul3A_30 = arith.constant 24 : i32
    %mul3A_31 = arith.muli %add3A_29, %mul3A_30 : i32
    %add3A_32 = arith.constant 0 : i32
    %add3A_33 = arith.addi %mul3A_31, %add3A_32 : i32
    %multiple_of3A_34 = tpu.assume_multiple %add3A_33, 8 : i32
    %dma_wait3A_35 = arith.constant 0 : i32
    %dma_wait3A_36 = tpu.memref_slice %arg9[%dma_wait3A_35] : memref<49168xf32, #tpu.memory_space<vmem>> -> memref<12288xf32, #tpu.memory_space<vmem>>
    %dma_wait3A_37 = tpu.memref_slice %arg4[%multiple_of3A_34] : memref<78643200xf32, #tpu.memory_space<hbm>> -> memref<12288xf32, #tpu.memory_space<hbm>>
    %dma_wait3A_38 = tpu.memref_slice %arg4[%multiple_of3A_34] : memref<78643200xf32, #tpu.memory_space<hbm>> -> memref<12288xf32, #tpu.memory_space<hbm>>
    %dma_wait3A_39 = arith.constant 0 : i32
    %dma_wait3A_40 = tpu.memref_slice %arg9[%dma_wait3A_39] : memref<49168xf32, #tpu.memory_space<vmem>> -> memref<12288xf32, #tpu.memory_space<vmem>>
    tpu.wait_dma2 semaphore(%arg13 : memref<!tpu.dma_semaphore, #tpu.memory_space<semaphore_mem>>) src(%dma_wait3A_40 : memref<12288xf32, #tpu.memory_space<vmem>>) dst(%dma_wait3A_38 : memref<12288xf32, #tpu.memory_space<hbm>>)
    %add3A_41 = arith.constant 98304 : i32
    %add3A_42 = arith.addi %mul3A_2, %add3A_41 : i32
    %mul3A_43 = arith.constant 24 : i32
    %mul3A_44 = arith.muli %add3A_42, %mul3A_43 : i32
    %add3A_45 = arith.constant 12288 : i32
    %add3A_46 = arith.addi %mul3A_44, %add3A_45 : i32
    %multiple_of3A_47 = tpu.assume_multiple %add3A_46, 8 : i32
    %dma_wait3A_48 = arith.constant 12288 : i32
    %dma_wait3A_49 = tpu.memref_slice %arg8[%dma_wait3A_48] : memref<49168xf32, #tpu.memory_space<vmem>> -> memref<12288xf32, #tpu.memory_space<vmem>>
    %dma_wait3A_50 = tpu.memref_slice %arg4[%multiple_of3A_47] : memref<78643200xf32, #tpu.memory_space<hbm>> -> memref<12288xf32, #tpu.memory_space<hbm>>
    %dma_wait3A_51 = tpu.memref_slice %arg4[%multiple_of3A_47] : memref<78643200xf32, #tpu.memory_space<hbm>> -> memref<12288xf32, #tpu.memory_space<hbm>>
    %dma_wait3A_52 = arith.constant 12288 : i32
    %dma_wait3A_53 = tpu.memref_slice %arg8[%dma_wait3A_52] : memref<49168xf32, #tpu.memory_space<vmem>> -> memref<12288xf32, #tpu.memory_space<vmem>>
    tpu.wait_dma2 semaphore(%arg12 : memref<!tpu.dma_semaphore, #tpu.memory_space<semaphore_mem>>) src(%dma_wait3A_53 : memref<12288xf32, #tpu.memory_space<vmem>>) dst(%dma_wait3A_51 : memref<12288xf32, #tpu.memory_space<hbm>>)
    %add3A_54 = arith.constant 100352 : i32
    %add3A_55 = arith.addi %mul3A_2, %add3A_54 : i32
    %mul3A_56 = arith.constant 24 : i32
    %mul3A_57 = arith.muli %add3A_55, %mul3A_56 : i32
    %add3A_58 = arith.constant 12288 : i32
    %add3A_59 = arith.addi %mul3A_57, %add3A_58 : i32
    %multiple_of3A_60 = tpu.assume_multiple %add3A_59, 8 : i32
    %dma_wait3A_61 = arith.constant 12288 : i32
    %dma_wait3A_62 = tpu.memref_slice %arg9[%dma_wait3A_61] : memref<49168xf32, #tpu.memory_space<vmem>> -> memref<12288xf32, #tpu.memory_space<vmem>>
    %dma_wait3A_63 = tpu.memref_slice %arg4[%multiple_of3A_60] : memref<78643200xf32, #tpu.memory_space<hbm>> -> memref<12288xf32, #tpu.memory_space<hbm>>
    %dma_wait3A_64 = tpu.memref_slice %arg4[%multiple_of3A_60] : memref<78643200xf32, #tpu.memory_space<hbm>> -> memref<12288xf32, #tpu.memory_space<hbm>>
    %dma_wait3A_65 = arith.constant 12288 : i32
    %dma_wait3A_66 = tpu.memref_slice %arg9[%dma_wait3A_65] : memref<49168xf32, #tpu.memory_space<vmem>> -> memref<12288xf32, #tpu.memory_space<vmem>>
    tpu.wait_dma2 semaphore(%arg13 : memref<!tpu.dma_semaphore, #tpu.memory_space<semaphore_mem>>) src(%dma_wait3A_66 : memref<12288xf32, #tpu.memory_space<vmem>>) dst(%dma_wait3A_64 : memref<12288xf32, #tpu.memory_space<hbm>>)
    %add3A_67 = arith.constant 98304 : i32
    %add3A_68 = arith.addi %mul3A_2, %add3A_67 : i32
    %mul3A_69 = arith.constant 24 : i32
    %mul3A_70 = arith.muli %add3A_68, %mul3A_69 : i32
    %add3A_71 = arith.constant 24576 : i32
    %add3A_72 = arith.addi %mul3A_70, %add3A_71 : i32
    %multiple_of3A_73 = tpu.assume_multiple %add3A_72, 8 : i32
    %dma_wait3A_74 = arith.constant 24576 : i32
    %dma_wait3A_75 = tpu.memref_slice %arg8[%dma_wait3A_74] : memref<49168xf32, #tpu.memory_space<vmem>> -> memref<12288xf32, #tpu.memory_space<vmem>>
    %dma_wait3A_76 = tpu.memref_slice %arg4[%multiple_of3A_73] : memref<78643200xf32, #tpu.memory_space<hbm>> -> memref<12288xf32, #tpu.memory_space<hbm>>
    %dma_wait3A_77 = tpu.memref_slice %arg4[%multiple_of3A_73] : memref<78643200xf32, #tpu.memory_space<hbm>> -> memref<12288xf32, #tpu.memory_space<hbm>>
    %dma_wait3A_78 = arith.constant 24576 : i32
    %dma_wait3A_79 = tpu.memref_slice %arg8[%dma_wait3A_78] : memref<49168xf32, #tpu.memory_space<vmem>> -> memref<12288xf32, #tpu.memory_space<vmem>>
    tpu.wait_dma2 semaphore(%arg12 : memref<!tpu.dma_semaphore, #tpu.memory_space<semaphore_mem>>) src(%dma_wait3A_79 : memref<12288xf32, #tpu.memory_space<vmem>>) dst(%dma_wait3A_77 : memref<12288xf32, #tpu.memory_space<hbm>>)
    %add3A_80 = arith.constant 100352 : i32
    %add3A_81 = arith.addi %mul3A_2, %add3A_80 : i32
    %mul3A_82 = arith.constant 24 : i32
    %mul3A_83 = arith.muli %add3A_81, %mul3A_82 : i32
    %add3A_84 = arith.constant 24576 : i32
    %add3A_85 = arith.addi %mul3A_83, %add3A_84 : i32
    %multiple_of3A_86 = tpu.assume_multiple %add3A_85, 8 : i32
    %dma_wait3A_87 = arith.constant 24576 : i32
    %dma_wait3A_88 = tpu.memref_slice %arg9[%dma_wait3A_87] : memref<49168xf32, #tpu.memory_space<vmem>> -> memref<12288xf32, #tpu.memory_space<vmem>>
    %dma_wait3A_89 = tpu.memref_slice %arg4[%multiple_of3A_86] : memref<78643200xf32, #tpu.memory_space<hbm>> -> memref<12288xf32, #tpu.memory_space<hbm>>
    %dma_wait3A_90 = tpu.memref_slice %arg4[%multiple_of3A_86] : memref<78643200xf32, #tpu.memory_space<hbm>> -> memref<12288xf32, #tpu.memory_space<hbm>>
    %dma_wait3A_91 = arith.constant 24576 : i32
    %dma_wait3A_92 = tpu.memref_slice %arg9[%dma_wait3A_91] : memref<49168xf32, #tpu.memory_space<vmem>> -> memref<12288xf32, #tpu.memory_space<vmem>>
    tpu.wait_dma2 semaphore(%arg13 : memref<!tpu.dma_semaphore, #tpu.memory_space<semaphore_mem>>) src(%dma_wait3A_92 : memref<12288xf32, #tpu.memory_space<vmem>>) dst(%dma_wait3A_90 : memref<12288xf32, #tpu.memory_space<hbm>>)
    %add3A_93 = arith.constant 98304 : i32
    %add3A_94 = arith.addi %mul3A_2, %add3A_93 : i32
    %mul3A_95 = arith.constant 24 : i32
    %mul3A_96 = arith.muli %add3A_94, %mul3A_95 : i32
    %add3A_97 = arith.constant 36864 : i32
    %add3A_98 = arith.addi %mul3A_96, %add3A_97 : i32
    %multiple_of3A_99 = tpu.assume_multiple %add3A_98, 8 : i32
    %dma_wait3A_100 = arith.constant 36864 : i32
    %dma_wait3A_101 = tpu.memref_slice %arg8[%dma_wait3A_100] : memref<49168xf32, #tpu.memory_space<vmem>> -> memref<12288xf32, #tpu.memory_space<vmem>>
    %dma_wait3A_102 = tpu.memref_slice %arg4[%multiple_of3A_99] : memref<78643200xf32, #tpu.memory_space<hbm>> -> memref<12288xf32, #tpu.memory_space<hbm>>
    %dma_wait3A_103 = tpu.memref_slice %arg4[%multiple_of3A_99] : memref<78643200xf32, #tpu.memory_space<hbm>> -> memref<12288xf32, #tpu.memory_space<hbm>>
    %dma_wait3A_104 = arith.constant 36864 : i32
    %dma_wait3A_105 = tpu.memref_slice %arg8[%dma_wait3A_104] : memref<49168xf32, #tpu.memory_space<vmem>> -> memref<12288xf32, #tpu.memory_space<vmem>>
    tpu.wait_dma2 semaphore(%arg12 : memref<!tpu.dma_semaphore, #tpu.memory_space<semaphore_mem>>) src(%dma_wait3A_105 : memref<12288xf32, #tpu.memory_space<vmem>>) dst(%dma_wait3A_103 : memref<12288xf32, #tpu.memory_space<hbm>>)
    %add3A_106 = arith.constant 100352 : i32
    %add3A_107 = arith.addi %mul3A_2, %add3A_106 : i32
    %mul3A_108 = arith.constant 24 : i32
    %mul3A_109 = arith.muli %add3A_107, %mul3A_108 : i32
    %add3A_110 = arith.constant 36864 : i32
    %add3A_111 = arith.addi %mul3A_109, %add3A_110 : i32
    %multiple_of3A_112 = tpu.assume_multiple %add3A_111, 8 : i32
    %dma_wait3A_113 = arith.constant 36864 : i32
    %dma_wait3A_114 = tpu.memref_slice %arg9[%dma_wait3A_113] : memref<49168xf32, #tpu.memory_space<vmem>> -> memref<12288xf32, #tpu.memory_space<vmem>>
    %dma_wait3A_115 = tpu.memref_slice %arg4[%multiple_of3A_112] : memref<78643200xf32, #tpu.memory_space<hbm>> -> memref<12288xf32, #tpu.memory_space<hbm>>
    %dma_wait3A_116 = tpu.memref_slice %arg4[%multiple_of3A_112] : memref<78643200xf32, #tpu.memory_space<hbm>> -> memref<12288xf32, #tpu.memory_space<hbm>>
    %dma_wait3A_117 = arith.constant 36864 : i32
    %dma_wait3A_118 = tpu.memref_slice %arg9[%dma_wait3A_117] : memref<49168xf32, #tpu.memory_space<vmem>> -> memref<12288xf32, #tpu.memory_space<vmem>>
    tpu.wait_dma2 semaphore(%arg13 : memref<!tpu.dma_semaphore, #tpu.memory_space<semaphore_mem>>) src(%dma_wait3A_118 : memref<12288xf32, #tpu.memory_space<vmem>>) dst(%dma_wait3A_116 : memref<12288xf32, #tpu.memory_space<hbm>>)
    return
  }
}

</mosaic_0001>

<sc_bundles>
// kernel: kernel.3.cloned.1.call-start
scs
__scs_entry_jumppad:
0x0: {  	(pc) =	sbr.rel $0x88, $3  }
0x1: {  	(tag) =	ssettag $0x0;
	lr =	simm.s32 $0x1  }
0x2: {  	[smem:$0x3F9F] =	sst lr;
	_ =	strace $0xD0000000  }
0x3: {  	_ = 	snop  }
0x4: {  	_ = 	snop  }
0x5: {  	_ = 	snop  }
0x6: {  	_ = 	snop  }
0x7: {  	_ = 	snop  }
__scs_overlays_trampoline_lowered:
0x8: {  	[smem:$0x3FAE] =	sst s0  }
0x9: {  	[smem:$0x3FAF] =	sst s1  }
0xa: {  	[smem:$0x3FB0] =	sst s2  }
0xb: {  	[smem:$0x3FB1] =	sst s3  }
0xc: {  	[smem:$0x3FB2] =	sst s4  }
0xd: {  	[smem:$0x3FB3] =	sst s5  }
0xe: {  	[smem:$0x3FB4] =	sst s6  }
0xf: {  	[smem:$0x3FB5] =	sst s7  }
0x10: {  	[smem:$0x3FB6] =	sst s8  }
0x11: {  	[smem:$0x3FB7] =	sst s9;
	s0 =	simm.s32 @!p0 $0x0  }
0x12: {  	s1 =	sld [smem:$0x3F9D];
	s0 =	simm.s32 @p0 $0x1  }
0x13: {  	[smem:$0x3FB8] =	sst s0;
	s0 =	simm.s32 @!p1 $0x0  }
0x14: {  	s2 =	sld [smem:$0x3F9C];
	s0 =	simm.s32 @p1 $0x1  }
0x15: {  	[smem:$0x3FB9] =	sst s0;
	s0 =	simm.s32 @!p2 $0x0  }
0x16: {  	s3 =	sld [smem:$0x3FDB];
	s0 =	simm.s32 @p2 $0x1  }
0x17: {  	s4 =	simm.s32 $0x1BF5;
	[smem:$0x3FBB] =	sst s0  }
0x18: {  	s0 =	sld [smem:$0x3F9E];
	_ =	swait.ge [sflag:s4], $0x0  }
0x19: {  	s7 =	sld [smem:$0x3F9F]  }
0x1a: {  	s8 =	sadd.s32 $0xFFFFE003, lr  }
0x1b: {  	s9 =	sadd.s32 $0xFFFFFEF7, lr;
	s5 =	simm.s32 $0xFFFFFFFF;
	p2 =	slt.u32 s8, $0xFFFFF086  }
0x1c: {  	p1 =	slt.u32 s9, $0xF7A;
	s5 =	simm.s32 @!p2 $0x0  }
0x1d: {  	s5 =	simm.s32 @p1 $0x1;
	p0 =	seq.s32 s7, s2  }
0x1e: {  	s7 =	smul.u32 @!p0 $0xF7A, s2;
	p2 =	seq.s32 @!p0 s5, $0x0  }
0x1f: {  	s9 =	smul.u32 $0xF7A, s1;
	s8 =	simm.s32 @!p0 $0x1BF5;
	p2 =	por !p2, p0  }
0x20: {  	[sflag:s8] =	ssyncset.s32 @!p0 $0xFFFFF086;
	s6 =	sadd.s32 @!p0 s3, s7;
	s7 =	simm.s32 @!p0 $0x108  }
0x21: {  	s3 =	sadd.s32 s3, s9;
	s6 =	sadd.s32 @!p0 $0x88, s6;
	s7 =	simm.s32 @p2 $0x1082  }
0x22: {  	[simem:s7], [sflag:s8] =	dma.local @!p0 [hbm:s6], $0xF7A  }
0x23: {  	s9 =	sor.u32 $0xD0000000, s2;
	s6 =	simm.s32 $0x108;
	_ =	swait.ge @!p0 [sflag:s8], $0x0  }
0x24: {  	s3 =	sadd.s32 $0x88, s3;
	s6 =	simm.s32 @!p1 $0x1082;
	[sflag:s4] =	ssyncset.s32 $0xFFFFF086  }
0x25: {  	[simem:s6], [sflag:s4] =	dma.local [hbm:s3], $0xF7A  }
0x26: {  	[smem:$0x3F9F] =	sst s1;
	(tag) =	ssettag s2;
	_ =	strace s9  }
0x27: {  	s1 =	sld [smem:$0x3FAF]  }
0x28: {  	s2 =	sld [smem:$0x3FB0]  }
0x29: {  	s4 =	sld [smem:$0x3FB2]  }
0x2a: {  	p0 =	seq.s32 s5, $0x0;
	s5 =	sld [smem:$0x3FB3]  }
0x2b: {  	s6 =	sld [smem:$0x3FB4]  }
0x2c: {  	s7 =	sld [smem:$0x3FB5]  }
0x2d: {  	s3 =	simm.s32 $0x108;
	s8 =	sld [smem:$0x3FB6]  }
0x2e: {  	s3 =	simm.s32 @!p0 $0x1082;
	s9 =	sld [smem:$0x3FB7]  }
0x2f: {  	lr =	sadd.s32 s0, s3;
	s0 =	sld [smem:$0x3FAE]  }
0x30: {  	s3 =	sld [smem:$0x3FB1]  }
0x31: {  	[smem:$0x3FBA] =	sst s10  }
0x32: {  	s10 =	sld [smem:$0x3FB8];
	_ =	sdelay $0x3  }
0x33: {  	p0 =	seq.s32 s10, $0x1;
	s10 =	sld [smem:$0x3FBA];
	_ =	sdelay $0x3  }
0x34: {  	[smem:$0x3FBA] =	sst s10  }
0x35: {  	s10 =	sld [smem:$0x3FB9];
	_ =	sdelay $0x3  }
0x36: {  	p1 =	seq.s32 s10, $0x1;
	s10 =	sld [smem:$0x3FBA];
	_ =	sdelay $0x3  }
0x37: {  	[smem:$0x3FBA] =	sst s10  }
0x38: {  	s10 =	sld [smem:$0x3FBB]  }
0x39: {  	_ = 	snop;
	(pc) =	sbr.ind lr, $3  }
0x3a: {  	_ = 	snop  }
0x3b: {  	_ = 	snop  }
0x3c: {  	p2 =	seq.s32 s10, $0x1;
	s10 =	sld [smem:$0x3FBA]  }
0x3d: {  	_ =	shalt  }
0x3e: {  	_ =	shalt  }
0x3f: {  	_ =	shalt  }
0x40: {  	_ =	shalt  }
0x41: {  	_ =	shalt  }
0x42: {  	_ =	shalt  }
0x43: {  	_ =	shalt  }
0x44: {  	_ =	shalt  }
0x45: {  	_ =	shalt  }
0x46: {  	_ =	shalt  }
0x47: {  	_ =	shalt  }
0x48: {  	_ =	shalt  }
0x49: {  	_ =	shalt  }
0x4a: {  	_ =	shalt  }
0x4b: {  	_ =	shalt  }
0x4c: {  	_ =	shalt  }
0x4d: {  	_ =	shalt  }
0x4e: {  	_ =	shalt  }
0x4f: {  	_ =	shalt  }
0x50: {  	_ =	shalt  }
0x51: {  	_ =	shalt  }
0x52: {  	_ =	shalt  }
0x53: {  	_ =	shalt  }
0x54: {  	_ =	shalt  }
0x55: {  	_ =	shalt  }
0x56: {  	_ =	shalt  }
0x57: {  	_ =	shalt  }
0x58: {  	_ =	shalt  }
0x59: {  	_ =	shalt  }
0x5a: {  	_ =	shalt  }
0x5b: {  	_ =	shalt  }
0x5c: {  	_ =	shalt  }
0x5d: {  	_ =	shalt  }
0x5e: {  	_ =	shalt  }
0x5f: {  	_ =	shalt  }
0x60: {  	_ =	shalt  }
0x61: {  	_ =	shalt  }
0x62: {  	_ =	shalt  }
0x63: {  	_ =	shalt  }
0x64: {  	_ =	shalt  }
0x65: {  	_ =	shalt  }
0x66: {  	_ =	shalt  }
0x67: {  	_ =	shalt  }
0x68: {  	_ =	shalt  }
0x69: {  	_ =	shalt  }
0x6a: {  	_ =	shalt  }
0x6b: {  	_ =	shalt  }
0x6c: {  	_ =	shalt  }
0x6d: {  	_ =	shalt  }
0x6e: {  	_ =	shalt  }
0x6f: {  	_ =	shalt  }
0x70: {  	_ =	shalt  }
0x71: {  	_ =	shalt  }
0x72: {  	_ =	shalt  }
0x73: {  	_ =	shalt  }
0x74: {  	_ =	shalt  }
0x75: {  	_ =	shalt  }
0x76: {  	_ =	shalt  }
0x77: {  	_ =	shalt  }
0x78: {  	_ =	shalt  }
0x79: {  	_ =	shalt  }
0x7a: {  	_ =	shalt  }
0x7b: {  	_ =	shalt  }
0x7c: {  	_ =	shalt  }
0x7d: {  	_ =	shalt  }
0x7e: {  	_ =	shalt  }
0x7f: {  	_ =	shalt  }
0x80: {  	_ =	shalt  }
0x81: {  	_ =	shalt  }
0x82: {  	_ =	shalt  }
0x83: {  	_ =	shalt  }
0x84: {  	_ =	shalt  }
0x85: {  	_ =	shalt  }
0x86: {  	_ =	shalt  }
0x87: {  	_ =	shalt  }
.Lfunc_end0:
.L_simem_size_0:
called_computation.1_lowered:
.L_overlay_start_0:
0x88: {  	s2 =	sld [smem:$0x3FD9]  }
0x89: {  	s3 =	sld [smem:$0x3FFE];
	_ =	sdelay $0x1  }
0x8a: {  	s1 =	srdreg.scid  }
0x8b: {  	s0 =	sand.u32 $0x1, s1  }
0x8c: {  	s17 =	sshll.u32 s0, $0xA;
	s2 =	sadd.s32 s3, s2  }
0x8d: {  	s2 =	sadd.s32 s2, s17  }
0x8e: {  	[smem:$0x3FC6] =	sst s2  }
0x8f: {  	_ = 	snop  }
0x90: {  	s2 =	sld [smem:$0x3FD0];
	(tm) =	ssettm $0x1  }
0x91: {  	s18 =	sld [smem:$0x3FFB];
	_ =	sdelay $0x3  }
0x92: {  	_ =	strace s18  }
0x93: {  	s3 =	sld [smem:$0x3FFC];
	_ =	sdelay $0x3  }
0x94: {  	_ =	strace s3  }
0x95: {  	s3 =	sld [smem:$0x3FFD];
	_ =	sdelay $0x3  }
0x96: {  	_ =	strace s3  }
0x97: {  	_ =	strace $0x8FFFFFFF  }
0x98: {  	s19 =	sld [smem:$0x3FDB];
	_ =	sdelay $0x1  }
0x99: {  	s4 =	simm.s32 $_scs_section_size  }
0x9a: {  	s5 =	simm.s32 $_size__tile_overlayer_lowered;
	s6 =	simm.s32 $_tile_overlayer_lowered  }
0x9b: {  	s22 =	simm.s32 $0x1BFF;
	s21 =	sshll.u32 s6, $0x1;
	s3 =	sadd.s32 s4, s19  }
0x9c: {  	s7 =	simm.s32 $0x0;
	s20 =	sshll.u32 s5, $0x1;
	s5 =	sadd.s32 s21, s3  }
0x9d: {  	[timem:s7], [sflag:s22] =	dma.local [hbm:s5], s20  }
0x9e: {  	_ =	swait.ge [sflag:s22], s20  }
0x9f: {  	s4 =	ssub.s32 $0x0, s20;
	[sflag:s22] =	ssyncset.done $0x0  }
0xa0: {  	[sflag:s22] =	ssyncadd.s32 s4;
	_ =	sdelay $0x1  }
0xa1: {  	s23 =	simm.s32 $0x1B8B  }
0xa2: {  	_ =	swait.ge [sflag:s23], $0x1  }
0xa3: {  	[sflag:s23] =	ssyncset.done $0x0  }
0xa4: {  	s25 =	simm.s32 $0x1B8E;
	s24 =	sld [smem:$0x3FFE];
	[sflag:s23] =	ssyncadd.s32 $0xFFFFFFFF  }
0xa5: {  	s26 =	simm.s32 $execute0_lowered;
	[smem:$0x3FD2] =	sst s25  }
0xa6: {  	s5 =	sshll.u32 s26, $0x1;
	_ =	strace $0x80000046;
	[dreg:$0x1] =	wrdreg $0xFFFFFFFF  }
0xa7: {  	s28 =	simm.s32 $_size_execute0_lowered;
	s3 =	sadd.s32 s3, s5;
	[dreg:$0x0] =	wrdreg $0x0  }
0xa8: {  	s5 =	sshll.u32 s28, $0x1;
	[dreg:$0x2] =	wrdreg s3  }
0xa9: {  	[dreg:$0x3] =	wrdreg s5  }
0xaa: {  	[dreg:$0x4] =	wrdreg $0xC0  }
0xab: {  	_ =	task [dreg:s7], $0x5FFFF  }
0xac: {  	[dreg:$0x1] =	wrdreg $0xFFFFFFFF  }
0xad: {  	[dreg:$0x0] =	wrdreg $0x60  }
0xae: {  	[dreg:$0x2] =	wrdreg s24  }
0xaf: {  	[dreg:$0x3] =	wrdreg s2  }
0xb0: {  	[dreg:$0x4] =	wrdreg $0x9  }
0xb1: {  	_ =	task.clear_ibuf [dreg:s7], $0x5FFFF;
	_ =	strace $0x90000046  }
0xb2: {  	s29 =	simm.s32 $0x9;
	_ =	strace $0x80000048  }
0xb3: {  	_ =	swait.ge [sflag:s29], $0x1  }
0xb4: {  	[sflag:s29] =	ssyncadd.s32 $0xFFFFFFFF  }
0xb5: {  	_ =	strace $0x90000048  }
0xb6: {  	_ =	sfence  }
0xb7: {  	s30 =	sld [smem:$0x0];
	_ =	sdelay $0x2  }
0xb8: {  	s31 =	sshll.u32 s1, $0xD;
	s1 =	sshrl.u32 s1, $0x2  }
0xb9: {  	s3 =	sand.u32 $0x4000, s31;
	s1 =	sadd.s32 s1, s30  }
0xba: {  	s0 =	sor.u32 s3, s0;
	s1 =	sshll.u32 s1, $0x11  }
0xbb: {  	s0 =	sor.u32 s1, s0  }
0xbc: {  	s0 =	sadd.s32 $0x8F2B, s0  }
0xbd: {  	[sflag:s0] =	ssyncadd.remote.s32 $0x1  }
0xbe: {  	_ =	sfence.sel $0xFFFF  }
0xbf: {  	[dreg:$0x0] =	wrdreg $0xFFFFFFFF;
	(pc) =	sbr.abs _section_cstart, $3  }
0xc0: {  	[dreg:$0x1] =	wrdreg $0xFFFFFFFF  }
0xc1: {  	_ =	task.clear_ibuf [dreg:s7], $0x2FFFF;
	_ =	strace $0x9FFFFFFF  }
0xc2: {  	(tm) =	ssettm $0x7FFFFFFF  }
0xc3: {  	_ =	shalt  }
tec
execute0_lowered:
.L_overlay_start_1:
0x0: {  	(tag) =	ssettag $0x1  }
0x1: {  	s0 =	rddreg [dreg:$0x0];
	s1 =	srdreg.scid  }
0x2: {  	s3 =	stileid.u32;
	s2 =	rddreg [dreg:$0x1];
	s17 =	simm.s32 $0xB00  }
0x3: {  	s18 =	simm.s32 $0x1;
	s19 =	simm.s32 $0x1300;
	s20 =	simm.s32 $0x4300  }
0x4: {  	s21 =	simm.s32 $0x7300;
	s22 =	simm.s32 $0xA300;
	s23 =	simm.s32 $0x2  }
0x5: {  	s24 =	simm.s32 $0xD310;
	s28 =	simm.s32 $0x16310;
	s29 =	simm.s32 $0x3  }
0x6: {  	s30 =	simm.s32 $0x4;
	s31 =	simm.s32 $0x0;
	s1 =	sand.u32 $0x1, s1  }
0x7: {  	s4 =	sshll.u32 s3, $0x1;
	s3 =	simm.s32 $0x0;
	s5 =	sadd.s32 $0x600, s0  }
0x8: {  	s0 =	sadd.s32 $0x400, s0;
	s9 =	sadd.s32 $0x600, s2;
	s10 =	sadd.s32 $0xC00, s2  }
0x9: {  	s4 =	sor.u32 s1, s4;
	[smem:$0x7FF] =	sst s3;
	s1 =	ssub.s32 $0x2, s1  }
0xa: {  	s4 =	smul.u32 $0x19000, s4;
	_ =	strace $0x80000047;
	s25 =	sshrl.u32 s1, $0x1  }
.Ltmp0:
0xb: {  	[dreg:$0x3] =	wrdreg s0;
	s0 =	ssub.s32 s1, s25;
	(pc) =	sbr.rel .LBB2_1-.Ltmp0, $4  }
0xc: {  	s25 =	simm.s32 $0x10310;
	s6 =	sshrl.u32 s4, $0x3;
	s0 =	smax.u32 s0, $0x1  }
0xd: {  	s11 =	sadd.s32 $0x1000, s4;
	s6 =	sadd.s32 s5, s6;
	[dreg:$0x6] =	wrdreg s0  }
0xe: {  	s12 =	sor.u32 $0x800, s4;
	[dreg:$0x4] =	wrdreg s6;
	s26 =	sadd.s32 $0x100, s6  }
0xf: {  	s13 =	sadd.s32 $0x1800, s4;
	[dreg:$0x5] =	wrdreg s26;
	s26 =	simm.s32 $0x13310  }
.LBB2_20:
0x10: {  	_ =	swait.ge [sflag:s29], $0x3000  }
0x11: {  	[sflag:s29] =	ssyncset.done $0x0  }
0x12: {  	[sflag:s29] =	ssyncadd.s32 $0xFFFFD000  }
0x13: {  	_ =	swait.ge [sflag:s30], $0x3000  }
0x14: {  	[sflag:s30] =	ssyncset.done $0x0  }
0x15: {  	[sflag:s30] =	ssyncadd.s32 $0xFFFFD000  }
0x16: {  	_ =	swait.ge [sflag:s29], $0x3000  }
0x17: {  	[sflag:s29] =	ssyncset.done $0x0  }
0x18: {  	[sflag:s29] =	ssyncadd.s32 $0xFFFFD000  }
0x19: {  	_ =	swait.ge [sflag:s30], $0x3000  }
0x1a: {  	[sflag:s30] =	ssyncset.done $0x0  }
0x1b: {  	[sflag:s30] =	ssyncadd.s32 $0xFFFFD000  }
0x1c: {  	_ =	swait.ge [sflag:s29], $0x3000  }
0x1d: {  	[sflag:s29] =	ssyncset.done $0x0  }
0x1e: {  	[sflag:s29] =	ssyncadd.s32 $0xFFFFD000  }
0x1f: {  	_ =	swait.ge [sflag:s30], $0x3000  }
0x20: {  	[sflag:s30] =	ssyncset.done $0x0  }
0x21: {  	[sflag:s30] =	ssyncadd.s32 $0xFFFFD000  }
0x22: {  	_ =	swait.ge [sflag:s29], $0x3000  }
0x23: {  	[sflag:s29] =	ssyncset.done $0x0  }
0x24: {  	[sflag:s29] =	ssyncadd.s32 $0xFFFFD000  }
0x25: {  	_ =	swait.ge [sflag:s30], $0x3000  }
0x26: {  	s31 =	sadd.s32 $0x1, s31;
	s0 =	rddreg [dreg:$0x6]  }
0x27: {  	p0 =	sne.s32 s31, s0  }
.Ltmp1:
0x28: {  	_ = 	snop;
	(pc) =	sbr.rel @!p0 .LBB2_21-.Ltmp1, $3  }
0x29: {  	_ =	sdelay $0x1  }
0x2a: {  	[sflag:s30] =	ssyncset.done $0x0  }
0x2b: {  	[sflag:s30] =	ssyncadd.s32 $0xFFFFD000  }
.LBB2_1:
0x2c: {  	s0 =	rddreg [dreg:$0x3];
	s14 =	simm.s32 $0x5  }
0x2d: {  	[tilespmem:s3], [sflag:$0x5] =	stream.linear.gather [hbm4b:s0+s3], $0x300, $0x38;
	[tilespmem:$0x19320] =	vst v63  }
0x2e: {  	_ =	swait.ge [sflag:s14], $0x300  }
0x2f: {  	[sflag:s14] =	ssyncset.done $0x0  }
0x30: {  	s1 =	simm.s32 $0x300;
	s15 =	rddreg [dreg:$0x4];
	[sflag:s14] =	ssyncadd.s32 $0xFFFFFD00  }
0x31: {  	[tilespmem:s1], [sflag:$0x1] =	stream.linear.gather [hbm4b:s15+s3], $0x800, $0x38;
	[tilespmem:$0x19320] =	vst v63  }
0x32: {  	s16 =	rddreg [dreg:$0x5];
	s1 =	simm.s32 $0x0  }
0x33: {  	[tilespmem:s17], [sflag:$0x2] =	stream.linear.gather [hbm4b:s16+s3], $0x800, $0x38;
	[tilespmem:$0x19320] =	vst v63  }
.LBB2_2:
0x34: {  	_ =	swait.ge [sflag:s18], $0x800  }
0x35: {  	p0 =	seq.s32 s1, $0x0;
	[sflag:s18] =	ssyncset.done $0x0  }
0x36: {  	s7 =	simm.s32 @!p0 $0x3;
	[sflag:s18] =	ssyncadd.s32 $0xFFFFF800  }
0x37: {  	_ =	swait.ge @!p0 [sflag:s7], $0x3000  }
0x38: {  	[sflag:s7] =	ssyncset.done @!p0 $0x0  }
0x39: {  	[sflag:s7] =	ssyncadd.s32 @!p0 $0xFFFFD000  }
0x3a: {  	_ =	swait.ge @!p0 [sflag:s7], $0x3000  }
0x3b: {  	[sflag:s7] =	ssyncset.done @!p0 $0x0  }
0x3c: {  	[sflag:s7] =	ssyncadd.s32 @!p0 $0xFFFFD000  }
0x3d: {  	_ =	swait.ge @!p0 [sflag:s7], $0x3000  }
0x3e: {  	[sflag:s7] =	ssyncset.done @!p0 $0x0  }
0x3f: {  	[sflag:s7] =	ssyncadd.s32 @!p0 $0xFFFFD000  }
0x40: {  	_ =	swait.ge @!p0 [sflag:s7], $0x3000  }
0x41: {  	s0 =	sshll.u32 s1, $0xC;
	s8 =	simm.s32 $0x0;
	[sflag:s7] =	ssyncset.done @!p0 $0x0  }
0x42: {  	s16 =	simm.s32 $0x13C0;
	s6 =	sadd.s32 s4, s0;
	[sflag:s7] =	ssyncadd.s32 @!p0 $0xFFFFD000  }
.LBB2_3:
0x43: {  	s7 =	sshra.s32 s8, $0x2  }
0x44: {  	v0 =	vld [tilespmem:s7+$0x300];
	_ =	sdelay $0x4  }
0x45: {  	v0 =	vshll.u32 v0, $0x7  }
0x46: {  	v0 =	vshra.s32 v0, $0x2  }
0x47: {  	(v2sf) =	vpush v0, $0x0;
	_ =	sdelay $0x2  }
0x48: {  	(v2sf) =	vpush v0, $0x1;
	_ =	sdelay $0x2  }
0x49: {  	(v2sf) =	vpush v0, $0x2;
	_ =	sdelay $0x5  }
0x4a: {  	(v2sf) =	vpush v0, $0x3;
	_ =	sdelay $0x1  }
0x4b: {  	(v2sf) =	vpush v0, $0x4  }
0x4c: {  	s14 =	spop (v2sf);
	(v2sf) =	vpush v0, $0x5;
	_ =	sdelay $0x2  }
0x4d: {  	s15 =	spop (v2sf);
	(v2sf) =	vpush v0, $0x6;
	_ =	sdelay $0x1  }
0x4e: {  	v1 =	vld [tilespmem:s14+$0x0]  }
0x4f: {  	v2 =	vld [tilespmem:s14+$0x8];
	s14 =	spop (v2sf);
	(v2sf) =	vpush v0, $0x7;
	_ =	sdelay $0x2  }
0x50: {  	v3 =	vld [tilespmem:s15+$0x0]  }
0x51: {  	v4 =	vld [tilespmem:s15+$0x8]  }
0x52: {  	v5 =	vld [tilespmem:s14+$0x0]  }
0x53: {  	v6 =	vld [tilespmem:s14+$0x8];
	s15 =	spop (v2sf);
	(v2sf) =	vpush v0, $0x8;
	[tilespmem:s16+$0xFFFFFF40] =	vst v1  }
0x54: {  	[tilespmem:s16+$0xFFFFFF48] =	vst v2  }
0x55: {  	s14 =	spop (v2sf);
	v1 =	vld [tilespmem:s15+$0x0]  }
0x56: {  	v2 =	vld [tilespmem:s15+$0x8];
	[tilespmem:s16+$0xFFFFFF58] =	vst v3;
	s15 =	spop (v2sf);
	(v2sf) =	vpush v0, $0x9  }
0x57: {  	[tilespmem:s16+$0xFFFFFF60] =	vst v4  }
0x58: {  	v3 =	vld [tilespmem:s14+$0x0]  }
0x59: {  	v4 =	vld [tilespmem:s14+$0x8];
	[tilespmem:s16+$0xFFFFFF70] =	vst v5;
	s14 =	spop (v2sf);
	(v2sf) =	vpush v0, $0xA  }
0x5a: {  	[tilespmem:s16+$0xFFFFFF78] =	vst v6  }
0x5b: {  	v5 =	vld [tilespmem:s15+$0x0]  }
0x5c: {  	v6 =	vld [tilespmem:s15+$0x8];
	s15 =	spop (v2sf);
	(v2sf) =	vpush v0, $0xB;
	_ =	sdelay $0x1  }
0x5d: {  	[tilespmem:s16+$0xFFFFFF88] =	vst v1  }
0x5e: {  	[tilespmem:s16+$0xFFFFFF90] =	vst v2  }
0x5f: {  	v1 =	vld [tilespmem:s14+$0x0]  }
0x60: {  	v2 =	vld [tilespmem:s14+$0x8];
	[tilespmem:s16+$0xFFFFFFA0] =	vst v3  }
0x61: {  	s14 =	spop (v2sf);
	(v2sf) =	vpush v0, $0xC;
	[tilespmem:s16+$0xFFFFFFA8] =	vst v4  }
0x62: {  	v3 =	vld [tilespmem:s15+$0x0]  }
0x63: {  	v4 =	vld [tilespmem:s15+$0x8];
	[tilespmem:s16+$0xFFFFFFB8] =	vst v5  }
0x64: {  	[tilespmem:s16+$0xFFFFFFC0] =	vst v6;
	s15 =	spop (v2sf);
	(v2sf) =	vpush v0, $0xD  }
0x65: {  	v5 =	vld [tilespmem:s14+$0x0]  }
0x66: {  	v6 =	vld [tilespmem:s14+$0x8];
	[tilespmem:s16+$0xFFFFFFD0] =	vst v1  }
0x67: {  	[tilespmem:s16+$0xFFFFFFD8] =	vst v2;
	s14 =	spop (v2sf);
	(v2sf) =	vpush v0, $0xE  }
0x68: {  	v1 =	vld [tilespmem:s15+$0x0]  }
0x69: {  	v2 =	vld [tilespmem:s15+$0x8];
	[tilespmem:s16+$0xFFFFFFE8] =	vst v3  }
0x6a: {  	[tilespmem:s16+$0xFFFFFFF0] =	vst v4;
	s15 =	spop (v2sf);
	(v2sf) =	vpush v0, $0xF  }
0x6b: {  	v3 =	vld [tilespmem:s14+$0x0]  }
0x6c: {  	v4 =	vld [tilespmem:s14+$0x8];
	[tilespmem:s16+$0x0] =	vst v5  }
0x6d: {  	[tilespmem:s16+$0x8] =	vst v6  }
0x6e: {  	v5 =	vld [tilespmem:s15+$0x0]  }
0x6f: {  	v63 =	vld [tilespmem:s15+$0x8];
	[tilespmem:s16+$0x18] =	vst v1  }
0x70: {  	s14 =	spop (v2sf);
	[tilespmem:s16+$0x20] =	vst v2  }
0x71: {  	v1 =	vld [tilespmem:s14+$0x0]  }
0x72: {  	v2 =	vld [tilespmem:s14+$0x8];
	[tilespmem:s16+$0x30] =	vst v3  }
0x73: {  	[tilespmem:s16+$0x38] =	vst v4;
	s15 =	spop (v2sf)  }
0x74: {  	v3 =	vld [tilespmem:s15+$0x0]  }
0x75: {  	v4 =	vld [tilespmem:s15+$0x8];
	[tilespmem:s16+$0x48] =	vst v5  }
0x76: {  	s14 =	spop (v2sf);
	[tilespmem:s16+$0x50] =	vst v63  }
0x77: {  	v0 =	vld [tilespmem:s14+$0x0]  }
0x78: {  	v5 =	vld [tilespmem:s14+$0x8];
	[tilespmem:s16+$0x60] =	vst v1  }
0x79: {  	s15 =	spop (v2sf);
	[tilespmem:s16+$0x68] =	vst v2  }
0x7a: {  	v1 =	vld [tilespmem:s15+$0x0]  }
0x7b: {  	p1 =	sne.s32 s8, $0x7C0;
	v2 =	vld [tilespmem:s15+$0x8];
	[tilespmem:s16+$0x78] =	vst v3  }
.Ltmp2:
0x7c: {  	[tilespmem:s16+$0x80] =	vst v4;
	(pc) =	sbr.rel @p1 .LBB2_3-.Ltmp2, $4  }
0x7d: {  	[tilespmem:s16+$0x90] =	vst v0  }
0x7e: {  	[tilespmem:s16+$0x98] =	vst v5  }
0x7f: {  	[tilespmem:s16+$0xA8] =	vst v1  }
0x80: {  	s8 =	sadd.s32 $0x40, s8;
	[tilespmem:s16+$0xB0] =	vst v2;
	s16 =	sadd.s32 $0x180, s16  }
0x81: {  	s6 =	smul.u32 $0x18, s6;
	_ =	sdelay $0x1  }
0x82: {  	s6 =	sshrl.u32 s6, $0x3  }
0x83: {  	s8 =	simm.s32 $0x0;
	s14 =	simm.s32 $0x4470;
	s16 =	sadd.s32 s2, s6  }
0x84: {  	[hbm4b:s16+s8] =	stream.linear.scatter [tilespmem:s19], [sflag:$0x3], $0x3000, $0x38;
	[tilespmem:$0x19320] =	vst v63  }
.LBB2_5:
0x85: {  	s7 =	sshra.s32 s8, $0x2  }
0x86: {  	v0 =	vld [tilespmem:s7+$0x500];
	_ =	sdelay $0x4  }
0x87: {  	v0 =	vshll.u32 v0, $0x7  }
0x88: {  	v0 =	vshra.s32 v0, $0x2  }
0x89: {  	(v2sf) =	vpush v0, $0x0;
	_ =	sdelay $0x2  }
0x8a: {  	(v2sf) =	vpush v0, $0x1;
	_ =	sdelay $0x2  }
0x8b: {  	(v2sf) =	vpush v0, $0x2;
	_ =	sdelay $0x3  }
0x8c: {  	(v2sf) =	vpush v0, $0x3;
	_ =	sdelay $0x2  }
0x8d: {  	(v2sf) =	vpush v0, $0x4;
	_ =	sdelay $0x1  }
0x8e: {  	s15 =	spop (v2sf);
	(v2sf) =	vpush v0, $0x5;
	_ =	sdelay $0x1  }
0x8f: {  	v1 =	vld [tilespmem:s15+$0x0]  }
0x90: {  	v2 =	vld [tilespmem:s15+$0x8];
	s15 =	spop (v2sf);
	(v2sf) =	vpush v0, $0x6;
	_ =	sdelay $0x1  }
0x91: {  	v3 =	vld [tilespmem:s15+$0x0]  }
0x92: {  	v4 =	vld [tilespmem:s15+$0x8];
	s15 =	spop (v2sf);
	(v2sf) =	vpush v0, $0x7;
	_ =	sdelay $0x1  }
0x93: {  	v5 =	vld [tilespmem:s15+$0x0]  }
0x94: {  	v6 =	vld [tilespmem:s15+$0x8];
	[tilespmem:s14+$0xFFFFFE90] =	vst v1  }
0x95: {  	s15 =	spop (v2sf);
	[tilespmem:s14+$0xFFFFFE98] =	vst v2  }
0x96: {  	v1 =	vld [tilespmem:s15+$0x0]  }
0x97: {  	(v2sf) =	vpush v0, $0x8;
	v2 =	vld [tilespmem:s15+$0x8];
	[tilespmem:s14+$0xFFFFFEA8] =	vst v3  }
0x98: {  	s15 =	spop (v2sf);
	[tilespmem:s14+$0xFFFFFEB0] =	vst v4  }
0x99: {  	v3 =	vld [tilespmem:s15+$0x0]  }
0x9a: {  	v4 =	vld [tilespmem:s15+$0x8];
	[tilespmem:s14+$0xFFFFFEC0] =	vst v5;
	s15 =	spop (v2sf);
	(v2sf) =	vpush v0, $0x9  }
0x9b: {  	[tilespmem:s14+$0xFFFFFEC8] =	vst v6  }
0x9c: {  	v5 =	vld [tilespmem:s15+$0x0]  }
0x9d: {  	v6 =	vld [tilespmem:s15+$0x8];
	[tilespmem:s14+$0xFFFFFED8] =	vst v1;
	s15 =	spop (v2sf);
	(v2sf) =	vpush v0, $0xA  }
0x9e: {  	[tilespmem:s14+$0xFFFFFEE0] =	vst v2  }
0x9f: {  	v1 =	vld [tilespmem:s15+$0x0]  }
0xa0: {  	v2 =	vld [tilespmem:s15+$0x8];
	s15 =	spop (v2sf);
	(v2sf) =	vpush v0, $0xB;
	_ =	sdelay $0x2  }
0xa1: {  	[tilespmem:s14+$0xFFFFFEF0] =	vst v3  }
0xa2: {  	[tilespmem:s14+$0xFFFFFEF8] =	vst v4  }
0xa3: {  	v3 =	vld [tilespmem:s15+$0x0]  }
0xa4: {  	v4 =	vld [tilespmem:s15+$0x8];
	s15 =	spop (v2sf);
	(v2sf) =	vpush v0, $0xC;
	[tilespmem:s14+$0xFFFFFF08] =	vst v5  }
0xa5: {  	[tilespmem:s14+$0xFFFFFF10] =	vst v6  }
0xa6: {  	v5 =	vld [tilespmem:s15+$0x0]  }
0xa7: {  	v6 =	vld [tilespmem:s15+$0x8];
	[tilespmem:s14+$0xFFFFFF20] =	vst v1;
	s15 =	spop (v2sf);
	(v2sf) =	vpush v0, $0xD  }
0xa8: {  	[tilespmem:s14+$0xFFFFFF28] =	vst v2  }
0xa9: {  	v1 =	vld [tilespmem:s15+$0x0]  }
0xaa: {  	v2 =	vld [tilespmem:s15+$0x8];
	[tilespmem:s14+$0xFFFFFF38] =	vst v3;
	s15 =	spop (v2sf);
	(v2sf) =	vpush v0, $0xE  }
0xab: {  	[tilespmem:s14+$0xFFFFFF40] =	vst v4  }
0xac: {  	v3 =	vld [tilespmem:s15+$0x0]  }
0xad: {  	v4 =	vld [tilespmem:s15+$0x8];
	s15 =	spop (v2sf);
	(v2sf) =	vpush v0, $0xF;
	_ =	sdelay $0x1  }
0xae: {  	[tilespmem:s14+$0xFFFFFF50] =	vst v5  }
0xaf: {  	[tilespmem:s14+$0xFFFFFF58] =	vst v6  }
0xb0: {  	v5 =	vld [tilespmem:s15+$0x0]  }
0xb1: {  	v63 =	vld [tilespmem:s15+$0x8];
	[tilespmem:s14+$0xFFFFFF68] =	vst v1  }
0xb2: {  	s15 =	spop (v2sf);
	[tilespmem:s14+$0xFFFFFF70] =	vst v2  }
0xb3: {  	v1 =	vld [tilespmem:s15+$0x0]  }
0xb4: {  	v2 =	vld [tilespmem:s15+$0x8];
	[tilespmem:s14+$0xFFFFFF80] =	vst v3  }
0xb5: {  	[tilespmem:s14+$0xFFFFFF88] =	vst v4;
	s15 =	spop (v2sf)  }
0xb6: {  	v3 =	vld [tilespmem:s15+$0x0]  }
0xb7: {  	v4 =	vld [tilespmem:s15+$0x8];
	[tilespmem:s14+$0xFFFFFF98] =	vst v5  }
0xb8: {  	s15 =	spop (v2sf);
	[tilespmem:s14+$0xFFFFFFA0] =	vst v63  }
0xb9: {  	v0 =	vld [tilespmem:s15+$0x0]  }
0xba: {  	v5 =	vld [tilespmem:s15+$0x8];
	[tilespmem:s14+$0xFFFFFFB0] =	vst v1  }
0xbb: {  	s15 =	spop (v2sf);
	[tilespmem:s14+$0xFFFFFFB8] =	vst v2  }
0xbc: {  	v1 =	vld [tilespmem:s15+$0x0]  }
0xbd: {  	p1 =	sne.s32 s8, $0x7C0;
	v2 =	vld [tilespmem:s15+$0x8];
	[tilespmem:s14+$0xFFFFFFC8] =	vst v3  }
.Ltmp3:
0xbe: {  	[tilespmem:s14+$0xFFFFFFD0] =	vst v4;
	(pc) =	sbr.rel @p1 .LBB2_5-.Ltmp3, $4  }
0xbf: {  	[tilespmem:s14+$0xFFFFFFE0] =	vst v0  }
0xc0: {  	[tilespmem:s14+$0xFFFFFFE8] =	vst v5  }
0xc1: {  	[tilespmem:s14+$0xFFFFFFF8] =	vst v1  }
0xc2: {  	s8 =	sadd.s32 $0x40, s8;
	[tilespmem:s14+$0x0] =	vst v2;
	s14 =	sadd.s32 $0x180, s14  }
0xc3: {  	s7 =	sadd.s32 s6, s9;
	s8 =	simm.s32 $0x0;
	s14 =	simm.s32 $0x700  }
0xc4: {  	[hbm4b:s7+s8] =	stream.linear.scatter [tilespmem:s20], [sflag:$0x3], $0x3000, $0x38;
	[tilespmem:$0x19320] =	vst v63  }
.LBB2_7:
0xc5: {  	v0 =	vld [tilespmem:s14+$0x0];
	_ =	sdelay $0x4  }
0xc6: {  	v0 =	vshll.u32 v0, $0x7  }
0xc7: {  	v0 =	vshra.s32 v0, $0x2  }
0xc8: {  	(v2sf) =	vpush v0, $0x0;
	_ =	sdelay $0x2  }
0xc9: {  	(v2sf) =	vpush v0, $0x1;
	_ =	sdelay $0x2  }
0xca: {  	(v2sf) =	vpush v0, $0x2;
	_ =	sdelay $0x3  }
0xcb: {  	(v2sf) =	vpush v0, $0x3;
	_ =	sdelay $0x2  }
0xcc: {  	(v2sf) =	vpush v0, $0x4;
	_ =	sdelay $0x1  }
0xcd: {  	s7 =	spop (v2sf);
	(v2sf) =	vpush v0, $0x5;
	_ =	sdelay $0x2  }
0xce: {  	v1 =	vld [tilespmem:s7+$0x0];
	s15 =	spop (v2sf);
	(v2sf) =	vpush v0, $0x6  }
0xcf: {  	v2 =	vld [tilespmem:s7+$0x8]  }
0xd0: {  	v3 =	vld [tilespmem:s15+$0x0]  }
0xd1: {  	v4 =	vld [tilespmem:s15+$0x8];
	s15 =	spop (v2sf);
	(v2sf) =	vpush v0, $0x7;
	_ =	sdelay $0x1  }
0xd2: {  	s7 =	sshra.s32 s8, $0x2;
	v5 =	vld [tilespmem:s15+$0x0]  }
0xd3: {  	v6 =	vld [tilespmem:s15+$0x8];
	[tilespmem:s7+$0x7300] =	vst v1  }
0xd4: {  	s15 =	spop (v2sf);
	[tilespmem:s7+$0x7308] =	vst v2  }
0xd5: {  	v1 =	vld [tilespmem:s15+$0x0]  }
0xd6: {  	(v2sf) =	vpush v0, $0x8;
	v2 =	vld [tilespmem:s15+$0x8];
	[tilespmem:s7+$0x7318] =	vst v3  }
0xd7: {  	s15 =	spop (v2sf);
	[tilespmem:s7+$0x7320] =	vst v4  }
0xd8: {  	v3 =	vld [tilespmem:s15+$0x0]  }
0xd9: {  	v4 =	vld [tilespmem:s15+$0x8];
	[tilespmem:s7+$0x7330] =	vst v5;
	s15 =	spop (v2sf);
	(v2sf) =	vpush v0, $0x9  }
0xda: {  	[tilespmem:s7+$0x7338] =	vst v6  }
0xdb: {  	v5 =	vld [tilespmem:s15+$0x0]  }
0xdc: {  	v6 =	vld [tilespmem:s15+$0x8];
	[tilespmem:s7+$0x7348] =	vst v1;
	s15 =	spop (v2sf);
	(v2sf) =	vpush v0, $0xA  }
0xdd: {  	[tilespmem:s7+$0x7350] =	vst v2  }
0xde: {  	v1 =	vld [tilespmem:s15+$0x0]  }
0xdf: {  	v2 =	vld [tilespmem:s15+$0x8];
	s15 =	spop (v2sf);
	(v2sf) =	vpush v0, $0xB;
	_ =	sdelay $0x2  }
0xe0: {  	[tilespmem:s7+$0x7360] =	vst v3  }
0xe1: {  	[tilespmem:s7+$0x7368] =	vst v4  }
0xe2: {  	v3 =	vld [tilespmem:s15+$0x0]  }
0xe3: {  	v4 =	vld [tilespmem:s15+$0x8];
	s15 =	spop (v2sf);
	(v2sf) =	vpush v0, $0xC;
	[tilespmem:s7+$0x7378] =	vst v5  }
0xe4: {  	[tilespmem:s7+$0x7380] =	vst v6  }
0xe5: {  	v5 =	vld [tilespmem:s15+$0x0]  }
0xe6: {  	v6 =	vld [tilespmem:s15+$0x8];
	[tilespmem:s7+$0x7390] =	vst v1;
	s15 =	spop (v2sf);
	(v2sf) =	vpush v0, $0xD  }
0xe7: {  	[tilespmem:s7+$0x7398] =	vst v2  }
0xe8: {  	v1 =	vld [tilespmem:s15+$0x0]  }
0xe9: {  	v2 =	vld [tilespmem:s15+$0x8];
	[tilespmem:s7+$0x73A8] =	vst v3;
	s15 =	spop (v2sf);
	(v2sf) =	vpush v0, $0xE  }
0xea: {  	[tilespmem:s7+$0x73B0] =	vst v4  }
0xeb: {  	v3 =	vld [tilespmem:s15+$0x0]  }
0xec: {  	v4 =	vld [tilespmem:s15+$0x8];
	s15 =	spop (v2sf);
	(v2sf) =	vpush v0, $0xF;
	_ =	sdelay $0x1  }
0xed: {  	[tilespmem:s7+$0x73C0] =	vst v5  }
0xee: {  	[tilespmem:s7+$0x73C8] =	vst v6  }
0xef: {  	v5 =	vld [tilespmem:s15+$0x0]  }
0xf0: {  	v63 =	vld [tilespmem:s15+$0x8];
	[tilespmem:s7+$0x73D8] =	vst v1  }
0xf1: {  	s15 =	spop (v2sf);
	[tilespmem:s7+$0x73E0] =	vst v2  }
0xf2: {  	v1 =	vld [tilespmem:s15+$0x0]  }
0xf3: {  	v2 =	vld [tilespmem:s15+$0x8];
	[tilespmem:s7+$0x73F0] =	vst v3  }
0xf4: {  	[tilespmem:s7+$0x73F8] =	vst v4;
	s15 =	spop (v2sf)  }
0xf5: {  	v3 =	vld [tilespmem:s15+$0x0]  }
0xf6: {  	v4 =	vld [tilespmem:s15+$0x8];
	[tilespmem:s7+$0x7408] =	vst v5  }
0xf7: {  	s15 =	spop (v2sf);
	[tilespmem:s7+$0x7410] =	vst v63  }
0xf8: {  	v0 =	vld [tilespmem:s15+$0x0]  }
0xf9: {  	v5 =	vld [tilespmem:s15+$0x8];
	[tilespmem:s7+$0x7420] =	vst v1  }
0xfa: {  	s15 =	spop (v2sf);
	[tilespmem:s7+$0x7428] =	vst v2  }
0xfb: {  	v1 =	vld [tilespmem:s15+$0x0]  }
0xfc: {  	p1 =	sne.s32 s8, $0xBA00;
	v2 =	vld [tilespmem:s15+$0x8];
	[tilespmem:s7+$0x7438] =	vst v3  }
.Ltmp4:
0xfd: {  	[tilespmem:s7+$0x7440] =	vst v4;
	(pc) =	sbr.rel @p1 .LBB2_7-.Ltmp4, $4  }
0xfe: {  	[tilespmem:s7+$0x7450] =	vst v0  }
0xff: {  	[tilespmem:s7+$0x7458] =	vst v5  }
0x100: {  	[tilespmem:s7+$0x7468] =	vst v1  }
0x101: {  	s14 =	sadd.s32 $0x10, s14;
	s8 =	sadd.s32 $0x600, s8;
	[tilespmem:s7+$0x7470] =	vst v2  }
0x102: {  	s7 =	sadd.s32 s6, s10;
	s6 =	simm.s32 $0x0;
	s8 =	simm.s32 $0x900  }
0x103: {  	[hbm4b:s7+s6] =	stream.linear.scatter [tilespmem:s21], [sflag:$0x3], $0x3000, $0x38;
	[tilespmem:$0x19320] =	vst v63  }
.LBB2_9:
0x104: {  	v0 =	vld [tilespmem:s8+$0x0];
	_ =	sdelay $0x4  }
0x105: {  	v0 =	vshll.u32 v0, $0x7  }
0x106: {  	v0 =	vshra.s32 v0, $0x2  }
0x107: {  	(v2sf) =	vpush v0, $0x0;
	_ =	sdelay $0x2  }
0x108: {  	(v2sf) =	vpush v0, $0x1;
	_ =	sdelay $0x2  }
0x109: {  	(v2sf) =	vpush v0, $0x2;
	_ =	sdelay $0x3  }
0x10a: {  	(v2sf) =	vpush v0, $0x3;
	_ =	sdelay $0x2  }
0x10b: {  	(v2sf) =	vpush v0, $0x4;
	_ =	sdelay $0x1  }
0x10c: {  	s7 =	spop (v2sf);
	(v2sf) =	vpush v0, $0x5;
	_ =	sdelay $0x2  }
0x10d: {  	v1 =	vld [tilespmem:s7+$0x0];
	s14 =	spop (v2sf);
	(v2sf) =	vpush v0, $0x6  }
0x10e: {  	v2 =	vld [tilespmem:s7+$0x8]  }
0x10f: {  	v3 =	vld [tilespmem:s14+$0x0]  }
0x110: {  	v4 =	vld [tilespmem:s14+$0x8];
	s14 =	spop (v2sf);
	(v2sf) =	vpush v0, $0x7;
	_ =	sdelay $0x1  }
0x111: {  	s7 =	sshra.s32 s6, $0x2;
	v5 =	vld [tilespmem:s14+$0x0]  }
0x112: {  	v6 =	vld [tilespmem:s14+$0x8];
	[tilespmem:s7+$0xA300] =	vst v1  }
0x113: {  	s15 =	spop (v2sf);
	[tilespmem:s7+$0xA308] =	vst v2  }
0x114: {  	v1 =	vld [tilespmem:s15+$0x0]  }
0x115: {  	(v2sf) =	vpush v0, $0x8;
	v2 =	vld [tilespmem:s15+$0x8];
	[tilespmem:s7+$0xA318] =	vst v3  }
0x116: {  	s15 =	spop (v2sf);
	[tilespmem:s7+$0xA320] =	vst v4  }
0x117: {  	v3 =	vld [tilespmem:s15+$0x0]  }
0x118: {  	v4 =	vld [tilespmem:s15+$0x8];
	[tilespmem:s7+$0xA330] =	vst v5;
	s15 =	spop (v2sf);
	(v2sf) =	vpush v0, $0x9  }
0x119: {  	[tilespmem:s7+$0xA338] =	vst v6  }
0x11a: {  	v5 =	vld [tilespmem:s15+$0x0]  }
0x11b: {  	v6 =	vld [tilespmem:s15+$0x8];
	[tilespmem:s7+$0xA348] =	vst v1;
	s15 =	spop (v2sf);
	(v2sf) =	vpush v0, $0xA  }
0x11c: {  	[tilespmem:s7+$0xA350] =	vst v2  }
0x11d: {  	v1 =	vld [tilespmem:s15+$0x0]  }
0x11e: {  	v2 =	vld [tilespmem:s15+$0x8];
	s15 =	spop (v2sf);
	(v2sf) =	vpush v0, $0xB;
	_ =	sdelay $0x2  }
0x11f: {  	[tilespmem:s7+$0xA360] =	vst v3  }
0x120: {  	[tilespmem:s7+$0xA368] =	vst v4  }
0x121: {  	v3 =	vld [tilespmem:s15+$0x0]  }
0x122: {  	v4 =	vld [tilespmem:s15+$0x8];
	s15 =	spop (v2sf);
	(v2sf) =	vpush v0, $0xC;
	[tilespmem:s7+$0xA378] =	vst v5  }
0x123: {  	[tilespmem:s7+$0xA380] =	vst v6  }
0x124: {  	v5 =	vld [tilespmem:s15+$0x0]  }
0x125: {  	v6 =	vld [tilespmem:s15+$0x8];
	[tilespmem:s7+$0xA390] =	vst v1;
	s15 =	spop (v2sf);
	(v2sf) =	vpush v0, $0xD  }
0x126: {  	[tilespmem:s7+$0xA398] =	vst v2  }
0x127: {  	v1 =	vld [tilespmem:s15+$0x0]  }
0x128: {  	v2 =	vld [tilespmem:s15+$0x8];
	[tilespmem:s7+$0xA3A8] =	vst v3;
	s15 =	spop (v2sf);
	(v2sf) =	vpush v0, $0xE  }
0x129: {  	[tilespmem:s7+$0xA3B0] =	vst v4  }
0x12a: {  	v3 =	vld [tilespmem:s15+$0x0]  }
0x12b: {  	v4 =	vld [tilespmem:s15+$0x8];
	s15 =	spop (v2sf);
	(v2sf) =	vpush v0, $0xF;
	_ =	sdelay $0x1  }
0x12c: {  	[tilespmem:s7+$0xA3C0] =	vst v5  }
0x12d: {  	[tilespmem:s7+$0xA3C8] =	vst v6  }
0x12e: {  	v5 =	vld [tilespmem:s15+$0x0]  }
0x12f: {  	v63 =	vld [tilespmem:s15+$0x8];
	[tilespmem:s7+$0xA3D8] =	vst v1  }
0x130: {  	s15 =	spop (v2sf);
	[tilespmem:s7+$0xA3E0] =	vst v2  }
0x131: {  	v1 =	vld [tilespmem:s15+$0x0]  }
0x132: {  	v2 =	vld [tilespmem:s15+$0x8];
	[tilespmem:s7+$0xA3F0] =	vst v3  }
0x133: {  	[tilespmem:s7+$0xA3F8] =	vst v4;
	s15 =	spop (v2sf)  }
0x134: {  	v3 =	vld [tilespmem:s15+$0x0]  }
0x135: {  	v4 =	vld [tilespmem:s15+$0x8];
	[tilespmem:s7+$0xA408] =	vst v5  }
0x136: {  	s15 =	spop (v2sf);
	[tilespmem:s7+$0xA410] =	vst v63  }
0x137: {  	v0 =	vld [tilespmem:s15+$0x0]  }
0x138: {  	v5 =	vld [tilespmem:s15+$0x8];
	[tilespmem:s7+$0xA420] =	vst v1  }
0x139: {  	s15 =	spop (v2sf);
	[tilespmem:s7+$0xA428] =	vst v2  }
0x13a: {  	v1 =	vld [tilespmem:s15+$0x0]  }
0x13b: {  	p1 =	sne.s32 s6, $0xBA00;
	v2 =	vld [tilespmem:s15+$0x8];
	[tilespmem:s7+$0xA438] =	vst v3  }
.Ltmp5:
0x13c: {  	[tilespmem:s7+$0xA440] =	vst v4;
	(pc) =	sbr.rel @p1 .LBB2_9-.Ltmp5, $4  }
0x13d: {  	[tilespmem:s7+$0xA450] =	vst v0  }
0x13e: {  	[tilespmem:s7+$0xA458] =	vst v5  }
0x13f: {  	[tilespmem:s7+$0xA468] =	vst v1  }
0x140: {  	s8 =	sadd.s32 $0x10, s8;
	s6 =	sadd.s32 $0x600, s6;
	[tilespmem:s7+$0xA470] =	vst v2  }
0x141: {  	s6 =	sadd.s32 $0x1200, s16;
	p1 =	seq.s32 s1, $0x18  }
0x142: {  	[hbm4b:s6+s3] =	stream.linear.scatter [tilespmem:s22], [sflag:$0x3], $0x3000, $0x38;
	[tilespmem:$0x19320] =	vst v63  }
0x143: {  	s6 =	sadd.s32 @!p1 s0, s11  }
0x144: {  	s6 =	sshrl.u32 @!p1 s6, $0x3  }
0x145: {  	s7 =	simm.s32 @!p1 $0x0;
	s8 =	simm.s32 @!p1 $0x300;
	s6 =	sadd.s32 @!p1 s5, s6  }
0x146: {  	[tilespmem:s8], [sflag:$0x1] =	stream.linear.gather @!p1 [hbm4b:s6+s7], $0x800, $0x38;
	[tilespmem:$0x19320] =	vst v63  }
0x147: {  	_ =	swait.ge [sflag:s23], $0x800  }
0x148: {  	[sflag:s23] =	ssyncset.done $0x0  }
0x149: {  	s7 =	simm.s32 @!p0 $0x4;
	[sflag:s23] =	ssyncadd.s32 $0xFFFFF800  }
0x14a: {  	_ =	swait.ge @!p0 [sflag:s7], $0x3000  }
0x14b: {  	[sflag:s7] =	ssyncset.done @!p0 $0x0  }
0x14c: {  	[sflag:s7] =	ssyncadd.s32 @!p0 $0xFFFFD000  }
0x14d: {  	_ =	swait.ge @!p0 [sflag:s7], $0x3000  }
0x14e: {  	[sflag:s7] =	ssyncset.done @!p0 $0x0  }
0x14f: {  	[sflag:s7] =	ssyncadd.s32 @!p0 $0xFFFFD000  }
0x150: {  	_ =	swait.ge @!p0 [sflag:s7], $0x3000  }
0x151: {  	[sflag:s7] =	ssyncset.done @!p0 $0x0  }
0x152: {  	[sflag:s7] =	ssyncadd.s32 @!p0 $0xFFFFD000  }
0x153: {  	_ =	swait.ge @!p0 [sflag:s7], $0x3000  }
0x154: {  	s14 =	simm.s32 $0xD3D0;
	[sflag:s7] =	ssyncset.done @!p0 $0x0  }
0x155: {  	s6 =	sadd.s32 s0, s12;
	s8 =	simm.s32 $0x0;
	[sflag:s7] =	ssyncadd.s32 @!p0 $0xFFFFD000  }
.LBB2_11:
0x156: {  	s7 =	sshra.s32 s8, $0x2  }
0x157: {  	v0 =	vld [tilespmem:s7+$0xB00];
	_ =	sdelay $0x4  }
0x158: {  	v0 =	vshll.u32 v0, $0x7  }
0x159: {  	v0 =	vshra.s32 v0, $0x2  }
0x15a: {  	(v2sf) =	vpush v0, $0x0;
	_ =	sdelay $0x2  }
0x15b: {  	(v2sf) =	vpush v0, $0x1;
	_ =	sdelay $0x2  }
0x15c: {  	(v2sf) =	vpush v0, $0x2;
	_ =	sdelay $0x5  }
0x15d: {  	(v2sf) =	vpush v0, $0x3;
	_ =	sdelay $0x1  }
0x15e: {  	(v2sf) =	vpush v0, $0x4  }
0x15f: {  	s15 =	spop (v2sf);
	(v2sf) =	vpush v0, $0x5;
	_ =	sdelay $0x2  }
0x160: {  	s16 =	spop (v2sf);
	(v2sf) =	vpush v0, $0x6;
	_ =	sdelay $0x1  }
0x161: {  	v1 =	vld [tilespmem:s15+$0x0]  }
0x162: {  	v2 =	vld [tilespmem:s15+$0x8];
	s15 =	spop (v2sf);
	(v2sf) =	vpush v0, $0x7;
	_ =	sdelay $0x2  }
0x163: {  	v3 =	vld [tilespmem:s16+$0x0]  }
0x164: {  	v4 =	vld [tilespmem:s16+$0x8]  }
0x165: {  	v5 =	vld [tilespmem:s15+$0x0]  }
0x166: {  	v6 =	vld [tilespmem:s15+$0x8];
	s16 =	spop (v2sf);
	(v2sf) =	vpush v0, $0x8;
	[tilespmem:s14+$0xFFFFFF40] =	vst v1  }
0x167: {  	[tilespmem:s14+$0xFFFFFF48] =	vst v2  }
0x168: {  	s15 =	spop (v2sf);
	v1 =	vld [tilespmem:s16+$0x0]  }
0x169: {  	v2 =	vld [tilespmem:s16+$0x8];
	[tilespmem:s14+$0xFFFFFF58] =	vst v3;
	s16 =	spop (v2sf);
	(v2sf) =	vpush v0, $0x9  }
0x16a: {  	[tilespmem:s14+$0xFFFFFF60] =	vst v4  }
0x16b: {  	v3 =	vld [tilespmem:s15+$0x0]  }
0x16c: {  	v4 =	vld [tilespmem:s15+$0x8];
	[tilespmem:s14+$0xFFFFFF70] =	vst v5;
	s15 =	spop (v2sf);
	(v2sf) =	vpush v0, $0xA  }
0x16d: {  	[tilespmem:s14+$0xFFFFFF78] =	vst v6  }
0x16e: {  	v5 =	vld [tilespmem:s16+$0x0]  }
0x16f: {  	v6 =	vld [tilespmem:s16+$0x8];
	s16 =	spop (v2sf);
	(v2sf) =	vpush v0, $0xB;
	_ =	sdelay $0x1  }
0x170: {  	[tilespmem:s14+$0xFFFFFF88] =	vst v1  }
0x171: {  	[tilespmem:s14+$0xFFFFFF90] =	vst v2  }
0x172: {  	v1 =	vld [tilespmem:s15+$0x0]  }
0x173: {  	v2 =	vld [tilespmem:s15+$0x8];
	[tilespmem:s14+$0xFFFFFFA0] =	vst v3  }
0x174: {  	s15 =	spop (v2sf);
	(v2sf) =	vpush v0, $0xC;
	[tilespmem:s14+$0xFFFFFFA8] =	vst v4  }
0x175: {  	v3 =	vld [tilespmem:s16+$0x0]  }
0x176: {  	v4 =	vld [tilespmem:s16+$0x8];
	[tilespmem:s14+$0xFFFFFFB8] =	vst v5  }
0x177: {  	[tilespmem:s14+$0xFFFFFFC0] =	vst v6;
	s16 =	spop (v2sf);
	(v2sf) =	vpush v0, $0xD  }
0x178: {  	v5 =	vld [tilespmem:s15+$0x0]  }
0x179: {  	v6 =	vld [tilespmem:s15+$0x8];
	[tilespmem:s14+$0xFFFFFFD0] =	vst v1  }
0x17a: {  	[tilespmem:s14+$0xFFFFFFD8] =	vst v2;
	s15 =	spop (v2sf);
	(v2sf) =	vpush v0, $0xE  }
0x17b: {  	v1 =	vld [tilespmem:s16+$0x0]  }
0x17c: {  	v2 =	vld [tilespmem:s16+$0x8];
	[tilespmem:s14+$0xFFFFFFE8] =	vst v3  }
0x17d: {  	[tilespmem:s14+$0xFFFFFFF0] =	vst v4;
	s16 =	spop (v2sf);
	(v2sf) =	vpush v0, $0xF  }
0x17e: {  	v3 =	vld [tilespmem:s15+$0x0]  }
0x17f: {  	v4 =	vld [tilespmem:s15+$0x8];
	[tilespmem:s14+$0x0] =	vst v5  }
0x180: {  	[tilespmem:s14+$0x8] =	vst v6  }
0x181: {  	v5 =	vld [tilespmem:s16+$0x0]  }
0x182: {  	v63 =	vld [tilespmem:s16+$0x8];
	[tilespmem:s14+$0x18] =	vst v1  }
0x183: {  	s15 =	spop (v2sf);
	[tilespmem:s14+$0x20] =	vst v2  }
0x184: {  	v1 =	vld [tilespmem:s15+$0x0]  }
0x185: {  	v2 =	vld [tilespmem:s15+$0x8];
	[tilespmem:s14+$0x30] =	vst v3  }
0x186: {  	[tilespmem:s14+$0x38] =	vst v4;
	s16 =	spop (v2sf)  }
0x187: {  	v3 =	vld [tilespmem:s16+$0x0]  }
0x188: {  	v4 =	vld [tilespmem:s16+$0x8];
	[tilespmem:s14+$0x48] =	vst v5  }
0x189: {  	s15 =	spop (v2sf);
	[tilespmem:s14+$0x50] =	vst v63  }
0x18a: {  	v0 =	vld [tilespmem:s15+$0x0]  }
0x18b: {  	v5 =	vld [tilespmem:s15+$0x8];
	[tilespmem:s14+$0x60] =	vst v1  }
0x18c: {  	s16 =	spop (v2sf);
	[tilespmem:s14+$0x68] =	vst v2  }
0x18d: {  	v1 =	vld [tilespmem:s16+$0x0]  }
0x18e: {  	p0 =	sne.s32 s8, $0x7C0;
	v2 =	vld [tilespmem:s16+$0x8];
	[tilespmem:s14+$0x78] =	vst v3  }
.Ltmp6:
0x18f: {  	[tilespmem:s14+$0x80] =	vst v4;
	(pc) =	sbr.rel @p0 .LBB2_11-.Ltmp6, $4  }
0x190: {  	[tilespmem:s14+$0x90] =	vst v0  }
0x191: {  	[tilespmem:s14+$0x98] =	vst v5  }
0x192: {  	[tilespmem:s14+$0xA8] =	vst v1  }
0x193: {  	s8 =	sadd.s32 $0x40, s8;
	[tilespmem:s14+$0xB0] =	vst v2;
	s14 =	sadd.s32 $0x180, s14  }
0x194: {  	s6 =	smul.u32 $0x18, s6;
	_ =	sdelay $0x1  }
0x195: {  	s6 =	sshrl.u32 s6, $0x3  }
0x196: {  	s8 =	simm.s32 $0x0;
	s14 =	simm.s32 $0x10480;
	s16 =	sadd.s32 s2, s6  }
0x197: {  	[hbm4b:s16+s8] =	stream.linear.scatter [tilespmem:s24], [sflag:$0x4], $0x3000, $0x38;
	[tilespmem:$0x19320] =	vst v63  }
.LBB2_13:
0x198: {  	s7 =	sshra.s32 s8, $0x2  }
0x199: {  	v0 =	vld [tilespmem:s7+$0xD00];
	_ =	sdelay $0x4  }
0x19a: {  	v0 =	vshll.u32 v0, $0x7  }
0x19b: {  	v0 =	vshra.s32 v0, $0x2  }
0x19c: {  	(v2sf) =	vpush v0, $0x0;
	_ =	sdelay $0x2  }
0x19d: {  	(v2sf) =	vpush v0, $0x1;
	_ =	sdelay $0x2  }
0x19e: {  	(v2sf) =	vpush v0, $0x2;
	_ =	sdelay $0x3  }
0x19f: {  	(v2sf) =	vpush v0, $0x3;
	_ =	sdelay $0x2  }
0x1a0: {  	(v2sf) =	vpush v0, $0x4;
	_ =	sdelay $0x1  }
0x1a1: {  	s15 =	spop (v2sf);
	(v2sf) =	vpush v0, $0x5;
	_ =	sdelay $0x1  }
0x1a2: {  	v1 =	vld [tilespmem:s15+$0x0]  }
0x1a3: {  	v2 =	vld [tilespmem:s15+$0x8];
	s15 =	spop (v2sf);
	(v2sf) =	vpush v0, $0x6;
	_ =	sdelay $0x1  }
0x1a4: {  	v3 =	vld [tilespmem:s15+$0x0]  }
0x1a5: {  	v4 =	vld [tilespmem:s15+$0x8];
	s15 =	spop (v2sf);
	(v2sf) =	vpush v0, $0x7;
	_ =	sdelay $0x1  }
0x1a6: {  	v5 =	vld [tilespmem:s15+$0x0]  }
0x1a7: {  	v6 =	vld [tilespmem:s15+$0x8];
	[tilespmem:s14+$0xFFFFFE90] =	vst v1  }
0x1a8: {  	s15 =	spop (v2sf);
	[tilespmem:s14+$0xFFFFFE98] =	vst v2  }
0x1a9: {  	v1 =	vld [tilespmem:s15+$0x0]  }
0x1aa: {  	(v2sf) =	vpush v0, $0x8;
	v2 =	vld [tilespmem:s15+$0x8];
	[tilespmem:s14+$0xFFFFFEA8] =	vst v3  }
0x1ab: {  	s15 =	spop (v2sf);
	[tilespmem:s14+$0xFFFFFEB0] =	vst v4  }
0x1ac: {  	v3 =	vld [tilespmem:s15+$0x0]  }
0x1ad: {  	v4 =	vld [tilespmem:s15+$0x8];
	[tilespmem:s14+$0xFFFFFEC0] =	vst v5;
	s15 =	spop (v2sf);
	(v2sf) =	vpush v0, $0x9  }
0x1ae: {  	[tilespmem:s14+$0xFFFFFEC8] =	vst v6  }
0x1af: {  	v5 =	vld [tilespmem:s15+$0x0]  }
0x1b0: {  	v6 =	vld [tilespmem:s15+$0x8];
	[tilespmem:s14+$0xFFFFFED8] =	vst v1;
	s15 =	spop (v2sf);
	(v2sf) =	vpush v0, $0xA  }
0x1b1: {  	[tilespmem:s14+$0xFFFFFEE0] =	vst v2  }
0x1b2: {  	v1 =	vld [tilespmem:s15+$0x0]  }
0x1b3: {  	v2 =	vld [tilespmem:s15+$0x8];
	s15 =	spop (v2sf);
	(v2sf) =	vpush v0, $0xB;
	_ =	sdelay $0x2  }
0x1b4: {  	[tilespmem:s14+$0xFFFFFEF0] =	vst v3  }
0x1b5: {  	[tilespmem:s14+$0xFFFFFEF8] =	vst v4  }
0x1b6: {  	v3 =	vld [tilespmem:s15+$0x0]  }
0x1b7: {  	v4 =	vld [tilespmem:s15+$0x8];
	s15 =	spop (v2sf);
	(v2sf) =	vpush v0, $0xC;
	[tilespmem:s14+$0xFFFFFF08] =	vst v5  }
0x1b8: {  	[tilespmem:s14+$0xFFFFFF10] =	vst v6  }
0x1b9: {  	v5 =	vld [tilespmem:s15+$0x0]  }
0x1ba: {  	v6 =	vld [tilespmem:s15+$0x8];
	[tilespmem:s14+$0xFFFFFF20] =	vst v1;
	s15 =	spop (v2sf);
	(v2sf) =	vpush v0, $0xD  }
0x1bb: {  	[tilespmem:s14+$0xFFFFFF28] =	vst v2  }
0x1bc: {  	v1 =	vld [tilespmem:s15+$0x0]  }
0x1bd: {  	v2 =	vld [tilespmem:s15+$0x8];
	[tilespmem:s14+$0xFFFFFF38] =	vst v3;
	s15 =	spop (v2sf);
	(v2sf) =	vpush v0, $0xE  }
0x1be: {  	[tilespmem:s14+$0xFFFFFF40] =	vst v4  }
0x1bf: {  	v3 =	vld [tilespmem:s15+$0x0]  }
0x1c0: {  	v4 =	vld [tilespmem:s15+$0x8];
	s15 =	spop (v2sf);
	(v2sf) =	vpush v0, $0xF;
	_ =	sdelay $0x1  }
0x1c1: {  	[tilespmem:s14+$0xFFFFFF50] =	vst v5  }
0x1c2: {  	[tilespmem:s14+$0xFFFFFF58] =	vst v6  }
0x1c3: {  	v5 =	vld [tilespmem:s15+$0x0]  }
0x1c4: {  	v63 =	vld [tilespmem:s15+$0x8];
	[tilespmem:s14+$0xFFFFFF68] =	vst v1  }
0x1c5: {  	s15 =	spop (v2sf);
	[tilespmem:s14+$0xFFFFFF70] =	vst v2  }
0x1c6: {  	v1 =	vld [tilespmem:s15+$0x0]  }
0x1c7: {  	v2 =	vld [tilespmem:s15+$0x8];
	[tilespmem:s14+$0xFFFFFF80] =	vst v3  }
0x1c8: {  	[tilespmem:s14+$0xFFFFFF88] =	vst v4;
	s15 =	spop (v2sf)  }
0x1c9: {  	v3 =	vld [tilespmem:s15+$0x0]  }
0x1ca: {  	v4 =	vld [tilespmem:s15+$0x8];
	[tilespmem:s14+$0xFFFFFF98] =	vst v5  }
0x1cb: {  	s15 =	spop (v2sf);
	[tilespmem:s14+$0xFFFFFFA0] =	vst v63  }
0x1cc: {  	v0 =	vld [tilespmem:s15+$0x0]  }
0x1cd: {  	v5 =	vld [tilespmem:s15+$0x8];
	[tilespmem:s14+$0xFFFFFFB0] =	vst v1  }
0x1ce: {  	s15 =	spop (v2sf);
	[tilespmem:s14+$0xFFFFFFB8] =	vst v2  }
0x1cf: {  	v1 =	vld [tilespmem:s15+$0x0]  }
0x1d0: {  	p0 =	sne.s32 s8, $0x7C0;
	v2 =	vld [tilespmem:s15+$0x8];
	[tilespmem:s14+$0xFFFFFFC8] =	vst v3  }
.Ltmp7:
0x1d1: {  	[tilespmem:s14+$0xFFFFFFD0] =	vst v4;
	(pc) =	sbr.rel @p0 .LBB2_13-.Ltmp7, $4  }
0x1d2: {  	[tilespmem:s14+$0xFFFFFFE0] =	vst v0  }
0x1d3: {  	[tilespmem:s14+$0xFFFFFFE8] =	vst v5  }
0x1d4: {  	[tilespmem:s14+$0xFFFFFFF8] =	vst v1  }
0x1d5: {  	s8 =	sadd.s32 $0x40, s8;
	[tilespmem:s14+$0x0] =	vst v2;
	s14 =	sadd.s32 $0x180, s14  }
0x1d6: {  	s7 =	sadd.s32 s6, s9;
	s6 =	simm.s32 $0x0;
	s8 =	simm.s32 $0xF00  }
0x1d7: {  	[hbm4b:s7+s6] =	stream.linear.scatter [tilespmem:s25], [sflag:$0x4], $0x3000, $0x38;
	[tilespmem:$0x19320] =	vst v63  }
.LBB2_15:
0x1d8: {  	v0 =	vld [tilespmem:s8+$0x0];
	_ =	sdelay $0x4  }
0x1d9: {  	v0 =	vshll.u32 v0, $0x7  }
0x1da: {  	v0 =	vshra.s32 v0, $0x2  }
0x1db: {  	(v2sf) =	vpush v0, $0x0;
	_ =	sdelay $0x2  }
0x1dc: {  	(v2sf) =	vpush v0, $0x1;
	_ =	sdelay $0x2  }
0x1dd: {  	(v2sf) =	vpush v0, $0x2;
	_ =	sdelay $0x3  }
0x1de: {  	(v2sf) =	vpush v0, $0x3;
	_ =	sdelay $0x2  }
0x1df: {  	(v2sf) =	vpush v0, $0x4;
	_ =	sdelay $0x1  }
0x1e0: {  	s7 =	spop (v2sf);
	(v2sf) =	vpush v0, $0x5;
	_ =	sdelay $0x2  }
0x1e1: {  	v1 =	vld [tilespmem:s7+$0x0];
	s14 =	spop (v2sf);
	(v2sf) =	vpush v0, $0x6  }
0x1e2: {  	v2 =	vld [tilespmem:s7+$0x8]  }
0x1e3: {  	v3 =	vld [tilespmem:s14+$0x0]  }
0x1e4: {  	v4 =	vld [tilespmem:s14+$0x8];
	s14 =	spop (v2sf);
	(v2sf) =	vpush v0, $0x7;
	_ =	sdelay $0x1  }
0x1e5: {  	s7 =	sshra.s32 s6, $0x2;
	v5 =	vld [tilespmem:s14+$0x0]  }
0x1e6: {  	v6 =	vld [tilespmem:s14+$0x8];
	[tilespmem:s7+$0x13310] =	vst v1  }
0x1e7: {  	s15 =	spop (v2sf);
	[tilespmem:s7+$0x13318] =	vst v2  }
0x1e8: {  	v1 =	vld [tilespmem:s15+$0x0]  }
0x1e9: {  	(v2sf) =	vpush v0, $0x8;
	v2 =	vld [tilespmem:s15+$0x8];
	[tilespmem:s7+$0x13328] =	vst v3  }
0x1ea: {  	s15 =	spop (v2sf);
	[tilespmem:s7+$0x13330] =	vst v4  }
0x1eb: {  	v3 =	vld [tilespmem:s15+$0x0]  }
0x1ec: {  	v4 =	vld [tilespmem:s15+$0x8];
	[tilespmem:s7+$0x13340] =	vst v5;
	s15 =	spop (v2sf);
	(v2sf) =	vpush v0, $0x9  }
0x1ed: {  	[tilespmem:s7+$0x13348] =	vst v6  }
0x1ee: {  	v5 =	vld [tilespmem:s15+$0x0]  }
0x1ef: {  	v6 =	vld [tilespmem:s15+$0x8];
	[tilespmem:s7+$0x13358] =	vst v1;
	s15 =	spop (v2sf);
	(v2sf) =	vpush v0, $0xA  }
0x1f0: {  	[tilespmem:s7+$0x13360] =	vst v2  }
0x1f1: {  	v1 =	vld [tilespmem:s15+$0x0]  }
0x1f2: {  	v2 =	vld [tilespmem:s15+$0x8];
	s15 =	spop (v2sf);
	(v2sf) =	vpush v0, $0xB;
	_ =	sdelay $0x2  }
0x1f3: {  	[tilespmem:s7+$0x13370] =	vst v3  }
0x1f4: {  	[tilespmem:s7+$0x13378] =	vst v4  }
0x1f5: {  	v3 =	vld [tilespmem:s15+$0x0]  }
0x1f6: {  	v4 =	vld [tilespmem:s15+$0x8];
	s15 =	spop (v2sf);
	(v2sf) =	vpush v0, $0xC;
	[tilespmem:s7+$0x13388] =	vst v5  }
0x1f7: {  	[tilespmem:s7+$0x13390] =	vst v6  }
0x1f8: {  	v5 =	vld [tilespmem:s15+$0x0]  }
0x1f9: {  	v6 =	vld [tilespmem:s15+$0x8];
	[tilespmem:s7+$0x133A0] =	vst v1;
	s15 =	spop (v2sf);
	(v2sf) =	vpush v0, $0xD  }
0x1fa: {  	[tilespmem:s7+$0x133A8] =	vst v2  }
0x1fb: {  	v1 =	vld [tilespmem:s15+$0x0]  }
0x1fc: {  	v2 =	vld [tilespmem:s15+$0x8];
	[tilespmem:s7+$0x133B8] =	vst v3;
	s15 =	spop (v2sf);
	(v2sf) =	vpush v0, $0xE  }
0x1fd: {  	[tilespmem:s7+$0x133C0] =	vst v4  }
0x1fe: {  	v3 =	vld [tilespmem:s15+$0x0]  }
0x1ff: {  	v4 =	vld [tilespmem:s15+$0x8];
	s15 =	spop (v2sf);
	(v2sf) =	vpush v0, $0xF;
	_ =	sdelay $0x1  }
0x200: {  	[tilespmem:s7+$0x133D0] =	vst v5  }
0x201: {  	[tilespmem:s7+$0x133D8] =	vst v6  }
0x202: {  	v5 =	vld [tilespmem:s15+$0x0]  }
0x203: {  	v63 =	vld [tilespmem:s15+$0x8];
	[tilespmem:s7+$0x133E8] =	vst v1  }
0x204: {  	s15 =	spop (v2sf);
	[tilespmem:s7+$0x133F0] =	vst v2  }
0x205: {  	v1 =	vld [tilespmem:s15+$0x0]  }
0x206: {  	v2 =	vld [tilespmem:s15+$0x8];
	[tilespmem:s7+$0x13400] =	vst v3  }
0x207: {  	[tilespmem:s7+$0x13408] =	vst v4;
	s15 =	spop (v2sf)  }
0x208: {  	v3 =	vld [tilespmem:s15+$0x0]  }
0x209: {  	v4 =	vld [tilespmem:s15+$0x8];
	[tilespmem:s7+$0x13418] =	vst v5  }
0x20a: {  	s15 =	spop (v2sf);
	[tilespmem:s7+$0x13420] =	vst v63  }
0x20b: {  	v0 =	vld [tilespmem:s15+$0x0]  }
0x20c: {  	v5 =	vld [tilespmem:s15+$0x8];
	[tilespmem:s7+$0x13430] =	vst v1  }
0x20d: {  	s15 =	spop (v2sf);
	[tilespmem:s7+$0x13438] =	vst v2  }
0x20e: {  	v1 =	vld [tilespmem:s15+$0x0]  }
0x20f: {  	p0 =	sne.s32 s6, $0xBA00;
	v2 =	vld [tilespmem:s15+$0x8];
	[tilespmem:s7+$0x13448] =	vst v3  }
.Ltmp8:
0x210: {  	[tilespmem:s7+$0x13450] =	vst v4;
	(pc) =	sbr.rel @p0 .LBB2_15-.Ltmp8, $4  }
0x211: {  	[tilespmem:s7+$0x13460] =	vst v0  }
0x212: {  	[tilespmem:s7+$0x13468] =	vst v5  }
0x213: {  	[tilespmem:s7+$0x13478] =	vst v1  }
0x214: {  	s8 =	sadd.s32 $0x10, s8;
	s6 =	sadd.s32 $0x600, s6;
	[tilespmem:s7+$0x13480] =	vst v2  }
0x215: {  	s7 =	sadd.s32 $0xC00, s16;
	s6 =	simm.s32 $0x0;
	s8 =	simm.s32 $0x1100  }
0x216: {  	[hbm4b:s7+s6] =	stream.linear.scatter [tilespmem:s26], [sflag:$0x4], $0x3000, $0x38;
	[tilespmem:$0x19320] =	vst v63  }
.LBB2_17:
0x217: {  	v0 =	vld [tilespmem:s8+$0x0];
	_ =	sdelay $0x4  }
0x218: {  	v0 =	vshll.u32 v0, $0x7  }
0x219: {  	v0 =	vshra.s32 v0, $0x2  }
0x21a: {  	(v2sf) =	vpush v0, $0x0;
	_ =	sdelay $0x2  }
0x21b: {  	(v2sf) =	vpush v0, $0x1;
	_ =	sdelay $0x2  }
0x21c: {  	(v2sf) =	vpush v0, $0x2;
	_ =	sdelay $0x3  }
0x21d: {  	(v2sf) =	vpush v0, $0x3;
	_ =	sdelay $0x2  }
0x21e: {  	(v2sf) =	vpush v0, $0x4;
	_ =	sdelay $0x1  }
0x21f: {  	s7 =	spop (v2sf);
	(v2sf) =	vpush v0, $0x5;
	_ =	sdelay $0x2  }
0x220: {  	v1 =	vld [tilespmem:s7+$0x0];
	s14 =	spop (v2sf);
	(v2sf) =	vpush v0, $0x6  }
0x221: {  	v2 =	vld [tilespmem:s7+$0x8]  }
0x222: {  	v3 =	vld [tilespmem:s14+$0x0]  }
0x223: {  	v4 =	vld [tilespmem:s14+$0x8];
	s14 =	spop (v2sf);
	(v2sf) =	vpush v0, $0x7;
	_ =	sdelay $0x1  }
0x224: {  	s7 =	sshra.s32 s6, $0x2;
	v5 =	vld [tilespmem:s14+$0x0]  }
0x225: {  	v6 =	vld [tilespmem:s14+$0x8];
	[tilespmem:s7+$0x16310] =	vst v1  }
0x226: {  	s15 =	spop (v2sf);
	[tilespmem:s7+$0x16318] =	vst v2  }
0x227: {  	v1 =	vld [tilespmem:s15+$0x0]  }
0x228: {  	(v2sf) =	vpush v0, $0x8;
	v2 =	vld [tilespmem:s15+$0x8];
	[tilespmem:s7+$0x16328] =	vst v3  }
0x229: {  	s15 =	spop (v2sf);
	[tilespmem:s7+$0x16330] =	vst v4  }
0x22a: {  	v3 =	vld [tilespmem:s15+$0x0]  }
0x22b: {  	v4 =	vld [tilespmem:s15+$0x8];
	[tilespmem:s7+$0x16340] =	vst v5;
	s15 =	spop (v2sf);
	(v2sf) =	vpush v0, $0x9  }
0x22c: {  	[tilespmem:s7+$0x16348] =	vst v6  }
0x22d: {  	v5 =	vld [tilespmem:s15+$0x0]  }
0x22e: {  	v6 =	vld [tilespmem:s15+$0x8];
	[tilespmem:s7+$0x16358] =	vst v1;
	s15 =	spop (v2sf);
	(v2sf) =	vpush v0, $0xA  }
0x22f: {  	[tilespmem:s7+$0x16360] =	vst v2  }
0x230: {  	v1 =	vld [tilespmem:s15+$0x0]  }
0x231: {  	v2 =	vld [tilespmem:s15+$0x8];
	s15 =	spop (v2sf);
	(v2sf) =	vpush v0, $0xB;
	_ =	sdelay $0x2  }
0x232: {  	[tilespmem:s7+$0x16370] =	vst v3  }
0x233: {  	[tilespmem:s7+$0x16378] =	vst v4  }
0x234: {  	v3 =	vld [tilespmem:s15+$0x0]  }
0x235: {  	v4 =	vld [tilespmem:s15+$0x8];
	s15 =	spop (v2sf);
	(v2sf) =	vpush v0, $0xC;
	[tilespmem:s7+$0x16388] =	vst v5  }
0x236: {  	[tilespmem:s7+$0x16390] =	vst v6  }
0x237: {  	v5 =	vld [tilespmem:s15+$0x0]  }
0x238: {  	v6 =	vld [tilespmem:s15+$0x8];
	[tilespmem:s7+$0x163A0] =	vst v1;
	s15 =	spop (v2sf);
	(v2sf) =	vpush v0, $0xD  }
0x239: {  	[tilespmem:s7+$0x163A8] =	vst v2  }
0x23a: {  	v1 =	vld [tilespmem:s15+$0x0]  }
0x23b: {  	v2 =	vld [tilespmem:s15+$0x8];
	[tilespmem:s7+$0x163B8] =	vst v3;
	s15 =	spop (v2sf);
	(v2sf) =	vpush v0, $0xE  }
0x23c: {  	[tilespmem:s7+$0x163C0] =	vst v4  }
0x23d: {  	v3 =	vld [tilespmem:s15+$0x0]  }
0x23e: {  	v4 =	vld [tilespmem:s15+$0x8];
	s15 =	spop (v2sf);
	(v2sf) =	vpush v0, $0xF;
	_ =	sdelay $0x1  }
0x23f: {  	[tilespmem:s7+$0x163D0] =	vst v5  }
0x240: {  	[tilespmem:s7+$0x163D8] =	vst v6  }
0x241: {  	v5 =	vld [tilespmem:s15+$0x0]  }
0x242: {  	v63 =	vld [tilespmem:s15+$0x8];
	[tilespmem:s7+$0x163E8] =	vst v1  }
0x243: {  	s15 =	spop (v2sf);
	[tilespmem:s7+$0x163F0] =	vst v2  }
0x244: {  	v1 =	vld [tilespmem:s15+$0x0]  }
0x245: {  	v2 =	vld [tilespmem:s15+$0x8];
	[tilespmem:s7+$0x16400] =	vst v3  }
0x246: {  	[tilespmem:s7+$0x16408] =	vst v4;
	s15 =	spop (v2sf)  }
0x247: {  	v3 =	vld [tilespmem:s15+$0x0]  }
0x248: {  	v4 =	vld [tilespmem:s15+$0x8];
	[tilespmem:s7+$0x16418] =	vst v5  }
0x249: {  	s15 =	spop (v2sf);
	[tilespmem:s7+$0x16420] =	vst v63  }
0x24a: {  	v0 =	vld [tilespmem:s15+$0x0]  }
0x24b: {  	v5 =	vld [tilespmem:s15+$0x8];
	[tilespmem:s7+$0x16430] =	vst v1  }
0x24c: {  	s15 =	spop (v2sf);
	[tilespmem:s7+$0x16438] =	vst v2  }
0x24d: {  	v1 =	vld [tilespmem:s15+$0x0]  }
0x24e: {  	p0 =	sne.s32 s6, $0xBA00;
	v2 =	vld [tilespmem:s15+$0x8];
	[tilespmem:s7+$0x16448] =	vst v3  }
.Ltmp9:
0x24f: {  	[tilespmem:s7+$0x16450] =	vst v4;
	(pc) =	sbr.rel @p0 .LBB2_17-.Ltmp9, $4  }
0x250: {  	[tilespmem:s7+$0x16460] =	vst v0  }
0x251: {  	[tilespmem:s7+$0x16468] =	vst v5  }
0x252: {  	[tilespmem:s7+$0x16478] =	vst v1  }
0x253: {  	s8 =	sadd.s32 $0x10, s8;
	s6 =	sadd.s32 $0x600, s6;
	[tilespmem:s7+$0x16480] =	vst v2  }
.Ltmp10:
0x254: {  	(pc) =	sbr.rel @p1 .LBB2_20-.Ltmp10, $3  }
0x255: {  	_ =	sdelay $0x1  }
0x256: {  	s6 =	sadd.s32 $0x1200, s16  }
0x257: {  	[hbm4b:s6+s3] =	stream.linear.scatter [tilespmem:s28], [sflag:$0x4], $0x3000, $0x38;
	[tilespmem:$0x19320] =	vst v63  }
.Ltmp11:
0x258: {  	(pc) =	sbr.rel .LBB2_2-.Ltmp11, $4  }
0x259: {  	s0 =	sadd.s32 s0, s13  }
0x25a: {  	s0 =	sshrl.u32 s0, $0x3  }
0x25b: {  	s1 =	sadd.s32 $0x1, s1;
	s0 =	sadd.s32 s5, s0  }
0x25c: {  	[tilespmem:s17], [sflag:$0x2] =	stream.linear.gather [hbm4b:s0+s3], $0x800, $0x38;
	[tilespmem:$0x19320] =	vst v63  }
.LBB2_21:
0x25d: {  	_ =	sfence.sel $0x180000  }
0x25e: {  	[bflag:$0x0] =	sbarrier.arrive $0xFFFF  }
0x25f: {  	_ =	strace $0x90000047  }
0x260: {  	s0 =	stileid.u32;
	[bflag:$0x2] =	sbarrier.arrive $0xFFFF  }
0x261: {  	p0 =	sne.s32 s0, $0x0;
	s0 =	rddreg [dreg:$0x2]  }
0x262: {  	s0 =	sadd.s32 @!p0 $0x100000, s0  }
0x263: {  	[sflag:s0] =	ssyncadd.tile.s32 @!p0 $0x1;
	_ =	shalt  }
.Lfunc_end2:
_tile_overlayer_lowered:
.L_overlay_start_2:
0x264: {  	(tag) =	ssettag $0x2  }
0x265: {  	s0 =	rddreg [dreg:$0x0];
	s2 =	stileid.u32  }
0x266: {  	s1 =	rddreg [dreg:$0x1];
	p0 =	sne.s32 s2, $0x0  }
0x267: {  	s3 =	rddreg [dreg:$0x2];
	[bflag:$0x3] =	sbarrier.arrive $0xFFFF;
	s2 =	simm.s32 @!p0 $0x1C05  }
0x268: {  	[timem:s3], [sflag:s2] =	dma.local @!p0 [hbm:s0], s1  }
0x269: {  	s0 =	simm.s32 @!p0 $0x5  }
0x26a: {  	_ =	swait.ge @!p0 [sflag:s0], s1  }
0x26b: {  	s1 =	ssub.s32 @!p0 $0x0, s1;
	[sflag:s0] =	ssyncset.done @!p0 $0x0  }
0x26c: {  	[sflag:s0] =	ssyncadd.s32 @!p0 s1  }
0x26d: {  	[bflag:$0x3] =	sbarrier.arrive $0xFFFF  }
0x26e: {  	_ =	shalt  }

// kernel: sparse-core-data-format-call.cloned.1.call-start
scs
called_computation_lowered:
.L_overlay_start_0:
0x0: {  	s2 =	sld [smem:$0x3FD9]  }
0x1: {  	s3 =	sld [smem:$0x3FFE];
	_ =	sdelay $0x1  }
0x2: {  	s1 =	srdreg.scid  }
0x3: {  	s0 =	sand.u32 $0x1, s1  }
0x4: {  	s18 =	sshll.u32 s0, $0xA;
	s2 =	sadd.s32 s3, s2  }
0x5: {  	s2 =	sadd.s32 s2, s18  }
0x6: {  	[smem:$0x3FC6] =	sst s2  }
0x7: {  	_ = 	snop  }
0x8: {  	s2 =	sld [smem:$0x3FD0];
	(tm) =	ssettm $0x1  }
0x9: {  	s19 =	sld [smem:$0x3FFB];
	_ =	sdelay $0x3  }
0xa: {  	_ =	strace s19  }
0xb: {  	s3 =	sld [smem:$0x3FFC];
	_ =	sdelay $0x3  }
0xc: {  	_ =	strace s3  }
0xd: {  	s3 =	sld [smem:$0x3FFD];
	_ =	sdelay $0x3  }
0xe: {  	_ =	strace s3  }
0xf: {  	_ =	strace $0x8FFFFFFF  }
0x10: {  	s20 =	sld [smem:$0x3FDB];
	_ =	sdelay $0x1  }
0x11: {  	s4 =	simm.s32 $_scs_section_size  }
0x12: {  	s5 =	simm.s32 $_size__tile_overlayer_lowered;
	s6 =	simm.s32 $_tile_overlayer_lowered  }
0x13: {  	s23 =	simm.s32 $0x1BFF;
	s22 =	sshll.u32 s6, $0x1;
	s3 =	sadd.s32 s4, s20  }
0x14: {  	s7 =	simm.s32 $0x0;
	s21 =	sshll.u32 s5, $0x1;
	s5 =	sadd.s32 s22, s3  }
0x15: {  	[timem:s7], [sflag:s23] =	dma.local [hbm:s5], s21  }
0x16: {  	_ =	swait.ge [sflag:s23], s21  }
0x17: {  	s4 =	ssub.s32 $0x0, s21;
	[sflag:s23] =	ssyncset.done $0x0  }
0x18: {  	[sflag:s23] =	ssyncadd.s32 s4;
	_ =	sdelay $0x1  }
0x19: {  	s24 =	simm.s32 $0x1B8B  }
0x1a: {  	_ =	swait.ge [sflag:s24], $0x1  }
0x1b: {  	[sflag:s24] =	ssyncset.done $0x0  }
0x1c: {  	s26 =	simm.s32 $0x1B8E;
	s25 =	sld [smem:$0x3FFE];
	[sflag:s24] =	ssyncadd.s32 $0xFFFFFFFF  }
0x1d: {  	s27 =	simm.s32 $execute0_lowered;
	[smem:$0x3FD2] =	sst s26  }
0x1e: {  	s5 =	sshll.u32 s27, $0x1;
	_ =	strace $0x80000049;
	[dreg:$0x1] =	wrdreg $0xFFFFFFFF  }
0x1f: {  	s28 =	simm.s32 $_size_execute0_lowered;
	s3 =	sadd.s32 s3, s5;
	[dreg:$0x0] =	wrdreg $0x0  }
0x20: {  	s5 =	sshll.u32 s28, $0x1;
	[dreg:$0x2] =	wrdreg s3  }
0x21: {  	[dreg:$0x3] =	wrdreg s5  }
0x22: {  	[dreg:$0x4] =	wrdreg $0xC0  }
0x23: {  	_ =	task [dreg:s7], $0x5FFFF  }
0x24: {  	[dreg:$0x1] =	wrdreg $0xFFFFFFFF  }
0x25: {  	[dreg:$0x0] =	wrdreg $0x60  }
0x26: {  	[dreg:$0x2] =	wrdreg s25  }
0x27: {  	[dreg:$0x3] =	wrdreg s2  }
0x28: {  	[dreg:$0x4] =	wrdreg $0x9  }
0x29: {  	_ =	task.clear_ibuf [dreg:s7], $0x5FFFF;
	_ =	strace $0x90000049  }
0x2a: {  	s29 =	simm.s32 $0x9;
	_ =	strace $0x8000004B  }
0x2b: {  	_ =	swait.ge [sflag:s29], $0x1  }
0x2c: {  	[sflag:s29] =	ssyncadd.s32 $0xFFFFFFFF  }
0x2d: {  	_ =	strace $0x9000004B  }
0x2e: {  	_ =	sfence  }
0x2f: {  	s30 =	sld [smem:$0x0];
	_ =	sdelay $0x2  }
0x30: {  	s31 =	sshll.u32 s1, $0xD;
	s1 =	sshrl.u32 s1, $0x2  }
0x31: {  	s3 =	sand.u32 $0x4000, s31;
	s1 =	sadd.s32 s1, s30  }
0x32: {  	s0 =	sor.u32 s3, s0;
	s1 =	sshll.u32 s1, $0x11  }
0x33: {  	s0 =	sor.u32 s1, s0  }
0x34: {  	s0 =	sadd.s32 $0x8F2B, s0  }
0x35: {  	[sflag:s0] =	ssyncadd.remote.s32 $0x1  }
0x36: {  	_ =	sfence.sel $0xFFFF  }
0x37: {  	[dreg:$0x0] =	wrdreg $0xFFFFFFFF;
	(pc) =	sbr.abs _section_cstart, $3  }
0x38: {  	[dreg:$0x1] =	wrdreg $0xFFFFFFFF  }
0x39: {  	_ =	task.clear_ibuf [dreg:s7], $0x2FFFF;
	_ =	strace $0x9FFFFFFF  }
0x3a: {  	(tm) =	ssettm $0x7FFFFFFF  }
0x3b: {  	_ =	shalt  }
tec
execute0_lowered:
.L_overlay_start_1:
0x0: {  	(tag) =	ssettag $0x1  }
0x1: {  	s0 =	srdreg.scid  }
0x2: {  	s1 =	sshll.u32 s0, $0x4  }
0x3: {  	s6 =	rddreg [dreg:$0x0];
	s0 =	stileid.u32;
	s1 =	sand.u32 $0x10, s1  }
0x4: {  	s3 =	rddreg [dreg:$0x1];
	s1 =	sor.u32 s0, s1  }
0x5: {  	s5 =	simm.s32 $0x1;
	s31 =	simm.s32 $0x2;
	s2 =	sshll.u32 s1, $0x7  }
0x6: {  	s15 =	simm.s32 $0x0;
	s8 =	simm.s32 $0x20000;
	s4 =	ssub.s32 $0x4000, s2  }
0x7: {  	s14 =	simm.s32 $0x0;
	s9 =	simm.s32 $0x0;
	s30 =	sand.u32 $0xF80, s4  }
0x8: {  	s10 =	simm.s32 $0x0;
	s11 =	simm.s32 $0x0;
	p0 =	sne.s32 s30, $0x0  }
.Ltmp0:
0x9: {  	s7 =	sshrl.u32 s4, $0xC;
	s5 =	simm.s32 @!p0 $0x0;
	(pc) =	sbr.rel .LBB1_1-.Ltmp0, $4  }
0xa: {  	s13 =	simm.s32 $0x0;
	s1 =	rddreg [dreg:$0x2];
	s5 =	sadd.s32 s5, s7  }
0xb: {  	_ =	strace $0x8000004A;
	s4 =	simm.s32 $0x1;
	s5 =	smul.u32 $0xC8, s5  }
0xc: {  	s6 =	sadd.s32 $0x400, s6;
	s12 =	smov.u32 s2;
	[sflag:s4] =	ssyncpa.u1 $0x0  }
0xd: {  	[sflag:s31] =	ssyncpa.u1 $0x0;
	p0 =	por $0x0, $0x0;
	s7 =	sor.u32 $0x1, s5  }
.LBB1_4:
0xe: {  	s18 =	sshll.u32 s10, $0x3  }
0xf: {  	p1 =	sgt.s32 s9, $0xC7;
	s19 =	smov.u32 s9;
	s21 =	sshra.s32 s9, $0x1F  }
0x10: {  	s22 =	smov.u32 s10;
	s23 =	sshra.s32 s10, $0x1F;
	s25 =	sand.u32 $0x78, s10  }
0x11: {  	s27 =	smul.u32 $0xC000, s9;
	s28 =	sand.u32 $0x7, s10;
	s20 =	sshrl.u32 s18, $0xE  }
0x12: {  	s19 =	simm.s32 @!p1 $0xC7;
	s21 =	sand.u32 s21, s9;
	p1 =	sgt.s32 s10, $0x3F80  }
0x13: {  	s30 =	sand.u32 s23, s10;
	s18 =	sand.u32 $0x3C00, s18;
	s19 =	ssub.s32 s19, s21  }
0x14: {  	s22 =	simm.s32 @!p1 $0x3F80;
	s31 =	smulhi.u32 $0xAAAAAAB, s20;
	s24 =	ssub.s32 $0xC8, s19  }
0x15: {  	s21 =	ssub.s32 s22, s30;
	s19 =	sadd.s32 $0xFFFFFF39, s19;
	s24 =	smul.u32 $0x18, s24  }
0x16: {  	s23 =	smul.u32 $0x18, s31;
	p1 =	sgt.s32 s19, $0x0;
	s26 =	sadd.s32 $0xFFFFC080, s21  }
0x17: {  	s19 =	ssub.s32 $0x4000, s21;
	s24 =	simm.s32 @p1 $0x0;
	p1 =	sgt.s32 s26, $0x7F  }
0x18: {  	s18 =	sor.u32 s25, s18;
	s20 =	ssub.s32 s20, s23;
	s19 =	simm.s32 @p1 $0x0  }
0x19: {  	s21 =	sadd.s32 s3, s27;
	s20 =	sshll.u32 s20, $0xB;
	s19 =	smul.u32 s19, s24  }
0x1a: {  	s29 =	sshll.u32 s28, $0x12;
	s18 =	sshrl.u32 s18, $0x3;
	s20 =	sadd.s32 s20, s21  }
0x1b: {  	[tilespmem:s17+$0x0 ss:$0x81] =	vst.msk $0xffff, v0;
	s31 =	sor.u32 $0x400, s29;
	s18 =	sadd.s32 s18, s20;
	s30 =	sand.u32 $0x3FFFFFF8, s19  }
0x1c: {  	[hbm4b:s18+s31] =	stream.strided.scatter [tilespmem:s16], [sflag:$0x2], s30, s8, s31, $0x20;
	[tilespmem:$0x4040] =	vst v63  }
.LBB1_5:
0x1d: {  	p1 =	slt.u32 s13, $0x2  }
0x1e: {  	s17 =	smov.u32 s15;
	p2 =	sgt.s32 @!p1 s15, $0xC7;
	s16 =	sshra.s32 @!p1 s15, $0x1F  }
0x1f: {  	p3 =	sgt.s32 @!p1 s14, $0x3F80;
	s18 =	sshra.s32 @!p1 s14, $0x1F;
	p2 =	por !p2, p1  }
0x20: {  	s15 =	sand.u32 @!p1 s16, s15;
	p3 =	por !p3, p1;
	s16 =	smov.u32 s14  }
0x21: {  	s14 =	sand.u32 @!p1 s18, s14;
	s17 =	simm.s32 @p2 $0xC7;
	s16 =	simm.s32 @p3 $0x3F80  }
0x22: {  	s18 =	smov.u32 s12;
	s15 =	ssub.s32 @!p1 s17, s15;
	s14 =	ssub.s32 @!p1 s16, s14  }
0x23: {  	s16 =	sadd.s32 @!p1 $0xFFFFFF39, s15;
	s15 =	ssub.s32 @!p1 $0xC8, s15;
	s17 =	sadd.s32 @!p1 $0xFFFFC080, s14  }
0x24: {  	p2 =	sgt.s32 @!p1 s16, $0x0;
	s15 =	smul.u32 @!p1 $0x18, s15;
	p3 =	sgt.s32 @!p1 s17, $0x7F  }
0x25: {  	s14 =	ssub.s32 @!p1 $0x4000, s14;
	p2 =	por !p2, p1;
	p3 =	por !p3, p1  }
0x26: {  	s16 =	sadd.s32 $0x1, s11;
	s15 =	simm.s32 @!p2 $0x0;
	s14 =	simm.s32 @!p3 $0x0  }
0x27: {  	p2 =	sgt.s32 s16, $0xC7;
	s14 =	smul.u32 @!p1 s14, s15;
	s15 =	sadd.s32 $0x1000, s12  }
0x28: {  	s18 =	smov.u32 @p2 s15  }
0x29: {  	s16 =	simm.s32 @p2 $0x0;
	p2 =	sgt.s32 s18, $0x3FFF  }
0x2a: {  	s18 =	smov.u32 @p2 s2;
	p2 =	sne.s32 s13, s7  }
.Ltmp1:
0x2b: {  	p0 =	por !p0, !p0;
	s17 =	simm.s32 @!p1 $0x2;
	(pc) =	sbr.rel @!p2 .LBB1_6-.Ltmp1, $4  }
0x2c: {  	s15 =	smov.u32 s9;
	s9 =	smov.u32 s11;
	s14 =	sand.u32 @!p1 $0x3FFFFFF8, s14  }
0x2d: {  	s11 =	smov.u32 s16;
	_ =	swait.ge @!p1 [sflag:s17], s14;
	s19 =	ssub.s32 @!p1 $0x0, s14  }
0x2e: {  	s14 =	smov.u32 s10;
	s13 =	sadd.s32 $0x1, s13;
	[sflag:s17] =	ssyncset.done @!p1 $0x0  }
0x2f: {  	s10 =	smov.u32 s12;
	s12 =	smov.u32 s18;
	[sflag:s17] =	ssyncadd.s32 @!p1 s19  }
.LBB1_1:
0x30: {  	p1 =	sge.u32 s13, s5  }
0x31: {  	s16 =	sand.u32 @!p1 $0x1FFFFFF, s11  }
0x32: {  	s17 =	smulhi.u32 @!p1 $0x147AE15, s16;
	_ =	sdelay $0x1  }
0x33: {  	s17 =	smul.u32 @!p1 $0xC8, s17  }
0x34: {  	s18 =	sxor.u32 @!p1 $0xFFFFFFFF, s13;
	s19 =	smul.u32 @!p1 $0xC80, s12  }
0x35: {  	s31 =	sadd.s32 $0xFFFFFFFF, s13;
	s18 =	sshll.u32 @!p1 s18, $0xC;
	s16 =	ssub.s32 @!p1 s16, s17  }
0x36: {  	s17 =	sand.u32 @!p1 $0x1000, s18;
	s18 =	sadd.s32 @!p1 s6, s19;
	s16 =	sshll.u32 @!p1 s16, $0x4  }
0x37: {  	s19 =	simm.s32 @!p1 $0x6400;
	s16 =	sadd.s32 @!p1 s16, s18;
	s18 =	simm.s32 @!p1 $0x20  }
0x38: {  	[tilespmem:s17], [sflag:$0x1] =	stream.strided.gather @!p1 [hbm4b:s16+s18], $0x1000, s19, s18, $0x38;
	[tilespmem:$0x4040] =	vst v63  }
0x39: {  	p1 =	sge.u32 s31, s5  }
.Ltmp2:
0x3a: {  	_ = 	snop;
	(pc) =	sbr.rel @p1 .LBB1_5-.Ltmp2, $1  }
0x3b: {  	_ =	sdelay $0x3  }
0x3c: {  	s16 =	simm.s32 $0x1  }
0x3d: {  	_ =	swait.ge [sflag:s4], $0x1000;
	s16 =	simm.s32 @!p0 $0x0  }
0x3e: {  	[sflag:s4] =	ssyncset.done $0x0;
	s17 =	sshll.u32 s16, $0xC  }
0x3f: {  	[sflag:s4] =	ssyncadd.s32 $0xFFFFF000;
	s20 =	sor.u32 $0x10, s17  }
0x40: {  	s16 =	smul.u32 $0x4080, s16;
	v1 =	vld [tilespmem:s20+$0x0]  }
0x41: {  	s30 =	sand.u32 $0x1, s13;
	v0 =	vld [tilespmem:s20+$0xFFFFFFF0]  }
0x42: {  	s17 =	smul.u32 $0x4080, s30;
	s16 =	sshrl.u32 s16, $0x2  }
0x43: {  	s18 =	sor.u32 $0x2000, s16  }
0x44: {  	s31 =	sshrl.u32 s17, $0x2;
	s17 =	sadd.s32 $0x0, s18  }
0x45: {  	s19 =	simm.s32 $0x4;
	s20 =	sadd.s32 $0x20, s20;
	s16 =	sor.u32 $0x2000, s31;
	[tilespmem:s17+$0x810 ss:$0x81] =	vst.msk $0xffff, v1  }
.LBB1_3:
0x46: {  	v1 =	vld [tilespmem:s20+$0x0];
	p1 =	sne.s32 s19, $0x1FC;
	[tilespmem:s17+$0x0 ss:$0x81] =	vst.msk $0xffff, v0;
	s17 =	smov.u32 s19;
	s19 =	sadd.s32 $0x4, s19  }
.Ltmp3:
0x47: {  	v0 =	vld [tilespmem:s20+$0xFFFFFFF0];
	(pc) =	sbr.rel @p1 .LBB1_3-.Ltmp3, $4  }
0x48: {  	_ = 	snop  }
0x49: {  	s17 =	sshra.s32 s17, $0x2  }
0x4a: {  	s17 =	sadd.s32 s17, s18  }
0x4b: {  	s20 =	sadd.s32 $0x20, s20;
	[tilespmem:s17+$0x810 ss:$0x81] =	vst.msk $0xffff, v1  }
.Ltmp4:
0x4c: {  	_ = 	snop;
	(pc) =	sbr.rel .LBB1_4-.Ltmp4, $1  }
0x4d: {  	_ =	sdelay $0x3  }
.LBB1_6:
0x4e: {  	_ =	sfence.sel $0x180000  }
0x4f: {  	s2 =	simm.s32 $0x1;
	[bflag:$0x0] =	sbarrier.arrive $0xFFFF  }
0x50: {  	s31 =	simm.s32 $0x2;
	[sflag:s2] =	ssyncpa.u1 $0x1  }
0x51: {  	[sflag:s31] =	ssyncpa.u1 $0x1  }
0x52: {  	p0 =	sne.s32 s0, $0x0;
	_ =	strace $0x9000004A  }
0x53: {  	s0 =	sadd.s32 @!p0 $0x100000, s1;
	[bflag:$0x2] =	sbarrier.arrive $0xFFFF  }
0x54: {  	[sflag:s0] =	ssyncadd.tile.s32 @!p0 $0x1;
	_ =	shalt  }
.Lfunc_end1:
_tile_overlayer_lowered:
.L_overlay_start_2:
0x55: {  	(tag) =	ssettag $0x2  }
0x56: {  	s0 =	rddreg [dreg:$0x0];
	s2 =	stileid.u32  }
0x57: {  	s1 =	rddreg [dreg:$0x1];
	p0 =	sne.s32 s2, $0x0  }
0x58: {  	s3 =	rddreg [dreg:$0x2];
	[bflag:$0x3] =	sbarrier.arrive $0xFFFF;
	s2 =	simm.s32 @!p0 $0x1C01  }
0x59: {  	[timem:s3], [sflag:s2] =	dma.local @!p0 [hbm:s0], s1  }
0x5a: {  	s0 =	simm.s32 @!p0 $0x1  }
0x5b: {  	_ =	swait.ge @!p0 [sflag:s0], s1  }
0x5c: {  	s1 =	ssub.s32 @!p0 $0x0, s1;
	[sflag:s0] =	ssyncset.done @!p0 $0x0  }
0x5d: {  	[sflag:s0] =	ssyncadd.s32 @!p0 s1  }
0x5e: {  	[bflag:$0x3] =	sbarrier.arrive $0xFFFF  }
0x5f: {  	_ =	shalt  }

</sc_bundles>
